<compile_context>
chip_gen: v7x
topology: tpu7x:2x2x1
jax: 0.10.2.dev20260603
libtpu: 0.0.44.dev20260713+nightly
codegen_flags: <defaults>
</compile_context>

<pallas_src>
import functools

import jax
import jax.numpy as jnp
from jax import lax
from jax.experimental import pallas as pl
from jax.experimental.pallas import tpu as pltpu
from jax.experimental.pallas import tpu_sc as plsc

NC = 2
NS = 16
NW = NC * NS

SCHUNK = 50
SUBCH = 200
NPAD = 10240


DCHUNK = 125
DCH = 80


def _sc_degree(dst3):
    npt = NPAD // NS

    mesh = plsc.VectorSubcoreMesh(core_axis_name="c", subcore_axis_name="s")

    @functools.partial(
        pl.kernel,
        out_type=jax.ShapeDtypeStruct((NC, NPAD), jnp.float32),
        mesh=mesh,
        scratch_types=[
            pltpu.VMEM((DCH, DCHUNK), jnp.int32),
            pltpu.VMEM((128,), jnp.float32),
            pltpu.VMEM((npt,), jnp.float32),
            pltpu.VMEM_SHARED((NPAD,), jnp.float32),
            pltpu.SemaphoreType.DMA,
        ],
    )
    def k(dst_hbm, out_hbm, idx_v, ones_v, stage_v, hist_sh, sem):
        c = lax.axis_index("c")
        s = lax.axis_index("s")
        wid = c * NS + s

        def fill_ones(i, _):
            ones_v[pl.ds(i * 16, 16)] = jnp.full((16,), 1.0, jnp.float32)
            return 0

        lax.fori_loop(0, 8, fill_ones, 0)

        def zero_stage(i, _):
            stage_v[pl.ds(i * 16, 16)] = jnp.zeros((16,), jnp.float32)
            return 0

        lax.fori_loop(0, npt // 16, zero_stage, 0)

        pltpu.sync_copy(dst_hbm.at[wid], idx_v)
        pltpu.sync_copy(stage_v, hist_sh.at[pl.ds(s * npt, npt)])
        plsc.subcore_barrier()

        ones = ones_v.at[pl.ds(0, DCHUNK)]

        def fire(q, _):
            pltpu.async_copy(ones, hist_sh.at[idx_v.at[q]], sem, add=True)
            return 0

        lax.fori_loop(0, DCH, fire, 0)

        def drain(q, _):
            pltpu.make_async_copy(ones, hist_sh.at[idx_v.at[q]], sem).wait()
            return 0

        lax.fori_loop(0, DCH, drain, 0)
        plsc.subcore_barrier()

        pltpu.sync_copy(hist_sh.at[pl.ds(s * npt, npt)], stage_v)
        pltpu.sync_copy(stage_v, out_hbm.at[c, pl.ds(s * npt, npt)])

    return k(dst3)


def _sc_apply(z, ei5):
    N, D = z.shape
    rpt = NPAD // NS
    RC = 64
    n_rc = rpt // RC
    NB = 4
    NSLOT = 8
    n_outer = SUBCH // NSLOT

    mesh = plsc.VectorSubcoreMesh(core_axis_name="c", subcore_axis_name="s")

    @functools.partial(
        pl.kernel,
        out_type=jax.ShapeDtypeStruct((NC, NPAD, D), jnp.float32),
        mesh=mesh,
        scratch_types=[
            pltpu.VMEM((NSLOT, 2, SCHUNK), jnp.int32),
            [pltpu.VMEM((SCHUNK, D), jnp.float32) for _ in range(NB)],
            pltpu.VMEM((RC, D), jnp.float32),
            pltpu.VMEM_SHARED((NPAD, D), jnp.float32),
            [pltpu.SemaphoreType.DMA for _ in range(NSLOT)],
            [pltpu.SemaphoreType.DMA for _ in range(NB)],
            [pltpu.SemaphoreType.DMA for _ in range(NB)],
            pltpu.SemaphoreType.DMA,
        ],
    )
    def k(z_hbm, ei_hbm, out_hbm, idx_v, rows, stage_v, acc_sh,
          isem, gsem, ssem, osem):
        c = lax.axis_index("c")
        s = lax.axis_index("s")
        wid = c * NS + s

        def load_idx(m, j):
            pltpu.async_copy(ei_hbm.at[wid, m], idx_v.at[j], isem[j])

        def wait_idx(m, j):
            pltpu.make_async_copy(
                ei_hbm.at[wid, m], idx_v.at[j], isem[j]).wait()

        def gather(m, b, j):
            pltpu.async_copy(z_hbm.at[idx_v.at[j, 0]], rows[b], gsem[b])

        def wait_gather(b, j):
            pltpu.make_async_copy(
                z_hbm.at[idx_v.at[j, 0]], rows[b], gsem[b]).wait()

        def scatter(b, j):
            pltpu.async_copy(
                rows[b], acc_sh.at[idx_v.at[j, 1]], ssem[b], add=True)

        def wait_scatter(b, j):
            pltpu.make_async_copy(
                rows[b], acc_sh.at[idx_v.at[j, 1]], ssem[b]).wait()

        for j in range(6):
            load_idx(j, j)

        def zrow(i, _):
            def zcol(j, _):
                stage_v[i, pl.ds(j * 16, 16)] = jnp.zeros((16,), jnp.float32)
                return 0

            lax.fori_loop(0, D // 16, zcol, 0)
            return 0

        lax.fori_loop(0, RC, zrow, 0)

        def zacc(i, _):
            pltpu.async_copy(
                stage_v, acc_sh.at[pl.ds(s * rpt + i * RC, RC)], osem)
            return 0

        lax.fori_loop(0, n_rc, zacc, 0)

        wait_idx(0, 0)
        gather(0, 0, 0)
        wait_idx(1, 1)
        gather(1, 1, 1)

        def zacc_drain(i, _):
            pltpu.make_async_copy(
                stage_v, acc_sh.at[pl.ds(s * rpt + i * RC, RC)], osem).wait()
            return 0

        lax.fori_loop(0, n_rc, zacc_drain, 0)
        plsc.subcore_barrier()

        def outer(i, _):
            for t in range(NSLOT):
                b = t % NB
                wait_gather(b, t)
                scatter(b, t)

                bp = (t - 2) % NB
                jp = (t - 2) % NSLOT
                if t >= 2:
                    wait_scatter(bp, jp)
                else:

                    @pl.when(i > 0)
                    def _():
                        wait_scatter(bp, jp)

                jn = (t + 6) % NSLOT
                if t < 2:
                    load_idx(i * NSLOT + t + 6, jn)
                else:

                    @pl.when(i < n_outer - 1)
                    def _():
                        load_idx(i * NSLOT + t + 6, jn)

                bg = (t + 2) % NB
                jg = (t + 2) % NSLOT
                if t < NSLOT - 2:
                    wait_idx(i * NSLOT + t + 2, jg)
                    gather(i * NSLOT + t + 2, bg, jg)
                else:

                    @pl.when(i < n_outer - 1)
                    def _():
                        wait_idx(i * NSLOT + t + 2, jg)
                        gather(i * NSLOT + t + 2, bg, jg)

            return 0

        lax.fori_loop(0, n_outer, outer, 0)
        wait_scatter((SUBCH - 2) % NB, (SUBCH - 2) % NSLOT)
        wait_scatter((SUBCH - 1) % NB, (SUBCH - 1) % NSLOT)
        plsc.subcore_barrier()

        def ocopy(i, _):
            pltpu.async_copy(
                acc_sh.at[pl.ds(s * rpt + i * RC, RC)],
                out_hbm.at[c, pl.ds(s * rpt + i * RC, RC)], osem)
            return 0

        lax.fori_loop(0, n_rc, ocopy, 0)

        def ocopy_drain(i, _):
            pltpu.make_async_copy(
                acc_sh.at[pl.ds(s * rpt + i * RC, RC)],
                out_hbm.at[c, pl.ds(s * rpt + i * RC, RC)], osem).wait()
            return 0

        lax.fori_loop(0, n_rc, ocopy_drain, 0)

    return k(z, ei5)


_BN = 1024


def _tc_prescale(x, degp):
    N, D = x.shape
    grid = (NPAD // _BN,)

    def body(x_ref, degp_ref, z_ref, dinv_ref):
        deg = degp_ref[0, :] + degp_ref[1, :] + 1.0
        dinv = lax.rsqrt(deg)
        dinv_ref[...] = dinv
        z_ref[...] = x_ref[...] * dinv[:, None]

    return pl.pallas_call(
        body,
        grid=grid,
        in_specs=[
            pl.BlockSpec((_BN, D), lambda i: (i, 0)),
            pl.BlockSpec((NC, _BN), lambda i: (0, i)),
        ],
        out_specs=[
            pl.BlockSpec((_BN, D), lambda i: (i, 0)),
            pl.BlockSpec((_BN,), lambda i: (i,)),
        ],
        out_shape=[
            jax.ShapeDtypeStruct((NPAD, D), jnp.float32),
            jax.ShapeDtypeStruct((NPAD,), jnp.float32),
        ],
    )(x, degp)


def _tc_mid(yp, z1, dinv, W1, b1, W2, a):
    D = yp.shape[2]
    H = W1.shape[1]
    DO = W2.shape[1]
    grid = (NPAD // _BN,)

    def body(yp_ref, z1_ref, dinv_ref, W1_ref, b1_ref, W2_ref, a_ref,
             z2_ref):
        dinv = dinv_ref[...][:, None]
        agg = (yp_ref[0] + yp_ref[1] + z1_ref[...]) * dinv
        h = jnp.dot(agg, W1_ref[...], preferred_element_type=jnp.float32)
        h = h + b1_ref[...][None, :]
        av = a_ref[0, 0]
        h = jnp.where(h >= 0.0, h, av * h)
        g = jnp.dot(h, W2_ref[...], preferred_element_type=jnp.float32)
        z2_ref[...] = g * dinv

    return pl.pallas_call(
        body,
        grid=grid,
        in_specs=[
            pl.BlockSpec((NC, _BN, D), lambda i: (0, i, 0)),
            pl.BlockSpec((_BN, D), lambda i: (i, 0)),
            pl.BlockSpec((_BN,), lambda i: (i,)),
            pl.BlockSpec((D, H), lambda i: (0, 0)),
            pl.BlockSpec((H,), lambda i: (0,)),
            pl.BlockSpec((H, DO), lambda i: (0, 0)),
            pl.BlockSpec((1, 1), lambda i: (0, 0), memory_space=pltpu.SMEM),
        ],
        out_specs=pl.BlockSpec((_BN, DO), lambda i: (i, 0)),
        out_shape=jax.ShapeDtypeStruct((NPAD, DO), jnp.float32),
    )(yp, z1, dinv, W1, b1, W2, a)


def _tc_final(yp, z2, dinv, b2, n_out):
    D = yp.shape[2]
    grid = (NPAD // _BN,)

    def body(yp_ref, z2_ref, dinv_ref, b2_ref, out_ref):
        dinv = dinv_ref[...][:, None]
        out_ref[...] = (yp_ref[0] + yp_ref[1] + z2_ref[...]) * dinv \
            + b2_ref[...][None, :]

    return pl.pallas_call(
        body,
        grid=grid,
        in_specs=[
            pl.BlockSpec((NC, _BN, D), lambda i: (0, i, 0)),
            pl.BlockSpec((_BN, D), lambda i: (i, 0)),
            pl.BlockSpec((_BN,), lambda i: (i,)),
            pl.BlockSpec((D,), lambda i: (0,)),
        ],
        out_specs=pl.BlockSpec((_BN, D), lambda i: (i, 0)),
        out_shape=jax.ShapeDtypeStruct((n_out, D), jnp.float32),
    )(yp, z2, dinv, b2)


def kernel(x, edge_index, W1, b1, W2, b2, prelu_a):
    ei5 = jnp.transpose(
        jnp.reshape(edge_index, (2, NW, SUBCH, SCHUNK)),
        (1, 2, 0, 3))
    dst3 = jnp.reshape(edge_index[1], (NW, DCH, DCHUNK))
    a = jnp.reshape(prelu_a, (1, 1)).astype(jnp.float32)

    degp = _sc_degree(dst3)
    z1, dinv = _tc_prescale(x, degp)
    y1 = _sc_apply(z1, ei5)
    z2 = _tc_mid(y1, z1, dinv, W1, b1, W2, a)
    y2 = _sc_apply(z2, ei5)
    out = _tc_final(y2, z2, dinv, b2, x.shape[0])
    return out

# --- scband reference (transcript-rebuilt; emitter-appended) ---
"""Pipeline reference for scband-gbt-gcn-63290638074152 (READ-ONLY COPY).

The authoritative reference and input builder live on the scoring server;
editing this copy changes nothing except your own understanding.
"""

import jax, jax.numpy as jnp
import numpy as np

N = 10000
E = 320000
D_IN = 128
D_HID = 256
D_OUT = 128


def setup_inputs(seed: int = 0) -> dict:
    key = jax.random.key(seed)
    k1, k2, k3, k4, k5, k6 = jax.random.split(key, 6)
    x = jax.random.normal(k1, (N, D_IN), dtype=jnp.float32)
    edge_index = jax.random.randint(k2, (2, E), 0, N, dtype=jnp.int32)
    W1 = jax.random.normal(k3, (D_IN, D_HID), dtype=jnp.float32) * 0.05
    b1 = jnp.zeros((D_HID,), dtype=jnp.float32)
    W2 = jax.random.normal(k4, (D_HID, D_OUT), dtype=jnp.float32) * 0.05
    b2 = jnp.zeros((D_OUT,), dtype=jnp.float32)
    prelu_a = jnp.array(0.25, dtype=jnp.float32)
    return {"x": x, "edge_index": edge_index, "W1": W1, "b1": b1, "W2": W2, "b2": b2, "prelu_a": prelu_a}


def gcn_layer(x, edge_index, W, b):
    n = x.shape[0]
    src = edge_index[0]
    dst = edge_index[1]
    loop = jnp.arange(n, dtype=src.dtype)
    src = jnp.concatenate([src, loop])
    dst = jnp.concatenate([dst, loop])
    deg = jnp.zeros((n,), dtype=x.dtype).at[dst].add(1.0)
    deg_inv_sqrt = jnp.where(deg > 0, jax.lax.rsqrt(jnp.maximum(deg, 1e-12)), 0.0)
    norm = deg_inv_sqrt[src] * deg_inv_sqrt[dst]
    h = x @ W
    msg = h[src] * norm[:, None]
    out = jnp.zeros((n, W.shape[1]), dtype=x.dtype).at[dst].add(msg)
    return out + b


def reference(x, edge_index, W1, b1, W2, b2, prelu_a):
    h = gcn_layer(x, edge_index, W1, b1)
    # bn=False in this config, so BatchNorm1d is skipped
    h = jnp.where(h >= 0, h, prelu_a * h)  # PReLU
    out = gcn_layer(h, edge_index, W2, b2)
    return out

if __name__ == "__main__":
    import jax
    _d = setup_inputs()
    print(jax.jit(kernel)(*tuple(_d.values())))

</pallas_src>

<mosaic_0001>
#map = affine_map<(d0, d1) -> (0, 0)>
#map1 = affine_map<(d0, d1) -> (0, 0, 0, 0)>
#map2 = affine_map<(d0, d1) -> (0, 0, 0)>
module attributes {stable_mosaic.version = 14 : i64} {
  func.func @k(%arg0: i32, %arg1: i32, %arg2: memref<10240x128xf32, #tpu.memory_space<hbm>>, %arg3: memref<32x200x2x50xi32, #tpu.memory_space<hbm>>, %arg4: memref<2x10240x128xf32, #tpu.memory_space<hbm>>, %arg5: memref<8x2x50xi32, #tpu.memory_space<vmem>>, %arg6: memref<50x128xf32, #tpu.memory_space<vmem>>, %arg7: memref<50x128xf32, #tpu.memory_space<vmem>>, %arg8: memref<50x128xf32, #tpu.memory_space<vmem>>, %arg9: memref<50x128xf32, #tpu.memory_space<vmem>>, %arg10: memref<64x128xf32, #tpu.memory_space<vmem>>, %arg11: memref<10240x128xf32, #tpu.memory_space<vmem_shared>>, %arg12: memref<!tpu.dma_semaphore, #tpu.memory_space<semaphore_mem>>, %arg13: memref<!tpu.dma_semaphore, #tpu.memory_space<semaphore_mem>>, %arg14: memref<!tpu.dma_semaphore, #tpu.memory_space<semaphore_mem>>, %arg15: memref<!tpu.dma_semaphore, #tpu.memory_space<semaphore_mem>>, %arg16: memref<!tpu.dma_semaphore, #tpu.memory_space<semaphore_mem>>, %arg17: memref<!tpu.dma_semaphore, #tpu.memory_space<semaphore_mem>>, %arg18: memref<!tpu.dma_semaphore, #tpu.memory_space<semaphore_mem>>, %arg19: memref<!tpu.dma_semaphore, #tpu.memory_space<semaphore_mem>>, %arg20: memref<!tpu.dma_semaphore, #tpu.memory_space<semaphore_mem>>, %arg21: memref<!tpu.dma_semaphore, #tpu.memory_space<semaphore_mem>>, %arg22: memref<!tpu.dma_semaphore, #tpu.memory_space<semaphore_mem>>, %arg23: memref<!tpu.dma_semaphore, #tpu.memory_space<semaphore_mem>>, %arg24: memref<!tpu.dma_semaphore, #tpu.memory_space<semaphore_mem>>, %arg25: memref<!tpu.dma_semaphore, #tpu.memory_space<semaphore_mem>>, %arg26: memref<!tpu.dma_semaphore, #tpu.memory_space<semaphore_mem>>, %arg27: memref<!tpu.dma_semaphore, #tpu.memory_space<semaphore_mem>>, %arg28: memref<!tpu.dma_semaphore, #tpu.memory_space<semaphore_mem>>) attributes {dimension_semantics = [#tpu.dimension_semantics<core_parallel>, #tpu.dimension_semantics<subcore_parallel>], iteration_bounds = array<i64: 2, 16>, scalar_prefetch = 0 : i64, scratch_operands = 24 : i64, tpu.core_type = #tpu.core_type<sc_vector_subcore>, window_params = [{transform_indices = #map}, {transform_indices = #map1}, {transform_indices = #map2}]} {
    %mul3A = arith.constant 16 : i32
    %mul3A_0 = arith.muli %arg0, %mul3A : i32
    %add3A = arith.addi %mul3A_0, %arg1 : i32
    %dma_start3A = arith.constant 0 : i32
    %dma_start3A_1 = arith.constant 0 : i32
    %dma_start3A_2 = arith.constant 0 : i32
    %dma_start3A_3 = arith.constant 0 : i32
    %dma_start3A_4 = tpu.memref_slice %arg5[%dma_start3A_1, %dma_start3A_2, %dma_start3A_3] : memref<8x2x50xi32, #tpu.memory_space<vmem>> -> memref<1x2x50xi32, #tpu.memory_space<vmem>>
    %dma_start3A_5 = tpu.memref_squeeze %dma_start3A_4 : memref<1x2x50xi32, #tpu.memory_space<vmem>> -> memref<2x50xi32, #tpu.memory_space<vmem>>
    %dma_start3A_6 = arith.constant 0 : i32
    %dma_start3A_7 = arith.constant 0 : i32
    %dma_start3A_8 = tpu.memref_slice %arg3[%add3A, %dma_start3A, %dma_start3A_6, %dma_start3A_7] : memref<32x200x2x50xi32, #tpu.memory_space<hbm>> -> memref<1x1x2x50xi32, #tpu.memory_space<hbm>>
    %dma_start3A_9 = tpu.memref_squeeze %dma_start3A_8 : memref<1x1x2x50xi32, #tpu.memory_space<hbm>> -> memref<2x50xi32, #tpu.memory_space<hbm>>
    %dma_start3A_10 = arith.constant 0 : i32
    %dma_start3A_11 = arith.constant 0 : i32
    %dma_start3A_12 = tpu.memref_slice %arg5[%dma_start3A_1, %dma_start3A_10, %dma_start3A_11] : memref<8x2x50xi32, #tpu.memory_space<vmem>> -> memref<1x2x50xi32, #tpu.memory_space<vmem>>
    %dma_start3A_13 = tpu.memref_squeeze %dma_start3A_12 : memref<1x2x50xi32, #tpu.memory_space<vmem>> -> memref<2x50xi32, #tpu.memory_space<vmem>>
    %dma_start3A_14 = arith.constant 0 : i32
    %dma_start3A_15 = arith.constant 0 : i32
    %dma_start3A_16 = tpu.memref_slice %arg3[%add3A, %dma_start3A, %dma_start3A_14, %dma_start3A_15] : memref<32x200x2x50xi32, #tpu.memory_space<hbm>> -> memref<1x1x2x50xi32, #tpu.memory_space<hbm>>
    %dma_start3A_17 = tpu.memref_squeeze %dma_start3A_16 : memref<1x1x2x50xi32, #tpu.memory_space<hbm>> -> memref<2x50xi32, #tpu.memory_space<hbm>>
    tpu.enqueue_dma source(%dma_start3A_17 : memref<2x50xi32, #tpu.memory_space<hbm>>) target(%dma_start3A_13 : memref<2x50xi32, #tpu.memory_space<vmem>>) target_semaphore(%arg12 : memref<!tpu.dma_semaphore, #tpu.memory_space<semaphore_mem>>)
    %dma_start3A_18 = arith.constant 1 : i32
    %dma_start3A_19 = arith.constant 1 : i32
    %dma_start3A_20 = arith.constant 0 : i32
    %dma_start3A_21 = arith.constant 0 : i32
    %dma_start3A_22 = tpu.memref_slice %arg5[%dma_start3A_19, %dma_start3A_20, %dma_start3A_21] : memref<8x2x50xi32, #tpu.memory_space<vmem>> -> memref<1x2x50xi32, #tpu.memory_space<vmem>>
    %dma_start3A_23 = tpu.memref_squeeze %dma_start3A_22 : memref<1x2x50xi32, #tpu.memory_space<vmem>> -> memref<2x50xi32, #tpu.memory_space<vmem>>
    %dma_start3A_24 = arith.constant 0 : i32
    %dma_start3A_25 = arith.constant 0 : i32
    %dma_start3A_26 = tpu.memref_slice %arg3[%add3A, %dma_start3A_18, %dma_start3A_24, %dma_start3A_25] : memref<32x200x2x50xi32, #tpu.memory_space<hbm>> -> memref<1x1x2x50xi32, #tpu.memory_space<hbm>>
    %dma_start3A_27 = tpu.memref_squeeze %dma_start3A_26 : memref<1x1x2x50xi32, #tpu.memory_space<hbm>> -> memref<2x50xi32, #tpu.memory_space<hbm>>
    %dma_start3A_28 = arith.constant 0 : i32
    %dma_start3A_29 = arith.constant 0 : i32
    %dma_start3A_30 = tpu.memref_slice %arg5[%dma_start3A_19, %dma_start3A_28, %dma_start3A_29] : memref<8x2x50xi32, #tpu.memory_space<vmem>> -> memref<1x2x50xi32, #tpu.memory_space<vmem>>
    %dma_start3A_31 = tpu.memref_squeeze %dma_start3A_30 : memref<1x2x50xi32, #tpu.memory_space<vmem>> -> memref<2x50xi32, #tpu.memory_space<vmem>>
    %dma_start3A_32 = arith.constant 0 : i32
    %dma_start3A_33 = arith.constant 0 : i32
    %dma_start3A_34 = tpu.memref_slice %arg3[%add3A, %dma_start3A_18, %dma_start3A_32, %dma_start3A_33] : memref<32x200x2x50xi32, #tpu.memory_space<hbm>> -> memref<1x1x2x50xi32, #tpu.memory_space<hbm>>
    %dma_start3A_35 = tpu.memref_squeeze %dma_start3A_34 : memref<1x1x2x50xi32, #tpu.memory_space<hbm>> -> memref<2x50xi32, #tpu.memory_space<hbm>>
    tpu.enqueue_dma source(%dma_start3A_35 : memref<2x50xi32, #tpu.memory_space<hbm>>) target(%dma_start3A_31 : memref<2x50xi32, #tpu.memory_space<vmem>>) target_semaphore(%arg13 : memref<!tpu.dma_semaphore, #tpu.memory_space<semaphore_mem>>)
    %dma_start3A_36 = arith.constant 2 : i32
    %dma_start3A_37 = arith.constant 2 : i32
    %dma_start3A_38 = arith.constant 0 : i32
    %dma_start3A_39 = arith.constant 0 : i32
    %dma_start3A_40 = tpu.memref_slice %arg5[%dma_start3A_37, %dma_start3A_38, %dma_start3A_39] : memref<8x2x50xi32, #tpu.memory_space<vmem>> -> memref<1x2x50xi32, #tpu.memory_space<vmem>>
    %dma_start3A_41 = tpu.memref_squeeze %dma_start3A_40 : memref<1x2x50xi32, #tpu.memory_space<vmem>> -> memref<2x50xi32, #tpu.memory_space<vmem>>
    %dma_start3A_42 = arith.constant 0 : i32
    %dma_start3A_43 = arith.constant 0 : i32
    %dma_start3A_44 = tpu.memref_slice %arg3[%add3A, %dma_start3A_36, %dma_start3A_42, %dma_start3A_43] : memref<32x200x2x50xi32, #tpu.memory_space<hbm>> -> memref<1x1x2x50xi32, #tpu.memory_space<hbm>>
    %dma_start3A_45 = tpu.memref_squeeze %dma_start3A_44 : memref<1x1x2x50xi32, #tpu.memory_space<hbm>> -> memref<2x50xi32, #tpu.memory_space<hbm>>
    %dma_start3A_46 = arith.constant 0 : i32
    %dma_start3A_47 = arith.constant 0 : i32
    %dma_start3A_48 = tpu.memref_slice %arg5[%dma_start3A_37, %dma_start3A_46, %dma_start3A_47] : memref<8x2x50xi32, #tpu.memory_space<vmem>> -> memref<1x2x50xi32, #tpu.memory_space<vmem>>
    %dma_start3A_49 = tpu.memref_squeeze %dma_start3A_48 : memref<1x2x50xi32, #tpu.memory_space<vmem>> -> memref<2x50xi32, #tpu.memory_space<vmem>>
    %dma_start3A_50 = arith.constant 0 : i32
    %dma_start3A_51 = arith.constant 0 : i32
    %dma_start3A_52 = tpu.memref_slice %arg3[%add3A, %dma_start3A_36, %dma_start3A_50, %dma_start3A_51] : memref<32x200x2x50xi32, #tpu.memory_space<hbm>> -> memref<1x1x2x50xi32, #tpu.memory_space<hbm>>
    %dma_start3A_53 = tpu.memref_squeeze %dma_start3A_52 : memref<1x1x2x50xi32, #tpu.memory_space<hbm>> -> memref<2x50xi32, #tpu.memory_space<hbm>>
    tpu.enqueue_dma source(%dma_start3A_53 : memref<2x50xi32, #tpu.memory_space<hbm>>) target(%dma_start3A_49 : memref<2x50xi32, #tpu.memory_space<vmem>>) target_semaphore(%arg14 : memref<!tpu.dma_semaphore, #tpu.memory_space<semaphore_mem>>)
    %dma_start3A_54 = arith.constant 3 : i32
    %dma_start3A_55 = arith.constant 3 : i32
    %dma_start3A_56 = arith.constant 0 : i32
    %dma_start3A_57 = arith.constant 0 : i32
    %dma_start3A_58 = tpu.memref_slice %arg5[%dma_start3A_55, %dma_start3A_56, %dma_start3A_57] : memref<8x2x50xi32, #tpu.memory_space<vmem>> -> memref<1x2x50xi32, #tpu.memory_space<vmem>>
    %dma_start3A_59 = tpu.memref_squeeze %dma_start3A_58 : memref<1x2x50xi32, #tpu.memory_space<vmem>> -> memref<2x50xi32, #tpu.memory_space<vmem>>
    %dma_start3A_60 = arith.constant 0 : i32
    %dma_start3A_61 = arith.constant 0 : i32
    %dma_start3A_62 = tpu.memref_slice %arg3[%add3A, %dma_start3A_54, %dma_start3A_60, %dma_start3A_61] : memref<32x200x2x50xi32, #tpu.memory_space<hbm>> -> memref<1x1x2x50xi32, #tpu.memory_space<hbm>>
    %dma_start3A_63 = tpu.memref_squeeze %dma_start3A_62 : memref<1x1x2x50xi32, #tpu.memory_space<hbm>> -> memref<2x50xi32, #tpu.memory_space<hbm>>
    %dma_start3A_64 = arith.constant 0 : i32
    %dma_start3A_65 = arith.constant 0 : i32
    %dma_start3A_66 = tpu.memref_slice %arg5[%dma_start3A_55, %dma_start3A_64, %dma_start3A_65] : memref<8x2x50xi32, #tpu.memory_space<vmem>> -> memref<1x2x50xi32, #tpu.memory_space<vmem>>
    %dma_start3A_67 = tpu.memref_squeeze %dma_start3A_66 : memref<1x2x50xi32, #tpu.memory_space<vmem>> -> memref<2x50xi32, #tpu.memory_space<vmem>>
    %dma_start3A_68 = arith.constant 0 : i32
    %dma_start3A_69 = arith.constant 0 : i32
    %dma_start3A_70 = tpu.memref_slice %arg3[%add3A, %dma_start3A_54, %dma_start3A_68, %dma_start3A_69] : memref<32x200x2x50xi32, #tpu.memory_space<hbm>> -> memref<1x1x2x50xi32, #tpu.memory_space<hbm>>
    %dma_start3A_71 = tpu.memref_squeeze %dma_start3A_70 : memref<1x1x2x50xi32, #tpu.memory_space<hbm>> -> memref<2x50xi32, #tpu.memory_space<hbm>>
    tpu.enqueue_dma source(%dma_start3A_71 : memref<2x50xi32, #tpu.memory_space<hbm>>) target(%dma_start3A_67 : memref<2x50xi32, #tpu.memory_space<vmem>>) target_semaphore(%arg15 : memref<!tpu.dma_semaphore, #tpu.memory_space<semaphore_mem>>)
    %dma_start3A_72 = arith.constant 4 : i32
    %dma_start3A_73 = arith.constant 4 : i32
    %dma_start3A_74 = arith.constant 0 : i32
    %dma_start3A_75 = arith.constant 0 : i32
    %dma_start3A_76 = tpu.memref_slice %arg5[%dma_start3A_73, %dma_start3A_74, %dma_start3A_75] : memref<8x2x50xi32, #tpu.memory_space<vmem>> -> memref<1x2x50xi32, #tpu.memory_space<vmem>>
    %dma_start3A_77 = tpu.memref_squeeze %dma_start3A_76 : memref<1x2x50xi32, #tpu.memory_space<vmem>> -> memref<2x50xi32, #tpu.memory_space<vmem>>
    %dma_start3A_78 = arith.constant 0 : i32
    %dma_start3A_79 = arith.constant 0 : i32
    %dma_start3A_80 = tpu.memref_slice %arg3[%add3A, %dma_start3A_72, %dma_start3A_78, %dma_start3A_79] : memref<32x200x2x50xi32, #tpu.memory_space<hbm>> -> memref<1x1x2x50xi32, #tpu.memory_space<hbm>>
    %dma_start3A_81 = tpu.memref_squeeze %dma_start3A_80 : memref<1x1x2x50xi32, #tpu.memory_space<hbm>> -> memref<2x50xi32, #tpu.memory_space<hbm>>
    %dma_start3A_82 = arith.constant 0 : i32
    %dma_start3A_83 = arith.constant 0 : i32
    %dma_start3A_84 = tpu.memref_slice %arg5[%dma_start3A_73, %dma_start3A_82, %dma_start3A_83] : memref<8x2x50xi32, #tpu.memory_space<vmem>> -> memref<1x2x50xi32, #tpu.memory_space<vmem>>
    %dma_start3A_85 = tpu.memref_squeeze %dma_start3A_84 : memref<1x2x50xi32, #tpu.memory_space<vmem>> -> memref<2x50xi32, #tpu.memory_space<vmem>>
    %dma_start3A_86 = arith.constant 0 : i32
    %dma_start3A_87 = arith.constant 0 : i32
    %dma_start3A_88 = tpu.memref_slice %arg3[%add3A, %dma_start3A_72, %dma_start3A_86, %dma_start3A_87] : memref<32x200x2x50xi32, #tpu.memory_space<hbm>> -> memref<1x1x2x50xi32, #tpu.memory_space<hbm>>
    %dma_start3A_89 = tpu.memref_squeeze %dma_start3A_88 : memref<1x1x2x50xi32, #tpu.memory_space<hbm>> -> memref<2x50xi32, #tpu.memory_space<hbm>>
    tpu.enqueue_dma source(%dma_start3A_89 : memref<2x50xi32, #tpu.memory_space<hbm>>) target(%dma_start3A_85 : memref<2x50xi32, #tpu.memory_space<vmem>>) target_semaphore(%arg16 : memref<!tpu.dma_semaphore, #tpu.memory_space<semaphore_mem>>)
    %dma_start3A_90 = arith.constant 5 : i32
    %dma_start3A_91 = arith.constant 5 : i32
    %dma_start3A_92 = arith.constant 0 : i32
    %dma_start3A_93 = arith.constant 0 : i32
    %dma_start3A_94 = tpu.memref_slice %arg5[%dma_start3A_91, %dma_start3A_92, %dma_start3A_93] : memref<8x2x50xi32, #tpu.memory_space<vmem>> -> memref<1x2x50xi32, #tpu.memory_space<vmem>>
    %dma_start3A_95 = tpu.memref_squeeze %dma_start3A_94 : memref<1x2x50xi32, #tpu.memory_space<vmem>> -> memref<2x50xi32, #tpu.memory_space<vmem>>
    %dma_start3A_96 = arith.constant 0 : i32
    %dma_start3A_97 = arith.constant 0 : i32
    %dma_start3A_98 = tpu.memref_slice %arg3[%add3A, %dma_start3A_90, %dma_start3A_96, %dma_start3A_97] : memref<32x200x2x50xi32, #tpu.memory_space<hbm>> -> memref<1x1x2x50xi32, #tpu.memory_space<hbm>>
    %dma_start3A_99 = tpu.memref_squeeze %dma_start3A_98 : memref<1x1x2x50xi32, #tpu.memory_space<hbm>> -> memref<2x50xi32, #tpu.memory_space<hbm>>
    %dma_start3A_100 = arith.constant 0 : i32
    %dma_start3A_101 = arith.constant 0 : i32
    %dma_start3A_102 = tpu.memref_slice %arg5[%dma_start3A_91, %dma_start3A_100, %dma_start3A_101] : memref<8x2x50xi32, #tpu.memory_space<vmem>> -> memref<1x2x50xi32, #tpu.memory_space<vmem>>
    %dma_start3A_103 = tpu.memref_squeeze %dma_start3A_102 : memref<1x2x50xi32, #tpu.memory_space<vmem>> -> memref<2x50xi32, #tpu.memory_space<vmem>>
    %dma_start3A_104 = arith.constant 0 : i32
    %dma_start3A_105 = arith.constant 0 : i32
    %dma_start3A_106 = tpu.memref_slice %arg3[%add3A, %dma_start3A_90, %dma_start3A_104, %dma_start3A_105] : memref<32x200x2x50xi32, #tpu.memory_space<hbm>> -> memref<1x1x2x50xi32, #tpu.memory_space<hbm>>
    %dma_start3A_107 = tpu.memref_squeeze %dma_start3A_106 : memref<1x1x2x50xi32, #tpu.memory_space<hbm>> -> memref<2x50xi32, #tpu.memory_space<hbm>>
    tpu.enqueue_dma source(%dma_start3A_107 : memref<2x50xi32, #tpu.memory_space<hbm>>) target(%dma_start3A_103 : memref<2x50xi32, #tpu.memory_space<vmem>>) target_semaphore(%arg17 : memref<!tpu.dma_semaphore, #tpu.memory_space<semaphore_mem>>)
    %scan3A = arith.constant 0 : i32
    %scan3A_108 = arith.constant 0 : i32
    %scan3A_109 = arith.constant 64 : i32
    %scan3A_110 = arith.addi %scan3A_108, %scan3A_109 : i32
    %scan3A_111 = arith.constant 1 : i32
    %scan3A_112 = scf.for %scan3A_217 = %scan3A_108 to %scan3A_110 step %scan3A_111 iter_args(%scan3A_218 = %scan3A) -> (i32)  : i32 {
      %scan3A_219 = arith.constant 0 : i32
      %scan3A_220 = arith.constant 0 : i32
      %scan3A_221 = arith.constant 8 : i32
      %scan3A_222 = arith.addi %scan3A_220, %scan3A_221 : i32
      %scan3A_223 = arith.constant 1 : i32
      %scan3A_224 = scf.for %scan3A_227 = %scan3A_220 to %scan3A_222 step %scan3A_223 iter_args(%scan3A_228 = %scan3A_219) -> (i32)  : i32 {
        %broadcast_in_dim3A = arith.constant 0.000000e+00 : f32
        %broadcast_in_dim3A_229 = vector.broadcast %broadcast_in_dim3A : f32 to vector<16xf32>
        %mul3A_230 = arith.constant 16 : i32
        %mul3A_231 = arith.muli %scan3A_227, %mul3A_230 : i32
        %swap3A = arith.index_cast %scan3A_217 : i32 to index
        %swap3A_232 = arith.index_cast %mul3A_231 : i32 to index
        %swap3A_233 = tpu.vector_load %arg10[%swap3A, %swap3A_232] {strides = array<i32>} : memref<64x128xf32, #tpu.memory_space<vmem>>, vector<1x16xf32>,
        %swap3A_234 = vector.shape_cast %swap3A_233 : vector<1x16xf32> to vector<16xf32>
        %swap3A_235 = vector.shape_cast %broadcast_in_dim3A_229 : vector<16xf32> to vector<1x16xf32>
        tpu.vector_store %arg10[%swap3A, %swap3A_232], %swap3A_235 {strides = array<i32>} : memref<64x128xf32, #tpu.memory_space<vmem>>, vector<1x16xf32>,
        %scan3A_236 = arith.constant 0 : i32
        scf.yield %scan3A_236 : i32
      }
      %scan3A_225 = arith.constant 8 : i32
      %scan3A_226 = arith.constant 0 : i32
      scf.yield %scan3A_226 : i32
    }
    %scan3A_113 = arith.constant 64 : i32
    %scan3A_114 = arith.constant 0 : i32
    %scan3A_115 = arith.constant 0 : i32
    %scan3A_116 = arith.constant 10 : i32
    %scan3A_117 = arith.addi %scan3A_115, %scan3A_116 : i32
    %scan3A_118 = arith.constant 1 : i32
    %scan3A_119 = scf.for %scan3A_217 = %scan3A_115 to %scan3A_117 step %scan3A_118 iter_args(%scan3A_218 = %scan3A_114) -> (i32)  : i32 {
      %mul3A_219 = arith.constant 640 : i32
      %mul3A_220 = arith.muli %arg1, %mul3A_219 : i32
      %mul3A_221 = arith.constant 64 : i32
      %mul3A_222 = arith.muli %scan3A_217, %mul3A_221 : i32
      %add3A_223 = arith.addi %mul3A_220, %mul3A_222 : i32
      %dma_start3A_224 = arith.constant 0 : i32
      %dma_start3A_225 = tpu.memref_slice %arg11[%add3A_223, %dma_start3A_224] : memref<10240x128xf32, #tpu.memory_space<vmem_shared>> -> memref<64x128xf32, #tpu.memory_space<vmem_shared>>
      %dma_start3A_226 = arith.constant 0 : i32
      %dma_start3A_227 = tpu.memref_slice %arg11[%add3A_223, %dma_start3A_226] : memref<10240x128xf32, #tpu.memory_space<vmem_shared>> -> memref<64x128xf32, #tpu.memory_space<vmem_shared>>
      tpu.enqueue_dma source(%arg10 : memref<64x128xf32, #tpu.memory_space<vmem>>) target(%dma_start3A_227 : memref<64x128xf32, #tpu.memory_space<vmem_shared>>) target_semaphore(%arg28 : memref<!tpu.dma_semaphore, #tpu.memory_space<semaphore_mem>>)
      %scan3A_228 = arith.constant 0 : i32
      scf.yield %scan3A_228 : i32
    }
    %scan3A_120 = arith.constant 10 : i32
    %dma_wait3A = arith.constant 0 : i32
    %dma_wait3A_121 = arith.constant 0 : i32
    %dma_wait3A_122 = arith.constant 0 : i32
    %dma_wait3A_123 = arith.constant 0 : i32
    %dma_wait3A_124 = tpu.memref_slice %arg5[%dma_wait3A_121, %dma_wait3A_122, %dma_wait3A_123] : memref<8x2x50xi32, #tpu.memory_space<vmem>> -> memref<1x2x50xi32, #tpu.memory_space<vmem>>
    %dma_wait3A_125 = tpu.memref_squeeze %dma_wait3A_124 : memref<1x2x50xi32, #tpu.memory_space<vmem>> -> memref<2x50xi32, #tpu.memory_space<vmem>>
    %dma_wait3A_126 = arith.constant 0 : i32
    %dma_wait3A_127 = arith.constant 0 : i32
    %dma_wait3A_128 = tpu.memref_slice %arg3[%add3A, %dma_wait3A, %dma_wait3A_126, %dma_wait3A_127] : memref<32x200x2x50xi32, #tpu.memory_space<hbm>> -> memref<1x1x2x50xi32, #tpu.memory_space<hbm>>
    %dma_wait3A_129 = tpu.memref_squeeze %dma_wait3A_128 : memref<1x1x2x50xi32, #tpu.memory_space<hbm>> -> memref<2x50xi32, #tpu.memory_space<hbm>>
    %dma_wait3A_130 = arith.constant 0 : i32
    %dma_wait3A_131 = arith.constant 0 : i32
    %dma_wait3A_132 = tpu.memref_slice %arg5[%dma_wait3A_121, %dma_wait3A_130, %dma_wait3A_131] : memref<8x2x50xi32, #tpu.memory_space<vmem>> -> memref<1x2x50xi32, #tpu.memory_space<vmem>>
    %dma_wait3A_133 = tpu.memref_squeeze %dma_wait3A_132 : memref<1x2x50xi32, #tpu.memory_space<vmem>> -> memref<2x50xi32, #tpu.memory_space<vmem>>
    %dma_wait3A_134 = arith.constant 0 : i32
    %dma_wait3A_135 = arith.constant 0 : i32
    %dma_wait3A_136 = tpu.memref_slice %arg3[%add3A, %dma_wait3A, %dma_wait3A_134, %dma_wait3A_135] : memref<32x200x2x50xi32, #tpu.memory_space<hbm>> -> memref<1x1x2x50xi32, #tpu.memory_space<hbm>>
    %dma_wait3A_137 = tpu.memref_squeeze %dma_wait3A_136 : memref<1x1x2x50xi32, #tpu.memory_space<hbm>> -> memref<2x50xi32, #tpu.memory_space<hbm>>
    tpu.wait_dma2 semaphore(%arg12 : memref<!tpu.dma_semaphore, #tpu.memory_space<semaphore_mem>>) src(%dma_wait3A_137 : memref<2x50xi32, #tpu.memory_space<hbm>>) dst(%dma_wait3A_133 : memref<2x50xi32, #tpu.memory_space<vmem>>)
    %dma_start3A_138 = arith.constant 0 : i32
    %dma_start3A_139 = arith.constant 0 : i32
    %dma_start3A_140 = arith.constant 0 : i32
    %dma_start3A_141 = tpu.memref_slice %arg5[%dma_start3A_138, %dma_start3A_139, %dma_start3A_140] : memref<8x2x50xi32, #tpu.memory_space<vmem>> -> memref<1x1x50xi32, #tpu.memory_space<vmem>>
    %dma_start3A_142 = tpu.memref_squeeze %dma_start3A_141 : memref<1x1x50xi32, #tpu.memory_space<vmem>> -> memref<50xi32, #tpu.memory_space<vmem>>
    %dma_start3A_143 = arith.constant 0 : i32
    %dma_start3A_144 = arith.constant 0 : i32
    %dma_start3A_145 = tpu.memref_slice %arg2[%dma_start3A_143, %dma_start3A_144] : memref<10240x128xf32, #tpu.memory_space<hbm>> -> memref<10240x128xf32, #tpu.memory_space<hbm>>
    tpu.enqueue_indirect_dma source(%dma_start3A_145 : memref<10240x128xf32, #tpu.memory_space<hbm>>) target(%arg6 : memref<50x128xf32, #tpu.memory_space<vmem>>) offsets(%dma_start3A_142 : memref<50xi32, #tpu.memory_space<vmem>>) semaphore(%arg20 : memref<!tpu.dma_semaphore, #tpu.memory_space<semaphore_mem>>)
    %dma_wait3A_146 = arith.constant 1 : i32
    %dma_wait3A_147 = arith.constant 1 : i32
    %dma_wait3A_148 = arith.constant 0 : i32
    %dma_wait3A_149 = arith.constant 0 : i32
    %dma_wait3A_150 = tpu.memref_slice %arg5[%dma_wait3A_147, %dma_wait3A_148, %dma_wait3A_149] : memref<8x2x50xi32, #tpu.memory_space<vmem>> -> memref<1x2x50xi32, #tpu.memory_space<vmem>>
    %dma_wait3A_151 = tpu.memref_squeeze %dma_wait3A_150 : memref<1x2x50xi32, #tpu.memory_space<vmem>> -> memref<2x50xi32, #tpu.memory_space<vmem>>
    %dma_wait3A_152 = arith.constant 0 : i32
    %dma_wait3A_153 = arith.constant 0 : i32
    %dma_wait3A_154 = tpu.memref_slice %arg3[%add3A, %dma_wait3A_146, %dma_wait3A_152, %dma_wait3A_153] : memref<32x200x2x50xi32, #tpu.memory_space<hbm>> -> memref<1x1x2x50xi32, #tpu.memory_space<hbm>>
    %dma_wait3A_155 = tpu.memref_squeeze %dma_wait3A_154 : memref<1x1x2x50xi32, #tpu.memory_space<hbm>> -> memref<2x50xi32, #tpu.memory_space<hbm>>
    %dma_wait3A_156 = arith.constant 0 : i32
    %dma_wait3A_157 = arith.constant 0 : i32
    %dma_wait3A_158 = tpu.memref_slice %arg5[%dma_wait3A_147, %dma_wait3A_156, %dma_wait3A_157] : memref<8x2x50xi32, #tpu.memory_space<vmem>> -> memref<1x2x50xi32, #tpu.memory_space<vmem>>
    %dma_wait3A_159 = tpu.memref_squeeze %dma_wait3A_158 : memref<1x2x50xi32, #tpu.memory_space<vmem>> -> memref<2x50xi32, #tpu.memory_space<vmem>>
    %dma_wait3A_160 = arith.constant 0 : i32
    %dma_wait3A_161 = arith.constant 0 : i32
    %dma_wait3A_162 = tpu.memref_slice %arg3[%add3A, %dma_wait3A_146, %dma_wait3A_160, %dma_wait3A_161] : memref<32x200x2x50xi32, #tpu.memory_space<hbm>> -> memref<1x1x2x50xi32, #tpu.memory_space<hbm>>
    %dma_wait3A_163 = tpu.memref_squeeze %dma_wait3A_162 : memref<1x1x2x50xi32, #tpu.memory_space<hbm>> -> memref<2x50xi32, #tpu.memory_space<hbm>>
    tpu.wait_dma2 semaphore(%arg13 : memref<!tpu.dma_semaphore, #tpu.memory_space<semaphore_mem>>) src(%dma_wait3A_163 : memref<2x50xi32, #tpu.memory_space<hbm>>) dst(%dma_wait3A_159 : memref<2x50xi32, #tpu.memory_space<vmem>>)
    %dma_start3A_164 = arith.constant 1 : i32
    %dma_start3A_165 = arith.constant 0 : i32
    %dma_start3A_166 = arith.constant 0 : i32
    %dma_start3A_167 = tpu.memref_slice %arg5[%dma_start3A_164, %dma_start3A_165, %dma_start3A_166] : memref<8x2x50xi32, #tpu.memory_space<vmem>> -> memref<1x1x50xi32, #tpu.memory_space<vmem>>
    %dma_start3A_168 = tpu.memref_squeeze %dma_start3A_167 : memref<1x1x50xi32, #tpu.memory_space<vmem>> -> memref<50xi32, #tpu.memory_space<vmem>>
    %dma_start3A_169 = arith.constant 0 : i32
    %dma_start3A_170 = arith.constant 0 : i32
    %dma_start3A_171 = tpu.memref_slice %arg2[%dma_start3A_169, %dma_start3A_170] : memref<10240x128xf32, #tpu.memory_space<hbm>> -> memref<10240x128xf32, #tpu.memory_space<hbm>>
    tpu.enqueue_indirect_dma source(%dma_start3A_171 : memref<10240x128xf32, #tpu.memory_space<hbm>>) target(%arg7 : memref<50x128xf32, #tpu.memory_space<vmem>>) offsets(%dma_start3A_168 : memref<50xi32, #tpu.memory_space<vmem>>) semaphore(%arg21 : memref<!tpu.dma_semaphore, #tpu.memory_space<semaphore_mem>>)
    %scan3A_172 = arith.constant 0 : i32
    %scan3A_173 = arith.constant 0 : i32
    %scan3A_174 = arith.constant 10 : i32
    %scan3A_175 = arith.addi %scan3A_173, %scan3A_174 : i32
    %scan3A_176 = arith.constant 1 : i32
    %scan3A_177 = scf.for %scan3A_217 = %scan3A_173 to %scan3A_175 step %scan3A_176 iter_args(%scan3A_218 = %scan3A_172) -> (i32)  : i32 {
      %mul3A_219 = arith.constant 640 : i32
      %mul3A_220 = arith.muli %arg1, %mul3A_219 : i32
      %mul3A_221 = arith.constant 64 : i32
      %mul3A_222 = arith.muli %scan3A_217, %mul3A_221 : i32
      %add3A_223 = arith.addi %mul3A_220, %mul3A_222 : i32
      %dma_wait3A_224 = arith.constant 0 : i32
      %dma_wait3A_225 = tpu.memref_slice %arg11[%add3A_223, %dma_wait3A_224] : memref<10240x128xf32, #tpu.memory_space<vmem_shared>> -> memref<64x128xf32, #tpu.memory_space<vmem_shared>>
      %dma_wait3A_226 = arith.constant 0 : i32
      %dma_wait3A_227 = tpu.memref_slice %arg11[%add3A_223, %dma_wait3A_226] : memref<10240x128xf32, #tpu.memory_space<vmem_shared>> -> memref<64x128xf32, #tpu.memory_space<vmem_shared>>
      tpu.wait_dma2 semaphore(%arg28 : memref<!tpu.dma_semaphore, #tpu.memory_space<semaphore_mem>>) src(%arg10 : memref<64x128xf32, #tpu.memory_space<vmem>>) dst(%dma_wait3A_227 : memref<64x128xf32, #tpu.memory_space<vmem_shared>>)
      %scan3A_228 = arith.constant 0 : i32
      scf.yield %scan3A_228 : i32
    }
    %scan3A_178 = arith.constant 10 : i32
    %barrier3A = arith.constant 0 : index
    tpu.barrier barrier_id(%barrier3A)
    %scan3A_179 = arith.constant 0 : i32
    %scan3A_180 = arith.constant 0 : i32
    %scan3A_181 = arith.constant 25 : i32
    %scan3A_182 = arith.addi %scan3A_180, %scan3A_181 : i32
    %scan3A_183 = arith.constant 1 : i32
    %scan3A_184 = scf.for %scan3A_217 = %scan3A_180 to %scan3A_182 step %scan3A_183 iter_args(%scan3A_218 = %scan3A_179) -> (i32)  : i32 {
      %dma_wait3A_219 = arith.constant 0 : i32
      %dma_wait3A_220 = arith.constant 0 : i32
      %dma_wait3A_221 = arith.constant 0 : i32
      %dma_wait3A_222 = tpu.memref_slice %arg5[%dma_wait3A_219, %dma_wait3A_220, %dma_wait3A_221] : memref<8x2x50xi32, #tpu.memory_space<vmem>> -> memref<1x1x50xi32, #tpu.memory_space<vmem>>
      %dma_wait3A_223 = tpu.memref_squeeze %dma_wait3A_222 : memref<1x1x50xi32, #tpu.memory_space<vmem>> -> memref<50xi32, #tpu.memory_space<vmem>>
      %dma_wait3A_224 = arith.constant 0 : i32
      %dma_wait3A_225 = arith.constant 0 : i32
      %dma_wait3A_226 = tpu.memref_slice %arg2[%dma_wait3A_224, %dma_wait3A_225] : memref<10240x128xf32, #tpu.memory_space<hbm>> -> memref<10240x128xf32, #tpu.memory_space<hbm>>
      tpu.wait_indirect_dma semaphore(%arg20 : memref<!tpu.dma_semaphore, #tpu.memory_space<semaphore_mem>>) src(%dma_wait3A_226 : memref<10240x128xf32, #tpu.memory_space<hbm>>) dst(%arg6 : memref<50x128xf32, #tpu.memory_space<vmem>>)
      %dma_start3A_227 = arith.constant 0 : i32
      %dma_start3A_228 = arith.constant 1 : i32
      %dma_start3A_229 = arith.constant 0 : i32
      %dma_start3A_230 = tpu.memref_slice %arg5[%dma_start3A_227, %dma_start3A_228, %dma_start3A_229] : memref<8x2x50xi32, #tpu.memory_space<vmem>> -> memref<1x1x50xi32, #tpu.memory_space<vmem>>
      %dma_start3A_231 = tpu.memref_squeeze %dma_start3A_230 : memref<1x1x50xi32, #tpu.memory_space<vmem>> -> memref<50xi32, #tpu.memory_space<vmem>>
      %dma_start3A_232 = arith.constant 0 : i32
      %dma_start3A_233 = arith.constant 0 : i32
      %dma_start3A_234 = tpu.memref_slice %arg11[%dma_start3A_232, %dma_start3A_233] : memref<10240x128xf32, #tpu.memory_space<vmem_shared>> -> memref<10240x128xf32, #tpu.memory_space<vmem_shared>>
      tpu.enqueue_indirect_dma source(%arg6 : memref<50x128xf32, #tpu.memory_space<vmem>>) target(%dma_start3A_234 : memref<10240x128xf32, #tpu.memory_space<vmem_shared>>) offsets(%dma_start3A_231 : memref<50xi32, #tpu.memory_space<vmem>>) semaphore(%arg24 : memref<!tpu.dma_semaphore, #tpu.memory_space<semaphore_mem>>) {add = true}
      %gt3A = arith.constant 0 : i32
      %gt3A_235 = arith.cmpi sgt, %scan3A_217, %gt3A : i32
      %convert_element_type3A = arith.extui %gt3A_235 : i1 to i32
      %cond3A = arith.constant 0 : i32
      %cond3A_236 = arith.cmpi ne, %convert_element_type3A, %cond3A : i32
      scf.if %cond3A_236 {
        %dma_wait3A_710 = arith.constant 6 : i32
        %dma_wait3A_711 = arith.constant 1 : i32
        %dma_wait3A_712 = arith.constant 0 : i32
        %dma_wait3A_713 = tpu.memref_slice %arg5[%dma_wait3A_710, %dma_wait3A_711, %dma_wait3A_712] : memref<8x2x50xi32, #tpu.memory_space<vmem>> -> memref<1x1x50xi32, #tpu.memory_space<vmem>>
        %dma_wait3A_714 = tpu.memref_squeeze %dma_wait3A_713 : memref<1x1x50xi32, #tpu.memory_space<vmem>> -> memref<50xi32, #tpu.memory_space<vmem>>
        %dma_wait3A_715 = arith.constant 0 : i32
        %dma_wait3A_716 = arith.constant 0 : i32
        %dma_wait3A_717 = tpu.memref_slice %arg11[%dma_wait3A_715, %dma_wait3A_716] : memref<10240x128xf32, #tpu.memory_space<vmem_shared>> -> memref<10240x128xf32, #tpu.memory_space<vmem_shared>>
        tpu.wait_indirect_dma semaphore(%arg26 : memref<!tpu.dma_semaphore, #tpu.memory_space<semaphore_mem>>) src(%arg8 : memref<50x128xf32, #tpu.memory_space<vmem>>) dst(%dma_wait3A_717 : memref<10240x128xf32, #tpu.memory_space<vmem_shared>>)
      } else {
      }
      %mul3A_237 = arith.constant 8 : i32
      %mul3A_238 = arith.muli %scan3A_217, %mul3A_237 : i32
      %add3A_239 = arith.constant 0 : i32
      %add3A_240 = arith.addi %mul3A_238, %add3A_239 : i32
      %add3A_241 = arith.constant 6 : i32
      %add3A_242 = arith.addi %add3A_240, %add3A_241 : i32
      %dma_start3A_243 = arith.constant 6 : i32
      %dma_start3A_244 = arith.constant 0 : i32
      %dma_start3A_245 = arith.constant 0 : i32
      %dma_start3A_246 = tpu.memref_slice %arg5[%dma_start3A_243, %dma_start3A_244, %dma_start3A_245] : memref<8x2x50xi32, #tpu.memory_space<vmem>> -> memref<1x2x50xi32, #tpu.memory_space<vmem>>
      %dma_start3A_247 = tpu.memref_squeeze %dma_start3A_246 : memref<1x2x50xi32, #tpu.memory_space<vmem>> -> memref<2x50xi32, #tpu.memory_space<vmem>>
      %dma_start3A_248 = arith.constant 0 : i32
      %dma_start3A_249 = arith.constant 0 : i32
      %dma_start3A_250 = tpu.memref_slice %arg3[%add3A, %add3A_242, %dma_start3A_248, %dma_start3A_249] : memref<32x200x2x50xi32, #tpu.memory_space<hbm>> -> memref<1x1x2x50xi32, #tpu.memory_space<hbm>>
      %dma_start3A_251 = tpu.memref_squeeze %dma_start3A_250 : memref<1x1x2x50xi32, #tpu.memory_space<hbm>> -> memref<2x50xi32, #tpu.memory_space<hbm>>
      %dma_start3A_252 = arith.constant 0 : i32
      %dma_start3A_253 = arith.constant 0 : i32
      %dma_start3A_254 = tpu.memref_slice %arg5[%dma_start3A_243, %dma_start3A_252, %dma_start3A_253] : memref<8x2x50xi32, #tpu.memory_space<vmem>> -> memref<1x2x50xi32, #tpu.memory_space<vmem>>
      %dma_start3A_255 = tpu.memref_squeeze %dma_start3A_254 : memref<1x2x50xi32, #tpu.memory_space<vmem>> -> memref<2x50xi32, #tpu.memory_space<vmem>>
      %dma_start3A_256 = arith.constant 0 : i32
      %dma_start3A_257 = arith.constant 0 : i32
      %dma_start3A_258 = tpu.memref_slice %arg3[%add3A, %add3A_242, %dma_start3A_256, %dma_start3A_257] : memref<32x200x2x50xi32, #tpu.memory_space<hbm>> -> memref<1x1x2x50xi32, #tpu.memory_space<hbm>>
      %dma_start3A_259 = tpu.memref_squeeze %dma_start3A_258 : memref<1x1x2x50xi32, #tpu.memory_space<hbm>> -> memref<2x50xi32, #tpu.memory_space<hbm>>
      tpu.enqueue_dma source(%dma_start3A_259 : memref<2x50xi32, #tpu.memory_space<hbm>>) target(%dma_start3A_255 : memref<2x50xi32, #tpu.memory_space<vmem>>) target_semaphore(%arg18 : memref<!tpu.dma_semaphore, #tpu.memory_space<semaphore_mem>>)
      %mul3A_260 = arith.constant 8 : i32
      %mul3A_261 = arith.muli %scan3A_217, %mul3A_260 : i32
      %add3A_262 = arith.constant 0 : i32
      %add3A_263 = arith.addi %mul3A_261, %add3A_262 : i32
      %add3A_264 = arith.constant 2 : i32
      %add3A_265 = arith.addi %add3A_263, %add3A_264 : i32
      %dma_wait3A_266 = arith.constant 2 : i32
      %dma_wait3A_267 = arith.constant 0 : i32
      %dma_wait3A_268 = arith.constant 0 : i32
      %dma_wait3A_269 = tpu.memref_slice %arg5[%dma_wait3A_266, %dma_wait3A_267, %dma_wait3A_268] : memref<8x2x50xi32, #tpu.memory_space<vmem>> -> memref<1x2x50xi32, #tpu.memory_space<vmem>>
      %dma_wait3A_270 = tpu.memref_squeeze %dma_wait3A_269 : memref<1x2x50xi32, #tpu.memory_space<vmem>> -> memref<2x50xi32, #tpu.memory_space<vmem>>
      %dma_wait3A_271 = arith.constant 0 : i32
      %dma_wait3A_272 = arith.constant 0 : i32
      %dma_wait3A_273 = tpu.memref_slice %arg3[%add3A, %add3A_265, %dma_wait3A_271, %dma_wait3A_272] : memref<32x200x2x50xi32, #tpu.memory_space<hbm>> -> memref<1x1x2x50xi32, #tpu.memory_space<hbm>>
      %dma_wait3A_274 = tpu.memref_squeeze %dma_wait3A_273 : memref<1x1x2x50xi32, #tpu.memory_space<hbm>> -> memref<2x50xi32, #tpu.memory_space<hbm>>
      %dma_wait3A_275 = arith.constant 0 : i32
      %dma_wait3A_276 = arith.constant 0 : i32
      %dma_wait3A_277 = tpu.memref_slice %arg5[%dma_wait3A_266, %dma_wait3A_275, %dma_wait3A_276] : memref<8x2x50xi32, #tpu.memory_space<vmem>> -> memref<1x2x50xi32, #tpu.memory_space<vmem>>
      %dma_wait3A_278 = tpu.memref_squeeze %dma_wait3A_277 : memref<1x2x50xi32, #tpu.memory_space<vmem>> -> memref<2x50xi32, #tpu.memory_space<vmem>>
      %dma_wait3A_279 = arith.constant 0 : i32
      %dma_wait3A_280 = arith.constant 0 : i32
      %dma_wait3A_281 = tpu.memref_slice %arg3[%add3A, %add3A_265, %dma_wait3A_279, %dma_wait3A_280] : memref<32x200x2x50xi32, #tpu.memory_space<hbm>> -> memref<1x1x2x50xi32, #tpu.memory_space<hbm>>
      %dma_wait3A_282 = tpu.memref_squeeze %dma_wait3A_281 : memref<1x1x2x50xi32, #tpu.memory_space<hbm>> -> memref<2x50xi32, #tpu.memory_space<hbm>>
      tpu.wait_dma2 semaphore(%arg14 : memref<!tpu.dma_semaphore, #tpu.memory_space<semaphore_mem>>) src(%dma_wait3A_282 : memref<2x50xi32, #tpu.memory_space<hbm>>) dst(%dma_wait3A_278 : memref<2x50xi32, #tpu.memory_space<vmem>>)
      %mul3A_283 = arith.constant 8 : i32
      %mul3A_284 = arith.muli %scan3A_217, %mul3A_283 : i32
      %add3A_285 = arith.constant 0 : i32
      %add3A_286 = arith.addi %mul3A_284, %add3A_285 : i32
      %add3A_287 = arith.constant 2 : i32
      %add3A_288 = arith.addi %add3A_286, %add3A_287 : i32
      %dma_start3A_289 = arith.constant 2 : i32
      %dma_start3A_290 = arith.constant 0 : i32
      %dma_start3A_291 = arith.constant 0 : i32
      %dma_start3A_292 = tpu.memref_slice %arg5[%dma_start3A_289, %dma_start3A_290, %dma_start3A_291] : memref<8x2x50xi32, #tpu.memory_space<vmem>> -> memref<1x1x50xi32, #tpu.memory_space<vmem>>
      %dma_start3A_293 = tpu.memref_squeeze %dma_start3A_292 : memref<1x1x50xi32, #tpu.memory_space<vmem>> -> memref<50xi32, #tpu.memory_space<vmem>>
      %dma_start3A_294 = arith.constant 0 : i32
      %dma_start3A_295 = arith.constant 0 : i32
      %dma_start3A_296 = tpu.memref_slice %arg2[%dma_start3A_294, %dma_start3A_295] : memref<10240x128xf32, #tpu.memory_space<hbm>> -> memref<10240x128xf32, #tpu.memory_space<hbm>>
      tpu.enqueue_indirect_dma source(%dma_start3A_296 : memref<10240x128xf32, #tpu.memory_space<hbm>>) target(%arg8 : memref<50x128xf32, #tpu.memory_space<vmem>>) offsets(%dma_start3A_293 : memref<50xi32, #tpu.memory_space<vmem>>) semaphore(%arg22 : memref<!tpu.dma_semaphore, #tpu.memory_space<semaphore_mem>>)
      %dma_wait3A_297 = arith.constant 1 : i32
      %dma_wait3A_298 = arith.constant 0 : i32
      %dma_wait3A_299 = arith.constant 0 : i32
      %dma_wait3A_300 = tpu.memref_slice %arg5[%dma_wait3A_297, %dma_wait3A_298, %dma_wait3A_299] : memref<8x2x50xi32, #tpu.memory_space<vmem>> -> memref<1x1x50xi32, #tpu.memory_space<vmem>>
      %dma_wait3A_301 = tpu.memref_squeeze %dma_wait3A_300 : memref<1x1x50xi32, #tpu.memory_space<vmem>> -> memref<50xi32, #tpu.memory_space<vmem>>
      %dma_wait3A_302 = arith.constant 0 : i32
      %dma_wait3A_303 = arith.constant 0 : i32
      %dma_wait3A_304 = tpu.memref_slice %arg2[%dma_wait3A_302, %dma_wait3A_303] : memref<10240x128xf32, #tpu.memory_space<hbm>> -> memref<10240x128xf32, #tpu.memory_space<hbm>>
      tpu.wait_indirect_dma semaphore(%arg21 : memref<!tpu.dma_semaphore, #tpu.memory_space<semaphore_mem>>) src(%dma_wait3A_304 : memref<10240x128xf32, #tpu.memory_space<hbm>>) dst(%arg7 : memref<50x128xf32, #tpu.memory_space<vmem>>)
      %dma_start3A_305 = arith.constant 1 : i32
      %dma_start3A_306 = arith.constant 1 : i32
      %dma_start3A_307 = arith.constant 0 : i32
      %dma_start3A_308 = tpu.memref_slice %arg5[%dma_start3A_305, %dma_start3A_306, %dma_start3A_307] : memref<8x2x50xi32, #tpu.memory_space<vmem>> -> memref<1x1x50xi32, #tpu.memory_space<vmem>>
      %dma_start3A_309 = tpu.memref_squeeze %dma_start3A_308 : memref<1x1x50xi32, #tpu.memory_space<vmem>> -> memref<50xi32, #tpu.memory_space<vmem>>
      %dma_start3A_310 = arith.constant 0 : i32
      %dma_start3A_311 = arith.constant 0 : i32
      %dma_start3A_312 = tpu.memref_slice %arg11[%dma_start3A_310, %dma_start3A_311] : memref<10240x128xf32, #tpu.memory_space<vmem_shared>> -> memref<10240x128xf32, #tpu.memory_space<vmem_shared>>
      tpu.enqueue_indirect_dma source(%arg7 : memref<50x128xf32, #tpu.memory_space<vmem>>) target(%dma_start3A_312 : memref<10240x128xf32, #tpu.memory_space<vmem_shared>>) offsets(%dma_start3A_309 : memref<50xi32, #tpu.memory_space<vmem>>) semaphore(%arg25 : memref<!tpu.dma_semaphore, #tpu.memory_space<semaphore_mem>>) {add = true}
      %gt3A_313 = arith.constant 0 : i32
      %gt3A_314 = arith.cmpi sgt, %scan3A_217, %gt3A_313 : i32
      %convert_element_type3A_315 = arith.extui %gt3A_314 : i1 to i32
      %cond3A_316 = arith.constant 0 : i32
      %cond3A_317 = arith.cmpi ne, %convert_element_type3A_315, %cond3A_316 : i32
      scf.if %cond3A_317 {
        %dma_wait3A_710 = arith.constant 7 : i32
        %dma_wait3A_711 = arith.constant 1 : i32
        %dma_wait3A_712 = arith.constant 0 : i32
        %dma_wait3A_713 = tpu.memref_slice %arg5[%dma_wait3A_710, %dma_wait3A_711, %dma_wait3A_712] : memref<8x2x50xi32, #tpu.memory_space<vmem>> -> memref<1x1x50xi32, #tpu.memory_space<vmem>>
        %dma_wait3A_714 = tpu.memref_squeeze %dma_wait3A_713 : memref<1x1x50xi32, #tpu.memory_space<vmem>> -> memref<50xi32, #tpu.memory_space<vmem>>
        %dma_wait3A_715 = arith.constant 0 : i32
        %dma_wait3A_716 = arith.constant 0 : i32
        %dma_wait3A_717 = tpu.memref_slice %arg11[%dma_wait3A_715, %dma_wait3A_716] : memref<10240x128xf32, #tpu.memory_space<vmem_shared>> -> memref<10240x128xf32, #tpu.memory_space<vmem_shared>>
        tpu.wait_indirect_dma semaphore(%arg27 : memref<!tpu.dma_semaphore, #tpu.memory_space<semaphore_mem>>) src(%arg9 : memref<50x128xf32, #tpu.memory_space<vmem>>) dst(%dma_wait3A_717 : memref<10240x128xf32, #tpu.memory_space<vmem_shared>>)
      } else {
      }
      %mul3A_318 = arith.constant 8 : i32
      %mul3A_319 = arith.muli %scan3A_217, %mul3A_318 : i32
      %add3A_320 = arith.constant 1 : i32
      %add3A_321 = arith.addi %mul3A_319, %add3A_320 : i32
      %add3A_322 = arith.constant 6 : i32
      %add3A_323 = arith.addi %add3A_321, %add3A_322 : i32
      %dma_start3A_324 = arith.constant 7 : i32
      %dma_start3A_325 = arith.constant 0 : i32
      %dma_start3A_326 = arith.constant 0 : i32
      %dma_start3A_327 = tpu.memref_slice %arg5[%dma_start3A_324, %dma_start3A_325, %dma_start3A_326] : memref<8x2x50xi32, #tpu.memory_space<vmem>> -> memref<1x2x50xi32, #tpu.memory_space<vmem>>
      %dma_start3A_328 = tpu.memref_squeeze %dma_start3A_327 : memref<1x2x50xi32, #tpu.memory_space<vmem>> -> memref<2x50xi32, #tpu.memory_space<vmem>>
      %dma_start3A_329 = arith.constant 0 : i32
      %dma_start3A_330 = arith.constant 0 : i32
      %dma_start3A_331 = tpu.memref_slice %arg3[%add3A, %add3A_323, %dma_start3A_329, %dma_start3A_330] : memref<32x200x2x50xi32, #tpu.memory_space<hbm>> -> memref<1x1x2x50xi32, #tpu.memory_space<hbm>>
      %dma_start3A_332 = tpu.memref_squeeze %dma_start3A_331 : memref<1x1x2x50xi32, #tpu.memory_space<hbm>> -> memref<2x50xi32, #tpu.memory_space<hbm>>
      %dma_start3A_333 = arith.constant 0 : i32
      %dma_start3A_334 = arith.constant 0 : i32
      %dma_start3A_335 = tpu.memref_slice %arg5[%dma_start3A_324, %dma_start3A_333, %dma_start3A_334] : memref<8x2x50xi32, #tpu.memory_space<vmem>> -> memref<1x2x50xi32, #tpu.memory_space<vmem>>
      %dma_start3A_336 = tpu.memref_squeeze %dma_start3A_335 : memref<1x2x50xi32, #tpu.memory_space<vmem>> -> memref<2x50xi32, #tpu.memory_space<vmem>>
      %dma_start3A_337 = arith.constant 0 : i32
      %dma_start3A_338 = arith.constant 0 : i32
      %dma_start3A_339 = tpu.memref_slice %arg3[%add3A, %add3A_323, %dma_start3A_337, %dma_start3A_338] : memref<32x200x2x50xi32, #tpu.memory_space<hbm>> -> memref<1x1x2x50xi32, #tpu.memory_space<hbm>>
      %dma_start3A_340 = tpu.memref_squeeze %dma_start3A_339 : memref<1x1x2x50xi32, #tpu.memory_space<hbm>> -> memref<2x50xi32, #tpu.memory_space<hbm>>
      tpu.enqueue_dma source(%dma_start3A_340 : memref<2x50xi32, #tpu.memory_space<hbm>>) target(%dma_start3A_336 : memref<2x50xi32, #tpu.memory_space<vmem>>) target_semaphore(%arg19 : memref<!tpu.dma_semaphore, #tpu.memory_space<semaphore_mem>>)
      %mul3A_341 = arith.constant 8 : i32
      %mul3A_342 = arith.muli %scan3A_217, %mul3A_341 : i32
      %add3A_343 = arith.constant 1 : i32
      %add3A_344 = arith.addi %mul3A_342, %add3A_343 : i32
      %add3A_345 = arith.constant 2 : i32
      %add3A_346 = arith.addi %add3A_344, %add3A_345 : i32
      %dma_wait3A_347 = arith.constant 3 : i32
      %dma_wait3A_348 = arith.constant 0 : i32
      %dma_wait3A_349 = arith.constant 0 : i32
      %dma_wait3A_350 = tpu.memref_slice %arg5[%dma_wait3A_347, %dma_wait3A_348, %dma_wait3A_349] : memref<8x2x50xi32, #tpu.memory_space<vmem>> -> memref<1x2x50xi32, #tpu.memory_space<vmem>>
      %dma_wait3A_351 = tpu.memref_squeeze %dma_wait3A_350 : memref<1x2x50xi32, #tpu.memory_space<vmem>> -> memref<2x50xi32, #tpu.memory_space<vmem>>
      %dma_wait3A_352 = arith.constant 0 : i32
      %dma_wait3A_353 = arith.constant 0 : i32
      %dma_wait3A_354 = tpu.memref_slice %arg3[%add3A, %add3A_346, %dma_wait3A_352, %dma_wait3A_353] : memref<32x200x2x50xi32, #tpu.memory_space<hbm>> -> memref<1x1x2x50xi32, #tpu.memory_space<hbm>>
      %dma_wait3A_355 = tpu.memref_squeeze %dma_wait3A_354 : memref<1x1x2x50xi32, #tpu.memory_space<hbm>> -> memref<2x50xi32, #tpu.memory_space<hbm>>
      %dma_wait3A_356 = arith.constant 0 : i32
      %dma_wait3A_357 = arith.constant 0 : i32
      %dma_wait3A_358 = tpu.memref_slice %arg5[%dma_wait3A_347, %dma_wait3A_356, %dma_wait3A_357] : memref<8x2x50xi32, #tpu.memory_space<vmem>> -> memref<1x2x50xi32, #tpu.memory_space<vmem>>
      %dma_wait3A_359 = tpu.memref_squeeze %dma_wait3A_358 : memref<1x2x50xi32, #tpu.memory_space<vmem>> -> memref<2x50xi32, #tpu.memory_space<vmem>>
      %dma_wait3A_360 = arith.constant 0 : i32
      %dma_wait3A_361 = arith.constant 0 : i32
      %dma_wait3A_362 = tpu.memref_slice %arg3[%add3A, %add3A_346, %dma_wait3A_360, %dma_wait3A_361] : memref<32x200x2x50xi32, #tpu.memory_space<hbm>> -> memref<1x1x2x50xi32, #tpu.memory_space<hbm>>
      %dma_wait3A_363 = tpu.memref_squeeze %dma_wait3A_362 : memref<1x1x2x50xi32, #tpu.memory_space<hbm>> -> memref<2x50xi32, #tpu.memory_space<hbm>>
      tpu.wait_dma2 semaphore(%arg15 : memref<!tpu.dma_semaphore, #tpu.memory_space<semaphore_mem>>) src(%dma_wait3A_363 : memref<2x50xi32, #tpu.memory_space<hbm>>) dst(%dma_wait3A_359 : memref<2x50xi32, #tpu.memory_space<vmem>>)
      %mul3A_364 = arith.constant 8 : i32
      %mul3A_365 = arith.muli %scan3A_217, %mul3A_364 : i32
      %add3A_366 = arith.constant 1 : i32
      %add3A_367 = arith.addi %mul3A_365, %add3A_366 : i32
      %add3A_368 = arith.constant 2 : i32
      %add3A_369 = arith.addi %add3A_367, %add3A_368 : i32
      %dma_start3A_370 = arith.constant 3 : i32
      %dma_start3A_371 = arith.constant 0 : i32
      %dma_start3A_372 = arith.constant 0 : i32
      %dma_start3A_373 = tpu.memref_slice %arg5[%dma_start3A_370, %dma_start3A_371, %dma_start3A_372] : memref<8x2x50xi32, #tpu.memory_space<vmem>> -> memref<1x1x50xi32, #tpu.memory_space<vmem>>
      %dma_start3A_374 = tpu.memref_squeeze %dma_start3A_373 : memref<1x1x50xi32, #tpu.memory_space<vmem>> -> memref<50xi32, #tpu.memory_space<vmem>>
      %dma_start3A_375 = arith.constant 0 : i32
      %dma_start3A_376 = arith.constant 0 : i32
      %dma_start3A_377 = tpu.memref_slice %arg2[%dma_start3A_375, %dma_start3A_376] : memref<10240x128xf32, #tpu.memory_space<hbm>> -> memref<10240x128xf32, #tpu.memory_space<hbm>>
      tpu.enqueue_indirect_dma source(%dma_start3A_377 : memref<10240x128xf32, #tpu.memory_space<hbm>>) target(%arg9 : memref<50x128xf32, #tpu.memory_space<vmem>>) offsets(%dma_start3A_374 : memref<50xi32, #tpu.memory_space<vmem>>) semaphore(%arg23 : memref<!tpu.dma_semaphore, #tpu.memory_space<semaphore_mem>>)
      %dma_wait3A_378 = arith.constant 2 : i32
      %dma_wait3A_379 = arith.constant 0 : i32
      %dma_wait3A_380 = arith.constant 0 : i32
      %dma_wait3A_381 = tpu.memref_slice %arg5[%dma_wait3A_378, %dma_wait3A_379, %dma_wait3A_380] : memref<8x2x50xi32, #tpu.memory_space<vmem>> -> memref<1x1x50xi32, #tpu.memory_space<vmem>>
      %dma_wait3A_382 = tpu.memref_squeeze %dma_wait3A_381 : memref<1x1x50xi32, #tpu.memory_space<vmem>> -> memref<50xi32, #tpu.memory_space<vmem>>
      %dma_wait3A_383 = arith.constant 0 : i32
      %dma_wait3A_384 = arith.constant 0 : i32
      %dma_wait3A_385 = tpu.memref_slice %arg2[%dma_wait3A_383, %dma_wait3A_384] : memref<10240x128xf32, #tpu.memory_space<hbm>> -> memref<10240x128xf32, #tpu.memory_space<hbm>>
      tpu.wait_indirect_dma semaphore(%arg22 : memref<!tpu.dma_semaphore, #tpu.memory_space<semaphore_mem>>) src(%dma_wait3A_385 : memref<10240x128xf32, #tpu.memory_space<hbm>>) dst(%arg8 : memref<50x128xf32, #tpu.memory_space<vmem>>)
      %dma_start3A_386 = arith.constant 2 : i32
      %dma_start3A_387 = arith.constant 1 : i32
      %dma_start3A_388 = arith.constant 0 : i32
      %dma_start3A_389 = tpu.memref_slice %arg5[%dma_start3A_386, %dma_start3A_387, %dma_start3A_388] : memref<8x2x50xi32, #tpu.memory_space<vmem>> -> memref<1x1x50xi32, #tpu.memory_space<vmem>>
      %dma_start3A_390 = tpu.memref_squeeze %dma_start3A_389 : memref<1x1x50xi32, #tpu.memory_space<vmem>> -> memref<50xi32, #tpu.memory_space<vmem>>
      %dma_start3A_391 = arith.constant 0 : i32
      %dma_start3A_392 = arith.constant 0 : i32
      %dma_start3A_393 = tpu.memref_slice %arg11[%dma_start3A_391, %dma_start3A_392] : memref<10240x128xf32, #tpu.memory_space<vmem_shared>> -> memref<10240x128xf32, #tpu.memory_space<vmem_shared>>
      tpu.enqueue_indirect_dma source(%arg8 : memref<50x128xf32, #tpu.memory_space<vmem>>) target(%dma_start3A_393 : memref<10240x128xf32, #tpu.memory_space<vmem_shared>>) offsets(%dma_start3A_390 : memref<50xi32, #tpu.memory_space<vmem>>) semaphore(%arg26 : memref<!tpu.dma_semaphore, #tpu.memory_space<semaphore_mem>>) {add = true}
      %dma_wait3A_394 = arith.constant 0 : i32
      %dma_wait3A_395 = arith.constant 1 : i32
      %dma_wait3A_396 = arith.constant 0 : i32
      %dma_wait3A_397 = tpu.memref_slice %arg5[%dma_wait3A_394, %dma_wait3A_395, %dma_wait3A_396] : memref<8x2x50xi32, #tpu.memory_space<vmem>> -> memref<1x1x50xi32, #tpu.memory_space<vmem>>
      %dma_wait3A_398 = tpu.memref_squeeze %dma_wait3A_397 : memref<1x1x50xi32, #tpu.memory_space<vmem>> -> memref<50xi32, #tpu.memory_space<vmem>>
      %dma_wait3A_399 = arith.constant 0 : i32
      %dma_wait3A_400 = arith.constant 0 : i32
      %dma_wait3A_401 = tpu.memref_slice %arg11[%dma_wait3A_399, %dma_wait3A_400] : memref<10240x128xf32, #tpu.memory_space<vmem_shared>> -> memref<10240x128xf32, #tpu.memory_space<vmem_shared>>
      tpu.wait_indirect_dma semaphore(%arg24 : memref<!tpu.dma_semaphore, #tpu.memory_space<semaphore_mem>>) src(%arg6 : memref<50x128xf32, #tpu.memory_space<vmem>>) dst(%dma_wait3A_401 : memref<10240x128xf32, #tpu.memory_space<vmem_shared>>)
      %lt3A = arith.constant 24 : i32
      %lt3A_402 = arith.cmpi slt, %scan3A_217, %lt3A : i32
      %convert_element_type3A_403 = arith.extui %lt3A_402 : i1 to i32
      %cond3A_404 = arith.constant 0 : i32
      %cond3A_405 = arith.cmpi ne, %convert_element_type3A_403, %cond3A_404 : i32
      scf.if %cond3A_405 {
        %mul3A_710 = arith.constant 8 : i32
        %mul3A_711 = arith.muli %scan3A_217, %mul3A_710 : i32
        %add3A_712 = arith.constant 2 : i32
        %add3A_713 = arith.addi %mul3A_711, %add3A_712 : i32
        %add3A_714 = arith.constant 6 : i32
        %add3A_715 = arith.addi %add3A_713, %add3A_714 : i32
        %dma_start3A_716 = arith.constant 0 : i32
        %dma_start3A_717 = arith.constant 0 : i32
        %dma_start3A_718 = arith.constant 0 : i32
        %dma_start3A_719 = tpu.memref_slice %arg5[%dma_start3A_716, %dma_start3A_717, %dma_start3A_718] : memref<8x2x50xi32, #tpu.memory_space<vmem>> -> memref<1x2x50xi32, #tpu.memory_space<vmem>>
        %dma_start3A_720 = tpu.memref_squeeze %dma_start3A_719 : memref<1x2x50xi32, #tpu.memory_space<vmem>> -> memref<2x50xi32, #tpu.memory_space<vmem>>
        %dma_start3A_721 = arith.constant 0 : i32
        %dma_start3A_722 = arith.constant 0 : i32
        %dma_start3A_723 = tpu.memref_slice %arg3[%add3A, %add3A_715, %dma_start3A_721, %dma_start3A_722] : memref<32x200x2x50xi32, #tpu.memory_space<hbm>> -> memref<1x1x2x50xi32, #tpu.memory_space<hbm>>
        %dma_start3A_724 = tpu.memref_squeeze %dma_start3A_723 : memref<1x1x2x50xi32, #tpu.memory_space<hbm>> -> memref<2x50xi32, #tpu.memory_space<hbm>>
        %dma_start3A_725 = arith.constant 0 : i32
        %dma_start3A_726 = arith.constant 0 : i32
        %dma_start3A_727 = tpu.memref_slice %arg5[%dma_start3A_716, %dma_start3A_725, %dma_start3A_726] : memref<8x2x50xi32, #tpu.memory_space<vmem>> -> memref<1x2x50xi32, #tpu.memory_space<vmem>>
        %dma_start3A_728 = tpu.memref_squeeze %dma_start3A_727 : memref<1x2x50xi32, #tpu.memory_space<vmem>> -> memref<2x50xi32, #tpu.memory_space<vmem>>
        %dma_start3A_729 = arith.constant 0 : i32
        %dma_start3A_730 = arith.constant 0 : i32
        %dma_start3A_731 = tpu.memref_slice %arg3[%add3A, %add3A_715, %dma_start3A_729, %dma_start3A_730] : memref<32x200x2x50xi32, #tpu.memory_space<hbm>> -> memref<1x1x2x50xi32, #tpu.memory_space<hbm>>
        %dma_start3A_732 = tpu.memref_squeeze %dma_start3A_731 : memref<1x1x2x50xi32, #tpu.memory_space<hbm>> -> memref<2x50xi32, #tpu.memory_space<hbm>>
        tpu.enqueue_dma source(%dma_start3A_732 : memref<2x50xi32, #tpu.memory_space<hbm>>) target(%dma_start3A_728 : memref<2x50xi32, #tpu.memory_space<vmem>>) target_semaphore(%arg12 : memref<!tpu.dma_semaphore, #tpu.memory_space<semaphore_mem>>)
      } else {
      }
      %mul3A_406 = arith.constant 8 : i32
      %mul3A_407 = arith.muli %scan3A_217, %mul3A_406 : i32
      %add3A_408 = arith.constant 2 : i32
      %add3A_409 = arith.addi %mul3A_407, %add3A_408 : i32
      %add3A_410 = arith.constant 2 : i32
      %add3A_411 = arith.addi %add3A_409, %add3A_410 : i32
      %dma_wait3A_412 = arith.constant 4 : i32
      %dma_wait3A_413 = arith.constant 0 : i32
      %dma_wait3A_414 = arith.constant 0 : i32
      %dma_wait3A_415 = tpu.memref_slice %arg5[%dma_wait3A_412, %dma_wait3A_413, %dma_wait3A_414] : memref<8x2x50xi32, #tpu.memory_space<vmem>> -> memref<1x2x50xi32, #tpu.memory_space<vmem>>
      %dma_wait3A_416 = tpu.memref_squeeze %dma_wait3A_415 : memref<1x2x50xi32, #tpu.memory_space<vmem>> -> memref<2x50xi32, #tpu.memory_space<vmem>>
      %dma_wait3A_417 = arith.constant 0 : i32
      %dma_wait3A_418 = arith.constant 0 : i32
      %dma_wait3A_419 = tpu.memref_slice %arg3[%add3A, %add3A_411, %dma_wait3A_417, %dma_wait3A_418] : memref<32x200x2x50xi32, #tpu.memory_space<hbm>> -> memref<1x1x2x50xi32, #tpu.memory_space<hbm>>
      %dma_wait3A_420 = tpu.memref_squeeze %dma_wait3A_419 : memref<1x1x2x50xi32, #tpu.memory_space<hbm>> -> memref<2x50xi32, #tpu.memory_space<hbm>>
      %dma_wait3A_421 = arith.constant 0 : i32
      %dma_wait3A_422 = arith.constant 0 : i32
      %dma_wait3A_423 = tpu.memref_slice %arg5[%dma_wait3A_412, %dma_wait3A_421, %dma_wait3A_422] : memref<8x2x50xi32, #tpu.memory_space<vmem>> -> memref<1x2x50xi32, #tpu.memory_space<vmem>>
      %dma_wait3A_424 = tpu.memref_squeeze %dma_wait3A_423 : memref<1x2x50xi32, #tpu.memory_space<vmem>> -> memref<2x50xi32, #tpu.memory_space<vmem>>
      %dma_wait3A_425 = arith.constant 0 : i32
      %dma_wait3A_426 = arith.constant 0 : i32
      %dma_wait3A_427 = tpu.memref_slice %arg3[%add3A, %add3A_411, %dma_wait3A_425, %dma_wait3A_426] : memref<32x200x2x50xi32, #tpu.memory_space<hbm>> -> memref<1x1x2x50xi32, #tpu.memory_space<hbm>>
      %dma_wait3A_428 = tpu.memref_squeeze %dma_wait3A_427 : memref<1x1x2x50xi32, #tpu.memory_space<hbm>> -> memref<2x50xi32, #tpu.memory_space<hbm>>
      tpu.wait_dma2 semaphore(%arg16 : memref<!tpu.dma_semaphore, #tpu.memory_space<semaphore_mem>>) src(%dma_wait3A_428 : memref<2x50xi32, #tpu.memory_space<hbm>>) dst(%dma_wait3A_424 : memref<2x50xi32, #tpu.memory_space<vmem>>)
      %mul3A_429 = arith.constant 8 : i32
      %mul3A_430 = arith.muli %scan3A_217, %mul3A_429 : i32
      %add3A_431 = arith.constant 2 : i32
      %add3A_432 = arith.addi %mul3A_430, %add3A_431 : i32
      %add3A_433 = arith.constant 2 : i32
      %add3A_434 = arith.addi %add3A_432, %add3A_433 : i32
      %dma_start3A_435 = arith.constant 4 : i32
      %dma_start3A_436 = arith.constant 0 : i32
      %dma_start3A_437 = arith.constant 0 : i32
      %dma_start3A_438 = tpu.memref_slice %arg5[%dma_start3A_435, %dma_start3A_436, %dma_start3A_437] : memref<8x2x50xi32, #tpu.memory_space<vmem>> -> memref<1x1x50xi32, #tpu.memory_space<vmem>>
      %dma_start3A_439 = tpu.memref_squeeze %dma_start3A_438 : memref<1x1x50xi32, #tpu.memory_space<vmem>> -> memref<50xi32, #tpu.memory_space<vmem>>
      %dma_start3A_440 = arith.constant 0 : i32
      %dma_start3A_441 = arith.constant 0 : i32
      %dma_start3A_442 = tpu.memref_slice %arg2[%dma_start3A_440, %dma_start3A_441] : memref<10240x128xf32, #tpu.memory_space<hbm>> -> memref<10240x128xf32, #tpu.memory_space<hbm>>
      tpu.enqueue_indirect_dma source(%dma_start3A_442 : memref<10240x128xf32, #tpu.memory_space<hbm>>) target(%arg6 : memref<50x128xf32, #tpu.memory_space<vmem>>) offsets(%dma_start3A_439 : memref<50xi32, #tpu.memory_space<vmem>>) semaphore(%arg20 : memref<!tpu.dma_semaphore, #tpu.memory_space<semaphore_mem>>)
      %dma_wait3A_443 = arith.constant 3 : i32
      %dma_wait3A_444 = arith.constant 0 : i32
      %dma_wait3A_445 = arith.constant 0 : i32
      %dma_wait3A_446 = tpu.memref_slice %arg5[%dma_wait3A_443, %dma_wait3A_444, %dma_wait3A_445] : memref<8x2x50xi32, #tpu.memory_space<vmem>> -> memref<1x1x50xi32, #tpu.memory_space<vmem>>
      %dma_wait3A_447 = tpu.memref_squeeze %dma_wait3A_446 : memref<1x1x50xi32, #tpu.memory_space<vmem>> -> memref<50xi32, #tpu.memory_space<vmem>>
      %dma_wait3A_448 = arith.constant 0 : i32
      %dma_wait3A_449 = arith.constant 0 : i32
      %dma_wait3A_450 = tpu.memref_slice %arg2[%dma_wait3A_448, %dma_wait3A_449] : memref<10240x128xf32, #tpu.memory_space<hbm>> -> memref<10240x128xf32, #tpu.memory_space<hbm>>
      tpu.wait_indirect_dma semaphore(%arg23 : memref<!tpu.dma_semaphore, #tpu.memory_space<semaphore_mem>>) src(%dma_wait3A_450 : memref<10240x128xf32, #tpu.memory_space<hbm>>) dst(%arg9 : memref<50x128xf32, #tpu.memory_space<vmem>>)
      %dma_start3A_451 = arith.constant 3 : i32
      %dma_start3A_452 = arith.constant 1 : i32
      %dma_start3A_453 = arith.constant 0 : i32
      %dma_start3A_454 = tpu.memref_slice %arg5[%dma_start3A_451, %dma_start3A_452, %dma_start3A_453] : memref<8x2x50xi32, #tpu.memory_space<vmem>> -> memref<1x1x50xi32, #tpu.memory_space<vmem>>
      %dma_start3A_455 = tpu.memref_squeeze %dma_start3A_454 : memref<1x1x50xi32, #tpu.memory_space<vmem>> -> memref<50xi32, #tpu.memory_space<vmem>>
      %dma_start3A_456 = arith.constant 0 : i32
      %dma_start3A_457 = arith.constant 0 : i32
      %dma_start3A_458 = tpu.memref_slice %arg11[%dma_start3A_456, %dma_start3A_457] : memref<10240x128xf32, #tpu.memory_space<vmem_shared>> -> memref<10240x128xf32, #tpu.memory_space<vmem_shared>>
      tpu.enqueue_indirect_dma source(%arg9 : memref<50x128xf32, #tpu.memory_space<vmem>>) target(%dma_start3A_458 : memref<10240x128xf32, #tpu.memory_space<vmem_shared>>) offsets(%dma_start3A_455 : memref<50xi32, #tpu.memory_space<vmem>>) semaphore(%arg27 : memref<!tpu.dma_semaphore, #tpu.memory_space<semaphore_mem>>) {add = true}
      %dma_wait3A_459 = arith.constant 1 : i32
      %dma_wait3A_460 = arith.constant 1 : i32
      %dma_wait3A_461 = arith.constant 0 : i32
      %dma_wait3A_462 = tpu.memref_slice %arg5[%dma_wait3A_459, %dma_wait3A_460, %dma_wait3A_461] : memref<8x2x50xi32, #tpu.memory_space<vmem>> -> memref<1x1x50xi32, #tpu.memory_space<vmem>>
      %dma_wait3A_463 = tpu.memref_squeeze %dma_wait3A_462 : memref<1x1x50xi32, #tpu.memory_space<vmem>> -> memref<50xi32, #tpu.memory_space<vmem>>
      %dma_wait3A_464 = arith.constant 0 : i32
      %dma_wait3A_465 = arith.constant 0 : i32
      %dma_wait3A_466 = tpu.memref_slice %arg11[%dma_wait3A_464, %dma_wait3A_465] : memref<10240x128xf32, #tpu.memory_space<vmem_shared>> -> memref<10240x128xf32, #tpu.memory_space<vmem_shared>>
      tpu.wait_indirect_dma semaphore(%arg25 : memref<!tpu.dma_semaphore, #tpu.memory_space<semaphore_mem>>) src(%arg7 : memref<50x128xf32, #tpu.memory_space<vmem>>) dst(%dma_wait3A_466 : memref<10240x128xf32, #tpu.memory_space<vmem_shared>>)
      %lt3A_467 = arith.constant 24 : i32
      %lt3A_468 = arith.cmpi slt, %scan3A_217, %lt3A_467 : i32
      %convert_element_type3A_469 = arith.extui %lt3A_468 : i1 to i32
      %cond3A_470 = arith.constant 0 : i32
      %cond3A_471 = arith.cmpi ne, %convert_element_type3A_469, %cond3A_470 : i32
      scf.if %cond3A_471 {
        %mul3A_710 = arith.constant 8 : i32
        %mul3A_711 = arith.muli %scan3A_217, %mul3A_710 : i32
        %add3A_712 = arith.constant 3 : i32
        %add3A_713 = arith.addi %mul3A_711, %add3A_712 : i32
        %add3A_714 = arith.constant 6 : i32
        %add3A_715 = arith.addi %add3A_713, %add3A_714 : i32
        %dma_start3A_716 = arith.constant 1 : i32
        %dma_start3A_717 = arith.constant 0 : i32
        %dma_start3A_718 = arith.constant 0 : i32
        %dma_start3A_719 = tpu.memref_slice %arg5[%dma_start3A_716, %dma_start3A_717, %dma_start3A_718] : memref<8x2x50xi32, #tpu.memory_space<vmem>> -> memref<1x2x50xi32, #tpu.memory_space<vmem>>
        %dma_start3A_720 = tpu.memref_squeeze %dma_start3A_719 : memref<1x2x50xi32, #tpu.memory_space<vmem>> -> memref<2x50xi32, #tpu.memory_space<vmem>>
        %dma_start3A_721 = arith.constant 0 : i32
        %dma_start3A_722 = arith.constant 0 : i32
        %dma_start3A_723 = tpu.memref_slice %arg3[%add3A, %add3A_715, %dma_start3A_721, %dma_start3A_722] : memref<32x200x2x50xi32, #tpu.memory_space<hbm>> -> memref<1x1x2x50xi32, #tpu.memory_space<hbm>>
        %dma_start3A_724 = tpu.memref_squeeze %dma_start3A_723 : memref<1x1x2x50xi32, #tpu.memory_space<hbm>> -> memref<2x50xi32, #tpu.memory_space<hbm>>
        %dma_start3A_725 = arith.constant 0 : i32
        %dma_start3A_726 = arith.constant 0 : i32
        %dma_start3A_727 = tpu.memref_slice %arg5[%dma_start3A_716, %dma_start3A_725, %dma_start3A_726] : memref<8x2x50xi32, #tpu.memory_space<vmem>> -> memref<1x2x50xi32, #tpu.memory_space<vmem>>
        %dma_start3A_728 = tpu.memref_squeeze %dma_start3A_727 : memref<1x2x50xi32, #tpu.memory_space<vmem>> -> memref<2x50xi32, #tpu.memory_space<vmem>>
        %dma_start3A_729 = arith.constant 0 : i32
        %dma_start3A_730 = arith.constant 0 : i32
        %dma_start3A_731 = tpu.memref_slice %arg3[%add3A, %add3A_715, %dma_start3A_729, %dma_start3A_730] : memref<32x200x2x50xi32, #tpu.memory_space<hbm>> -> memref<1x1x2x50xi32, #tpu.memory_space<hbm>>
        %dma_start3A_732 = tpu.memref_squeeze %dma_start3A_731 : memref<1x1x2x50xi32, #tpu.memory_space<hbm>> -> memref<2x50xi32, #tpu.memory_space<hbm>>
        tpu.enqueue_dma source(%dma_start3A_732 : memref<2x50xi32, #tpu.memory_space<hbm>>) target(%dma_start3A_728 : memref<2x50xi32, #tpu.memory_space<vmem>>) target_semaphore(%arg13 : memref<!tpu.dma_semaphore, #tpu.memory_space<semaphore_mem>>)
      } else {
      }
      %mul3A_472 = arith.constant 8 : i32
      %mul3A_473 = arith.muli %scan3A_217, %mul3A_472 : i32
      %add3A_474 = arith.constant 3 : i32
      %add3A_475 = arith.addi %mul3A_473, %add3A_474 : i32
      %add3A_476 = arith.constant 2 : i32
      %add3A_477 = arith.addi %add3A_475, %add3A_476 : i32
      %dma_wait3A_478 = arith.constant 5 : i32
      %dma_wait3A_479 = arith.constant 0 : i32
      %dma_wait3A_480 = arith.constant 0 : i32
      %dma_wait3A_481 = tpu.memref_slice %arg5[%dma_wait3A_478, %dma_wait3A_479, %dma_wait3A_480] : memref<8x2x50xi32, #tpu.memory_space<vmem>> -> memref<1x2x50xi32, #tpu.memory_space<vmem>>
      %dma_wait3A_482 = tpu.memref_squeeze %dma_wait3A_481 : memref<1x2x50xi32, #tpu.memory_space<vmem>> -> memref<2x50xi32, #tpu.memory_space<vmem>>
      %dma_wait3A_483 = arith.constant 0 : i32
      %dma_wait3A_484 = arith.constant 0 : i32
      %dma_wait3A_485 = tpu.memref_slice %arg3[%add3A, %add3A_477, %dma_wait3A_483, %dma_wait3A_484] : memref<32x200x2x50xi32, #tpu.memory_space<hbm>> -> memref<1x1x2x50xi32, #tpu.memory_space<hbm>>
      %dma_wait3A_486 = tpu.memref_squeeze %dma_wait3A_485 : memref<1x1x2x50xi32, #tpu.memory_space<hbm>> -> memref<2x50xi32, #tpu.memory_space<hbm>>
      %dma_wait3A_487 = arith.constant 0 : i32
      %dma_wait3A_488 = arith.constant 0 : i32
      %dma_wait3A_489 = tpu.memref_slice %arg5[%dma_wait3A_478, %dma_wait3A_487, %dma_wait3A_488] : memref<8x2x50xi32, #tpu.memory_space<vmem>> -> memref<1x2x50xi32, #tpu.memory_space<vmem>>
      %dma_wait3A_490 = tpu.memref_squeeze %dma_wait3A_489 : memref<1x2x50xi32, #tpu.memory_space<vmem>> -> memref<2x50xi32, #tpu.memory_space<vmem>>
      %dma_wait3A_491 = arith.constant 0 : i32
      %dma_wait3A_492 = arith.constant 0 : i32
      %dma_wait3A_493 = tpu.memref_slice %arg3[%add3A, %add3A_477, %dma_wait3A_491, %dma_wait3A_492] : memref<32x200x2x50xi32, #tpu.memory_space<hbm>> -> memref<1x1x2x50xi32, #tpu.memory_space<hbm>>
      %dma_wait3A_494 = tpu.memref_squeeze %dma_wait3A_493 : memref<1x1x2x50xi32, #tpu.memory_space<hbm>> -> memref<2x50xi32, #tpu.memory_space<hbm>>
      tpu.wait_dma2 semaphore(%arg17 : memref<!tpu.dma_semaphore, #tpu.memory_space<semaphore_mem>>) src(%dma_wait3A_494 : memref<2x50xi32, #tpu.memory_space<hbm>>) dst(%dma_wait3A_490 : memref<2x50xi32, #tpu.memory_space<vmem>>)
      %mul3A_495 = arith.constant 8 : i32
      %mul3A_496 = arith.muli %scan3A_217, %mul3A_495 : i32
      %add3A_497 = arith.constant 3 : i32
      %add3A_498 = arith.addi %mul3A_496, %add3A_497 : i32
      %add3A_499 = arith.constant 2 : i32
      %add3A_500 = arith.addi %add3A_498, %add3A_499 : i32
      %dma_start3A_501 = arith.constant 5 : i32
      %dma_start3A_502 = arith.constant 0 : i32
      %dma_start3A_503 = arith.constant 0 : i32
      %dma_start3A_504 = tpu.memref_slice %arg5[%dma_start3A_501, %dma_start3A_502, %dma_start3A_503] : memref<8x2x50xi32, #tpu.memory_space<vmem>> -> memref<1x1x50xi32, #tpu.memory_space<vmem>>
      %dma_start3A_505 = tpu.memref_squeeze %dma_start3A_504 : memref<1x1x50xi32, #tpu.memory_space<vmem>> -> memref<50xi32, #tpu.memory_space<vmem>>
      %dma_start3A_506 = arith.constant 0 : i32
      %dma_start3A_507 = arith.constant 0 : i32
      %dma_start3A_508 = tpu.memref_slice %arg2[%dma_start3A_506, %dma_start3A_507] : memref<10240x128xf32, #tpu.memory_space<hbm>> -> memref<10240x128xf32, #tpu.memory_space<hbm>>
      tpu.enqueue_indirect_dma source(%dma_start3A_508 : memref<10240x128xf32, #tpu.memory_space<hbm>>) target(%arg7 : memref<50x128xf32, #tpu.memory_space<vmem>>) offsets(%dma_start3A_505 : memref<50xi32, #tpu.memory_space<vmem>>) semaphore(%arg21 : memref<!tpu.dma_semaphore, #tpu.memory_space<semaphore_mem>>)
      %dma_wait3A_509 = arith.constant 4 : i32
      %dma_wait3A_510 = arith.constant 0 : i32
      %dma_wait3A_511 = arith.constant 0 : i32
      %dma_wait3A_512 = tpu.memref_slice %arg5[%dma_wait3A_509, %dma_wait3A_510, %dma_wait3A_511] : memref<8x2x50xi32, #tpu.memory_space<vmem>> -> memref<1x1x50xi32, #tpu.memory_space<vmem>>
      %dma_wait3A_513 = tpu.memref_squeeze %dma_wait3A_512 : memref<1x1x50xi32, #tpu.memory_space<vmem>> -> memref<50xi32, #tpu.memory_space<vmem>>
      %dma_wait3A_514 = arith.constant 0 : i32
      %dma_wait3A_515 = arith.constant 0 : i32
      %dma_wait3A_516 = tpu.memref_slice %arg2[%dma_wait3A_514, %dma_wait3A_515] : memref<10240x128xf32, #tpu.memory_space<hbm>> -> memref<10240x128xf32, #tpu.memory_space<hbm>>
      tpu.wait_indirect_dma semaphore(%arg20 : memref<!tpu.dma_semaphore, #tpu.memory_space<semaphore_mem>>) src(%dma_wait3A_516 : memref<10240x128xf32, #tpu.memory_space<hbm>>) dst(%arg6 : memref<50x128xf32, #tpu.memory_space<vmem>>)
      %dma_start3A_517 = arith.constant 4 : i32
      %dma_start3A_518 = arith.constant 1 : i32
      %dma_start3A_519 = arith.constant 0 : i32
      %dma_start3A_520 = tpu.memref_slice %arg5[%dma_start3A_517, %dma_start3A_518, %dma_start3A_519] : memref<8x2x50xi32, #tpu.memory_space<vmem>> -> memref<1x1x50xi32, #tpu.memory_space<vmem>>
      %dma_start3A_521 = tpu.memref_squeeze %dma_start3A_520 : memref<1x1x50xi32, #tpu.memory_space<vmem>> -> memref<50xi32, #tpu.memory_space<vmem>>
      %dma_start3A_522 = arith.constant 0 : i32
      %dma_start3A_523 = arith.constant 0 : i32
      %dma_start3A_524 = tpu.memref_slice %arg11[%dma_start3A_522, %dma_start3A_523] : memref<10240x128xf32, #tpu.memory_space<vmem_shared>> -> memref<10240x128xf32, #tpu.memory_space<vmem_shared>>
      tpu.enqueue_indirect_dma source(%arg6 : memref<50x128xf32, #tpu.memory_space<vmem>>) target(%dma_start3A_524 : memref<10240x128xf32, #tpu.memory_space<vmem_shared>>) offsets(%dma_start3A_521 : memref<50xi32, #tpu.memory_space<vmem>>) semaphore(%arg24 : memref<!tpu.dma_semaphore, #tpu.memory_space<semaphore_mem>>) {add = true}
      %dma_wait3A_525 = arith.constant 2 : i32
      %dma_wait3A_526 = arith.constant 1 : i32
      %dma_wait3A_527 = arith.constant 0 : i32
      %dma_wait3A_528 = tpu.memref_slice %arg5[%dma_wait3A_525, %dma_wait3A_526, %dma_wait3A_527] : memref<8x2x50xi32, #tpu.memory_space<vmem>> -> memref<1x1x50xi32, #tpu.memory_space<vmem>>
      %dma_wait3A_529 = tpu.memref_squeeze %dma_wait3A_528 : memref<1x1x50xi32, #tpu.memory_space<vmem>> -> memref<50xi32, #tpu.memory_space<vmem>>
      %dma_wait3A_530 = arith.constant 0 : i32
      %dma_wait3A_531 = arith.constant 0 : i32
      %dma_wait3A_532 = tpu.memref_slice %arg11[%dma_wait3A_530, %dma_wait3A_531] : memref<10240x128xf32, #tpu.memory_space<vmem_shared>> -> memref<10240x128xf32, #tpu.memory_space<vmem_shared>>
      tpu.wait_indirect_dma semaphore(%arg26 : memref<!tpu.dma_semaphore, #tpu.memory_space<semaphore_mem>>) src(%arg8 : memref<50x128xf32, #tpu.memory_space<vmem>>) dst(%dma_wait3A_532 : memref<10240x128xf32, #tpu.memory_space<vmem_shared>>)
      %lt3A_533 = arith.constant 24 : i32
      %lt3A_534 = arith.cmpi slt, %scan3A_217, %lt3A_533 : i32
      %convert_element_type3A_535 = arith.extui %lt3A_534 : i1 to i32
      %cond3A_536 = arith.constant 0 : i32
      %cond3A_537 = arith.cmpi ne, %convert_element_type3A_535, %cond3A_536 : i32
      scf.if %cond3A_537 {
        %mul3A_710 = arith.constant 8 : i32
        %mul3A_711 = arith.muli %scan3A_217, %mul3A_710 : i32
        %add3A_712 = arith.constant 4 : i32
        %add3A_713 = arith.addi %mul3A_711, %add3A_712 : i32
        %add3A_714 = arith.constant 6 : i32
        %add3A_715 = arith.addi %add3A_713, %add3A_714 : i32
        %dma_start3A_716 = arith.constant 2 : i32
        %dma_start3A_717 = arith.constant 0 : i32
        %dma_start3A_718 = arith.constant 0 : i32
        %dma_start3A_719 = tpu.memref_slice %arg5[%dma_start3A_716, %dma_start3A_717, %dma_start3A_718] : memref<8x2x50xi32, #tpu.memory_space<vmem>> -> memref<1x2x50xi32, #tpu.memory_space<vmem>>
        %dma_start3A_720 = tpu.memref_squeeze %dma_start3A_719 : memref<1x2x50xi32, #tpu.memory_space<vmem>> -> memref<2x50xi32, #tpu.memory_space<vmem>>
        %dma_start3A_721 = arith.constant 0 : i32
        %dma_start3A_722 = arith.constant 0 : i32
        %dma_start3A_723 = tpu.memref_slice %arg3[%add3A, %add3A_715, %dma_start3A_721, %dma_start3A_722] : memref<32x200x2x50xi32, #tpu.memory_space<hbm>> -> memref<1x1x2x50xi32, #tpu.memory_space<hbm>>
        %dma_start3A_724 = tpu.memref_squeeze %dma_start3A_723 : memref<1x1x2x50xi32, #tpu.memory_space<hbm>> -> memref<2x50xi32, #tpu.memory_space<hbm>>
        %dma_start3A_725 = arith.constant 0 : i32
        %dma_start3A_726 = arith.constant 0 : i32
        %dma_start3A_727 = tpu.memref_slice %arg5[%dma_start3A_716, %dma_start3A_725, %dma_start3A_726] : memref<8x2x50xi32, #tpu.memory_space<vmem>> -> memref<1x2x50xi32, #tpu.memory_space<vmem>>
        %dma_start3A_728 = tpu.memref_squeeze %dma_start3A_727 : memref<1x2x50xi32, #tpu.memory_space<vmem>> -> memref<2x50xi32, #tpu.memory_space<vmem>>
        %dma_start3A_729 = arith.constant 0 : i32
        %dma_start3A_730 = arith.constant 0 : i32
        %dma_start3A_731 = tpu.memref_slice %arg3[%add3A, %add3A_715, %dma_start3A_729, %dma_start3A_730] : memref<32x200x2x50xi32, #tpu.memory_space<hbm>> -> memref<1x1x2x50xi32, #tpu.memory_space<hbm>>
        %dma_start3A_732 = tpu.memref_squeeze %dma_start3A_731 : memref<1x1x2x50xi32, #tpu.memory_space<hbm>> -> memref<2x50xi32, #tpu.memory_space<hbm>>
        tpu.enqueue_dma source(%dma_start3A_732 : memref<2x50xi32, #tpu.memory_space<hbm>>) target(%dma_start3A_728 : memref<2x50xi32, #tpu.memory_space<vmem>>) target_semaphore(%arg14 : memref<!tpu.dma_semaphore, #tpu.memory_space<semaphore_mem>>)
      } else {
      }
      %mul3A_538 = arith.constant 8 : i32
      %mul3A_539 = arith.muli %scan3A_217, %mul3A_538 : i32
      %add3A_540 = arith.constant 4 : i32
      %add3A_541 = arith.addi %mul3A_539, %add3A_540 : i32
      %add3A_542 = arith.constant 2 : i32
      %add3A_543 = arith.addi %add3A_541, %add3A_542 : i32
      %dma_wait3A_544 = arith.constant 6 : i32
      %dma_wait3A_545 = arith.constant 0 : i32
      %dma_wait3A_546 = arith.constant 0 : i32
      %dma_wait3A_547 = tpu.memref_slice %arg5[%dma_wait3A_544, %dma_wait3A_545, %dma_wait3A_546] : memref<8x2x50xi32, #tpu.memory_space<vmem>> -> memref<1x2x50xi32, #tpu.memory_space<vmem>>
      %dma_wait3A_548 = tpu.memref_squeeze %dma_wait3A_547 : memref<1x2x50xi32, #tpu.memory_space<vmem>> -> memref<2x50xi32, #tpu.memory_space<vmem>>
      %dma_wait3A_549 = arith.constant 0 : i32
      %dma_wait3A_550 = arith.constant 0 : i32
      %dma_wait3A_551 = tpu.memref_slice %arg3[%add3A, %add3A_543, %dma_wait3A_549, %dma_wait3A_550] : memref<32x200x2x50xi32, #tpu.memory_space<hbm>> -> memref<1x1x2x50xi32, #tpu.memory_space<hbm>>
      %dma_wait3A_552 = tpu.memref_squeeze %dma_wait3A_551 : memref<1x1x2x50xi32, #tpu.memory_space<hbm>> -> memref<2x50xi32, #tpu.memory_space<hbm>>
      %dma_wait3A_553 = arith.constant 0 : i32
      %dma_wait3A_554 = arith.constant 0 : i32
      %dma_wait3A_555 = tpu.memref_slice %arg5[%dma_wait3A_544, %dma_wait3A_553, %dma_wait3A_554] : memref<8x2x50xi32, #tpu.memory_space<vmem>> -> memref<1x2x50xi32, #tpu.memory_space<vmem>>
      %dma_wait3A_556 = tpu.memref_squeeze %dma_wait3A_555 : memref<1x2x50xi32, #tpu.memory_space<vmem>> -> memref<2x50xi32, #tpu.memory_space<vmem>>
      %dma_wait3A_557 = arith.constant 0 : i32
      %dma_wait3A_558 = arith.constant 0 : i32
      %dma_wait3A_559 = tpu.memref_slice %arg3[%add3A, %add3A_543, %dma_wait3A_557, %dma_wait3A_558] : memref<32x200x2x50xi32, #tpu.memory_space<hbm>> -> memref<1x1x2x50xi32, #tpu.memory_space<hbm>>
      %dma_wait3A_560 = tpu.memref_squeeze %dma_wait3A_559 : memref<1x1x2x50xi32, #tpu.memory_space<hbm>> -> memref<2x50xi32, #tpu.memory_space<hbm>>
      tpu.wait_dma2 semaphore(%arg18 : memref<!tpu.dma_semaphore, #tpu.memory_space<semaphore_mem>>) src(%dma_wait3A_560 : memref<2x50xi32, #tpu.memory_space<hbm>>) dst(%dma_wait3A_556 : memref<2x50xi32, #tpu.memory_space<vmem>>)
      %mul3A_561 = arith.constant 8 : i32
      %mul3A_562 = arith.muli %scan3A_217, %mul3A_561 : i32
      %add3A_563 = arith.constant 4 : i32
      %add3A_564 = arith.addi %mul3A_562, %add3A_563 : i32
      %add3A_565 = arith.constant 2 : i32
      %add3A_566 = arith.addi %add3A_564, %add3A_565 : i32
      %dma_start3A_567 = arith.constant 6 : i32
      %dma_start3A_568 = arith.constant 0 : i32
      %dma_start3A_569 = arith.constant 0 : i32
      %dma_start3A_570 = tpu.memref_slice %arg5[%dma_start3A_567, %dma_start3A_568, %dma_start3A_569] : memref<8x2x50xi32, #tpu.memory_space<vmem>> -> memref<1x1x50xi32, #tpu.memory_space<vmem>>
      %dma_start3A_571 = tpu.memref_squeeze %dma_start3A_570 : memref<1x1x50xi32, #tpu.memory_space<vmem>> -> memref<50xi32, #tpu.memory_space<vmem>>
      %dma_start3A_572 = arith.constant 0 : i32
      %dma_start3A_573 = arith.constant 0 : i32
      %dma_start3A_574 = tpu.memref_slice %arg2[%dma_start3A_572, %dma_start3A_573] : memref<10240x128xf32, #tpu.memory_space<hbm>> -> memref<10240x128xf32, #tpu.memory_space<hbm>>
      tpu.enqueue_indirect_dma source(%dma_start3A_574 : memref<10240x128xf32, #tpu.memory_space<hbm>>) target(%arg8 : memref<50x128xf32, #tpu.memory_space<vmem>>) offsets(%dma_start3A_571 : memref<50xi32, #tpu.memory_space<vmem>>) semaphore(%arg22 : memref<!tpu.dma_semaphore, #tpu.memory_space<semaphore_mem>>)
      %dma_wait3A_575 = arith.constant 5 : i32
      %dma_wait3A_576 = arith.constant 0 : i32
      %dma_wait3A_577 = arith.constant 0 : i32
      %dma_wait3A_578 = tpu.memref_slice %arg5[%dma_wait3A_575, %dma_wait3A_576, %dma_wait3A_577] : memref<8x2x50xi32, #tpu.memory_space<vmem>> -> memref<1x1x50xi32, #tpu.memory_space<vmem>>
      %dma_wait3A_579 = tpu.memref_squeeze %dma_wait3A_578 : memref<1x1x50xi32, #tpu.memory_space<vmem>> -> memref<50xi32, #tpu.memory_space<vmem>>
      %dma_wait3A_580 = arith.constant 0 : i32
      %dma_wait3A_581 = arith.constant 0 : i32
      %dma_wait3A_582 = tpu.memref_slice %arg2[%dma_wait3A_580, %dma_wait3A_581] : memref<10240x128xf32, #tpu.memory_space<hbm>> -> memref<10240x128xf32, #tpu.memory_space<hbm>>
      tpu.wait_indirect_dma semaphore(%arg21 : memref<!tpu.dma_semaphore, #tpu.memory_space<semaphore_mem>>) src(%dma_wait3A_582 : memref<10240x128xf32, #tpu.memory_space<hbm>>) dst(%arg7 : memref<50x128xf32, #tpu.memory_space<vmem>>)
      %dma_start3A_583 = arith.constant 5 : i32
      %dma_start3A_584 = arith.constant 1 : i32
      %dma_start3A_585 = arith.constant 0 : i32
      %dma_start3A_586 = tpu.memref_slice %arg5[%dma_start3A_583, %dma_start3A_584, %dma_start3A_585] : memref<8x2x50xi32, #tpu.memory_space<vmem>> -> memref<1x1x50xi32, #tpu.memory_space<vmem>>
      %dma_start3A_587 = tpu.memref_squeeze %dma_start3A_586 : memref<1x1x50xi32, #tpu.memory_space<vmem>> -> memref<50xi32, #tpu.memory_space<vmem>>
      %dma_start3A_588 = arith.constant 0 : i32
      %dma_start3A_589 = arith.constant 0 : i32
      %dma_start3A_590 = tpu.memref_slice %arg11[%dma_start3A_588, %dma_start3A_589] : memref<10240x128xf32, #tpu.memory_space<vmem_shared>> -> memref<10240x128xf32, #tpu.memory_space<vmem_shared>>
      tpu.enqueue_indirect_dma source(%arg7 : memref<50x128xf32, #tpu.memory_space<vmem>>) target(%dma_start3A_590 : memref<10240x128xf32, #tpu.memory_space<vmem_shared>>) offsets(%dma_start3A_587 : memref<50xi32, #tpu.memory_space<vmem>>) semaphore(%arg25 : memref<!tpu.dma_semaphore, #tpu.memory_space<semaphore_mem>>) {add = true}
      %dma_wait3A_591 = arith.constant 3 : i32
      %dma_wait3A_592 = arith.constant 1 : i32
      %dma_wait3A_593 = arith.constant 0 : i32
      %dma_wait3A_594 = tpu.memref_slice %arg5[%dma_wait3A_591, %dma_wait3A_592, %dma_wait3A_593] : memref<8x2x50xi32, #tpu.memory_space<vmem>> -> memref<1x1x50xi32, #tpu.memory_space<vmem>>
      %dma_wait3A_595 = tpu.memref_squeeze %dma_wait3A_594 : memref<1x1x50xi32, #tpu.memory_space<vmem>> -> memref<50xi32, #tpu.memory_space<vmem>>
      %dma_wait3A_596 = arith.constant 0 : i32
      %dma_wait3A_597 = arith.constant 0 : i32
      %dma_wait3A_598 = tpu.memref_slice %arg11[%dma_wait3A_596, %dma_wait3A_597] : memref<10240x128xf32, #tpu.memory_space<vmem_shared>> -> memref<10240x128xf32, #tpu.memory_space<vmem_shared>>
      tpu.wait_indirect_dma semaphore(%arg27 : memref<!tpu.dma_semaphore, #tpu.memory_space<semaphore_mem>>) src(%arg9 : memref<50x128xf32, #tpu.memory_space<vmem>>) dst(%dma_wait3A_598 : memref<10240x128xf32, #tpu.memory_space<vmem_shared>>)
      %lt3A_599 = arith.constant 24 : i32
      %lt3A_600 = arith.cmpi slt, %scan3A_217, %lt3A_599 : i32
      %convert_element_type3A_601 = arith.extui %lt3A_600 : i1 to i32
      %cond3A_602 = arith.constant 0 : i32
      %cond3A_603 = arith.cmpi ne, %convert_element_type3A_601, %cond3A_602 : i32
      scf.if %cond3A_603 {
        %mul3A_710 = arith.constant 8 : i32
        %mul3A_711 = arith.muli %scan3A_217, %mul3A_710 : i32
        %add3A_712 = arith.constant 5 : i32
        %add3A_713 = arith.addi %mul3A_711, %add3A_712 : i32
        %add3A_714 = arith.constant 6 : i32
        %add3A_715 = arith.addi %add3A_713, %add3A_714 : i32
        %dma_start3A_716 = arith.constant 3 : i32
        %dma_start3A_717 = arith.constant 0 : i32
        %dma_start3A_718 = arith.constant 0 : i32
        %dma_start3A_719 = tpu.memref_slice %arg5[%dma_start3A_716, %dma_start3A_717, %dma_start3A_718] : memref<8x2x50xi32, #tpu.memory_space<vmem>> -> memref<1x2x50xi32, #tpu.memory_space<vmem>>
        %dma_start3A_720 = tpu.memref_squeeze %dma_start3A_719 : memref<1x2x50xi32, #tpu.memory_space<vmem>> -> memref<2x50xi32, #tpu.memory_space<vmem>>
        %dma_start3A_721 = arith.constant 0 : i32
        %dma_start3A_722 = arith.constant 0 : i32
        %dma_start3A_723 = tpu.memref_slice %arg3[%add3A, %add3A_715, %dma_start3A_721, %dma_start3A_722] : memref<32x200x2x50xi32, #tpu.memory_space<hbm>> -> memref<1x1x2x50xi32, #tpu.memory_space<hbm>>
        %dma_start3A_724 = tpu.memref_squeeze %dma_start3A_723 : memref<1x1x2x50xi32, #tpu.memory_space<hbm>> -> memref<2x50xi32, #tpu.memory_space<hbm>>
        %dma_start3A_725 = arith.constant 0 : i32
        %dma_start3A_726 = arith.constant 0 : i32
        %dma_start3A_727 = tpu.memref_slice %arg5[%dma_start3A_716, %dma_start3A_725, %dma_start3A_726] : memref<8x2x50xi32, #tpu.memory_space<vmem>> -> memref<1x2x50xi32, #tpu.memory_space<vmem>>
        %dma_start3A_728 = tpu.memref_squeeze %dma_start3A_727 : memref<1x2x50xi32, #tpu.memory_space<vmem>> -> memref<2x50xi32, #tpu.memory_space<vmem>>
        %dma_start3A_729 = arith.constant 0 : i32
        %dma_start3A_730 = arith.constant 0 : i32
        %dma_start3A_731 = tpu.memref_slice %arg3[%add3A, %add3A_715, %dma_start3A_729, %dma_start3A_730] : memref<32x200x2x50xi32, #tpu.memory_space<hbm>> -> memref<1x1x2x50xi32, #tpu.memory_space<hbm>>
        %dma_start3A_732 = tpu.memref_squeeze %dma_start3A_731 : memref<1x1x2x50xi32, #tpu.memory_space<hbm>> -> memref<2x50xi32, #tpu.memory_space<hbm>>
        tpu.enqueue_dma source(%dma_start3A_732 : memref<2x50xi32, #tpu.memory_space<hbm>>) target(%dma_start3A_728 : memref<2x50xi32, #tpu.memory_space<vmem>>) target_semaphore(%arg15 : memref<!tpu.dma_semaphore, #tpu.memory_space<semaphore_mem>>)
      } else {
      }
      %mul3A_604 = arith.constant 8 : i32
      %mul3A_605 = arith.muli %scan3A_217, %mul3A_604 : i32
      %add3A_606 = arith.constant 5 : i32
      %add3A_607 = arith.addi %mul3A_605, %add3A_606 : i32
      %add3A_608 = arith.constant 2 : i32
      %add3A_609 = arith.addi %add3A_607, %add3A_608 : i32
      %dma_wait3A_610 = arith.constant 7 : i32
      %dma_wait3A_611 = arith.constant 0 : i32
      %dma_wait3A_612 = arith.constant 0 : i32
      %dma_wait3A_613 = tpu.memref_slice %arg5[%dma_wait3A_610, %dma_wait3A_611, %dma_wait3A_612] : memref<8x2x50xi32, #tpu.memory_space<vmem>> -> memref<1x2x50xi32, #tpu.memory_space<vmem>>
      %dma_wait3A_614 = tpu.memref_squeeze %dma_wait3A_613 : memref<1x2x50xi32, #tpu.memory_space<vmem>> -> memref<2x50xi32, #tpu.memory_space<vmem>>
      %dma_wait3A_615 = arith.constant 0 : i32
      %dma_wait3A_616 = arith.constant 0 : i32
      %dma_wait3A_617 = tpu.memref_slice %arg3[%add3A, %add3A_609, %dma_wait3A_615, %dma_wait3A_616] : memref<32x200x2x50xi32, #tpu.memory_space<hbm>> -> memref<1x1x2x50xi32, #tpu.memory_space<hbm>>
      %dma_wait3A_618 = tpu.memref_squeeze %dma_wait3A_617 : memref<1x1x2x50xi32, #tpu.memory_space<hbm>> -> memref<2x50xi32, #tpu.memory_space<hbm>>
      %dma_wait3A_619 = arith.constant 0 : i32
      %dma_wait3A_620 = arith.constant 0 : i32
      %dma_wait3A_621 = tpu.memref_slice %arg5[%dma_wait3A_610, %dma_wait3A_619, %dma_wait3A_620] : memref<8x2x50xi32, #tpu.memory_space<vmem>> -> memref<1x2x50xi32, #tpu.memory_space<vmem>>
      %dma_wait3A_622 = tpu.memref_squeeze %dma_wait3A_621 : memref<1x2x50xi32, #tpu.memory_space<vmem>> -> memref<2x50xi32, #tpu.memory_space<vmem>>
      %dma_wait3A_623 = arith.constant 0 : i32
      %dma_wait3A_624 = arith.constant 0 : i32
      %dma_wait3A_625 = tpu.memref_slice %arg3[%add3A, %add3A_609, %dma_wait3A_623, %dma_wait3A_624] : memref<32x200x2x50xi32, #tpu.memory_space<hbm>> -> memref<1x1x2x50xi32, #tpu.memory_space<hbm>>
      %dma_wait3A_626 = tpu.memref_squeeze %dma_wait3A_625 : memref<1x1x2x50xi32, #tpu.memory_space<hbm>> -> memref<2x50xi32, #tpu.memory_space<hbm>>
      tpu.wait_dma2 semaphore(%arg19 : memref<!tpu.dma_semaphore, #tpu.memory_space<semaphore_mem>>) src(%dma_wait3A_626 : memref<2x50xi32, #tpu.memory_space<hbm>>) dst(%dma_wait3A_622 : memref<2x50xi32, #tpu.memory_space<vmem>>)
      %mul3A_627 = arith.constant 8 : i32
      %mul3A_628 = arith.muli %scan3A_217, %mul3A_627 : i32
      %add3A_629 = arith.constant 5 : i32
      %add3A_630 = arith.addi %mul3A_628, %add3A_629 : i32
      %add3A_631 = arith.constant 2 : i32
      %add3A_632 = arith.addi %add3A_630, %add3A_631 : i32
      %dma_start3A_633 = arith.constant 7 : i32
      %dma_start3A_634 = arith.constant 0 : i32
      %dma_start3A_635 = arith.constant 0 : i32
      %dma_start3A_636 = tpu.memref_slice %arg5[%dma_start3A_633, %dma_start3A_634, %dma_start3A_635] : memref<8x2x50xi32, #tpu.memory_space<vmem>> -> memref<1x1x50xi32, #tpu.memory_space<vmem>>
      %dma_start3A_637 = tpu.memref_squeeze %dma_start3A_636 : memref<1x1x50xi32, #tpu.memory_space<vmem>> -> memref<50xi32, #tpu.memory_space<vmem>>
      %dma_start3A_638 = arith.constant 0 : i32
      %dma_start3A_639 = arith.constant 0 : i32
      %dma_start3A_640 = tpu.memref_slice %arg2[%dma_start3A_638, %dma_start3A_639] : memref<10240x128xf32, #tpu.memory_space<hbm>> -> memref<10240x128xf32, #tpu.memory_space<hbm>>
      tpu.enqueue_indirect_dma source(%dma_start3A_640 : memref<10240x128xf32, #tpu.memory_space<hbm>>) target(%arg9 : memref<50x128xf32, #tpu.memory_space<vmem>>) offsets(%dma_start3A_637 : memref<50xi32, #tpu.memory_space<vmem>>) semaphore(%arg23 : memref<!tpu.dma_semaphore, #tpu.memory_space<semaphore_mem>>)
      %dma_wait3A_641 = arith.constant 6 : i32
      %dma_wait3A_642 = arith.constant 0 : i32
      %dma_wait3A_643 = arith.constant 0 : i32
      %dma_wait3A_644 = tpu.memref_slice %arg5[%dma_wait3A_641, %dma_wait3A_642, %dma_wait3A_643] : memref<8x2x50xi32, #tpu.memory_space<vmem>> -> memref<1x1x50xi32, #tpu.memory_space<vmem>>
      %dma_wait3A_645 = tpu.memref_squeeze %dma_wait3A_644 : memref<1x1x50xi32, #tpu.memory_space<vmem>> -> memref<50xi32, #tpu.memory_space<vmem>>
      %dma_wait3A_646 = arith.constant 0 : i32
      %dma_wait3A_647 = arith.constant 0 : i32
      %dma_wait3A_648 = tpu.memref_slice %arg2[%dma_wait3A_646, %dma_wait3A_647] : memref<10240x128xf32, #tpu.memory_space<hbm>> -> memref<10240x128xf32, #tpu.memory_space<hbm>>
      tpu.wait_indirect_dma semaphore(%arg22 : memref<!tpu.dma_semaphore, #tpu.memory_space<semaphore_mem>>) src(%dma_wait3A_648 : memref<10240x128xf32, #tpu.memory_space<hbm>>) dst(%arg8 : memref<50x128xf32, #tpu.memory_space<vmem>>)
      %dma_start3A_649 = arith.constant 6 : i32
      %dma_start3A_650 = arith.constant 1 : i32
      %dma_start3A_651 = arith.constant 0 : i32
      %dma_start3A_652 = tpu.memref_slice %arg5[%dma_start3A_649, %dma_start3A_650, %dma_start3A_651] : memref<8x2x50xi32, #tpu.memory_space<vmem>> -> memref<1x1x50xi32, #tpu.memory_space<vmem>>
      %dma_start3A_653 = tpu.memref_squeeze %dma_start3A_652 : memref<1x1x50xi32, #tpu.memory_space<vmem>> -> memref<50xi32, #tpu.memory_space<vmem>>
      %dma_start3A_654 = arith.constant 0 : i32
      %dma_start3A_655 = arith.constant 0 : i32
      %dma_start3A_656 = tpu.memref_slice %arg11[%dma_start3A_654, %dma_start3A_655] : memref<10240x128xf32, #tpu.memory_space<vmem_shared>> -> memref<10240x128xf32, #tpu.memory_space<vmem_shared>>
      tpu.enqueue_indirect_dma source(%arg8 : memref<50x128xf32, #tpu.memory_space<vmem>>) target(%dma_start3A_656 : memref<10240x128xf32, #tpu.memory_space<vmem_shared>>) offsets(%dma_start3A_653 : memref<50xi32, #tpu.memory_space<vmem>>) semaphore(%arg26 : memref<!tpu.dma_semaphore, #tpu.memory_space<semaphore_mem>>) {add = true}
      %dma_wait3A_657 = arith.constant 4 : i32
      %dma_wait3A_658 = arith.constant 1 : i32
      %dma_wait3A_659 = arith.constant 0 : i32
      %dma_wait3A_660 = tpu.memref_slice %arg5[%dma_wait3A_657, %dma_wait3A_658, %dma_wait3A_659] : memref<8x2x50xi32, #tpu.memory_space<vmem>> -> memref<1x1x50xi32, #tpu.memory_space<vmem>>
      %dma_wait3A_661 = tpu.memref_squeeze %dma_wait3A_660 : memref<1x1x50xi32, #tpu.memory_space<vmem>> -> memref<50xi32, #tpu.memory_space<vmem>>
      %dma_wait3A_662 = arith.constant 0 : i32
      %dma_wait3A_663 = arith.constant 0 : i32
      %dma_wait3A_664 = tpu.memref_slice %arg11[%dma_wait3A_662, %dma_wait3A_663] : memref<10240x128xf32, #tpu.memory_space<vmem_shared>> -> memref<10240x128xf32, #tpu.memory_space<vmem_shared>>
      tpu.wait_indirect_dma semaphore(%arg24 : memref<!tpu.dma_semaphore, #tpu.memory_space<semaphore_mem>>) src(%arg6 : memref<50x128xf32, #tpu.memory_space<vmem>>) dst(%dma_wait3A_664 : memref<10240x128xf32, #tpu.memory_space<vmem_shared>>)
      %lt3A_665 = arith.constant 24 : i32
      %lt3A_666 = arith.cmpi slt, %scan3A_217, %lt3A_665 : i32
      %convert_element_type3A_667 = arith.extui %lt3A_666 : i1 to i32
      %cond3A_668 = arith.constant 0 : i32
      %cond3A_669 = arith.cmpi ne, %convert_element_type3A_667, %cond3A_668 : i32
      scf.if %cond3A_669 {
        %mul3A_710 = arith.constant 8 : i32
        %mul3A_711 = arith.muli %scan3A_217, %mul3A_710 : i32
        %add3A_712 = arith.constant 6 : i32
        %add3A_713 = arith.addi %mul3A_711, %add3A_712 : i32
        %add3A_714 = arith.constant 6 : i32
        %add3A_715 = arith.addi %add3A_713, %add3A_714 : i32
        %dma_start3A_716 = arith.constant 4 : i32
        %dma_start3A_717 = arith.constant 0 : i32
        %dma_start3A_718 = arith.constant 0 : i32
        %dma_start3A_719 = tpu.memref_slice %arg5[%dma_start3A_716, %dma_start3A_717, %dma_start3A_718] : memref<8x2x50xi32, #tpu.memory_space<vmem>> -> memref<1x2x50xi32, #tpu.memory_space<vmem>>
        %dma_start3A_720 = tpu.memref_squeeze %dma_start3A_719 : memref<1x2x50xi32, #tpu.memory_space<vmem>> -> memref<2x50xi32, #tpu.memory_space<vmem>>
        %dma_start3A_721 = arith.constant 0 : i32
        %dma_start3A_722 = arith.constant 0 : i32
        %dma_start3A_723 = tpu.memref_slice %arg3[%add3A, %add3A_715, %dma_start3A_721, %dma_start3A_722] : memref<32x200x2x50xi32, #tpu.memory_space<hbm>> -> memref<1x1x2x50xi32, #tpu.memory_space<hbm>>
        %dma_start3A_724 = tpu.memref_squeeze %dma_start3A_723 : memref<1x1x2x50xi32, #tpu.memory_space<hbm>> -> memref<2x50xi32, #tpu.memory_space<hbm>>
        %dma_start3A_725 = arith.constant 0 : i32
        %dma_start3A_726 = arith.constant 0 : i32
        %dma_start3A_727 = tpu.memref_slice %arg5[%dma_start3A_716, %dma_start3A_725, %dma_start3A_726] : memref<8x2x50xi32, #tpu.memory_space<vmem>> -> memref<1x2x50xi32, #tpu.memory_space<vmem>>
        %dma_start3A_728 = tpu.memref_squeeze %dma_start3A_727 : memref<1x2x50xi32, #tpu.memory_space<vmem>> -> memref<2x50xi32, #tpu.memory_space<vmem>>
        %dma_start3A_729 = arith.constant 0 : i32
        %dma_start3A_730 = arith.constant 0 : i32
        %dma_start3A_731 = tpu.memref_slice %arg3[%add3A, %add3A_715, %dma_start3A_729, %dma_start3A_730] : memref<32x200x2x50xi32, #tpu.memory_space<hbm>> -> memref<1x1x2x50xi32, #tpu.memory_space<hbm>>
        %dma_start3A_732 = tpu.memref_squeeze %dma_start3A_731 : memref<1x1x2x50xi32, #tpu.memory_space<hbm>> -> memref<2x50xi32, #tpu.memory_space<hbm>>
        tpu.enqueue_dma source(%dma_start3A_732 : memref<2x50xi32, #tpu.memory_space<hbm>>) target(%dma_start3A_728 : memref<2x50xi32, #tpu.memory_space<vmem>>) target_semaphore(%arg16 : memref<!tpu.dma_semaphore, #tpu.memory_space<semaphore_mem>>)
      } else {
      }
      %lt3A_670 = arith.constant 24 : i32
      %lt3A_671 = arith.cmpi slt, %scan3A_217, %lt3A_670 : i32
      %convert_element_type3A_672 = arith.extui %lt3A_671 : i1 to i32
      %cond3A_673 = arith.constant 0 : i32
      %cond3A_674 = arith.cmpi ne, %convert_element_type3A_672, %cond3A_673 : i32
      scf.if %cond3A_674 {
        %mul3A_710 = arith.constant 8 : i32
        %mul3A_711 = arith.muli %scan3A_217, %mul3A_710 : i32
        %add3A_712 = arith.constant 6 : i32
        %add3A_713 = arith.addi %mul3A_711, %add3A_712 : i32
        %add3A_714 = arith.constant 2 : i32
        %add3A_715 = arith.addi %add3A_713, %add3A_714 : i32
        %dma_wait3A_716 = arith.constant 0 : i32
        %dma_wait3A_717 = arith.constant 0 : i32
        %dma_wait3A_718 = arith.constant 0 : i32
        %dma_wait3A_719 = tpu.memref_slice %arg5[%dma_wait3A_716, %dma_wait3A_717, %dma_wait3A_718] : memref<8x2x50xi32, #tpu.memory_space<vmem>> -> memref<1x2x50xi32, #tpu.memory_space<vmem>>
        %dma_wait3A_720 = tpu.memref_squeeze %dma_wait3A_719 : memref<1x2x50xi32, #tpu.memory_space<vmem>> -> memref<2x50xi32, #tpu.memory_space<vmem>>
        %dma_wait3A_721 = arith.constant 0 : i32
        %dma_wait3A_722 = arith.constant 0 : i32
        %dma_wait3A_723 = tpu.memref_slice %arg3[%add3A, %add3A_715, %dma_wait3A_721, %dma_wait3A_722] : memref<32x200x2x50xi32, #tpu.memory_space<hbm>> -> memref<1x1x2x50xi32, #tpu.memory_space<hbm>>
        %dma_wait3A_724 = tpu.memref_squeeze %dma_wait3A_723 : memref<1x1x2x50xi32, #tpu.memory_space<hbm>> -> memref<2x50xi32, #tpu.memory_space<hbm>>
        %dma_wait3A_725 = arith.constant 0 : i32
        %dma_wait3A_726 = arith.constant 0 : i32
        %dma_wait3A_727 = tpu.memref_slice %arg5[%dma_wait3A_716, %dma_wait3A_725, %dma_wait3A_726] : memref<8x2x50xi32, #tpu.memory_space<vmem>> -> memref<1x2x50xi32, #tpu.memory_space<vmem>>
        %dma_wait3A_728 = tpu.memref_squeeze %dma_wait3A_727 : memref<1x2x50xi32, #tpu.memory_space<vmem>> -> memref<2x50xi32, #tpu.memory_space<vmem>>
        %dma_wait3A_729 = arith.constant 0 : i32
        %dma_wait3A_730 = arith.constant 0 : i32
        %dma_wait3A_731 = tpu.memref_slice %arg3[%add3A, %add3A_715, %dma_wait3A_729, %dma_wait3A_730] : memref<32x200x2x50xi32, #tpu.memory_space<hbm>> -> memref<1x1x2x50xi32, #tpu.memory_space<hbm>>
        %dma_wait3A_732 = tpu.memref_squeeze %dma_wait3A_731 : memref<1x1x2x50xi32, #tpu.memory_space<hbm>> -> memref<2x50xi32, #tpu.memory_space<hbm>>
        tpu.wait_dma2 semaphore(%arg12 : memref<!tpu.dma_semaphore, #tpu.memory_space<semaphore_mem>>) src(%dma_wait3A_732 : memref<2x50xi32, #tpu.memory_space<hbm>>) dst(%dma_wait3A_728 : memref<2x50xi32, #tpu.memory_space<vmem>>)
        %mul3A_733 = arith.constant 8 : i32
        %mul3A_734 = arith.muli %scan3A_217, %mul3A_733 : i32
        %add3A_735 = arith.constant 6 : i32
        %add3A_736 = arith.addi %mul3A_734, %add3A_735 : i32
        %add3A_737 = arith.constant 2 : i32
        %add3A_738 = arith.addi %add3A_736, %add3A_737 : i32
        %dma_start3A_739 = arith.constant 0 : i32
        %dma_start3A_740 = arith.constant 0 : i32
        %dma_start3A_741 = arith.constant 0 : i32
        %dma_start3A_742 = tpu.memref_slice %arg5[%dma_start3A_739, %dma_start3A_740, %dma_start3A_741] : memref<8x2x50xi32, #tpu.memory_space<vmem>> -> memref<1x1x50xi32, #tpu.memory_space<vmem>>
        %dma_start3A_743 = tpu.memref_squeeze %dma_start3A_742 : memref<1x1x50xi32, #tpu.memory_space<vmem>> -> memref<50xi32, #tpu.memory_space<vmem>>
        %dma_start3A_744 = arith.constant 0 : i32
        %dma_start3A_745 = arith.constant 0 : i32
        %dma_start3A_746 = tpu.memref_slice %arg2[%dma_start3A_744, %dma_start3A_745] : memref<10240x128xf32, #tpu.memory_space<hbm>> -> memref<10240x128xf32, #tpu.memory_space<hbm>>
        tpu.enqueue_indirect_dma source(%dma_start3A_746 : memref<10240x128xf32, #tpu.memory_space<hbm>>) target(%arg6 : memref<50x128xf32, #tpu.memory_space<vmem>>) offsets(%dma_start3A_743 : memref<50xi32, #tpu.memory_space<vmem>>) semaphore(%arg20 : memref<!tpu.dma_semaphore, #tpu.memory_space<semaphore_mem>>)
      } else {
      }
      %dma_wait3A_675 = arith.constant 7 : i32
      %dma_wait3A_676 = arith.constant 0 : i32
      %dma_wait3A_677 = arith.constant 0 : i32
      %dma_wait3A_678 = tpu.memref_slice %arg5[%dma_wait3A_675, %dma_wait3A_676, %dma_wait3A_677] : memref<8x2x50xi32, #tpu.memory_space<vmem>> -> memref<1x1x50xi32, #tpu.memory_space<vmem>>
      %dma_wait3A_679 = tpu.memref_squeeze %dma_wait3A_678 : memref<1x1x50xi32, #tpu.memory_space<vmem>> -> memref<50xi32, #tpu.memory_space<vmem>>
      %dma_wait3A_680 = arith.constant 0 : i32
      %dma_wait3A_681 = arith.constant 0 : i32
      %dma_wait3A_682 = tpu.memref_slice %arg2[%dma_wait3A_680, %dma_wait3A_681] : memref<10240x128xf32, #tpu.memory_space<hbm>> -> memref<10240x128xf32, #tpu.memory_space<hbm>>
      tpu.wait_indirect_dma semaphore(%arg23 : memref<!tpu.dma_semaphore, #tpu.memory_space<semaphore_mem>>) src(%dma_wait3A_682 : memref<10240x128xf32, #tpu.memory_space<hbm>>) dst(%arg9 : memref<50x128xf32, #tpu.memory_space<vmem>>)
      %dma_start3A_683 = arith.constant 7 : i32
      %dma_start3A_684 = arith.constant 1 : i32
      %dma_start3A_685 = arith.constant 0 : i32
      %dma_start3A_686 = tpu.memref_slice %arg5[%dma_start3A_683, %dma_start3A_684, %dma_start3A_685] : memref<8x2x50xi32, #tpu.memory_space<vmem>> -> memref<1x1x50xi32, #tpu.memory_space<vmem>>
      %dma_start3A_687 = tpu.memref_squeeze %dma_start3A_686 : memref<1x1x50xi32, #tpu.memory_space<vmem>> -> memref<50xi32, #tpu.memory_space<vmem>>
      %dma_start3A_688 = arith.constant 0 : i32
      %dma_start3A_689 = arith.constant 0 : i32
      %dma_start3A_690 = tpu.memref_slice %arg11[%dma_start3A_688, %dma_start3A_689] : memref<10240x128xf32, #tpu.memory_space<vmem_shared>> -> memref<10240x128xf32, #tpu.memory_space<vmem_shared>>
      tpu.enqueue_indirect_dma source(%arg9 : memref<50x128xf32, #tpu.memory_space<vmem>>) target(%dma_start3A_690 : memref<10240x128xf32, #tpu.memory_space<vmem_shared>>) offsets(%dma_start3A_687 : memref<50xi32, #tpu.memory_space<vmem>>) semaphore(%arg27 : memref<!tpu.dma_semaphore, #tpu.memory_space<semaphore_mem>>) {add = true}
      %dma_wait3A_691 = arith.constant 5 : i32
      %dma_wait3A_692 = arith.constant 1 : i32
      %dma_wait3A_693 = arith.constant 0 : i32
      %dma_wait3A_694 = tpu.memref_slice %arg5[%dma_wait3A_691, %dma_wait3A_692, %dma_wait3A_693] : memref<8x2x50xi32, #tpu.memory_space<vmem>> -> memref<1x1x50xi32, #tpu.memory_space<vmem>>
      %dma_wait3A_695 = tpu.memref_squeeze %dma_wait3A_694 : memref<1x1x50xi32, #tpu.memory_space<vmem>> -> memref<50xi32, #tpu.memory_space<vmem>>
      %dma_wait3A_696 = arith.constant 0 : i32
      %dma_wait3A_697 = arith.constant 0 : i32
      %dma_wait3A_698 = tpu.memref_slice %arg11[%dma_wait3A_696, %dma_wait3A_697] : memref<10240x128xf32, #tpu.memory_space<vmem_shared>> -> memref<10240x128xf32, #tpu.memory_space<vmem_shared>>
      tpu.wait_indirect_dma semaphore(%arg25 : memref<!tpu.dma_semaphore, #tpu.memory_space<semaphore_mem>>) src(%arg7 : memref<50x128xf32, #tpu.memory_space<vmem>>) dst(%dma_wait3A_698 : memref<10240x128xf32, #tpu.memory_space<vmem_shared>>)
      %lt3A_699 = arith.constant 24 : i32
      %lt3A_700 = arith.cmpi slt, %scan3A_217, %lt3A_699 : i32
      %convert_element_type3A_701 = arith.extui %lt3A_700 : i1 to i32
      %cond3A_702 = arith.constant 0 : i32
      %cond3A_703 = arith.cmpi ne, %convert_element_type3A_701, %cond3A_702 : i32
      scf.if %cond3A_703 {
        %mul3A_710 = arith.constant 8 : i32
        %mul3A_711 = arith.muli %scan3A_217, %mul3A_710 : i32
        %add3A_712 = arith.constant 7 : i32
        %add3A_713 = arith.addi %mul3A_711, %add3A_712 : i32
        %add3A_714 = arith.constant 6 : i32
        %add3A_715 = arith.addi %add3A_713, %add3A_714 : i32
        %dma_start3A_716 = arith.constant 5 : i32
        %dma_start3A_717 = arith.constant 0 : i32
        %dma_start3A_718 = arith.constant 0 : i32
        %dma_start3A_719 = tpu.memref_slice %arg5[%dma_start3A_716, %dma_start3A_717, %dma_start3A_718] : memref<8x2x50xi32, #tpu.memory_space<vmem>> -> memref<1x2x50xi32, #tpu.memory_space<vmem>>
        %dma_start3A_720 = tpu.memref_squeeze %dma_start3A_719 : memref<1x2x50xi32, #tpu.memory_space<vmem>> -> memref<2x50xi32, #tpu.memory_space<vmem>>
        %dma_start3A_721 = arith.constant 0 : i32
        %dma_start3A_722 = arith.constant 0 : i32
        %dma_start3A_723 = tpu.memref_slice %arg3[%add3A, %add3A_715, %dma_start3A_721, %dma_start3A_722] : memref<32x200x2x50xi32, #tpu.memory_space<hbm>> -> memref<1x1x2x50xi32, #tpu.memory_space<hbm>>
        %dma_start3A_724 = tpu.memref_squeeze %dma_start3A_723 : memref<1x1x2x50xi32, #tpu.memory_space<hbm>> -> memref<2x50xi32, #tpu.memory_space<hbm>>
        %dma_start3A_725 = arith.constant 0 : i32
        %dma_start3A_726 = arith.constant 0 : i32
        %dma_start3A_727 = tpu.memref_slice %arg5[%dma_start3A_716, %dma_start3A_725, %dma_start3A_726] : memref<8x2x50xi32, #tpu.memory_space<vmem>> -> memref<1x2x50xi32, #tpu.memory_space<vmem>>
        %dma_start3A_728 = tpu.memref_squeeze %dma_start3A_727 : memref<1x2x50xi32, #tpu.memory_space<vmem>> -> memref<2x50xi32, #tpu.memory_space<vmem>>
        %dma_start3A_729 = arith.constant 0 : i32
        %dma_start3A_730 = arith.constant 0 : i32
        %dma_start3A_731 = tpu.memref_slice %arg3[%add3A, %add3A_715, %dma_start3A_729, %dma_start3A_730] : memref<32x200x2x50xi32, #tpu.memory_space<hbm>> -> memref<1x1x2x50xi32, #tpu.memory_space<hbm>>
        %dma_start3A_732 = tpu.memref_squeeze %dma_start3A_731 : memref<1x1x2x50xi32, #tpu.memory_space<hbm>> -> memref<2x50xi32, #tpu.memory_space<hbm>>
        tpu.enqueue_dma source(%dma_start3A_732 : memref<2x50xi32, #tpu.memory_space<hbm>>) target(%dma_start3A_728 : memref<2x50xi32, #tpu.memory_space<vmem>>) target_semaphore(%arg17 : memref<!tpu.dma_semaphore, #tpu.memory_space<semaphore_mem>>)
      } else {
      }
      %lt3A_704 = arith.constant 24 : i32
      %lt3A_705 = arith.cmpi slt, %scan3A_217, %lt3A_704 : i32
      %convert_element_type3A_706 = arith.extui %lt3A_705 : i1 to i32
      %cond3A_707 = arith.constant 0 : i32
      %cond3A_708 = arith.cmpi ne, %convert_element_type3A_706, %cond3A_707 : i32
      scf.if %cond3A_708 {
        %mul3A_710 = arith.constant 8 : i32
        %mul3A_711 = arith.muli %scan3A_217, %mul3A_710 : i32
        %add3A_712 = arith.constant 7 : i32
        %add3A_713 = arith.addi %mul3A_711, %add3A_712 : i32
        %add3A_714 = arith.constant 2 : i32
        %add3A_715 = arith.addi %add3A_713, %add3A_714 : i32
        %dma_wait3A_716 = arith.constant 1 : i32
        %dma_wait3A_717 = arith.constant 0 : i32
        %dma_wait3A_718 = arith.constant 0 : i32
        %dma_wait3A_719 = tpu.memref_slice %arg5[%dma_wait3A_716, %dma_wait3A_717, %dma_wait3A_718] : memref<8x2x50xi32, #tpu.memory_space<vmem>> -> memref<1x2x50xi32, #tpu.memory_space<vmem>>
        %dma_wait3A_720 = tpu.memref_squeeze %dma_wait3A_719 : memref<1x2x50xi32, #tpu.memory_space<vmem>> -> memref<2x50xi32, #tpu.memory_space<vmem>>
        %dma_wait3A_721 = arith.constant 0 : i32
        %dma_wait3A_722 = arith.constant 0 : i32
        %dma_wait3A_723 = tpu.memref_slice %arg3[%add3A, %add3A_715, %dma_wait3A_721, %dma_wait3A_722] : memref<32x200x2x50xi32, #tpu.memory_space<hbm>> -> memref<1x1x2x50xi32, #tpu.memory_space<hbm>>
        %dma_wait3A_724 = tpu.memref_squeeze %dma_wait3A_723 : memref<1x1x2x50xi32, #tpu.memory_space<hbm>> -> memref<2x50xi32, #tpu.memory_space<hbm>>
        %dma_wait3A_725 = arith.constant 0 : i32
        %dma_wait3A_726 = arith.constant 0 : i32
        %dma_wait3A_727 = tpu.memref_slice %arg5[%dma_wait3A_716, %dma_wait3A_725, %dma_wait3A_726] : memref<8x2x50xi32, #tpu.memory_space<vmem>> -> memref<1x2x50xi32, #tpu.memory_space<vmem>>
        %dma_wait3A_728 = tpu.memref_squeeze %dma_wait3A_727 : memref<1x2x50xi32, #tpu.memory_space<vmem>> -> memref<2x50xi32, #tpu.memory_space<vmem>>
        %dma_wait3A_729 = arith.constant 0 : i32
        %dma_wait3A_730 = arith.constant 0 : i32
        %dma_wait3A_731 = tpu.memref_slice %arg3[%add3A, %add3A_715, %dma_wait3A_729, %dma_wait3A_730] : memref<32x200x2x50xi32, #tpu.memory_space<hbm>> -> memref<1x1x2x50xi32, #tpu.memory_space<hbm>>
        %dma_wait3A_732 = tpu.memref_squeeze %dma_wait3A_731 : memref<1x1x2x50xi32, #tpu.memory_space<hbm>> -> memref<2x50xi32, #tpu.memory_space<hbm>>
        tpu.wait_dma2 semaphore(%arg13 : memref<!tpu.dma_semaphore, #tpu.memory_space<semaphore_mem>>) src(%dma_wait3A_732 : memref<2x50xi32, #tpu.memory_space<hbm>>) dst(%dma_wait3A_728 : memref<2x50xi32, #tpu.memory_space<vmem>>)
        %mul3A_733 = arith.constant 8 : i32
        %mul3A_734 = arith.muli %scan3A_217, %mul3A_733 : i32
        %add3A_735 = arith.constant 7 : i32
        %add3A_736 = arith.addi %mul3A_734, %add3A_735 : i32
        %add3A_737 = arith.constant 2 : i32
        %add3A_738 = arith.addi %add3A_736, %add3A_737 : i32
        %dma_start3A_739 = arith.constant 1 : i32
        %dma_start3A_740 = arith.constant 0 : i32
        %dma_start3A_741 = arith.constant 0 : i32
        %dma_start3A_742 = tpu.memref_slice %arg5[%dma_start3A_739, %dma_start3A_740, %dma_start3A_741] : memref<8x2x50xi32, #tpu.memory_space<vmem>> -> memref<1x1x50xi32, #tpu.memory_space<vmem>>
        %dma_start3A_743 = tpu.memref_squeeze %dma_start3A_742 : memref<1x1x50xi32, #tpu.memory_space<vmem>> -> memref<50xi32, #tpu.memory_space<vmem>>
        %dma_start3A_744 = arith.constant 0 : i32
        %dma_start3A_745 = arith.constant 0 : i32
        %dma_start3A_746 = tpu.memref_slice %arg2[%dma_start3A_744, %dma_start3A_745] : memref<10240x128xf32, #tpu.memory_space<hbm>> -> memref<10240x128xf32, #tpu.memory_space<hbm>>
        tpu.enqueue_indirect_dma source(%dma_start3A_746 : memref<10240x128xf32, #tpu.memory_space<hbm>>) target(%arg7 : memref<50x128xf32, #tpu.memory_space<vmem>>) offsets(%dma_start3A_743 : memref<50xi32, #tpu.memory_space<vmem>>) semaphore(%arg21 : memref<!tpu.dma_semaphore, #tpu.memory_space<semaphore_mem>>)
      } else {
      }
      %scan3A_709 = arith.constant 0 : i32
      scf.yield %scan3A_709 : i32
    }
    %scan3A_185 = arith.constant 25 : i32
    %dma_wait3A_186 = arith.constant 6 : i32
    %dma_wait3A_187 = arith.constant 1 : i32
    %dma_wait3A_188 = arith.constant 0 : i32
    %dma_wait3A_189 = tpu.memref_slice %arg5[%dma_wait3A_186, %dma_wait3A_187, %dma_wait3A_188] : memref<8x2x50xi32, #tpu.memory_space<vmem>> -> memref<1x1x50xi32, #tpu.memory_space<vmem>>
    %dma_wait3A_190 = tpu.memref_squeeze %dma_wait3A_189 : memref<1x1x50xi32, #tpu.memory_space<vmem>> -> memref<50xi32, #tpu.memory_space<vmem>>
    %dma_wait3A_191 = arith.constant 0 : i32
    %dma_wait3A_192 = arith.constant 0 : i32
    %dma_wait3A_193 = tpu.memref_slice %arg11[%dma_wait3A_191, %dma_wait3A_192] : memref<10240x128xf32, #tpu.memory_space<vmem_shared>> -> memref<10240x128xf32, #tpu.memory_space<vmem_shared>>
    tpu.wait_indirect_dma semaphore(%arg26 : memref<!tpu.dma_semaphore, #tpu.memory_space<semaphore_mem>>) src(%arg8 : memref<50x128xf32, #tpu.memory_space<vmem>>) dst(%dma_wait3A_193 : memref<10240x128xf32, #tpu.memory_space<vmem_shared>>)
    %dma_wait3A_194 = arith.constant 7 : i32
    %dma_wait3A_195 = arith.constant 1 : i32
    %dma_wait3A_196 = arith.constant 0 : i32
    %dma_wait3A_197 = tpu.memref_slice %arg5[%dma_wait3A_194, %dma_wait3A_195, %dma_wait3A_196] : memref<8x2x50xi32, #tpu.memory_space<vmem>> -> memref<1x1x50xi32, #tpu.memory_space<vmem>>
    %dma_wait3A_198 = tpu.memref_squeeze %dma_wait3A_197 : memref<1x1x50xi32, #tpu.memory_space<vmem>> -> memref<50xi32, #tpu.memory_space<vmem>>
    %dma_wait3A_199 = arith.constant 0 : i32
    %dma_wait3A_200 = arith.constant 0 : i32
    %dma_wait3A_201 = tpu.memref_slice %arg11[%dma_wait3A_199, %dma_wait3A_200] : memref<10240x128xf32, #tpu.memory_space<vmem_shared>> -> memref<10240x128xf32, #tpu.memory_space<vmem_shared>>
    tpu.wait_indirect_dma semaphore(%arg27 : memref<!tpu.dma_semaphore, #tpu.memory_space<semaphore_mem>>) src(%arg9 : memref<50x128xf32, #tpu.memory_space<vmem>>) dst(%dma_wait3A_201 : memref<10240x128xf32, #tpu.memory_space<vmem_shared>>)
    %barrier3A_202 = arith.constant 0 : index
    tpu.barrier barrier_id(%barrier3A_202)
    %scan3A_203 = arith.constant 0 : i32
    %scan3A_204 = arith.constant 0 : i32
    %scan3A_205 = arith.constant 10 : i32
    %scan3A_206 = arith.addi %scan3A_204, %scan3A_205 : i32
    %scan3A_207 = arith.constant 1 : i32
    %scan3A_208 = scf.for %scan3A_217 = %scan3A_204 to %scan3A_206 step %scan3A_207 iter_args(%scan3A_218 = %scan3A_203) -> (i32)  : i32 {
      %mul3A_219 = arith.constant 640 : i32
      %mul3A_220 = arith.muli %arg1, %mul3A_219 : i32
      %mul3A_221 = arith.constant 64 : i32
      %mul3A_222 = arith.muli %scan3A_217, %mul3A_221 : i32
      %add3A_223 = arith.addi %mul3A_220, %mul3A_222 : i32
      %mul3A_224 = arith.constant 640 : i32
      %mul3A_225 = arith.muli %arg1, %mul3A_224 : i32
      %mul3A_226 = arith.constant 64 : i32
      %mul3A_227 = arith.muli %scan3A_217, %mul3A_226 : i32
      %add3A_228 = arith.addi %mul3A_225, %mul3A_227 : i32
      %dma_start3A_229 = arith.constant 0 : i32
      %dma_start3A_230 = tpu.memref_slice %arg4[%arg0, %add3A_228, %dma_start3A_229] : memref<2x10240x128xf32, #tpu.memory_space<hbm>> -> memref<1x64x128xf32, #tpu.memory_space<hbm>>
      %dma_start3A_231 = tpu.memref_squeeze %dma_start3A_230 : memref<1x64x128xf32, #tpu.memory_space<hbm>> -> memref<64x128xf32, #tpu.memory_space<hbm>>
      %dma_start3A_232 = arith.constant 0 : i32
      %dma_start3A_233 = tpu.memref_slice %arg11[%add3A_223, %dma_start3A_232] : memref<10240x128xf32, #tpu.memory_space<vmem_shared>> -> memref<64x128xf32, #tpu.memory_space<vmem_shared>>
      tpu.enqueue_dma source(%dma_start3A_233 : memref<64x128xf32, #tpu.memory_space<vmem_shared>>) target(%dma_start3A_231 : memref<64x128xf32, #tpu.memory_space<hbm>>) target_semaphore(%arg28 : memref<!tpu.dma_semaphore, #tpu.memory_space<semaphore_mem>>)
      %scan3A_234 = arith.constant 0 : i32
      scf.yield %scan3A_234 : i32
    }
    %scan3A_209 = arith.constant 10 : i32
    %scan3A_210 = arith.constant 0 : i32
    %scan3A_211 = arith.constant 0 : i32
    %scan3A_212 = arith.constant 10 : i32
    %scan3A_213 = arith.addi %scan3A_211, %scan3A_212 : i32
    %scan3A_214 = arith.constant 1 : i32
    %scan3A_215 = scf.for %scan3A_217 = %scan3A_211 to %scan3A_213 step %scan3A_214 iter_args(%scan3A_218 = %scan3A_210) -> (i32)  : i32 {
      %mul3A_219 = arith.constant 640 : i32
      %mul3A_220 = arith.muli %arg1, %mul3A_219 : i32
      %mul3A_221 = arith.constant 64 : i32
      %mul3A_222 = arith.muli %scan3A_217, %mul3A_221 : i32
      %add3A_223 = arith.addi %mul3A_220, %mul3A_222 : i32
      %mul3A_224 = arith.constant 640 : i32
      %mul3A_225 = arith.muli %arg1, %mul3A_224 : i32
      %mul3A_226 = arith.constant 64 : i32
      %mul3A_227 = arith.muli %scan3A_217, %mul3A_226 : i32
      %add3A_228 = arith.addi %mul3A_225, %mul3A_227 : i32
      %dma_wait3A_229 = arith.constant 0 : i32
      %dma_wait3A_230 = tpu.memref_slice %arg4[%arg0, %add3A_228, %dma_wait3A_229] : memref<2x10240x128xf32, #tpu.memory_space<hbm>> -> memref<1x64x128xf32, #tpu.memory_space<hbm>>
      %dma_wait3A_231 = tpu.memref_squeeze %dma_wait3A_230 : memref<1x64x128xf32, #tpu.memory_space<hbm>> -> memref<64x128xf32, #tpu.memory_space<hbm>>
      %dma_wait3A_232 = arith.constant 0 : i32
      %dma_wait3A_233 = tpu.memref_slice %arg11[%add3A_223, %dma_wait3A_232] : memref<10240x128xf32, #tpu.memory_space<vmem_shared>> -> memref<64x128xf32, #tpu.memory_space<vmem_shared>>
      tpu.wait_dma2 semaphore(%arg28 : memref<!tpu.dma_semaphore, #tpu.memory_space<semaphore_mem>>) src(%dma_wait3A_233 : memref<64x128xf32, #tpu.memory_space<vmem_shared>>) dst(%dma_wait3A_231 : memref<64x128xf32, #tpu.memory_space<hbm>>)
      %scan3A_234 = arith.constant 0 : i32
      scf.yield %scan3A_234 : i32
    }
    %scan3A_216 = arith.constant 10 : i32
    return
  }
}

#map = affine_map<(d0, d1) -> (0, 0, 0)>
#map1 = affine_map<(d0, d1) -> (0, 0)>
module attributes {stable_mosaic.version = 14 : i64} {
  func.func @k(%arg0: i32, %arg1: i32, %arg2: memref<32x80x125xi32, #tpu.memory_space<hbm>>, %arg3: memref<2x10240xf32, #tpu.memory_space<hbm>>, %arg4: memref<80x125xi32, #tpu.memory_space<vmem>>, %arg5: memref<128xf32, #tpu.memory_space<vmem>>, %arg6: memref<640xf32, #tpu.memory_space<vmem>>, %arg7: memref<10240xf32, #tpu.memory_space<vmem_shared>>, %arg8: memref<!tpu.dma_semaphore, #tpu.memory_space<semaphore_mem>>) attributes {dimension_semantics = [#tpu.dimension_semantics<core_parallel>, #tpu.dimension_semantics<subcore_parallel>], iteration_bounds = array<i64: 2, 16>, scalar_prefetch = 0 : i64, scratch_operands = 5 : i64, tpu.core_type = #tpu.core_type<sc_vector_subcore>, window_params = [{transform_indices = #map}, {transform_indices = #map1}]} {
    %mul3A = arith.constant 16 : i32
    %mul3A_0 = arith.muli %arg0, %mul3A : i32
    %add3A = arith.addi %mul3A_0, %arg1 : i32
    %scan3A = arith.constant 0 : i32
    %scan3A_1 = arith.constant 0 : i32
    %scan3A_2 = arith.constant 8 : i32
    %scan3A_3 = arith.addi %scan3A_1, %scan3A_2 : i32
    %scan3A_4 = arith.constant 1 : i32
    %scan3A_5 = scf.for %scan3A_35 = %scan3A_1 to %scan3A_3 step %scan3A_4 iter_args(%scan3A_36 = %scan3A) -> (i32)  : i32 {
      %broadcast_in_dim3A = arith.constant 1.000000e+00 : f32
      %broadcast_in_dim3A_37 = vector.broadcast %broadcast_in_dim3A : f32 to vector<16xf32>
      %mul3A_38 = arith.constant 16 : i32
      %mul3A_39 = arith.muli %scan3A_35, %mul3A_38 : i32
      %swap3A = arith.index_cast %mul3A_39 : i32 to index
      %swap3A_40 = tpu.vector_load %arg5[%swap3A] {strides = array<i32>} : memref<128xf32, #tpu.memory_space<vmem>>, vector<16xf32>,
      %swap3A_41 = vector.shape_cast %swap3A_40 : vector<16xf32> to vector<16xf32>
      %swap3A_42 = vector.shape_cast %broadcast_in_dim3A_37 : vector<16xf32> to vector<16xf32>
      tpu.vector_store %arg5[%swap3A], %swap3A_42 {strides = array<i32>} : memref<128xf32, #tpu.memory_space<vmem>>, vector<16xf32>,
      %scan3A_43 = arith.constant 0 : i32
      scf.yield %scan3A_43 : i32
    }
    %scan3A_6 = arith.constant 8 : i32
    %scan3A_7 = arith.constant 0 : i32
    %scan3A_8 = arith.constant 0 : i32
    %scan3A_9 = arith.constant 40 : i32
    %scan3A_10 = arith.addi %scan3A_8, %scan3A_9 : i32
    %scan3A_11 = arith.constant 1 : i32
    %scan3A_12 = scf.for %scan3A_35 = %scan3A_8 to %scan3A_10 step %scan3A_11 iter_args(%scan3A_36 = %scan3A_7) -> (i32)  : i32 {
      %broadcast_in_dim3A = arith.constant 0.000000e+00 : f32
      %broadcast_in_dim3A_37 = vector.broadcast %broadcast_in_dim3A : f32 to vector<16xf32>
      %mul3A_38 = arith.constant 16 : i32
      %mul3A_39 = arith.muli %scan3A_35, %mul3A_38 : i32
      %swap3A = arith.index_cast %mul3A_39 : i32 to index
      %swap3A_40 = tpu.vector_load %arg6[%swap3A] {strides = array<i32>} : memref<640xf32, #tpu.memory_space<vmem>>, vector<16xf32>,
      %swap3A_41 = vector.shape_cast %swap3A_40 : vector<16xf32> to vector<16xf32>
      %swap3A_42 = vector.shape_cast %broadcast_in_dim3A_37 : vector<16xf32> to vector<16xf32>
      tpu.vector_store %arg6[%swap3A], %swap3A_42 {strides = array<i32>} : memref<640xf32, #tpu.memory_space<vmem>>, vector<16xf32>,
      %scan3A_43 = arith.constant 0 : i32
      scf.yield %scan3A_43 : i32
    }
    %scan3A_13 = arith.constant 40 : i32
    "tpu.region"() ({
      %run_scoped3A = tpu.sem_alloc : memref<!tpu.dma_semaphore, #tpu.memory_space<semaphore_mem>>
      %dma_start3A = arith.constant 0 : i32
      %dma_start3A_35 = arith.constant 0 : i32
      %dma_start3A_36 = tpu.memref_slice %arg2[%add3A, %dma_start3A, %dma_start3A_35] : memref<32x80x125xi32, #tpu.memory_space<hbm>> -> memref<1x80x125xi32, #tpu.memory_space<hbm>>
      %dma_start3A_37 = tpu.memref_squeeze %dma_start3A_36 : memref<1x80x125xi32, #tpu.memory_space<hbm>> -> memref<80x125xi32, #tpu.memory_space<hbm>>
      %dma_start3A_38 = arith.constant 0 : i32
      %dma_start3A_39 = arith.constant 0 : i32
      %dma_start3A_40 = tpu.memref_slice %arg2[%add3A, %dma_start3A_38, %dma_start3A_39] : memref<32x80x125xi32, #tpu.memory_space<hbm>> -> memref<1x80x125xi32, #tpu.memory_space<hbm>>
      %dma_start3A_41 = tpu.memref_squeeze %dma_start3A_40 : memref<1x80x125xi32, #tpu.memory_space<hbm>> -> memref<80x125xi32, #tpu.memory_space<hbm>>
      tpu.enqueue_dma source(%dma_start3A_41 : memref<80x125xi32, #tpu.memory_space<hbm>>) target(%arg4 : memref<80x125xi32, #tpu.memory_space<vmem>>) target_semaphore(%run_scoped3A : memref<!tpu.dma_semaphore, #tpu.memory_space<semaphore_mem>>)
      %dma_wait3A = arith.constant 0 : i32
      %dma_wait3A_42 = arith.constant 0 : i32
      %dma_wait3A_43 = tpu.memref_slice %arg2[%add3A, %dma_wait3A, %dma_wait3A_42] : memref<32x80x125xi32, #tpu.memory_space<hbm>> -> memref<1x80x125xi32, #tpu.memory_space<hbm>>
      %dma_wait3A_44 = tpu.memref_squeeze %dma_wait3A_43 : memref<1x80x125xi32, #tpu.memory_space<hbm>> -> memref<80x125xi32, #tpu.memory_space<hbm>>
      %dma_wait3A_45 = arith.constant 0 : i32
      %dma_wait3A_46 = arith.constant 0 : i32
      %dma_wait3A_47 = tpu.memref_slice %arg2[%add3A, %dma_wait3A_45, %dma_wait3A_46] : memref<32x80x125xi32, #tpu.memory_space<hbm>> -> memref<1x80x125xi32, #tpu.memory_space<hbm>>
      %dma_wait3A_48 = tpu.memref_squeeze %dma_wait3A_47 : memref<1x80x125xi32, #tpu.memory_space<hbm>> -> memref<80x125xi32, #tpu.memory_space<hbm>>
      tpu.wait_dma2 semaphore(%run_scoped3A : memref<!tpu.dma_semaphore, #tpu.memory_space<semaphore_mem>>) src(%dma_wait3A_48 : memref<80x125xi32, #tpu.memory_space<hbm>>) dst(%arg4 : memref<80x125xi32, #tpu.memory_space<vmem>>)
      tpu.yield
    }) : () -> ()
    %mul3A_14 = arith.constant 640 : i32
    %mul3A_15 = arith.muli %arg1, %mul3A_14 : i32
    "tpu.region"() ({
      %run_scoped3A = tpu.sem_alloc : memref<!tpu.dma_semaphore, #tpu.memory_space<semaphore_mem>>
      %dma_start3A = tpu.memref_slice %arg7[%mul3A_15] : memref<10240xf32, #tpu.memory_space<vmem_shared>> -> memref<640xf32, #tpu.memory_space<vmem_shared>>
      %dma_start3A_35 = tpu.memref_slice %arg7[%mul3A_15] : memref<10240xf32, #tpu.memory_space<vmem_shared>> -> memref<640xf32, #tpu.memory_space<vmem_shared>>
      tpu.enqueue_dma source(%arg6 : memref<640xf32, #tpu.memory_space<vmem>>) target(%dma_start3A_35 : memref<640xf32, #tpu.memory_space<vmem_shared>>) target_semaphore(%run_scoped3A : memref<!tpu.dma_semaphore, #tpu.memory_space<semaphore_mem>>)
      %dma_wait3A = tpu.memref_slice %arg7[%mul3A_15] : memref<10240xf32, #tpu.memory_space<vmem_shared>> -> memref<640xf32, #tpu.memory_space<vmem_shared>>
      %dma_wait3A_36 = tpu.memref_slice %arg7[%mul3A_15] : memref<10240xf32, #tpu.memory_space<vmem_shared>> -> memref<640xf32, #tpu.memory_space<vmem_shared>>
      tpu.wait_dma2 semaphore(%run_scoped3A : memref<!tpu.dma_semaphore, #tpu.memory_space<semaphore_mem>>) src(%arg6 : memref<640xf32, #tpu.memory_space<vmem>>) dst(%dma_wait3A_36 : memref<640xf32, #tpu.memory_space<vmem_shared>>)
      tpu.yield
    }) : () -> ()
    %barrier3A = arith.constant 0 : index
    tpu.barrier barrier_id(%barrier3A)
    %scan3A_16 = arith.constant 0 : i32
    %scan3A_17 = arith.constant 0 : i32
    %scan3A_18 = arith.constant 80 : i32
    %scan3A_19 = arith.addi %scan3A_17, %scan3A_18 : i32
    %scan3A_20 = arith.constant 1 : i32
    %scan3A_21 = scf.for %scan3A_35 = %scan3A_17 to %scan3A_19 step %scan3A_20 iter_args(%scan3A_36 = %scan3A_16) -> (i32)  : i32 {
      %dma_start3A = arith.constant 0 : i32
      %dma_start3A_37 = tpu.memref_slice %arg5[%dma_start3A] : memref<128xf32, #tpu.memory_space<vmem>> -> memref<125xf32, #tpu.memory_space<vmem>>
      %dma_start3A_38 = arith.constant 0 : i32
      %dma_start3A_39 = tpu.memref_slice %arg4[%scan3A_35, %dma_start3A_38] : memref<80x125xi32, #tpu.memory_space<vmem>> -> memref<1x125xi32, #tpu.memory_space<vmem>>
      %dma_start3A_40 = tpu.memref_squeeze %dma_start3A_39 : memref<1x125xi32, #tpu.memory_space<vmem>> -> memref<125xi32, #tpu.memory_space<vmem>>
      %dma_start3A_41 = arith.constant 0 : i32
      %dma_start3A_42 = tpu.memref_slice %arg7[%dma_start3A_41] : memref<10240xf32, #tpu.memory_space<vmem_shared>> -> memref<10240xf32, #tpu.memory_space<vmem_shared>>
      tpu.enqueue_indirect_dma source(%dma_start3A_37 : memref<125xf32, #tpu.memory_space<vmem>>) target(%dma_start3A_42 : memref<10240xf32, #tpu.memory_space<vmem_shared>>) offsets(%dma_start3A_40 : memref<125xi32, #tpu.memory_space<vmem>>) semaphore(%arg8 : memref<!tpu.dma_semaphore, #tpu.memory_space<semaphore_mem>>) {add = true}
      %scan3A_43 = arith.constant 0 : i32
      scf.yield %scan3A_43 : i32
    }
    %scan3A_22 = arith.constant 80 : i32
    %scan3A_23 = arith.constant 0 : i32
    %scan3A_24 = arith.constant 0 : i32
    %scan3A_25 = arith.constant 80 : i32
    %scan3A_26 = arith.addi %scan3A_24, %scan3A_25 : i32
    %scan3A_27 = arith.constant 1 : i32
    %scan3A_28 = scf.for %scan3A_35 = %scan3A_24 to %scan3A_26 step %scan3A_27 iter_args(%scan3A_36 = %scan3A_23) -> (i32)  : i32 {
      %dma_wait3A = arith.constant 0 : i32
      %dma_wait3A_37 = tpu.memref_slice %arg5[%dma_wait3A] : memref<128xf32, #tpu.memory_space<vmem>> -> memref<125xf32, #tpu.memory_space<vmem>>
      %dma_wait3A_38 = arith.constant 0 : i32
      %dma_wait3A_39 = tpu.memref_slice %arg4[%scan3A_35, %dma_wait3A_38] : memref<80x125xi32, #tpu.memory_space<vmem>> -> memref<1x125xi32, #tpu.memory_space<vmem>>
      %dma_wait3A_40 = tpu.memref_squeeze %dma_wait3A_39 : memref<1x125xi32, #tpu.memory_space<vmem>> -> memref<125xi32, #tpu.memory_space<vmem>>
      %dma_wait3A_41 = arith.constant 0 : i32
      %dma_wait3A_42 = tpu.memref_slice %arg7[%dma_wait3A_41] : memref<10240xf32, #tpu.memory_space<vmem_shared>> -> memref<10240xf32, #tpu.memory_space<vmem_shared>>
      tpu.wait_indirect_dma semaphore(%arg8 : memref<!tpu.dma_semaphore, #tpu.memory_space<semaphore_mem>>) src(%dma_wait3A_37 : memref<125xf32, #tpu.memory_space<vmem>>) dst(%dma_wait3A_42 : memref<10240xf32, #tpu.memory_space<vmem_shared>>)
      %scan3A_43 = arith.constant 0 : i32
      scf.yield %scan3A_43 : i32
    }
    %scan3A_29 = arith.constant 80 : i32
    %barrier3A_30 = arith.constant 0 : index
    tpu.barrier barrier_id(%barrier3A_30)
    %mul3A_31 = arith.constant 640 : i32
    %mul3A_32 = arith.muli %arg1, %mul3A_31 : i32
    "tpu.region"() ({
      %run_scoped3A = tpu.sem_alloc : memref<!tpu.dma_semaphore, #tpu.memory_space<semaphore_mem>>
      %dma_start3A = tpu.memref_slice %arg7[%mul3A_32] : memref<10240xf32, #tpu.memory_space<vmem_shared>> -> memref<640xf32, #tpu.memory_space<vmem_shared>>
      %dma_start3A_35 = tpu.memref_slice %arg7[%mul3A_32] : memref<10240xf32, #tpu.memory_space<vmem_shared>> -> memref<640xf32, #tpu.memory_space<vmem_shared>>
      tpu.enqueue_dma source(%dma_start3A_35 : memref<640xf32, #tpu.memory_space<vmem_shared>>) target(%arg6 : memref<640xf32, #tpu.memory_space<vmem>>) target_semaphore(%run_scoped3A : memref<!tpu.dma_semaphore, #tpu.memory_space<semaphore_mem>>)
      %dma_wait3A = tpu.memref_slice %arg7[%mul3A_32] : memref<10240xf32, #tpu.memory_space<vmem_shared>> -> memref<640xf32, #tpu.memory_space<vmem_shared>>
      %dma_wait3A_36 = tpu.memref_slice %arg7[%mul3A_32] : memref<10240xf32, #tpu.memory_space<vmem_shared>> -> memref<640xf32, #tpu.memory_space<vmem_shared>>
      tpu.wait_dma2 semaphore(%run_scoped3A : memref<!tpu.dma_semaphore, #tpu.memory_space<semaphore_mem>>) src(%dma_wait3A_36 : memref<640xf32, #tpu.memory_space<vmem_shared>>) dst(%arg6 : memref<640xf32, #tpu.memory_space<vmem>>)
      tpu.yield
    }) : () -> ()
    %mul3A_33 = arith.constant 640 : i32
    %mul3A_34 = arith.muli %arg1, %mul3A_33 : i32
    "tpu.region"() ({
      %run_scoped3A = tpu.sem_alloc : memref<!tpu.dma_semaphore, #tpu.memory_space<semaphore_mem>>
      %dma_start3A = tpu.memref_slice %arg3[%arg0, %mul3A_34] : memref<2x10240xf32, #tpu.memory_space<hbm>> -> memref<1x640xf32, #tpu.memory_space<hbm>>
      %dma_start3A_35 = tpu.memref_squeeze %dma_start3A : memref<1x640xf32, #tpu.memory_space<hbm>> -> memref<640xf32, #tpu.memory_space<hbm>>
      %dma_start3A_36 = tpu.memref_slice %arg3[%arg0, %mul3A_34] : memref<2x10240xf32, #tpu.memory_space<hbm>> -> memref<1x640xf32, #tpu.memory_space<hbm>>
      %dma_start3A_37 = tpu.memref_squeeze %dma_start3A_36 : memref<1x640xf32, #tpu.memory_space<hbm>> -> memref<640xf32, #tpu.memory_space<hbm>>
      tpu.enqueue_dma source(%arg6 : memref<640xf32, #tpu.memory_space<vmem>>) target(%dma_start3A_37 : memref<640xf32, #tpu.memory_space<hbm>>) target_semaphore(%run_scoped3A : memref<!tpu.dma_semaphore, #tpu.memory_space<semaphore_mem>>)
      %dma_wait3A = tpu.memref_slice %arg3[%arg0, %mul3A_34] : memref<2x10240xf32, #tpu.memory_space<hbm>> -> memref<1x640xf32, #tpu.memory_space<hbm>>
      %dma_wait3A_38 = tpu.memref_squeeze %dma_wait3A : memref<1x640xf32, #tpu.memory_space<hbm>> -> memref<640xf32, #tpu.memory_space<hbm>>
      %dma_wait3A_39 = tpu.memref_slice %arg3[%arg0, %mul3A_34] : memref<2x10240xf32, #tpu.memory_space<hbm>> -> memref<1x640xf32, #tpu.memory_space<hbm>>
      %dma_wait3A_40 = tpu.memref_squeeze %dma_wait3A_39 : memref<1x640xf32, #tpu.memory_space<hbm>> -> memref<640xf32, #tpu.memory_space<hbm>>
      tpu.wait_dma2 semaphore(%run_scoped3A : memref<!tpu.dma_semaphore, #tpu.memory_space<semaphore_mem>>) src(%arg6 : memref<640xf32, #tpu.memory_space<vmem>>) dst(%dma_wait3A_40 : memref<640xf32, #tpu.memory_space<hbm>>)
      tpu.yield
    }) : () -> ()
    return
  }
}

#map = affine_map<(d0, d1) -> (0, 0)>
#map1 = affine_map<(d0, d1) -> (0, 0, 0, 0)>
#map2 = affine_map<(d0, d1) -> (0, 0, 0)>
module attributes {stable_mosaic.version = 14 : i64} {
  func.func @k(%arg0: i32, %arg1: i32, %arg2: memref<10240x128xf32, #tpu.memory_space<hbm>>, %arg3: memref<32x200x2x50xi32, #tpu.memory_space<hbm>>, %arg4: memref<2x10240x128xf32, #tpu.memory_space<hbm>>, %arg5: memref<8x2x50xi32, #tpu.memory_space<vmem>>, %arg6: memref<50x128xf32, #tpu.memory_space<vmem>>, %arg7: memref<50x128xf32, #tpu.memory_space<vmem>>, %arg8: memref<50x128xf32, #tpu.memory_space<vmem>>, %arg9: memref<50x128xf32, #tpu.memory_space<vmem>>, %arg10: memref<64x128xf32, #tpu.memory_space<vmem>>, %arg11: memref<10240x128xf32, #tpu.memory_space<vmem_shared>>, %arg12: memref<!tpu.dma_semaphore, #tpu.memory_space<semaphore_mem>>, %arg13: memref<!tpu.dma_semaphore, #tpu.memory_space<semaphore_mem>>, %arg14: memref<!tpu.dma_semaphore, #tpu.memory_space<semaphore_mem>>, %arg15: memref<!tpu.dma_semaphore, #tpu.memory_space<semaphore_mem>>, %arg16: memref<!tpu.dma_semaphore, #tpu.memory_space<semaphore_mem>>, %arg17: memref<!tpu.dma_semaphore, #tpu.memory_space<semaphore_mem>>, %arg18: memref<!tpu.dma_semaphore, #tpu.memory_space<semaphore_mem>>, %arg19: memref<!tpu.dma_semaphore, #tpu.memory_space<semaphore_mem>>, %arg20: memref<!tpu.dma_semaphore, #tpu.memory_space<semaphore_mem>>, %arg21: memref<!tpu.dma_semaphore, #tpu.memory_space<semaphore_mem>>, %arg22: memref<!tpu.dma_semaphore, #tpu.memory_space<semaphore_mem>>, %arg23: memref<!tpu.dma_semaphore, #tpu.memory_space<semaphore_mem>>, %arg24: memref<!tpu.dma_semaphore, #tpu.memory_space<semaphore_mem>>, %arg25: memref<!tpu.dma_semaphore, #tpu.memory_space<semaphore_mem>>, %arg26: memref<!tpu.dma_semaphore, #tpu.memory_space<semaphore_mem>>, %arg27: memref<!tpu.dma_semaphore, #tpu.memory_space<semaphore_mem>>, %arg28: memref<!tpu.dma_semaphore, #tpu.memory_space<semaphore_mem>>) attributes {dimension_semantics = [#tpu.dimension_semantics<core_parallel>, #tpu.dimension_semantics<subcore_parallel>], iteration_bounds = array<i64: 2, 16>, scalar_prefetch = 0 : i64, scratch_operands = 24 : i64, tpu.core_type = #tpu.core_type<sc_vector_subcore>, window_params = [{transform_indices = #map}, {transform_indices = #map1}, {transform_indices = #map2}]} {
    %mul3A = arith.constant 16 : i32
    %mul3A_0 = arith.muli %arg0, %mul3A : i32
    %add3A = arith.addi %mul3A_0, %arg1 : i32
    %dma_start3A = arith.constant 0 : i32
    %dma_start3A_1 = arith.constant 0 : i32
    %dma_start3A_2 = arith.constant 0 : i32
    %dma_start3A_3 = arith.constant 0 : i32
    %dma_start3A_4 = tpu.memref_slice %arg5[%dma_start3A_1, %dma_start3A_2, %dma_start3A_3] : memref<8x2x50xi32, #tpu.memory_space<vmem>> -> memref<1x2x50xi32, #tpu.memory_space<vmem>>
    %dma_start3A_5 = tpu.memref_squeeze %dma_start3A_4 : memref<1x2x50xi32, #tpu.memory_space<vmem>> -> memref<2x50xi32, #tpu.memory_space<vmem>>
    %dma_start3A_6 = arith.constant 0 : i32
    %dma_start3A_7 = arith.constant 0 : i32
    %dma_start3A_8 = tpu.memref_slice %arg3[%add3A, %dma_start3A, %dma_start3A_6, %dma_start3A_7] : memref<32x200x2x50xi32, #tpu.memory_space<hbm>> -> memref<1x1x2x50xi32, #tpu.memory_space<hbm>>
    %dma_start3A_9 = tpu.memref_squeeze %dma_start3A_8 : memref<1x1x2x50xi32, #tpu.memory_space<hbm>> -> memref<2x50xi32, #tpu.memory_space<hbm>>
    %dma_start3A_10 = arith.constant 0 : i32
    %dma_start3A_11 = arith.constant 0 : i32
    %dma_start3A_12 = tpu.memref_slice %arg5[%dma_start3A_1, %dma_start3A_10, %dma_start3A_11] : memref<8x2x50xi32, #tpu.memory_space<vmem>> -> memref<1x2x50xi32, #tpu.memory_space<vmem>>
    %dma_start3A_13 = tpu.memref_squeeze %dma_start3A_12 : memref<1x2x50xi32, #tpu.memory_space<vmem>> -> memref<2x50xi32, #tpu.memory_space<vmem>>
    %dma_start3A_14 = arith.constant 0 : i32
    %dma_start3A_15 = arith.constant 0 : i32
    %dma_start3A_16 = tpu.memref_slice %arg3[%add3A, %dma_start3A, %dma_start3A_14, %dma_start3A_15] : memref<32x200x2x50xi32, #tpu.memory_space<hbm>> -> memref<1x1x2x50xi32, #tpu.memory_space<hbm>>
    %dma_start3A_17 = tpu.memref_squeeze %dma_start3A_16 : memref<1x1x2x50xi32, #tpu.memory_space<hbm>> -> memref<2x50xi32, #tpu.memory_space<hbm>>
    tpu.enqueue_dma source(%dma_start3A_17 : memref<2x50xi32, #tpu.memory_space<hbm>>) target(%dma_start3A_13 : memref<2x50xi32, #tpu.memory_space<vmem>>) target_semaphore(%arg12 : memref<!tpu.dma_semaphore, #tpu.memory_space<semaphore_mem>>)
    %dma_start3A_18 = arith.constant 1 : i32
    %dma_start3A_19 = arith.constant 1 : i32
    %dma_start3A_20 = arith.constant 0 : i32
    %dma_start3A_21 = arith.constant 0 : i32
    %dma_start3A_22 = tpu.memref_slice %arg5[%dma_start3A_19, %dma_start3A_20, %dma_start3A_21] : memref<8x2x50xi32, #tpu.memory_space<vmem>> -> memref<1x2x50xi32, #tpu.memory_space<vmem>>
    %dma_start3A_23 = tpu.memref_squeeze %dma_start3A_22 : memref<1x2x50xi32, #tpu.memory_space<vmem>> -> memref<2x50xi32, #tpu.memory_space<vmem>>
    %dma_start3A_24 = arith.constant 0 : i32
    %dma_start3A_25 = arith.constant 0 : i32
    %dma_start3A_26 = tpu.memref_slice %arg3[%add3A, %dma_start3A_18, %dma_start3A_24, %dma_start3A_25] : memref<32x200x2x50xi32, #tpu.memory_space<hbm>> -> memref<1x1x2x50xi32, #tpu.memory_space<hbm>>
    %dma_start3A_27 = tpu.memref_squeeze %dma_start3A_26 : memref<1x1x2x50xi32, #tpu.memory_space<hbm>> -> memref<2x50xi32, #tpu.memory_space<hbm>>
    %dma_start3A_28 = arith.constant 0 : i32
    %dma_start3A_29 = arith.constant 0 : i32
    %dma_start3A_30 = tpu.memref_slice %arg5[%dma_start3A_19, %dma_start3A_28, %dma_start3A_29] : memref<8x2x50xi32, #tpu.memory_space<vmem>> -> memref<1x2x50xi32, #tpu.memory_space<vmem>>
    %dma_start3A_31 = tpu.memref_squeeze %dma_start3A_30 : memref<1x2x50xi32, #tpu.memory_space<vmem>> -> memref<2x50xi32, #tpu.memory_space<vmem>>
    %dma_start3A_32 = arith.constant 0 : i32
    %dma_start3A_33 = arith.constant 0 : i32
    %dma_start3A_34 = tpu.memref_slice %arg3[%add3A, %dma_start3A_18, %dma_start3A_32, %dma_start3A_33] : memref<32x200x2x50xi32, #tpu.memory_space<hbm>> -> memref<1x1x2x50xi32, #tpu.memory_space<hbm>>
    %dma_start3A_35 = tpu.memref_squeeze %dma_start3A_34 : memref<1x1x2x50xi32, #tpu.memory_space<hbm>> -> memref<2x50xi32, #tpu.memory_space<hbm>>
    tpu.enqueue_dma source(%dma_start3A_35 : memref<2x50xi32, #tpu.memory_space<hbm>>) target(%dma_start3A_31 : memref<2x50xi32, #tpu.memory_space<vmem>>) target_semaphore(%arg13 : memref<!tpu.dma_semaphore, #tpu.memory_space<semaphore_mem>>)
    %dma_start3A_36 = arith.constant 2 : i32
    %dma_start3A_37 = arith.constant 2 : i32
    %dma_start3A_38 = arith.constant 0 : i32
    %dma_start3A_39 = arith.constant 0 : i32
    %dma_start3A_40 = tpu.memref_slice %arg5[%dma_start3A_37, %dma_start3A_38, %dma_start3A_39] : memref<8x2x50xi32, #tpu.memory_space<vmem>> -> memref<1x2x50xi32, #tpu.memory_space<vmem>>
    %dma_start3A_41 = tpu.memref_squeeze %dma_start3A_40 : memref<1x2x50xi32, #tpu.memory_space<vmem>> -> memref<2x50xi32, #tpu.memory_space<vmem>>
    %dma_start3A_42 = arith.constant 0 : i32
    %dma_start3A_43 = arith.constant 0 : i32
    %dma_start3A_44 = tpu.memref_slice %arg3[%add3A, %dma_start3A_36, %dma_start3A_42, %dma_start3A_43] : memref<32x200x2x50xi32, #tpu.memory_space<hbm>> -> memref<1x1x2x50xi32, #tpu.memory_space<hbm>>
    %dma_start3A_45 = tpu.memref_squeeze %dma_start3A_44 : memref<1x1x2x50xi32, #tpu.memory_space<hbm>> -> memref<2x50xi32, #tpu.memory_space<hbm>>
    %dma_start3A_46 = arith.constant 0 : i32
    %dma_start3A_47 = arith.constant 0 : i32
    %dma_start3A_48 = tpu.memref_slice %arg5[%dma_start3A_37, %dma_start3A_46, %dma_start3A_47] : memref<8x2x50xi32, #tpu.memory_space<vmem>> -> memref<1x2x50xi32, #tpu.memory_space<vmem>>
    %dma_start3A_49 = tpu.memref_squeeze %dma_start3A_48 : memref<1x2x50xi32, #tpu.memory_space<vmem>> -> memref<2x50xi32, #tpu.memory_space<vmem>>
    %dma_start3A_50 = arith.constant 0 : i32
    %dma_start3A_51 = arith.constant 0 : i32
    %dma_start3A_52 = tpu.memref_slice %arg3[%add3A, %dma_start3A_36, %dma_start3A_50, %dma_start3A_51] : memref<32x200x2x50xi32, #tpu.memory_space<hbm>> -> memref<1x1x2x50xi32, #tpu.memory_space<hbm>>
    %dma_start3A_53 = tpu.memref_squeeze %dma_start3A_52 : memref<1x1x2x50xi32, #tpu.memory_space<hbm>> -> memref<2x50xi32, #tpu.memory_space<hbm>>
    tpu.enqueue_dma source(%dma_start3A_53 : memref<2x50xi32, #tpu.memory_space<hbm>>) target(%dma_start3A_49 : memref<2x50xi32, #tpu.memory_space<vmem>>) target_semaphore(%arg14 : memref<!tpu.dma_semaphore, #tpu.memory_space<semaphore_mem>>)
    %dma_start3A_54 = arith.constant 3 : i32
    %dma_start3A_55 = arith.constant 3 : i32
    %dma_start3A_56 = arith.constant 0 : i32
    %dma_start3A_57 = arith.constant 0 : i32
    %dma_start3A_58 = tpu.memref_slice %arg5[%dma_start3A_55, %dma_start3A_56, %dma_start3A_57] : memref<8x2x50xi32, #tpu.memory_space<vmem>> -> memref<1x2x50xi32, #tpu.memory_space<vmem>>
    %dma_start3A_59 = tpu.memref_squeeze %dma_start3A_58 : memref<1x2x50xi32, #tpu.memory_space<vmem>> -> memref<2x50xi32, #tpu.memory_space<vmem>>
    %dma_start3A_60 = arith.constant 0 : i32
    %dma_start3A_61 = arith.constant 0 : i32
    %dma_start3A_62 = tpu.memref_slice %arg3[%add3A, %dma_start3A_54, %dma_start3A_60, %dma_start3A_61] : memref<32x200x2x50xi32, #tpu.memory_space<hbm>> -> memref<1x1x2x50xi32, #tpu.memory_space<hbm>>
    %dma_start3A_63 = tpu.memref_squeeze %dma_start3A_62 : memref<1x1x2x50xi32, #tpu.memory_space<hbm>> -> memref<2x50xi32, #tpu.memory_space<hbm>>
    %dma_start3A_64 = arith.constant 0 : i32
    %dma_start3A_65 = arith.constant 0 : i32
    %dma_start3A_66 = tpu.memref_slice %arg5[%dma_start3A_55, %dma_start3A_64, %dma_start3A_65] : memref<8x2x50xi32, #tpu.memory_space<vmem>> -> memref<1x2x50xi32, #tpu.memory_space<vmem>>
    %dma_start3A_67 = tpu.memref_squeeze %dma_start3A_66 : memref<1x2x50xi32, #tpu.memory_space<vmem>> -> memref<2x50xi32, #tpu.memory_space<vmem>>
    %dma_start3A_68 = arith.constant 0 : i32
    %dma_start3A_69 = arith.constant 0 : i32
    %dma_start3A_70 = tpu.memref_slice %arg3[%add3A, %dma_start3A_54, %dma_start3A_68, %dma_start3A_69] : memref<32x200x2x50xi32, #tpu.memory_space<hbm>> -> memref<1x1x2x50xi32, #tpu.memory_space<hbm>>
    %dma_start3A_71 = tpu.memref_squeeze %dma_start3A_70 : memref<1x1x2x50xi32, #tpu.memory_space<hbm>> -> memref<2x50xi32, #tpu.memory_space<hbm>>
    tpu.enqueue_dma source(%dma_start3A_71 : memref<2x50xi32, #tpu.memory_space<hbm>>) target(%dma_start3A_67 : memref<2x50xi32, #tpu.memory_space<vmem>>) target_semaphore(%arg15 : memref<!tpu.dma_semaphore, #tpu.memory_space<semaphore_mem>>)
    %dma_start3A_72 = arith.constant 4 : i32
    %dma_start3A_73 = arith.constant 4 : i32
    %dma_start3A_74 = arith.constant 0 : i32
    %dma_start3A_75 = arith.constant 0 : i32
    %dma_start3A_76 = tpu.memref_slice %arg5[%dma_start3A_73, %dma_start3A_74, %dma_start3A_75] : memref<8x2x50xi32, #tpu.memory_space<vmem>> -> memref<1x2x50xi32, #tpu.memory_space<vmem>>
    %dma_start3A_77 = tpu.memref_squeeze %dma_start3A_76 : memref<1x2x50xi32, #tpu.memory_space<vmem>> -> memref<2x50xi32, #tpu.memory_space<vmem>>
    %dma_start3A_78 = arith.constant 0 : i32
    %dma_start3A_79 = arith.constant 0 : i32
    %dma_start3A_80 = tpu.memref_slice %arg3[%add3A, %dma_start3A_72, %dma_start3A_78, %dma_start3A_79] : memref<32x200x2x50xi32, #tpu.memory_space<hbm>> -> memref<1x1x2x50xi32, #tpu.memory_space<hbm>>
    %dma_start3A_81 = tpu.memref_squeeze %dma_start3A_80 : memref<1x1x2x50xi32, #tpu.memory_space<hbm>> -> memref<2x50xi32, #tpu.memory_space<hbm>>
    %dma_start3A_82 = arith.constant 0 : i32
    %dma_start3A_83 = arith.constant 0 : i32
    %dma_start3A_84 = tpu.memref_slice %arg5[%dma_start3A_73, %dma_start3A_82, %dma_start3A_83] : memref<8x2x50xi32, #tpu.memory_space<vmem>> -> memref<1x2x50xi32, #tpu.memory_space<vmem>>
    %dma_start3A_85 = tpu.memref_squeeze %dma_start3A_84 : memref<1x2x50xi32, #tpu.memory_space<vmem>> -> memref<2x50xi32, #tpu.memory_space<vmem>>
    %dma_start3A_86 = arith.constant 0 : i32
    %dma_start3A_87 = arith.constant 0 : i32
    %dma_start3A_88 = tpu.memref_slice %arg3[%add3A, %dma_start3A_72, %dma_start3A_86, %dma_start3A_87] : memref<32x200x2x50xi32, #tpu.memory_space<hbm>> -> memref<1x1x2x50xi32, #tpu.memory_space<hbm>>
    %dma_start3A_89 = tpu.memref_squeeze %dma_start3A_88 : memref<1x1x2x50xi32, #tpu.memory_space<hbm>> -> memref<2x50xi32, #tpu.memory_space<hbm>>
    tpu.enqueue_dma source(%dma_start3A_89 : memref<2x50xi32, #tpu.memory_space<hbm>>) target(%dma_start3A_85 : memref<2x50xi32, #tpu.memory_space<vmem>>) target_semaphore(%arg16 : memref<!tpu.dma_semaphore, #tpu.memory_space<semaphore_mem>>)
    %dma_start3A_90 = arith.constant 5 : i32
    %dma_start3A_91 = arith.constant 5 : i32
    %dma_start3A_92 = arith.constant 0 : i32
    %dma_start3A_93 = arith.constant 0 : i32
    %dma_start3A_94 = tpu.memref_slice %arg5[%dma_start3A_91, %dma_start3A_92, %dma_start3A_93] : memref<8x2x50xi32, #tpu.memory_space<vmem>> -> memref<1x2x50xi32, #tpu.memory_space<vmem>>
    %dma_start3A_95 = tpu.memref_squeeze %dma_start3A_94 : memref<1x2x50xi32, #tpu.memory_space<vmem>> -> memref<2x50xi32, #tpu.memory_space<vmem>>
    %dma_start3A_96 = arith.constant 0 : i32
    %dma_start3A_97 = arith.constant 0 : i32
    %dma_start3A_98 = tpu.memref_slice %arg3[%add3A, %dma_start3A_90, %dma_start3A_96, %dma_start3A_97] : memref<32x200x2x50xi32, #tpu.memory_space<hbm>> -> memref<1x1x2x50xi32, #tpu.memory_space<hbm>>
    %dma_start3A_99 = tpu.memref_squeeze %dma_start3A_98 : memref<1x1x2x50xi32, #tpu.memory_space<hbm>> -> memref<2x50xi32, #tpu.memory_space<hbm>>
    %dma_start3A_100 = arith.constant 0 : i32
    %dma_start3A_101 = arith.constant 0 : i32
    %dma_start3A_102 = tpu.memref_slice %arg5[%dma_start3A_91, %dma_start3A_100, %dma_start3A_101] : memref<8x2x50xi32, #tpu.memory_space<vmem>> -> memref<1x2x50xi32, #tpu.memory_space<vmem>>
    %dma_start3A_103 = tpu.memref_squeeze %dma_start3A_102 : memref<1x2x50xi32, #tpu.memory_space<vmem>> -> memref<2x50xi32, #tpu.memory_space<vmem>>
    %dma_start3A_104 = arith.constant 0 : i32
    %dma_start3A_105 = arith.constant 0 : i32
    %dma_start3A_106 = tpu.memref_slice %arg3[%add3A, %dma_start3A_90, %dma_start3A_104, %dma_start3A_105] : memref<32x200x2x50xi32, #tpu.memory_space<hbm>> -> memref<1x1x2x50xi32, #tpu.memory_space<hbm>>
    %dma_start3A_107 = tpu.memref_squeeze %dma_start3A_106 : memref<1x1x2x50xi32, #tpu.memory_space<hbm>> -> memref<2x50xi32, #tpu.memory_space<hbm>>
    tpu.enqueue_dma source(%dma_start3A_107 : memref<2x50xi32, #tpu.memory_space<hbm>>) target(%dma_start3A_103 : memref<2x50xi32, #tpu.memory_space<vmem>>) target_semaphore(%arg17 : memref<!tpu.dma_semaphore, #tpu.memory_space<semaphore_mem>>)
    %scan3A = arith.constant 0 : i32
    %scan3A_108 = arith.constant 0 : i32
    %scan3A_109 = arith.constant 64 : i32
    %scan3A_110 = arith.addi %scan3A_108, %scan3A_109 : i32
    %scan3A_111 = arith.constant 1 : i32
    %scan3A_112 = scf.for %scan3A_217 = %scan3A_108 to %scan3A_110 step %scan3A_111 iter_args(%scan3A_218 = %scan3A) -> (i32)  : i32 {
      %scan3A_219 = arith.constant 0 : i32
      %scan3A_220 = arith.constant 0 : i32
      %scan3A_221 = arith.constant 8 : i32
      %scan3A_222 = arith.addi %scan3A_220, %scan3A_221 : i32
      %scan3A_223 = arith.constant 1 : i32
      %scan3A_224 = scf.for %scan3A_227 = %scan3A_220 to %scan3A_222 step %scan3A_223 iter_args(%scan3A_228 = %scan3A_219) -> (i32)  : i32 {
        %broadcast_in_dim3A = arith.constant 0.000000e+00 : f32
        %broadcast_in_dim3A_229 = vector.broadcast %broadcast_in_dim3A : f32 to vector<16xf32>
        %mul3A_230 = arith.constant 16 : i32
        %mul3A_231 = arith.muli %scan3A_227, %mul3A_230 : i32
        %swap3A = arith.index_cast %scan3A_217 : i32 to index
        %swap3A_232 = arith.index_cast %mul3A_231 : i32 to index
        %swap3A_233 = tpu.vector_load %arg10[%swap3A, %swap3A_232] {strides = array<i32>} : memref<64x128xf32, #tpu.memory_space<vmem>>, vector<1x16xf32>,
        %swap3A_234 = vector.shape_cast %swap3A_233 : vector<1x16xf32> to vector<16xf32>
        %swap3A_235 = vector.shape_cast %broadcast_in_dim3A_229 : vector<16xf32> to vector<1x16xf32>
        tpu.vector_store %arg10[%swap3A, %swap3A_232], %swap3A_235 {strides = array<i32>} : memref<64x128xf32, #tpu.memory_space<vmem>>, vector<1x16xf32>,
        %scan3A_236 = arith.constant 0 : i32
        scf.yield %scan3A_236 : i32
      }
      %scan3A_225 = arith.constant 8 : i32
      %scan3A_226 = arith.constant 0 : i32
      scf.yield %scan3A_226 : i32
    }
    %scan3A_113 = arith.constant 64 : i32
    %scan3A_114 = arith.constant 0 : i32
    %scan3A_115 = arith.constant 0 : i32
    %scan3A_116 = arith.constant 10 : i32
    %scan3A_117 = arith.addi %scan3A_115, %scan3A_116 : i32
    %scan3A_118 = arith.constant 1 : i32
    %scan3A_119 = scf.for %scan3A_217 = %scan3A_115 to %scan3A_117 step %scan3A_118 iter_args(%scan3A_218 = %scan3A_114) -> (i32)  : i32 {
      %mul3A_219 = arith.constant 640 : i32
      %mul3A_220 = arith.muli %arg1, %mul3A_219 : i32
      %mul3A_221 = arith.constant 64 : i32
      %mul3A_222 = arith.muli %scan3A_217, %mul3A_221 : i32
      %add3A_223 = arith.addi %mul3A_220, %mul3A_222 : i32
      %dma_start3A_224 = arith.constant 0 : i32
      %dma_start3A_225 = tpu.memref_slice %arg11[%add3A_223, %dma_start3A_224] : memref<10240x128xf32, #tpu.memory_space<vmem_shared>> -> memref<64x128xf32, #tpu.memory_space<vmem_shared>>
      %dma_start3A_226 = arith.constant 0 : i32
      %dma_start3A_227 = tpu.memref_slice %arg11[%add3A_223, %dma_start3A_226] : memref<10240x128xf32, #tpu.memory_space<vmem_shared>> -> memref<64x128xf32, #tpu.memory_space<vmem_shared>>
      tpu.enqueue_dma source(%arg10 : memref<64x128xf32, #tpu.memory_space<vmem>>) target(%dma_start3A_227 : memref<64x128xf32, #tpu.memory_space<vmem_shared>>) target_semaphore(%arg28 : memref<!tpu.dma_semaphore, #tpu.memory_space<semaphore_mem>>)
      %scan3A_228 = arith.constant 0 : i32
      scf.yield %scan3A_228 : i32
    }
    %scan3A_120 = arith.constant 10 : i32
    %dma_wait3A = arith.constant 0 : i32
    %dma_wait3A_121 = arith.constant 0 : i32
    %dma_wait3A_122 = arith.constant 0 : i32
    %dma_wait3A_123 = arith.constant 0 : i32
    %dma_wait3A_124 = tpu.memref_slice %arg5[%dma_wait3A_121, %dma_wait3A_122, %dma_wait3A_123] : memref<8x2x50xi32, #tpu.memory_space<vmem>> -> memref<1x2x50xi32, #tpu.memory_space<vmem>>
    %dma_wait3A_125 = tpu.memref_squeeze %dma_wait3A_124 : memref<1x2x50xi32, #tpu.memory_space<vmem>> -> memref<2x50xi32, #tpu.memory_space<vmem>>
    %dma_wait3A_126 = arith.constant 0 : i32
    %dma_wait3A_127 = arith.constant 0 : i32
    %dma_wait3A_128 = tpu.memref_slice %arg3[%add3A, %dma_wait3A, %dma_wait3A_126, %dma_wait3A_127] : memref<32x200x2x50xi32, #tpu.memory_space<hbm>> -> memref<1x1x2x50xi32, #tpu.memory_space<hbm>>
    %dma_wait3A_129 = tpu.memref_squeeze %dma_wait3A_128 : memref<1x1x2x50xi32, #tpu.memory_space<hbm>> -> memref<2x50xi32, #tpu.memory_space<hbm>>
    %dma_wait3A_130 = arith.constant 0 : i32
    %dma_wait3A_131 = arith.constant 0 : i32
    %dma_wait3A_132 = tpu.memref_slice %arg5[%dma_wait3A_121, %dma_wait3A_130, %dma_wait3A_131] : memref<8x2x50xi32, #tpu.memory_space<vmem>> -> memref<1x2x50xi32, #tpu.memory_space<vmem>>
    %dma_wait3A_133 = tpu.memref_squeeze %dma_wait3A_132 : memref<1x2x50xi32, #tpu.memory_space<vmem>> -> memref<2x50xi32, #tpu.memory_space<vmem>>
    %dma_wait3A_134 = arith.constant 0 : i32
    %dma_wait3A_135 = arith.constant 0 : i32
    %dma_wait3A_136 = tpu.memref_slice %arg3[%add3A, %dma_wait3A, %dma_wait3A_134, %dma_wait3A_135] : memref<32x200x2x50xi32, #tpu.memory_space<hbm>> -> memref<1x1x2x50xi32, #tpu.memory_space<hbm>>
    %dma_wait3A_137 = tpu.memref_squeeze %dma_wait3A_136 : memref<1x1x2x50xi32, #tpu.memory_space<hbm>> -> memref<2x50xi32, #tpu.memory_space<hbm>>
    tpu.wait_dma2 semaphore(%arg12 : memref<!tpu.dma_semaphore, #tpu.memory_space<semaphore_mem>>) src(%dma_wait3A_137 : memref<2x50xi32, #tpu.memory_space<hbm>>) dst(%dma_wait3A_133 : memref<2x50xi32, #tpu.memory_space<vmem>>)
    %dma_start3A_138 = arith.constant 0 : i32
    %dma_start3A_139 = arith.constant 0 : i32
    %dma_start3A_140 = arith.constant 0 : i32
    %dma_start3A_141 = tpu.memref_slice %arg5[%dma_start3A_138, %dma_start3A_139, %dma_start3A_140] : memref<8x2x50xi32, #tpu.memory_space<vmem>> -> memref<1x1x50xi32, #tpu.memory_space<vmem>>
    %dma_start3A_142 = tpu.memref_squeeze %dma_start3A_141 : memref<1x1x50xi32, #tpu.memory_space<vmem>> -> memref<50xi32, #tpu.memory_space<vmem>>
    %dma_start3A_143 = arith.constant 0 : i32
    %dma_start3A_144 = arith.constant 0 : i32
    %dma_start3A_145 = tpu.memref_slice %arg2[%dma_start3A_143, %dma_start3A_144] : memref<10240x128xf32, #tpu.memory_space<hbm>> -> memref<10240x128xf32, #tpu.memory_space<hbm>>
    tpu.enqueue_indirect_dma source(%dma_start3A_145 : memref<10240x128xf32, #tpu.memory_space<hbm>>) target(%arg6 : memref<50x128xf32, #tpu.memory_space<vmem>>) offsets(%dma_start3A_142 : memref<50xi32, #tpu.memory_space<vmem>>) semaphore(%arg20 : memref<!tpu.dma_semaphore, #tpu.memory_space<semaphore_mem>>)
    %dma_wait3A_146 = arith.constant 1 : i32
    %dma_wait3A_147 = arith.constant 1 : i32
    %dma_wait3A_148 = arith.constant 0 : i32
    %dma_wait3A_149 = arith.constant 0 : i32
    %dma_wait3A_150 = tpu.memref_slice %arg5[%dma_wait3A_147, %dma_wait3A_148, %dma_wait3A_149] : memref<8x2x50xi32, #tpu.memory_space<vmem>> -> memref<1x2x50xi32, #tpu.memory_space<vmem>>
    %dma_wait3A_151 = tpu.memref_squeeze %dma_wait3A_150 : memref<1x2x50xi32, #tpu.memory_space<vmem>> -> memref<2x50xi32, #tpu.memory_space<vmem>>
    %dma_wait3A_152 = arith.constant 0 : i32
    %dma_wait3A_153 = arith.constant 0 : i32
    %dma_wait3A_154 = tpu.memref_slice %arg3[%add3A, %dma_wait3A_146, %dma_wait3A_152, %dma_wait3A_153] : memref<32x200x2x50xi32, #tpu.memory_space<hbm>> -> memref<1x1x2x50xi32, #tpu.memory_space<hbm>>
    %dma_wait3A_155 = tpu.memref_squeeze %dma_wait3A_154 : memref<1x1x2x50xi32, #tpu.memory_space<hbm>> -> memref<2x50xi32, #tpu.memory_space<hbm>>
    %dma_wait3A_156 = arith.constant 0 : i32
    %dma_wait3A_157 = arith.constant 0 : i32
    %dma_wait3A_158 = tpu.memref_slice %arg5[%dma_wait3A_147, %dma_wait3A_156, %dma_wait3A_157] : memref<8x2x50xi32, #tpu.memory_space<vmem>> -> memref<1x2x50xi32, #tpu.memory_space<vmem>>
    %dma_wait3A_159 = tpu.memref_squeeze %dma_wait3A_158 : memref<1x2x50xi32, #tpu.memory_space<vmem>> -> memref<2x50xi32, #tpu.memory_space<vmem>>
    %dma_wait3A_160 = arith.constant 0 : i32
    %dma_wait3A_161 = arith.constant 0 : i32
    %dma_wait3A_162 = tpu.memref_slice %arg3[%add3A, %dma_wait3A_146, %dma_wait3A_160, %dma_wait3A_161] : memref<32x200x2x50xi32, #tpu.memory_space<hbm>> -> memref<1x1x2x50xi32, #tpu.memory_space<hbm>>
    %dma_wait3A_163 = tpu.memref_squeeze %dma_wait3A_162 : memref<1x1x2x50xi32, #tpu.memory_space<hbm>> -> memref<2x50xi32, #tpu.memory_space<hbm>>
    tpu.wait_dma2 semaphore(%arg13 : memref<!tpu.dma_semaphore, #tpu.memory_space<semaphore_mem>>) src(%dma_wait3A_163 : memref<2x50xi32, #tpu.memory_space<hbm>>) dst(%dma_wait3A_159 : memref<2x50xi32, #tpu.memory_space<vmem>>)
    %dma_start3A_164 = arith.constant 1 : i32
    %dma_start3A_165 = arith.constant 0 : i32
    %dma_start3A_166 = arith.constant 0 : i32
    %dma_start3A_167 = tpu.memref_slice %arg5[%dma_start3A_164, %dma_start3A_165, %dma_start3A_166] : memref<8x2x50xi32, #tpu.memory_space<vmem>> -> memref<1x1x50xi32, #tpu.memory_space<vmem>>
    %dma_start3A_168 = tpu.memref_squeeze %dma_start3A_167 : memref<1x1x50xi32, #tpu.memory_space<vmem>> -> memref<50xi32, #tpu.memory_space<vmem>>
    %dma_start3A_169 = arith.constant 0 : i32
    %dma_start3A_170 = arith.constant 0 : i32
    %dma_start3A_171 = tpu.memref_slice %arg2[%dma_start3A_169, %dma_start3A_170] : memref<10240x128xf32, #tpu.memory_space<hbm>> -> memref<10240x128xf32, #tpu.memory_space<hbm>>
    tpu.enqueue_indirect_dma source(%dma_start3A_171 : memref<10240x128xf32, #tpu.memory_space<hbm>>) target(%arg7 : memref<50x128xf32, #tpu.memory_space<vmem>>) offsets(%dma_start3A_168 : memref<50xi32, #tpu.memory_space<vmem>>) semaphore(%arg21 : memref<!tpu.dma_semaphore, #tpu.memory_space<semaphore_mem>>)
    %scan3A_172 = arith.constant 0 : i32
    %scan3A_173 = arith.constant 0 : i32
    %scan3A_174 = arith.constant 10 : i32
    %scan3A_175 = arith.addi %scan3A_173, %scan3A_174 : i32
    %scan3A_176 = arith.constant 1 : i32
    %scan3A_177 = scf.for %scan3A_217 = %scan3A_173 to %scan3A_175 step %scan3A_176 iter_args(%scan3A_218 = %scan3A_172) -> (i32)  : i32 {
      %mul3A_219 = arith.constant 640 : i32
      %mul3A_220 = arith.muli %arg1, %mul3A_219 : i32
      %mul3A_221 = arith.constant 64 : i32
      %mul3A_222 = arith.muli %scan3A_217, %mul3A_221 : i32
      %add3A_223 = arith.addi %mul3A_220, %mul3A_222 : i32
      %dma_wait3A_224 = arith.constant 0 : i32
      %dma_wait3A_225 = tpu.memref_slice %arg11[%add3A_223, %dma_wait3A_224] : memref<10240x128xf32, #tpu.memory_space<vmem_shared>> -> memref<64x128xf32, #tpu.memory_space<vmem_shared>>
      %dma_wait3A_226 = arith.constant 0 : i32
      %dma_wait3A_227 = tpu.memref_slice %arg11[%add3A_223, %dma_wait3A_226] : memref<10240x128xf32, #tpu.memory_space<vmem_shared>> -> memref<64x128xf32, #tpu.memory_space<vmem_shared>>
      tpu.wait_dma2 semaphore(%arg28 : memref<!tpu.dma_semaphore, #tpu.memory_space<semaphore_mem>>) src(%arg10 : memref<64x128xf32, #tpu.memory_space<vmem>>) dst(%dma_wait3A_227 : memref<64x128xf32, #tpu.memory_space<vmem_shared>>)
      %scan3A_228 = arith.constant 0 : i32
      scf.yield %scan3A_228 : i32
    }
    %scan3A_178 = arith.constant 10 : i32
    %barrier3A = arith.constant 0 : index
    tpu.barrier barrier_id(%barrier3A)
    %scan3A_179 = arith.constant 0 : i32
    %scan3A_180 = arith.constant 0 : i32
    %scan3A_181 = arith.constant 25 : i32
    %scan3A_182 = arith.addi %scan3A_180, %scan3A_181 : i32
    %scan3A_183 = arith.constant 1 : i32
    %scan3A_184 = scf.for %scan3A_217 = %scan3A_180 to %scan3A_182 step %scan3A_183 iter_args(%scan3A_218 = %scan3A_179) -> (i32)  : i32 {
      %dma_wait3A_219 = arith.constant 0 : i32
      %dma_wait3A_220 = arith.constant 0 : i32
      %dma_wait3A_221 = arith.constant 0 : i32
      %dma_wait3A_222 = tpu.memref_slice %arg5[%dma_wait3A_219, %dma_wait3A_220, %dma_wait3A_221] : memref<8x2x50xi32, #tpu.memory_space<vmem>> -> memref<1x1x50xi32, #tpu.memory_space<vmem>>
      %dma_wait3A_223 = tpu.memref_squeeze %dma_wait3A_222 : memref<1x1x50xi32, #tpu.memory_space<vmem>> -> memref<50xi32, #tpu.memory_space<vmem>>
      %dma_wait3A_224 = arith.constant 0 : i32
      %dma_wait3A_225 = arith.constant 0 : i32
      %dma_wait3A_226 = tpu.memref_slice %arg2[%dma_wait3A_224, %dma_wait3A_225] : memref<10240x128xf32, #tpu.memory_space<hbm>> -> memref<10240x128xf32, #tpu.memory_space<hbm>>
      tpu.wait_indirect_dma semaphore(%arg20 : memref<!tpu.dma_semaphore, #tpu.memory_space<semaphore_mem>>) src(%dma_wait3A_226 : memref<10240x128xf32, #tpu.memory_space<hbm>>) dst(%arg6 : memref<50x128xf32, #tpu.memory_space<vmem>>)
      %dma_start3A_227 = arith.constant 0 : i32
      %dma_start3A_228 = arith.constant 1 : i32
      %dma_start3A_229 = arith.constant 0 : i32
      %dma_start3A_230 = tpu.memref_slice %arg5[%dma_start3A_227, %dma_start3A_228, %dma_start3A_229] : memref<8x2x50xi32, #tpu.memory_space<vmem>> -> memref<1x1x50xi32, #tpu.memory_space<vmem>>
      %dma_start3A_231 = tpu.memref_squeeze %dma_start3A_230 : memref<1x1x50xi32, #tpu.memory_space<vmem>> -> memref<50xi32, #tpu.memory_space<vmem>>
      %dma_start3A_232 = arith.constant 0 : i32
      %dma_start3A_233 = arith.constant 0 : i32
      %dma_start3A_234 = tpu.memref_slice %arg11[%dma_start3A_232, %dma_start3A_233] : memref<10240x128xf32, #tpu.memory_space<vmem_shared>> -> memref<10240x128xf32, #tpu.memory_space<vmem_shared>>
      tpu.enqueue_indirect_dma source(%arg6 : memref<50x128xf32, #tpu.memory_space<vmem>>) target(%dma_start3A_234 : memref<10240x128xf32, #tpu.memory_space<vmem_shared>>) offsets(%dma_start3A_231 : memref<50xi32, #tpu.memory_space<vmem>>) semaphore(%arg24 : memref<!tpu.dma_semaphore, #tpu.memory_space<semaphore_mem>>) {add = true}
      %gt3A = arith.constant 0 : i32
      %gt3A_235 = arith.cmpi sgt, %scan3A_217, %gt3A : i32
      %convert_element_type3A = arith.extui %gt3A_235 : i1 to i32
      %cond3A = arith.constant 0 : i32
      %cond3A_236 = arith.cmpi ne, %convert_element_type3A, %cond3A : i32
      scf.if %cond3A_236 {
        %dma_wait3A_710 = arith.constant 6 : i32
        %dma_wait3A_711 = arith.constant 1 : i32
        %dma_wait3A_712 = arith.constant 0 : i32
        %dma_wait3A_713 = tpu.memref_slice %arg5[%dma_wait3A_710, %dma_wait3A_711, %dma_wait3A_712] : memref<8x2x50xi32, #tpu.memory_space<vmem>> -> memref<1x1x50xi32, #tpu.memory_space<vmem>>
        %dma_wait3A_714 = tpu.memref_squeeze %dma_wait3A_713 : memref<1x1x50xi32, #tpu.memory_space<vmem>> -> memref<50xi32, #tpu.memory_space<vmem>>
        %dma_wait3A_715 = arith.constant 0 : i32
        %dma_wait3A_716 = arith.constant 0 : i32
        %dma_wait3A_717 = tpu.memref_slice %arg11[%dma_wait3A_715, %dma_wait3A_716] : memref<10240x128xf32, #tpu.memory_space<vmem_shared>> -> memref<10240x128xf32, #tpu.memory_space<vmem_shared>>
        tpu.wait_indirect_dma semaphore(%arg26 : memref<!tpu.dma_semaphore, #tpu.memory_space<semaphore_mem>>) src(%arg8 : memref<50x128xf32, #tpu.memory_space<vmem>>) dst(%dma_wait3A_717 : memref<10240x128xf32, #tpu.memory_space<vmem_shared>>)
      } else {
      }
      %mul3A_237 = arith.constant 8 : i32
      %mul3A_238 = arith.muli %scan3A_217, %mul3A_237 : i32
      %add3A_239 = arith.constant 0 : i32
      %add3A_240 = arith.addi %mul3A_238, %add3A_239 : i32
      %add3A_241 = arith.constant 6 : i32
      %add3A_242 = arith.addi %add3A_240, %add3A_241 : i32
      %dma_start3A_243 = arith.constant 6 : i32
      %dma_start3A_244 = arith.constant 0 : i32
      %dma_start3A_245 = arith.constant 0 : i32
      %dma_start3A_246 = tpu.memref_slice %arg5[%dma_start3A_243, %dma_start3A_244, %dma_start3A_245] : memref<8x2x50xi32, #tpu.memory_space<vmem>> -> memref<1x2x50xi32, #tpu.memory_space<vmem>>
      %dma_start3A_247 = tpu.memref_squeeze %dma_start3A_246 : memref<1x2x50xi32, #tpu.memory_space<vmem>> -> memref<2x50xi32, #tpu.memory_space<vmem>>
      %dma_start3A_248 = arith.constant 0 : i32
      %dma_start3A_249 = arith.constant 0 : i32
      %dma_start3A_250 = tpu.memref_slice %arg3[%add3A, %add3A_242, %dma_start3A_248, %dma_start3A_249] : memref<32x200x2x50xi32, #tpu.memory_space<hbm>> -> memref<1x1x2x50xi32, #tpu.memory_space<hbm>>
      %dma_start3A_251 = tpu.memref_squeeze %dma_start3A_250 : memref<1x1x2x50xi32, #tpu.memory_space<hbm>> -> memref<2x50xi32, #tpu.memory_space<hbm>>
      %dma_start3A_252 = arith.constant 0 : i32
      %dma_start3A_253 = arith.constant 0 : i32
      %dma_start3A_254 = tpu.memref_slice %arg5[%dma_start3A_243, %dma_start3A_252, %dma_start3A_253] : memref<8x2x50xi32, #tpu.memory_space<vmem>> -> memref<1x2x50xi32, #tpu.memory_space<vmem>>
      %dma_start3A_255 = tpu.memref_squeeze %dma_start3A_254 : memref<1x2x50xi32, #tpu.memory_space<vmem>> -> memref<2x50xi32, #tpu.memory_space<vmem>>
      %dma_start3A_256 = arith.constant 0 : i32
      %dma_start3A_257 = arith.constant 0 : i32
      %dma_start3A_258 = tpu.memref_slice %arg3[%add3A, %add3A_242, %dma_start3A_256, %dma_start3A_257] : memref<32x200x2x50xi32, #tpu.memory_space<hbm>> -> memref<1x1x2x50xi32, #tpu.memory_space<hbm>>
      %dma_start3A_259 = tpu.memref_squeeze %dma_start3A_258 : memref<1x1x2x50xi32, #tpu.memory_space<hbm>> -> memref<2x50xi32, #tpu.memory_space<hbm>>
      tpu.enqueue_dma source(%dma_start3A_259 : memref<2x50xi32, #tpu.memory_space<hbm>>) target(%dma_start3A_255 : memref<2x50xi32, #tpu.memory_space<vmem>>) target_semaphore(%arg18 : memref<!tpu.dma_semaphore, #tpu.memory_space<semaphore_mem>>)
      %mul3A_260 = arith.constant 8 : i32
      %mul3A_261 = arith.muli %scan3A_217, %mul3A_260 : i32
      %add3A_262 = arith.constant 0 : i32
      %add3A_263 = arith.addi %mul3A_261, %add3A_262 : i32
      %add3A_264 = arith.constant 2 : i32
      %add3A_265 = arith.addi %add3A_263, %add3A_264 : i32
      %dma_wait3A_266 = arith.constant 2 : i32
      %dma_wait3A_267 = arith.constant 0 : i32
      %dma_wait3A_268 = arith.constant 0 : i32
      %dma_wait3A_269 = tpu.memref_slice %arg5[%dma_wait3A_266, %dma_wait3A_267, %dma_wait3A_268] : memref<8x2x50xi32, #tpu.memory_space<vmem>> -> memref<1x2x50xi32, #tpu.memory_space<vmem>>
      %dma_wait3A_270 = tpu.memref_squeeze %dma_wait3A_269 : memref<1x2x50xi32, #tpu.memory_space<vmem>> -> memref<2x50xi32, #tpu.memory_space<vmem>>
      %dma_wait3A_271 = arith.constant 0 : i32
      %dma_wait3A_272 = arith.constant 0 : i32
      %dma_wait3A_273 = tpu.memref_slice %arg3[%add3A, %add3A_265, %dma_wait3A_271, %dma_wait3A_272] : memref<32x200x2x50xi32, #tpu.memory_space<hbm>> -> memref<1x1x2x50xi32, #tpu.memory_space<hbm>>
      %dma_wait3A_274 = tpu.memref_squeeze %dma_wait3A_273 : memref<1x1x2x50xi32, #tpu.memory_space<hbm>> -> memref<2x50xi32, #tpu.memory_space<hbm>>
      %dma_wait3A_275 = arith.constant 0 : i32
      %dma_wait3A_276 = arith.constant 0 : i32
      %dma_wait3A_277 = tpu.memref_slice %arg5[%dma_wait3A_266, %dma_wait3A_275, %dma_wait3A_276] : memref<8x2x50xi32, #tpu.memory_space<vmem>> -> memref<1x2x50xi32, #tpu.memory_space<vmem>>
      %dma_wait3A_278 = tpu.memref_squeeze %dma_wait3A_277 : memref<1x2x50xi32, #tpu.memory_space<vmem>> -> memref<2x50xi32, #tpu.memory_space<vmem>>
      %dma_wait3A_279 = arith.constant 0 : i32
      %dma_wait3A_280 = arith.constant 0 : i32
      %dma_wait3A_281 = tpu.memref_slice %arg3[%add3A, %add3A_265, %dma_wait3A_279, %dma_wait3A_280] : memref<32x200x2x50xi32, #tpu.memory_space<hbm>> -> memref<1x1x2x50xi32, #tpu.memory_space<hbm>>
      %dma_wait3A_282 = tpu.memref_squeeze %dma_wait3A_281 : memref<1x1x2x50xi32, #tpu.memory_space<hbm>> -> memref<2x50xi32, #tpu.memory_space<hbm>>
      tpu.wait_dma2 semaphore(%arg14 : memref<!tpu.dma_semaphore, #tpu.memory_space<semaphore_mem>>) src(%dma_wait3A_282 : memref<2x50xi32, #tpu.memory_space<hbm>>) dst(%dma_wait3A_278 : memref<2x50xi32, #tpu.memory_space<vmem>>)
      %mul3A_283 = arith.constant 8 : i32
      %mul3A_284 = arith.muli %scan3A_217, %mul3A_283 : i32
      %add3A_285 = arith.constant 0 : i32
      %add3A_286 = arith.addi %mul3A_284, %add3A_285 : i32
      %add3A_287 = arith.constant 2 : i32
      %add3A_288 = arith.addi %add3A_286, %add3A_287 : i32
      %dma_start3A_289 = arith.constant 2 : i32
      %dma_start3A_290 = arith.constant 0 : i32
      %dma_start3A_291 = arith.constant 0 : i32
      %dma_start3A_292 = tpu.memref_slice %arg5[%dma_start3A_289, %dma_start3A_290, %dma_start3A_291] : memref<8x2x50xi32, #tpu.memory_space<vmem>> -> memref<1x1x50xi32, #tpu.memory_space<vmem>>
      %dma_start3A_293 = tpu.memref_squeeze %dma_start3A_292 : memref<1x1x50xi32, #tpu.memory_space<vmem>> -> memref<50xi32, #tpu.memory_space<vmem>>
      %dma_start3A_294 = arith.constant 0 : i32
      %dma_start3A_295 = arith.constant 0 : i32
      %dma_start3A_296 = tpu.memref_slice %arg2[%dma_start3A_294, %dma_start3A_295] : memref<10240x128xf32, #tpu.memory_space<hbm>> -> memref<10240x128xf32, #tpu.memory_space<hbm>>
      tpu.enqueue_indirect_dma source(%dma_start3A_296 : memref<10240x128xf32, #tpu.memory_space<hbm>>) target(%arg8 : memref<50x128xf32, #tpu.memory_space<vmem>>) offsets(%dma_start3A_293 : memref<50xi32, #tpu.memory_space<vmem>>) semaphore(%arg22 : memref<!tpu.dma_semaphore, #tpu.memory_space<semaphore_mem>>)
      %dma_wait3A_297 = arith.constant 1 : i32
      %dma_wait3A_298 = arith.constant 0 : i32
      %dma_wait3A_299 = arith.constant 0 : i32
      %dma_wait3A_300 = tpu.memref_slice %arg5[%dma_wait3A_297, %dma_wait3A_298, %dma_wait3A_299] : memref<8x2x50xi32, #tpu.memory_space<vmem>> -> memref<1x1x50xi32, #tpu.memory_space<vmem>>
      %dma_wait3A_301 = tpu.memref_squeeze %dma_wait3A_300 : memref<1x1x50xi32, #tpu.memory_space<vmem>> -> memref<50xi32, #tpu.memory_space<vmem>>
      %dma_wait3A_302 = arith.constant 0 : i32
      %dma_wait3A_303 = arith.constant 0 : i32
      %dma_wait3A_304 = tpu.memref_slice %arg2[%dma_wait3A_302, %dma_wait3A_303] : memref<10240x128xf32, #tpu.memory_space<hbm>> -> memref<10240x128xf32, #tpu.memory_space<hbm>>
      tpu.wait_indirect_dma semaphore(%arg21 : memref<!tpu.dma_semaphore, #tpu.memory_space<semaphore_mem>>) src(%dma_wait3A_304 : memref<10240x128xf32, #tpu.memory_space<hbm>>) dst(%arg7 : memref<50x128xf32, #tpu.memory_space<vmem>>)
      %dma_start3A_305 = arith.constant 1 : i32
      %dma_start3A_306 = arith.constant 1 : i32
      %dma_start3A_307 = arith.constant 0 : i32
      %dma_start3A_308 = tpu.memref_slice %arg5[%dma_start3A_305, %dma_start3A_306, %dma_start3A_307] : memref<8x2x50xi32, #tpu.memory_space<vmem>> -> memref<1x1x50xi32, #tpu.memory_space<vmem>>
      %dma_start3A_309 = tpu.memref_squeeze %dma_start3A_308 : memref<1x1x50xi32, #tpu.memory_space<vmem>> -> memref<50xi32, #tpu.memory_space<vmem>>
      %dma_start3A_310 = arith.constant 0 : i32
      %dma_start3A_311 = arith.constant 0 : i32
      %dma_start3A_312 = tpu.memref_slice %arg11[%dma_start3A_310, %dma_start3A_311] : memref<10240x128xf32, #tpu.memory_space<vmem_shared>> -> memref<10240x128xf32, #tpu.memory_space<vmem_shared>>
      tpu.enqueue_indirect_dma source(%arg7 : memref<50x128xf32, #tpu.memory_space<vmem>>) target(%dma_start3A_312 : memref<10240x128xf32, #tpu.memory_space<vmem_shared>>) offsets(%dma_start3A_309 : memref<50xi32, #tpu.memory_space<vmem>>) semaphore(%arg25 : memref<!tpu.dma_semaphore, #tpu.memory_space<semaphore_mem>>) {add = true}
      %gt3A_313 = arith.constant 0 : i32
      %gt3A_314 = arith.cmpi sgt, %scan3A_217, %gt3A_313 : i32
      %convert_element_type3A_315 = arith.extui %gt3A_314 : i1 to i32
      %cond3A_316 = arith.constant 0 : i32
      %cond3A_317 = arith.cmpi ne, %convert_element_type3A_315, %cond3A_316 : i32
      scf.if %cond3A_317 {
        %dma_wait3A_710 = arith.constant 7 : i32
        %dma_wait3A_711 = arith.constant 1 : i32
        %dma_wait3A_712 = arith.constant 0 : i32
        %dma_wait3A_713 = tpu.memref_slice %arg5[%dma_wait3A_710, %dma_wait3A_711, %dma_wait3A_712] : memref<8x2x50xi32, #tpu.memory_space<vmem>> -> memref<1x1x50xi32, #tpu.memory_space<vmem>>
        %dma_wait3A_714 = tpu.memref_squeeze %dma_wait3A_713 : memref<1x1x50xi32, #tpu.memory_space<vmem>> -> memref<50xi32, #tpu.memory_space<vmem>>
        %dma_wait3A_715 = arith.constant 0 : i32
        %dma_wait3A_716 = arith.constant 0 : i32
        %dma_wait3A_717 = tpu.memref_slice %arg11[%dma_wait3A_715, %dma_wait3A_716] : memref<10240x128xf32, #tpu.memory_space<vmem_shared>> -> memref<10240x128xf32, #tpu.memory_space<vmem_shared>>
        tpu.wait_indirect_dma semaphore(%arg27 : memref<!tpu.dma_semaphore, #tpu.memory_space<semaphore_mem>>) src(%arg9 : memref<50x128xf32, #tpu.memory_space<vmem>>) dst(%dma_wait3A_717 : memref<10240x128xf32, #tpu.memory_space<vmem_shared>>)
      } else {
      }
      %mul3A_318 = arith.constant 8 : i32
      %mul3A_319 = arith.muli %scan3A_217, %mul3A_318 : i32
      %add3A_320 = arith.constant 1 : i32
      %add3A_321 = arith.addi %mul3A_319, %add3A_320 : i32
      %add3A_322 = arith.constant 6 : i32
      %add3A_323 = arith.addi %add3A_321, %add3A_322 : i32
      %dma_start3A_324 = arith.constant 7 : i32
      %dma_start3A_325 = arith.constant 0 : i32
      %dma_start3A_326 = arith.constant 0 : i32
      %dma_start3A_327 = tpu.memref_slice %arg5[%dma_start3A_324, %dma_start3A_325, %dma_start3A_326] : memref<8x2x50xi32, #tpu.memory_space<vmem>> -> memref<1x2x50xi32, #tpu.memory_space<vmem>>
      %dma_start3A_328 = tpu.memref_squeeze %dma_start3A_327 : memref<1x2x50xi32, #tpu.memory_space<vmem>> -> memref<2x50xi32, #tpu.memory_space<vmem>>
      %dma_start3A_329 = arith.constant 0 : i32
      %dma_start3A_330 = arith.constant 0 : i32
      %dma_start3A_331 = tpu.memref_slice %arg3[%add3A, %add3A_323, %dma_start3A_329, %dma_start3A_330] : memref<32x200x2x50xi32, #tpu.memory_space<hbm>> -> memref<1x1x2x50xi32, #tpu.memory_space<hbm>>
      %dma_start3A_332 = tpu.memref_squeeze %dma_start3A_331 : memref<1x1x2x50xi32, #tpu.memory_space<hbm>> -> memref<2x50xi32, #tpu.memory_space<hbm>>
      %dma_start3A_333 = arith.constant 0 : i32
      %dma_start3A_334 = arith.constant 0 : i32
      %dma_start3A_335 = tpu.memref_slice %arg5[%dma_start3A_324, %dma_start3A_333, %dma_start3A_334] : memref<8x2x50xi32, #tpu.memory_space<vmem>> -> memref<1x2x50xi32, #tpu.memory_space<vmem>>
      %dma_start3A_336 = tpu.memref_squeeze %dma_start3A_335 : memref<1x2x50xi32, #tpu.memory_space<vmem>> -> memref<2x50xi32, #tpu.memory_space<vmem>>
      %dma_start3A_337 = arith.constant 0 : i32
      %dma_start3A_338 = arith.constant 0 : i32
      %dma_start3A_339 = tpu.memref_slice %arg3[%add3A, %add3A_323, %dma_start3A_337, %dma_start3A_338] : memref<32x200x2x50xi32, #tpu.memory_space<hbm>> -> memref<1x1x2x50xi32, #tpu.memory_space<hbm>>
      %dma_start3A_340 = tpu.memref_squeeze %dma_start3A_339 : memref<1x1x2x50xi32, #tpu.memory_space<hbm>> -> memref<2x50xi32, #tpu.memory_space<hbm>>
      tpu.enqueue_dma source(%dma_start3A_340 : memref<2x50xi32, #tpu.memory_space<hbm>>) target(%dma_start3A_336 : memref<2x50xi32, #tpu.memory_space<vmem>>) target_semaphore(%arg19 : memref<!tpu.dma_semaphore, #tpu.memory_space<semaphore_mem>>)
      %mul3A_341 = arith.constant 8 : i32
      %mul3A_342 = arith.muli %scan3A_217, %mul3A_341 : i32
      %add3A_343 = arith.constant 1 : i32
      %add3A_344 = arith.addi %mul3A_342, %add3A_343 : i32
      %add3A_345 = arith.constant 2 : i32
      %add3A_346 = arith.addi %add3A_344, %add3A_345 : i32
      %dma_wait3A_347 = arith.constant 3 : i32
      %dma_wait3A_348 = arith.constant 0 : i32
      %dma_wait3A_349 = arith.constant 0 : i32
      %dma_wait3A_350 = tpu.memref_slice %arg5[%dma_wait3A_347, %dma_wait3A_348, %dma_wait3A_349] : memref<8x2x50xi32, #tpu.memory_space<vmem>> -> memref<1x2x50xi32, #tpu.memory_space<vmem>>
      %dma_wait3A_351 = tpu.memref_squeeze %dma_wait3A_350 : memref<1x2x50xi32, #tpu.memory_space<vmem>> -> memref<2x50xi32, #tpu.memory_space<vmem>>
      %dma_wait3A_352 = arith.constant 0 : i32
      %dma_wait3A_353 = arith.constant 0 : i32
      %dma_wait3A_354 = tpu.memref_slice %arg3[%add3A, %add3A_346, %dma_wait3A_352, %dma_wait3A_353] : memref<32x200x2x50xi32, #tpu.memory_space<hbm>> -> memref<1x1x2x50xi32, #tpu.memory_space<hbm>>
      %dma_wait3A_355 = tpu.memref_squeeze %dma_wait3A_354 : memref<1x1x2x50xi32, #tpu.memory_space<hbm>> -> memref<2x50xi32, #tpu.memory_space<hbm>>
      %dma_wait3A_356 = arith.constant 0 : i32
      %dma_wait3A_357 = arith.constant 0 : i32
      %dma_wait3A_358 = tpu.memref_slice %arg5[%dma_wait3A_347, %dma_wait3A_356, %dma_wait3A_357] : memref<8x2x50xi32, #tpu.memory_space<vmem>> -> memref<1x2x50xi32, #tpu.memory_space<vmem>>
      %dma_wait3A_359 = tpu.memref_squeeze %dma_wait3A_358 : memref<1x2x50xi32, #tpu.memory_space<vmem>> -> memref<2x50xi32, #tpu.memory_space<vmem>>
      %dma_wait3A_360 = arith.constant 0 : i32
      %dma_wait3A_361 = arith.constant 0 : i32
      %dma_wait3A_362 = tpu.memref_slice %arg3[%add3A, %add3A_346, %dma_wait3A_360, %dma_wait3A_361] : memref<32x200x2x50xi32, #tpu.memory_space<hbm>> -> memref<1x1x2x50xi32, #tpu.memory_space<hbm>>
      %dma_wait3A_363 = tpu.memref_squeeze %dma_wait3A_362 : memref<1x1x2x50xi32, #tpu.memory_space<hbm>> -> memref<2x50xi32, #tpu.memory_space<hbm>>
      tpu.wait_dma2 semaphore(%arg15 : memref<!tpu.dma_semaphore, #tpu.memory_space<semaphore_mem>>) src(%dma_wait3A_363 : memref<2x50xi32, #tpu.memory_space<hbm>>) dst(%dma_wait3A_359 : memref<2x50xi32, #tpu.memory_space<vmem>>)
      %mul3A_364 = arith.constant 8 : i32
      %mul3A_365 = arith.muli %scan3A_217, %mul3A_364 : i32
      %add3A_366 = arith.constant 1 : i32
      %add3A_367 = arith.addi %mul3A_365, %add3A_366 : i32
      %add3A_368 = arith.constant 2 : i32
      %add3A_369 = arith.addi %add3A_367, %add3A_368 : i32
      %dma_start3A_370 = arith.constant 3 : i32
      %dma_start3A_371 = arith.constant 0 : i32
      %dma_start3A_372 = arith.constant 0 : i32
      %dma_start3A_373 = tpu.memref_slice %arg5[%dma_start3A_370, %dma_start3A_371, %dma_start3A_372] : memref<8x2x50xi32, #tpu.memory_space<vmem>> -> memref<1x1x50xi32, #tpu.memory_space<vmem>>
      %dma_start3A_374 = tpu.memref_squeeze %dma_start3A_373 : memref<1x1x50xi32, #tpu.memory_space<vmem>> -> memref<50xi32, #tpu.memory_space<vmem>>
      %dma_start3A_375 = arith.constant 0 : i32
      %dma_start3A_376 = arith.constant 0 : i32
      %dma_start3A_377 = tpu.memref_slice %arg2[%dma_start3A_375, %dma_start3A_376] : memref<10240x128xf32, #tpu.memory_space<hbm>> -> memref<10240x128xf32, #tpu.memory_space<hbm>>
      tpu.enqueue_indirect_dma source(%dma_start3A_377 : memref<10240x128xf32, #tpu.memory_space<hbm>>) target(%arg9 : memref<50x128xf32, #tpu.memory_space<vmem>>) offsets(%dma_start3A_374 : memref<50xi32, #tpu.memory_space<vmem>>) semaphore(%arg23 : memref<!tpu.dma_semaphore, #tpu.memory_space<semaphore_mem>>)
      %dma_wait3A_378 = arith.constant 2 : i32
      %dma_wait3A_379 = arith.constant 0 : i32
      %dma_wait3A_380 = arith.constant 0 : i32
      %dma_wait3A_381 = tpu.memref_slice %arg5[%dma_wait3A_378, %dma_wait3A_379, %dma_wait3A_380] : memref<8x2x50xi32, #tpu.memory_space<vmem>> -> memref<1x1x50xi32, #tpu.memory_space<vmem>>
      %dma_wait3A_382 = tpu.memref_squeeze %dma_wait3A_381 : memref<1x1x50xi32, #tpu.memory_space<vmem>> -> memref<50xi32, #tpu.memory_space<vmem>>
      %dma_wait3A_383 = arith.constant 0 : i32
      %dma_wait3A_384 = arith.constant 0 : i32
      %dma_wait3A_385 = tpu.memref_slice %arg2[%dma_wait3A_383, %dma_wait3A_384] : memref<10240x128xf32, #tpu.memory_space<hbm>> -> memref<10240x128xf32, #tpu.memory_space<hbm>>
      tpu.wait_indirect_dma semaphore(%arg22 : memref<!tpu.dma_semaphore, #tpu.memory_space<semaphore_mem>>) src(%dma_wait3A_385 : memref<10240x128xf32, #tpu.memory_space<hbm>>) dst(%arg8 : memref<50x128xf32, #tpu.memory_space<vmem>>)
      %dma_start3A_386 = arith.constant 2 : i32
      %dma_start3A_387 = arith.constant 1 : i32
      %dma_start3A_388 = arith.constant 0 : i32
      %dma_start3A_389 = tpu.memref_slice %arg5[%dma_start3A_386, %dma_start3A_387, %dma_start3A_388] : memref<8x2x50xi32, #tpu.memory_space<vmem>> -> memref<1x1x50xi32, #tpu.memory_space<vmem>>
      %dma_start3A_390 = tpu.memref_squeeze %dma_start3A_389 : memref<1x1x50xi32, #tpu.memory_space<vmem>> -> memref<50xi32, #tpu.memory_space<vmem>>
      %dma_start3A_391 = arith.constant 0 : i32
      %dma_start3A_392 = arith.constant 0 : i32
      %dma_start3A_393 = tpu.memref_slice %arg11[%dma_start3A_391, %dma_start3A_392] : memref<10240x128xf32, #tpu.memory_space<vmem_shared>> -> memref<10240x128xf32, #tpu.memory_space<vmem_shared>>
      tpu.enqueue_indirect_dma source(%arg8 : memref<50x128xf32, #tpu.memory_space<vmem>>) target(%dma_start3A_393 : memref<10240x128xf32, #tpu.memory_space<vmem_shared>>) offsets(%dma_start3A_390 : memref<50xi32, #tpu.memory_space<vmem>>) semaphore(%arg26 : memref<!tpu.dma_semaphore, #tpu.memory_space<semaphore_mem>>) {add = true}
      %dma_wait3A_394 = arith.constant 0 : i32
      %dma_wait3A_395 = arith.constant 1 : i32
      %dma_wait3A_396 = arith.constant 0 : i32
      %dma_wait3A_397 = tpu.memref_slice %arg5[%dma_wait3A_394, %dma_wait3A_395, %dma_wait3A_396] : memref<8x2x50xi32, #tpu.memory_space<vmem>> -> memref<1x1x50xi32, #tpu.memory_space<vmem>>
      %dma_wait3A_398 = tpu.memref_squeeze %dma_wait3A_397 : memref<1x1x50xi32, #tpu.memory_space<vmem>> -> memref<50xi32, #tpu.memory_space<vmem>>
      %dma_wait3A_399 = arith.constant 0 : i32
      %dma_wait3A_400 = arith.constant 0 : i32
      %dma_wait3A_401 = tpu.memref_slice %arg11[%dma_wait3A_399, %dma_wait3A_400] : memref<10240x128xf32, #tpu.memory_space<vmem_shared>> -> memref<10240x128xf32, #tpu.memory_space<vmem_shared>>
      tpu.wait_indirect_dma semaphore(%arg24 : memref<!tpu.dma_semaphore, #tpu.memory_space<semaphore_mem>>) src(%arg6 : memref<50x128xf32, #tpu.memory_space<vmem>>) dst(%dma_wait3A_401 : memref<10240x128xf32, #tpu.memory_space<vmem_shared>>)
      %lt3A = arith.constant 24 : i32
      %lt3A_402 = arith.cmpi slt, %scan3A_217, %lt3A : i32
      %convert_element_type3A_403 = arith.extui %lt3A_402 : i1 to i32
      %cond3A_404 = arith.constant 0 : i32
      %cond3A_405 = arith.cmpi ne, %convert_element_type3A_403, %cond3A_404 : i32
      scf.if %cond3A_405 {
        %mul3A_710 = arith.constant 8 : i32
        %mul3A_711 = arith.muli %scan3A_217, %mul3A_710 : i32
        %add3A_712 = arith.constant 2 : i32
        %add3A_713 = arith.addi %mul3A_711, %add3A_712 : i32
        %add3A_714 = arith.constant 6 : i32
        %add3A_715 = arith.addi %add3A_713, %add3A_714 : i32
        %dma_start3A_716 = arith.constant 0 : i32
        %dma_start3A_717 = arith.constant 0 : i32
        %dma_start3A_718 = arith.constant 0 : i32
        %dma_start3A_719 = tpu.memref_slice %arg5[%dma_start3A_716, %dma_start3A_717, %dma_start3A_718] : memref<8x2x50xi32, #tpu.memory_space<vmem>> -> memref<1x2x50xi32, #tpu.memory_space<vmem>>
        %dma_start3A_720 = tpu.memref_squeeze %dma_start3A_719 : memref<1x2x50xi32, #tpu.memory_space<vmem>> -> memref<2x50xi32, #tpu.memory_space<vmem>>
        %dma_start3A_721 = arith.constant 0 : i32
        %dma_start3A_722 = arith.constant 0 : i32
        %dma_start3A_723 = tpu.memref_slice %arg3[%add3A, %add3A_715, %dma_start3A_721, %dma_start3A_722] : memref<32x200x2x50xi32, #tpu.memory_space<hbm>> -> memref<1x1x2x50xi32, #tpu.memory_space<hbm>>
        %dma_start3A_724 = tpu.memref_squeeze %dma_start3A_723 : memref<1x1x2x50xi32, #tpu.memory_space<hbm>> -> memref<2x50xi32, #tpu.memory_space<hbm>>
        %dma_start3A_725 = arith.constant 0 : i32
        %dma_start3A_726 = arith.constant 0 : i32
        %dma_start3A_727 = tpu.memref_slice %arg5[%dma_start3A_716, %dma_start3A_725, %dma_start3A_726] : memref<8x2x50xi32, #tpu.memory_space<vmem>> -> memref<1x2x50xi32, #tpu.memory_space<vmem>>
        %dma_start3A_728 = tpu.memref_squeeze %dma_start3A_727 : memref<1x2x50xi32, #tpu.memory_space<vmem>> -> memref<2x50xi32, #tpu.memory_space<vmem>>
        %dma_start3A_729 = arith.constant 0 : i32
        %dma_start3A_730 = arith.constant 0 : i32
        %dma_start3A_731 = tpu.memref_slice %arg3[%add3A, %add3A_715, %dma_start3A_729, %dma_start3A_730] : memref<32x200x2x50xi32, #tpu.memory_space<hbm>> -> memref<1x1x2x50xi32, #tpu.memory_space<hbm>>
        %dma_start3A_732 = tpu.memref_squeeze %dma_start3A_731 : memref<1x1x2x50xi32, #tpu.memory_space<hbm>> -> memref<2x50xi32, #tpu.memory_space<hbm>>
        tpu.enqueue_dma source(%dma_start3A_732 : memref<2x50xi32, #tpu.memory_space<hbm>>) target(%dma_start3A_728 : memref<2x50xi32, #tpu.memory_space<vmem>>) target_semaphore(%arg12 : memref<!tpu.dma_semaphore, #tpu.memory_space<semaphore_mem>>)
      } else {
      }
      %mul3A_406 = arith.constant 8 : i32
      %mul3A_407 = arith.muli %scan3A_217, %mul3A_406 : i32
      %add3A_408 = arith.constant 2 : i32
      %add3A_409 = arith.addi %mul3A_407, %add3A_408 : i32
      %add3A_410 = arith.constant 2 : i32
      %add3A_411 = arith.addi %add3A_409, %add3A_410 : i32
      %dma_wait3A_412 = arith.constant 4 : i32
      %dma_wait3A_413 = arith.constant 0 : i32
      %dma_wait3A_414 = arith.constant 0 : i32
      %dma_wait3A_415 = tpu.memref_slice %arg5[%dma_wait3A_412, %dma_wait3A_413, %dma_wait3A_414] : memref<8x2x50xi32, #tpu.memory_space<vmem>> -> memref<1x2x50xi32, #tpu.memory_space<vmem>>
      %dma_wait3A_416 = tpu.memref_squeeze %dma_wait3A_415 : memref<1x2x50xi32, #tpu.memory_space<vmem>> -> memref<2x50xi32, #tpu.memory_space<vmem>>
      %dma_wait3A_417 = arith.constant 0 : i32
      %dma_wait3A_418 = arith.constant 0 : i32
      %dma_wait3A_419 = tpu.memref_slice %arg3[%add3A, %add3A_411, %dma_wait3A_417, %dma_wait3A_418] : memref<32x200x2x50xi32, #tpu.memory_space<hbm>> -> memref<1x1x2x50xi32, #tpu.memory_space<hbm>>
      %dma_wait3A_420 = tpu.memref_squeeze %dma_wait3A_419 : memref<1x1x2x50xi32, #tpu.memory_space<hbm>> -> memref<2x50xi32, #tpu.memory_space<hbm>>
      %dma_wait3A_421 = arith.constant 0 : i32
      %dma_wait3A_422 = arith.constant 0 : i32
      %dma_wait3A_423 = tpu.memref_slice %arg5[%dma_wait3A_412, %dma_wait3A_421, %dma_wait3A_422] : memref<8x2x50xi32, #tpu.memory_space<vmem>> -> memref<1x2x50xi32, #tpu.memory_space<vmem>>
      %dma_wait3A_424 = tpu.memref_squeeze %dma_wait3A_423 : memref<1x2x50xi32, #tpu.memory_space<vmem>> -> memref<2x50xi32, #tpu.memory_space<vmem>>
      %dma_wait3A_425 = arith.constant 0 : i32
      %dma_wait3A_426 = arith.constant 0 : i32
      %dma_wait3A_427 = tpu.memref_slice %arg3[%add3A, %add3A_411, %dma_wait3A_425, %dma_wait3A_426] : memref<32x200x2x50xi32, #tpu.memory_space<hbm>> -> memref<1x1x2x50xi32, #tpu.memory_space<hbm>>
      %dma_wait3A_428 = tpu.memref_squeeze %dma_wait3A_427 : memref<1x1x2x50xi32, #tpu.memory_space<hbm>> -> memref<2x50xi32, #tpu.memory_space<hbm>>
      tpu.wait_dma2 semaphore(%arg16 : memref<!tpu.dma_semaphore, #tpu.memory_space<semaphore_mem>>) src(%dma_wait3A_428 : memref<2x50xi32, #tpu.memory_space<hbm>>) dst(%dma_wait3A_424 : memref<2x50xi32, #tpu.memory_space<vmem>>)
      %mul3A_429 = arith.constant 8 : i32
      %mul3A_430 = arith.muli %scan3A_217, %mul3A_429 : i32
      %add3A_431 = arith.constant 2 : i32
      %add3A_432 = arith.addi %mul3A_430, %add3A_431 : i32
      %add3A_433 = arith.constant 2 : i32
      %add3A_434 = arith.addi %add3A_432, %add3A_433 : i32
      %dma_start3A_435 = arith.constant 4 : i32
      %dma_start3A_436 = arith.constant 0 : i32
      %dma_start3A_437 = arith.constant 0 : i32
      %dma_start3A_438 = tpu.memref_slice %arg5[%dma_start3A_435, %dma_start3A_436, %dma_start3A_437] : memref<8x2x50xi32, #tpu.memory_space<vmem>> -> memref<1x1x50xi32, #tpu.memory_space<vmem>>
      %dma_start3A_439 = tpu.memref_squeeze %dma_start3A_438 : memref<1x1x50xi32, #tpu.memory_space<vmem>> -> memref<50xi32, #tpu.memory_space<vmem>>
      %dma_start3A_440 = arith.constant 0 : i32
      %dma_start3A_441 = arith.constant 0 : i32
      %dma_start3A_442 = tpu.memref_slice %arg2[%dma_start3A_440, %dma_start3A_441] : memref<10240x128xf32, #tpu.memory_space<hbm>> -> memref<10240x128xf32, #tpu.memory_space<hbm>>
      tpu.enqueue_indirect_dma source(%dma_start3A_442 : memref<10240x128xf32, #tpu.memory_space<hbm>>) target(%arg6 : memref<50x128xf32, #tpu.memory_space<vmem>>) offsets(%dma_start3A_439 : memref<50xi32, #tpu.memory_space<vmem>>) semaphore(%arg20 : memref<!tpu.dma_semaphore, #tpu.memory_space<semaphore_mem>>)
      %dma_wait3A_443 = arith.constant 3 : i32
      %dma_wait3A_444 = arith.constant 0 : i32
      %dma_wait3A_445 = arith.constant 0 : i32
      %dma_wait3A_446 = tpu.memref_slice %arg5[%dma_wait3A_443, %dma_wait3A_444, %dma_wait3A_445] : memref<8x2x50xi32, #tpu.memory_space<vmem>> -> memref<1x1x50xi32, #tpu.memory_space<vmem>>
      %dma_wait3A_447 = tpu.memref_squeeze %dma_wait3A_446 : memref<1x1x50xi32, #tpu.memory_space<vmem>> -> memref<50xi32, #tpu.memory_space<vmem>>
      %dma_wait3A_448 = arith.constant 0 : i32
      %dma_wait3A_449 = arith.constant 0 : i32
      %dma_wait3A_450 = tpu.memref_slice %arg2[%dma_wait3A_448, %dma_wait3A_449] : memref<10240x128xf32, #tpu.memory_space<hbm>> -> memref<10240x128xf32, #tpu.memory_space<hbm>>
      tpu.wait_indirect_dma semaphore(%arg23 : memref<!tpu.dma_semaphore, #tpu.memory_space<semaphore_mem>>) src(%dma_wait3A_450 : memref<10240x128xf32, #tpu.memory_space<hbm>>) dst(%arg9 : memref<50x128xf32, #tpu.memory_space<vmem>>)
      %dma_start3A_451 = arith.constant 3 : i32
      %dma_start3A_452 = arith.constant 1 : i32
      %dma_start3A_453 = arith.constant 0 : i32
      %dma_start3A_454 = tpu.memref_slice %arg5[%dma_start3A_451, %dma_start3A_452, %dma_start3A_453] : memref<8x2x50xi32, #tpu.memory_space<vmem>> -> memref<1x1x50xi32, #tpu.memory_space<vmem>>
      %dma_start3A_455 = tpu.memref_squeeze %dma_start3A_454 : memref<1x1x50xi32, #tpu.memory_space<vmem>> -> memref<50xi32, #tpu.memory_space<vmem>>
      %dma_start3A_456 = arith.constant 0 : i32
      %dma_start3A_457 = arith.constant 0 : i32
      %dma_start3A_458 = tpu.memref_slice %arg11[%dma_start3A_456, %dma_start3A_457] : memref<10240x128xf32, #tpu.memory_space<vmem_shared>> -> memref<10240x128xf32, #tpu.memory_space<vmem_shared>>
      tpu.enqueue_indirect_dma source(%arg9 : memref<50x128xf32, #tpu.memory_space<vmem>>) target(%dma_start3A_458 : memref<10240x128xf32, #tpu.memory_space<vmem_shared>>) offsets(%dma_start3A_455 : memref<50xi32, #tpu.memory_space<vmem>>) semaphore(%arg27 : memref<!tpu.dma_semaphore, #tpu.memory_space<semaphore_mem>>) {add = true}
      %dma_wait3A_459 = arith.constant 1 : i32
      %dma_wait3A_460 = arith.constant 1 : i32
      %dma_wait3A_461 = arith.constant 0 : i32
      %dma_wait3A_462 = tpu.memref_slice %arg5[%dma_wait3A_459, %dma_wait3A_460, %dma_wait3A_461] : memref<8x2x50xi32, #tpu.memory_space<vmem>> -> memref<1x1x50xi32, #tpu.memory_space<vmem>>
      %dma_wait3A_463 = tpu.memref_squeeze %dma_wait3A_462 : memref<1x1x50xi32, #tpu.memory_space<vmem>> -> memref<50xi32, #tpu.memory_space<vmem>>
      %dma_wait3A_464 = arith.constant 0 : i32
      %dma_wait3A_465 = arith.constant 0 : i32
      %dma_wait3A_466 = tpu.memref_slice %arg11[%dma_wait3A_464, %dma_wait3A_465] : memref<10240x128xf32, #tpu.memory_space<vmem_shared>> -> memref<10240x128xf32, #tpu.memory_space<vmem_shared>>
      tpu.wait_indirect_dma semaphore(%arg25 : memref<!tpu.dma_semaphore, #tpu.memory_space<semaphore_mem>>) src(%arg7 : memref<50x128xf32, #tpu.memory_space<vmem>>) dst(%dma_wait3A_466 : memref<10240x128xf32, #tpu.memory_space<vmem_shared>>)
      %lt3A_467 = arith.constant 24 : i32
      %lt3A_468 = arith.cmpi slt, %scan3A_217, %lt3A_467 : i32
      %convert_element_type3A_469 = arith.extui %lt3A_468 : i1 to i32
      %cond3A_470 = arith.constant 0 : i32
      %cond3A_471 = arith.cmpi ne, %convert_element_type3A_469, %cond3A_470 : i32
      scf.if %cond3A_471 {
        %mul3A_710 = arith.constant 8 : i32
        %mul3A_711 = arith.muli %scan3A_217, %mul3A_710 : i32
        %add3A_712 = arith.constant 3 : i32
        %add3A_713 = arith.addi %mul3A_711, %add3A_712 : i32
        %add3A_714 = arith.constant 6 : i32
        %add3A_715 = arith.addi %add3A_713, %add3A_714 : i32
        %dma_start3A_716 = arith.constant 1 : i32
        %dma_start3A_717 = arith.constant 0 : i32
        %dma_start3A_718 = arith.constant 0 : i32
        %dma_start3A_719 = tpu.memref_slice %arg5[%dma_start3A_716, %dma_start3A_717, %dma_start3A_718] : memref<8x2x50xi32, #tpu.memory_space<vmem>> -> memref<1x2x50xi32, #tpu.memory_space<vmem>>
        %dma_start3A_720 = tpu.memref_squeeze %dma_start3A_719 : memref<1x2x50xi32, #tpu.memory_space<vmem>> -> memref<2x50xi32, #tpu.memory_space<vmem>>
        %dma_start3A_721 = arith.constant 0 : i32
        %dma_start3A_722 = arith.constant 0 : i32
        %dma_start3A_723 = tpu.memref_slice %arg3[%add3A, %add3A_715, %dma_start3A_721, %dma_start3A_722] : memref<32x200x2x50xi32, #tpu.memory_space<hbm>> -> memref<1x1x2x50xi32, #tpu.memory_space<hbm>>
        %dma_start3A_724 = tpu.memref_squeeze %dma_start3A_723 : memref<1x1x2x50xi32, #tpu.memory_space<hbm>> -> memref<2x50xi32, #tpu.memory_space<hbm>>
        %dma_start3A_725 = arith.constant 0 : i32
        %dma_start3A_726 = arith.constant 0 : i32
        %dma_start3A_727 = tpu.memref_slice %arg5[%dma_start3A_716, %dma_start3A_725, %dma_start3A_726] : memref<8x2x50xi32, #tpu.memory_space<vmem>> -> memref<1x2x50xi32, #tpu.memory_space<vmem>>
        %dma_start3A_728 = tpu.memref_squeeze %dma_start3A_727 : memref<1x2x50xi32, #tpu.memory_space<vmem>> -> memref<2x50xi32, #tpu.memory_space<vmem>>
        %dma_start3A_729 = arith.constant 0 : i32
        %dma_start3A_730 = arith.constant 0 : i32
        %dma_start3A_731 = tpu.memref_slice %arg3[%add3A, %add3A_715, %dma_start3A_729, %dma_start3A_730] : memref<32x200x2x50xi32, #tpu.memory_space<hbm>> -> memref<1x1x2x50xi32, #tpu.memory_space<hbm>>
        %dma_start3A_732 = tpu.memref_squeeze %dma_start3A_731 : memref<1x1x2x50xi32, #tpu.memory_space<hbm>> -> memref<2x50xi32, #tpu.memory_space<hbm>>
        tpu.enqueue_dma source(%dma_start3A_732 : memref<2x50xi32, #tpu.memory_space<hbm>>) target(%dma_start3A_728 : memref<2x50xi32, #tpu.memory_space<vmem>>) target_semaphore(%arg13 : memref<!tpu.dma_semaphore, #tpu.memory_space<semaphore_mem>>)
      } else {
      }
      %mul3A_472 = arith.constant 8 : i32
      %mul3A_473 = arith.muli %scan3A_217, %mul3A_472 : i32
      %add3A_474 = arith.constant 3 : i32
      %add3A_475 = arith.addi %mul3A_473, %add3A_474 : i32
      %add3A_476 = arith.constant 2 : i32
      %add3A_477 = arith.addi %add3A_475, %add3A_476 : i32
      %dma_wait3A_478 = arith.constant 5 : i32
      %dma_wait3A_479 = arith.constant 0 : i32
      %dma_wait3A_480 = arith.constant 0 : i32
      %dma_wait3A_481 = tpu.memref_slice %arg5[%dma_wait3A_478, %dma_wait3A_479, %dma_wait3A_480] : memref<8x2x50xi32, #tpu.memory_space<vmem>> -> memref<1x2x50xi32, #tpu.memory_space<vmem>>
      %dma_wait3A_482 = tpu.memref_squeeze %dma_wait3A_481 : memref<1x2x50xi32, #tpu.memory_space<vmem>> -> memref<2x50xi32, #tpu.memory_space<vmem>>
      %dma_wait3A_483 = arith.constant 0 : i32
      %dma_wait3A_484 = arith.constant 0 : i32
      %dma_wait3A_485 = tpu.memref_slice %arg3[%add3A, %add3A_477, %dma_wait3A_483, %dma_wait3A_484] : memref<32x200x2x50xi32, #tpu.memory_space<hbm>> -> memref<1x1x2x50xi32, #tpu.memory_space<hbm>>
      %dma_wait3A_486 = tpu.memref_squeeze %dma_wait3A_485 : memref<1x1x2x50xi32, #tpu.memory_space<hbm>> -> memref<2x50xi32, #tpu.memory_space<hbm>>
      %dma_wait3A_487 = arith.constant 0 : i32
      %dma_wait3A_488 = arith.constant 0 : i32
      %dma_wait3A_489 = tpu.memref_slice %arg5[%dma_wait3A_478, %dma_wait3A_487, %dma_wait3A_488] : memref<8x2x50xi32, #tpu.memory_space<vmem>> -> memref<1x2x50xi32, #tpu.memory_space<vmem>>
      %dma_wait3A_490 = tpu.memref_squeeze %dma_wait3A_489 : memref<1x2x50xi32, #tpu.memory_space<vmem>> -> memref<2x50xi32, #tpu.memory_space<vmem>>
      %dma_wait3A_491 = arith.constant 0 : i32
      %dma_wait3A_492 = arith.constant 0 : i32
      %dma_wait3A_493 = tpu.memref_slice %arg3[%add3A, %add3A_477, %dma_wait3A_491, %dma_wait3A_492] : memref<32x200x2x50xi32, #tpu.memory_space<hbm>> -> memref<1x1x2x50xi32, #tpu.memory_space<hbm>>
      %dma_wait3A_494 = tpu.memref_squeeze %dma_wait3A_493 : memref<1x1x2x50xi32, #tpu.memory_space<hbm>> -> memref<2x50xi32, #tpu.memory_space<hbm>>
      tpu.wait_dma2 semaphore(%arg17 : memref<!tpu.dma_semaphore, #tpu.memory_space<semaphore_mem>>) src(%dma_wait3A_494 : memref<2x50xi32, #tpu.memory_space<hbm>>) dst(%dma_wait3A_490 : memref<2x50xi32, #tpu.memory_space<vmem>>)
      %mul3A_495 = arith.constant 8 : i32
      %mul3A_496 = arith.muli %scan3A_217, %mul3A_495 : i32
      %add3A_497 = arith.constant 3 : i32
      %add3A_498 = arith.addi %mul3A_496, %add3A_497 : i32
      %add3A_499 = arith.constant 2 : i32
      %add3A_500 = arith.addi %add3A_498, %add3A_499 : i32
      %dma_start3A_501 = arith.constant 5 : i32
      %dma_start3A_502 = arith.constant 0 : i32
      %dma_start3A_503 = arith.constant 0 : i32
      %dma_start3A_504 = tpu.memref_slice %arg5[%dma_start3A_501, %dma_start3A_502, %dma_start3A_503] : memref<8x2x50xi32, #tpu.memory_space<vmem>> -> memref<1x1x50xi32, #tpu.memory_space<vmem>>
      %dma_start3A_505 = tpu.memref_squeeze %dma_start3A_504 : memref<1x1x50xi32, #tpu.memory_space<vmem>> -> memref<50xi32, #tpu.memory_space<vmem>>
      %dma_start3A_506 = arith.constant 0 : i32
      %dma_start3A_507 = arith.constant 0 : i32
      %dma_start3A_508 = tpu.memref_slice %arg2[%dma_start3A_506, %dma_start3A_507] : memref<10240x128xf32, #tpu.memory_space<hbm>> -> memref<10240x128xf32, #tpu.memory_space<hbm>>
      tpu.enqueue_indirect_dma source(%dma_start3A_508 : memref<10240x128xf32, #tpu.memory_space<hbm>>) target(%arg7 : memref<50x128xf32, #tpu.memory_space<vmem>>) offsets(%dma_start3A_505 : memref<50xi32, #tpu.memory_space<vmem>>) semaphore(%arg21 : memref<!tpu.dma_semaphore, #tpu.memory_space<semaphore_mem>>)
      %dma_wait3A_509 = arith.constant 4 : i32
      %dma_wait3A_510 = arith.constant 0 : i32
      %dma_wait3A_511 = arith.constant 0 : i32
      %dma_wait3A_512 = tpu.memref_slice %arg5[%dma_wait3A_509, %dma_wait3A_510, %dma_wait3A_511] : memref<8x2x50xi32, #tpu.memory_space<vmem>> -> memref<1x1x50xi32, #tpu.memory_space<vmem>>
      %dma_wait3A_513 = tpu.memref_squeeze %dma_wait3A_512 : memref<1x1x50xi32, #tpu.memory_space<vmem>> -> memref<50xi32, #tpu.memory_space<vmem>>
      %dma_wait3A_514 = arith.constant 0 : i32
      %dma_wait3A_515 = arith.constant 0 : i32
      %dma_wait3A_516 = tpu.memref_slice %arg2[%dma_wait3A_514, %dma_wait3A_515] : memref<10240x128xf32, #tpu.memory_space<hbm>> -> memref<10240x128xf32, #tpu.memory_space<hbm>>
      tpu.wait_indirect_dma semaphore(%arg20 : memref<!tpu.dma_semaphore, #tpu.memory_space<semaphore_mem>>) src(%dma_wait3A_516 : memref<10240x128xf32, #tpu.memory_space<hbm>>) dst(%arg6 : memref<50x128xf32, #tpu.memory_space<vmem>>)
      %dma_start3A_517 = arith.constant 4 : i32
      %dma_start3A_518 = arith.constant 1 : i32
      %dma_start3A_519 = arith.constant 0 : i32
      %dma_start3A_520 = tpu.memref_slice %arg5[%dma_start3A_517, %dma_start3A_518, %dma_start3A_519] : memref<8x2x50xi32, #tpu.memory_space<vmem>> -> memref<1x1x50xi32, #tpu.memory_space<vmem>>
      %dma_start3A_521 = tpu.memref_squeeze %dma_start3A_520 : memref<1x1x50xi32, #tpu.memory_space<vmem>> -> memref<50xi32, #tpu.memory_space<vmem>>
      %dma_start3A_522 = arith.constant 0 : i32
      %dma_start3A_523 = arith.constant 0 : i32
      %dma_start3A_524 = tpu.memref_slice %arg11[%dma_start3A_522, %dma_start3A_523] : memref<10240x128xf32, #tpu.memory_space<vmem_shared>> -> memref<10240x128xf32, #tpu.memory_space<vmem_shared>>
      tpu.enqueue_indirect_dma source(%arg6 : memref<50x128xf32, #tpu.memory_space<vmem>>) target(%dma_start3A_524 : memref<10240x128xf32, #tpu.memory_space<vmem_shared>>) offsets(%dma_start3A_521 : memref<50xi32, #tpu.memory_space<vmem>>) semaphore(%arg24 : memref<!tpu.dma_semaphore, #tpu.memory_space<semaphore_mem>>) {add = true}
      %dma_wait3A_525 = arith.constant 2 : i32
      %dma_wait3A_526 = arith.constant 1 : i32
      %dma_wait3A_527 = arith.constant 0 : i32
      %dma_wait3A_528 = tpu.memref_slice %arg5[%dma_wait3A_525, %dma_wait3A_526, %dma_wait3A_527] : memref<8x2x50xi32, #tpu.memory_space<vmem>> -> memref<1x1x50xi32, #tpu.memory_space<vmem>>
      %dma_wait3A_529 = tpu.memref_squeeze %dma_wait3A_528 : memref<1x1x50xi32, #tpu.memory_space<vmem>> -> memref<50xi32, #tpu.memory_space<vmem>>
      %dma_wait3A_530 = arith.constant 0 : i32
      %dma_wait3A_531 = arith.constant 0 : i32
      %dma_wait3A_532 = tpu.memref_slice %arg11[%dma_wait3A_530, %dma_wait3A_531] : memref<10240x128xf32, #tpu.memory_space<vmem_shared>> -> memref<10240x128xf32, #tpu.memory_space<vmem_shared>>
      tpu.wait_indirect_dma semaphore(%arg26 : memref<!tpu.dma_semaphore, #tpu.memory_space<semaphore_mem>>) src(%arg8 : memref<50x128xf32, #tpu.memory_space<vmem>>) dst(%dma_wait3A_532 : memref<10240x128xf32, #tpu.memory_space<vmem_shared>>)
      %lt3A_533 = arith.constant 24 : i32
      %lt3A_534 = arith.cmpi slt, %scan3A_217, %lt3A_533 : i32
      %convert_element_type3A_535 = arith.extui %lt3A_534 : i1 to i32
      %cond3A_536 = arith.constant 0 : i32
      %cond3A_537 = arith.cmpi ne, %convert_element_type3A_535, %cond3A_536 : i32
      scf.if %cond3A_537 {
        %mul3A_710 = arith.constant 8 : i32
        %mul3A_711 = arith.muli %scan3A_217, %mul3A_710 : i32
        %add3A_712 = arith.constant 4 : i32
        %add3A_713 = arith.addi %mul3A_711, %add3A_712 : i32
        %add3A_714 = arith.constant 6 : i32
        %add3A_715 = arith.addi %add3A_713, %add3A_714 : i32
        %dma_start3A_716 = arith.constant 2 : i32
        %dma_start3A_717 = arith.constant 0 : i32
        %dma_start3A_718 = arith.constant 0 : i32
        %dma_start3A_719 = tpu.memref_slice %arg5[%dma_start3A_716, %dma_start3A_717, %dma_start3A_718] : memref<8x2x50xi32, #tpu.memory_space<vmem>> -> memref<1x2x50xi32, #tpu.memory_space<vmem>>
        %dma_start3A_720 = tpu.memref_squeeze %dma_start3A_719 : memref<1x2x50xi32, #tpu.memory_space<vmem>> -> memref<2x50xi32, #tpu.memory_space<vmem>>
        %dma_start3A_721 = arith.constant 0 : i32
        %dma_start3A_722 = arith.constant 0 : i32
        %dma_start3A_723 = tpu.memref_slice %arg3[%add3A, %add3A_715, %dma_start3A_721, %dma_start3A_722] : memref<32x200x2x50xi32, #tpu.memory_space<hbm>> -> memref<1x1x2x50xi32, #tpu.memory_space<hbm>>
        %dma_start3A_724 = tpu.memref_squeeze %dma_start3A_723 : memref<1x1x2x50xi32, #tpu.memory_space<hbm>> -> memref<2x50xi32, #tpu.memory_space<hbm>>
        %dma_start3A_725 = arith.constant 0 : i32
        %dma_start3A_726 = arith.constant 0 : i32
        %dma_start3A_727 = tpu.memref_slice %arg5[%dma_start3A_716, %dma_start3A_725, %dma_start3A_726] : memref<8x2x50xi32, #tpu.memory_space<vmem>> -> memref<1x2x50xi32, #tpu.memory_space<vmem>>
        %dma_start3A_728 = tpu.memref_squeeze %dma_start3A_727 : memref<1x2x50xi32, #tpu.memory_space<vmem>> -> memref<2x50xi32, #tpu.memory_space<vmem>>
        %dma_start3A_729 = arith.constant 0 : i32
        %dma_start3A_730 = arith.constant 0 : i32
        %dma_start3A_731 = tpu.memref_slice %arg3[%add3A, %add3A_715, %dma_start3A_729, %dma_start3A_730] : memref<32x200x2x50xi32, #tpu.memory_space<hbm>> -> memref<1x1x2x50xi32, #tpu.memory_space<hbm>>
        %dma_start3A_732 = tpu.memref_squeeze %dma_start3A_731 : memref<1x1x2x50xi32, #tpu.memory_space<hbm>> -> memref<2x50xi32, #tpu.memory_space<hbm>>
        tpu.enqueue_dma source(%dma_start3A_732 : memref<2x50xi32, #tpu.memory_space<hbm>>) target(%dma_start3A_728 : memref<2x50xi32, #tpu.memory_space<vmem>>) target_semaphore(%arg14 : memref<!tpu.dma_semaphore, #tpu.memory_space<semaphore_mem>>)
      } else {
      }
      %mul3A_538 = arith.constant 8 : i32
      %mul3A_539 = arith.muli %scan3A_217, %mul3A_538 : i32
      %add3A_540 = arith.constant 4 : i32
      %add3A_541 = arith.addi %mul3A_539, %add3A_540 : i32
      %add3A_542 = arith.constant 2 : i32
      %add3A_543 = arith.addi %add3A_541, %add3A_542 : i32
      %dma_wait3A_544 = arith.constant 6 : i32
      %dma_wait3A_545 = arith.constant 0 : i32
      %dma_wait3A_546 = arith.constant 0 : i32
      %dma_wait3A_547 = tpu.memref_slice %arg5[%dma_wait3A_544, %dma_wait3A_545, %dma_wait3A_546] : memref<8x2x50xi32, #tpu.memory_space<vmem>> -> memref<1x2x50xi32, #tpu.memory_space<vmem>>
      %dma_wait3A_548 = tpu.memref_squeeze %dma_wait3A_547 : memref<1x2x50xi32, #tpu.memory_space<vmem>> -> memref<2x50xi32, #tpu.memory_space<vmem>>
      %dma_wait3A_549 = arith.constant 0 : i32
      %dma_wait3A_550 = arith.constant 0 : i32
      %dma_wait3A_551 = tpu.memref_slice %arg3[%add3A, %add3A_543, %dma_wait3A_549, %dma_wait3A_550] : memref<32x200x2x50xi32, #tpu.memory_space<hbm>> -> memref<1x1x2x50xi32, #tpu.memory_space<hbm>>
      %dma_wait3A_552 = tpu.memref_squeeze %dma_wait3A_551 : memref<1x1x2x50xi32, #tpu.memory_space<hbm>> -> memref<2x50xi32, #tpu.memory_space<hbm>>
      %dma_wait3A_553 = arith.constant 0 : i32
      %dma_wait3A_554 = arith.constant 0 : i32
      %dma_wait3A_555 = tpu.memref_slice %arg5[%dma_wait3A_544, %dma_wait3A_553, %dma_wait3A_554] : memref<8x2x50xi32, #tpu.memory_space<vmem>> -> memref<1x2x50xi32, #tpu.memory_space<vmem>>
      %dma_wait3A_556 = tpu.memref_squeeze %dma_wait3A_555 : memref<1x2x50xi32, #tpu.memory_space<vmem>> -> memref<2x50xi32, #tpu.memory_space<vmem>>
      %dma_wait3A_557 = arith.constant 0 : i32
      %dma_wait3A_558 = arith.constant 0 : i32
      %dma_wait3A_559 = tpu.memref_slice %arg3[%add3A, %add3A_543, %dma_wait3A_557, %dma_wait3A_558] : memref<32x200x2x50xi32, #tpu.memory_space<hbm>> -> memref<1x1x2x50xi32, #tpu.memory_space<hbm>>
      %dma_wait3A_560 = tpu.memref_squeeze %dma_wait3A_559 : memref<1x1x2x50xi32, #tpu.memory_space<hbm>> -> memref<2x50xi32, #tpu.memory_space<hbm>>
      tpu.wait_dma2 semaphore(%arg18 : memref<!tpu.dma_semaphore, #tpu.memory_space<semaphore_mem>>) src(%dma_wait3A_560 : memref<2x50xi32, #tpu.memory_space<hbm>>) dst(%dma_wait3A_556 : memref<2x50xi32, #tpu.memory_space<vmem>>)
      %mul3A_561 = arith.constant 8 : i32
      %mul3A_562 = arith.muli %scan3A_217, %mul3A_561 : i32
      %add3A_563 = arith.constant 4 : i32
      %add3A_564 = arith.addi %mul3A_562, %add3A_563 : i32
      %add3A_565 = arith.constant 2 : i32
      %add3A_566 = arith.addi %add3A_564, %add3A_565 : i32
      %dma_start3A_567 = arith.constant 6 : i32
      %dma_start3A_568 = arith.constant 0 : i32
      %dma_start3A_569 = arith.constant 0 : i32
      %dma_start3A_570 = tpu.memref_slice %arg5[%dma_start3A_567, %dma_start3A_568, %dma_start3A_569] : memref<8x2x50xi32, #tpu.memory_space<vmem>> -> memref<1x1x50xi32, #tpu.memory_space<vmem>>
      %dma_start3A_571 = tpu.memref_squeeze %dma_start3A_570 : memref<1x1x50xi32, #tpu.memory_space<vmem>> -> memref<50xi32, #tpu.memory_space<vmem>>
      %dma_start3A_572 = arith.constant 0 : i32
      %dma_start3A_573 = arith.constant 0 : i32
      %dma_start3A_574 = tpu.memref_slice %arg2[%dma_start3A_572, %dma_start3A_573] : memref<10240x128xf32, #tpu.memory_space<hbm>> -> memref<10240x128xf32, #tpu.memory_space<hbm>>
      tpu.enqueue_indirect_dma source(%dma_start3A_574 : memref<10240x128xf32, #tpu.memory_space<hbm>>) target(%arg8 : memref<50x128xf32, #tpu.memory_space<vmem>>) offsets(%dma_start3A_571 : memref<50xi32, #tpu.memory_space<vmem>>) semaphore(%arg22 : memref<!tpu.dma_semaphore, #tpu.memory_space<semaphore_mem>>)
      %dma_wait3A_575 = arith.constant 5 : i32
      %dma_wait3A_576 = arith.constant 0 : i32
      %dma_wait3A_577 = arith.constant 0 : i32
      %dma_wait3A_578 = tpu.memref_slice %arg5[%dma_wait3A_575, %dma_wait3A_576, %dma_wait3A_577] : memref<8x2x50xi32, #tpu.memory_space<vmem>> -> memref<1x1x50xi32, #tpu.memory_space<vmem>>
      %dma_wait3A_579 = tpu.memref_squeeze %dma_wait3A_578 : memref<1x1x50xi32, #tpu.memory_space<vmem>> -> memref<50xi32, #tpu.memory_space<vmem>>
      %dma_wait3A_580 = arith.constant 0 : i32
      %dma_wait3A_581 = arith.constant 0 : i32
      %dma_wait3A_582 = tpu.memref_slice %arg2[%dma_wait3A_580, %dma_wait3A_581] : memref<10240x128xf32, #tpu.memory_space<hbm>> -> memref<10240x128xf32, #tpu.memory_space<hbm>>
      tpu.wait_indirect_dma semaphore(%arg21 : memref<!tpu.dma_semaphore, #tpu.memory_space<semaphore_mem>>) src(%dma_wait3A_582 : memref<10240x128xf32, #tpu.memory_space<hbm>>) dst(%arg7 : memref<50x128xf32, #tpu.memory_space<vmem>>)
      %dma_start3A_583 = arith.constant 5 : i32
      %dma_start3A_584 = arith.constant 1 : i32
      %dma_start3A_585 = arith.constant 0 : i32
      %dma_start3A_586 = tpu.memref_slice %arg5[%dma_start3A_583, %dma_start3A_584, %dma_start3A_585] : memref<8x2x50xi32, #tpu.memory_space<vmem>> -> memref<1x1x50xi32, #tpu.memory_space<vmem>>
      %dma_start3A_587 = tpu.memref_squeeze %dma_start3A_586 : memref<1x1x50xi32, #tpu.memory_space<vmem>> -> memref<50xi32, #tpu.memory_space<vmem>>
      %dma_start3A_588 = arith.constant 0 : i32
      %dma_start3A_589 = arith.constant 0 : i32
      %dma_start3A_590 = tpu.memref_slice %arg11[%dma_start3A_588, %dma_start3A_589] : memref<10240x128xf32, #tpu.memory_space<vmem_shared>> -> memref<10240x128xf32, #tpu.memory_space<vmem_shared>>
      tpu.enqueue_indirect_dma source(%arg7 : memref<50x128xf32, #tpu.memory_space<vmem>>) target(%dma_start3A_590 : memref<10240x128xf32, #tpu.memory_space<vmem_shared>>) offsets(%dma_start3A_587 : memref<50xi32, #tpu.memory_space<vmem>>) semaphore(%arg25 : memref<!tpu.dma_semaphore, #tpu.memory_space<semaphore_mem>>) {add = true}
      %dma_wait3A_591 = arith.constant 3 : i32
      %dma_wait3A_592 = arith.constant 1 : i32
      %dma_wait3A_593 = arith.constant 0 : i32
      %dma_wait3A_594 = tpu.memref_slice %arg5[%dma_wait3A_591, %dma_wait3A_592, %dma_wait3A_593] : memref<8x2x50xi32, #tpu.memory_space<vmem>> -> memref<1x1x50xi32, #tpu.memory_space<vmem>>
      %dma_wait3A_595 = tpu.memref_squeeze %dma_wait3A_594 : memref<1x1x50xi32, #tpu.memory_space<vmem>> -> memref<50xi32, #tpu.memory_space<vmem>>
      %dma_wait3A_596 = arith.constant 0 : i32
      %dma_wait3A_597 = arith.constant 0 : i32
      %dma_wait3A_598 = tpu.memref_slice %arg11[%dma_wait3A_596, %dma_wait3A_597] : memref<10240x128xf32, #tpu.memory_space<vmem_shared>> -> memref<10240x128xf32, #tpu.memory_space<vmem_shared>>
      tpu.wait_indirect_dma semaphore(%arg27 : memref<!tpu.dma_semaphore, #tpu.memory_space<semaphore_mem>>) src(%arg9 : memref<50x128xf32, #tpu.memory_space<vmem>>) dst(%dma_wait3A_598 : memref<10240x128xf32, #tpu.memory_space<vmem_shared>>)
      %lt3A_599 = arith.constant 24 : i32
      %lt3A_600 = arith.cmpi slt, %scan3A_217, %lt3A_599 : i32
      %convert_element_type3A_601 = arith.extui %lt3A_600 : i1 to i32
      %cond3A_602 = arith.constant 0 : i32
      %cond3A_603 = arith.cmpi ne, %convert_element_type3A_601, %cond3A_602 : i32
      scf.if %cond3A_603 {
        %mul3A_710 = arith.constant 8 : i32
        %mul3A_711 = arith.muli %scan3A_217, %mul3A_710 : i32
        %add3A_712 = arith.constant 5 : i32
        %add3A_713 = arith.addi %mul3A_711, %add3A_712 : i32
        %add3A_714 = arith.constant 6 : i32
        %add3A_715 = arith.addi %add3A_713, %add3A_714 : i32
        %dma_start3A_716 = arith.constant 3 : i32
        %dma_start3A_717 = arith.constant 0 : i32
        %dma_start3A_718 = arith.constant 0 : i32
        %dma_start3A_719 = tpu.memref_slice %arg5[%dma_start3A_716, %dma_start3A_717, %dma_start3A_718] : memref<8x2x50xi32, #tpu.memory_space<vmem>> -> memref<1x2x50xi32, #tpu.memory_space<vmem>>
        %dma_start3A_720 = tpu.memref_squeeze %dma_start3A_719 : memref<1x2x50xi32, #tpu.memory_space<vmem>> -> memref<2x50xi32, #tpu.memory_space<vmem>>
        %dma_start3A_721 = arith.constant 0 : i32
        %dma_start3A_722 = arith.constant 0 : i32
        %dma_start3A_723 = tpu.memref_slice %arg3[%add3A, %add3A_715, %dma_start3A_721, %dma_start3A_722] : memref<32x200x2x50xi32, #tpu.memory_space<hbm>> -> memref<1x1x2x50xi32, #tpu.memory_space<hbm>>
        %dma_start3A_724 = tpu.memref_squeeze %dma_start3A_723 : memref<1x1x2x50xi32, #tpu.memory_space<hbm>> -> memref<2x50xi32, #tpu.memory_space<hbm>>
        %dma_start3A_725 = arith.constant 0 : i32
        %dma_start3A_726 = arith.constant 0 : i32
        %dma_start3A_727 = tpu.memref_slice %arg5[%dma_start3A_716, %dma_start3A_725, %dma_start3A_726] : memref<8x2x50xi32, #tpu.memory_space<vmem>> -> memref<1x2x50xi32, #tpu.memory_space<vmem>>
        %dma_start3A_728 = tpu.memref_squeeze %dma_start3A_727 : memref<1x2x50xi32, #tpu.memory_space<vmem>> -> memref<2x50xi32, #tpu.memory_space<vmem>>
        %dma_start3A_729 = arith.constant 0 : i32
        %dma_start3A_730 = arith.constant 0 : i32
        %dma_start3A_731 = tpu.memref_slice %arg3[%add3A, %add3A_715, %dma_start3A_729, %dma_start3A_730] : memref<32x200x2x50xi32, #tpu.memory_space<hbm>> -> memref<1x1x2x50xi32, #tpu.memory_space<hbm>>
        %dma_start3A_732 = tpu.memref_squeeze %dma_start3A_731 : memref<1x1x2x50xi32, #tpu.memory_space<hbm>> -> memref<2x50xi32, #tpu.memory_space<hbm>>
        tpu.enqueue_dma source(%dma_start3A_732 : memref<2x50xi32, #tpu.memory_space<hbm>>) target(%dma_start3A_728 : memref<2x50xi32, #tpu.memory_space<vmem>>) target_semaphore(%arg15 : memref<!tpu.dma_semaphore, #tpu.memory_space<semaphore_mem>>)
      } else {
      }
      %mul3A_604 = arith.constant 8 : i32
      %mul3A_605 = arith.muli %scan3A_217, %mul3A_604 : i32
      %add3A_606 = arith.constant 5 : i32
      %add3A_607 = arith.addi %mul3A_605, %add3A_606 : i32
      %add3A_608 = arith.constant 2 : i32
      %add3A_609 = arith.addi %add3A_607, %add3A_608 : i32
      %dma_wait3A_610 = arith.constant 7 : i32
      %dma_wait3A_611 = arith.constant 0 : i32
      %dma_wait3A_612 = arith.constant 0 : i32
      %dma_wait3A_613 = tpu.memref_slice %arg5[%dma_wait3A_610, %dma_wait3A_611, %dma_wait3A_612] : memref<8x2x50xi32, #tpu.memory_space<vmem>> -> memref<1x2x50xi32, #tpu.memory_space<vmem>>
      %dma_wait3A_614 = tpu.memref_squeeze %dma_wait3A_613 : memref<1x2x50xi32, #tpu.memory_space<vmem>> -> memref<2x50xi32, #tpu.memory_space<vmem>>
      %dma_wait3A_615 = arith.constant 0 : i32
      %dma_wait3A_616 = arith.constant 0 : i32
      %dma_wait3A_617 = tpu.memref_slice %arg3[%add3A, %add3A_609, %dma_wait3A_615, %dma_wait3A_616] : memref<32x200x2x50xi32, #tpu.memory_space<hbm>> -> memref<1x1x2x50xi32, #tpu.memory_space<hbm>>
      %dma_wait3A_618 = tpu.memref_squeeze %dma_wait3A_617 : memref<1x1x2x50xi32, #tpu.memory_space<hbm>> -> memref<2x50xi32, #tpu.memory_space<hbm>>
      %dma_wait3A_619 = arith.constant 0 : i32
      %dma_wait3A_620 = arith.constant 0 : i32
      %dma_wait3A_621 = tpu.memref_slice %arg5[%dma_wait3A_610, %dma_wait3A_619, %dma_wait3A_620] : memref<8x2x50xi32, #tpu.memory_space<vmem>> -> memref<1x2x50xi32, #tpu.memory_space<vmem>>
      %dma_wait3A_622 = tpu.memref_squeeze %dma_wait3A_621 : memref<1x2x50xi32, #tpu.memory_space<vmem>> -> memref<2x50xi32, #tpu.memory_space<vmem>>
      %dma_wait3A_623 = arith.constant 0 : i32
      %dma_wait3A_624 = arith.constant 0 : i32
      %dma_wait3A_625 = tpu.memref_slice %arg3[%add3A, %add3A_609, %dma_wait3A_623, %dma_wait3A_624] : memref<32x200x2x50xi32, #tpu.memory_space<hbm>> -> memref<1x1x2x50xi32, #tpu.memory_space<hbm>>
      %dma_wait3A_626 = tpu.memref_squeeze %dma_wait3A_625 : memref<1x1x2x50xi32, #tpu.memory_space<hbm>> -> memref<2x50xi32, #tpu.memory_space<hbm>>
      tpu.wait_dma2 semaphore(%arg19 : memref<!tpu.dma_semaphore, #tpu.memory_space<semaphore_mem>>) src(%dma_wait3A_626 : memref<2x50xi32, #tpu.memory_space<hbm>>) dst(%dma_wait3A_622 : memref<2x50xi32, #tpu.memory_space<vmem>>)
      %mul3A_627 = arith.constant 8 : i32
      %mul3A_628 = arith.muli %scan3A_217, %mul3A_627 : i32
      %add3A_629 = arith.constant 5 : i32
      %add3A_630 = arith.addi %mul3A_628, %add3A_629 : i32
      %add3A_631 = arith.constant 2 : i32
      %add3A_632 = arith.addi %add3A_630, %add3A_631 : i32
      %dma_start3A_633 = arith.constant 7 : i32
      %dma_start3A_634 = arith.constant 0 : i32
      %dma_start3A_635 = arith.constant 0 : i32
      %dma_start3A_636 = tpu.memref_slice %arg5[%dma_start3A_633, %dma_start3A_634, %dma_start3A_635] : memref<8x2x50xi32, #tpu.memory_space<vmem>> -> memref<1x1x50xi32, #tpu.memory_space<vmem>>
      %dma_start3A_637 = tpu.memref_squeeze %dma_start3A_636 : memref<1x1x50xi32, #tpu.memory_space<vmem>> -> memref<50xi32, #tpu.memory_space<vmem>>
      %dma_start3A_638 = arith.constant 0 : i32
      %dma_start3A_639 = arith.constant 0 : i32
      %dma_start3A_640 = tpu.memref_slice %arg2[%dma_start3A_638, %dma_start3A_639] : memref<10240x128xf32, #tpu.memory_space<hbm>> -> memref<10240x128xf32, #tpu.memory_space<hbm>>
      tpu.enqueue_indirect_dma source(%dma_start3A_640 : memref<10240x128xf32, #tpu.memory_space<hbm>>) target(%arg9 : memref<50x128xf32, #tpu.memory_space<vmem>>) offsets(%dma_start3A_637 : memref<50xi32, #tpu.memory_space<vmem>>) semaphore(%arg23 : memref<!tpu.dma_semaphore, #tpu.memory_space<semaphore_mem>>)
      %dma_wait3A_641 = arith.constant 6 : i32
      %dma_wait3A_642 = arith.constant 0 : i32
      %dma_wait3A_643 = arith.constant 0 : i32
      %dma_wait3A_644 = tpu.memref_slice %arg5[%dma_wait3A_641, %dma_wait3A_642, %dma_wait3A_643] : memref<8x2x50xi32, #tpu.memory_space<vmem>> -> memref<1x1x50xi32, #tpu.memory_space<vmem>>
      %dma_wait3A_645 = tpu.memref_squeeze %dma_wait3A_644 : memref<1x1x50xi32, #tpu.memory_space<vmem>> -> memref<50xi32, #tpu.memory_space<vmem>>
      %dma_wait3A_646 = arith.constant 0 : i32
      %dma_wait3A_647 = arith.constant 0 : i32
      %dma_wait3A_648 = tpu.memref_slice %arg2[%dma_wait3A_646, %dma_wait3A_647] : memref<10240x128xf32, #tpu.memory_space<hbm>> -> memref<10240x128xf32, #tpu.memory_space<hbm>>
      tpu.wait_indirect_dma semaphore(%arg22 : memref<!tpu.dma_semaphore, #tpu.memory_space<semaphore_mem>>) src(%dma_wait3A_648 : memref<10240x128xf32, #tpu.memory_space<hbm>>) dst(%arg8 : memref<50x128xf32, #tpu.memory_space<vmem>>)
      %dma_start3A_649 = arith.constant 6 : i32
      %dma_start3A_650 = arith.constant 1 : i32
      %dma_start3A_651 = arith.constant 0 : i32
      %dma_start3A_652 = tpu.memref_slice %arg5[%dma_start3A_649, %dma_start3A_650, %dma_start3A_651] : memref<8x2x50xi32, #tpu.memory_space<vmem>> -> memref<1x1x50xi32, #tpu.memory_space<vmem>>
      %dma_start3A_653 = tpu.memref_squeeze %dma_start3A_652 : memref<1x1x50xi32, #tpu.memory_space<vmem>> -> memref<50xi32, #tpu.memory_space<vmem>>
      %dma_start3A_654 = arith.constant 0 : i32
      %dma_start3A_655 = arith.constant 0 : i32
      %dma_start3A_656 = tpu.memref_slice %arg11[%dma_start3A_654, %dma_start3A_655] : memref<10240x128xf32, #tpu.memory_space<vmem_shared>> -> memref<10240x128xf32, #tpu.memory_space<vmem_shared>>
      tpu.enqueue_indirect_dma source(%arg8 : memref<50x128xf32, #tpu.memory_space<vmem>>) target(%dma_start3A_656 : memref<10240x128xf32, #tpu.memory_space<vmem_shared>>) offsets(%dma_start3A_653 : memref<50xi32, #tpu.memory_space<vmem>>) semaphore(%arg26 : memref<!tpu.dma_semaphore, #tpu.memory_space<semaphore_mem>>) {add = true}
      %dma_wait3A_657 = arith.constant 4 : i32
      %dma_wait3A_658 = arith.constant 1 : i32
      %dma_wait3A_659 = arith.constant 0 : i32
      %dma_wait3A_660 = tpu.memref_slice %arg5[%dma_wait3A_657, %dma_wait3A_658, %dma_wait3A_659] : memref<8x2x50xi32, #tpu.memory_space<vmem>> -> memref<1x1x50xi32, #tpu.memory_space<vmem>>
      %dma_wait3A_661 = tpu.memref_squeeze %dma_wait3A_660 : memref<1x1x50xi32, #tpu.memory_space<vmem>> -> memref<50xi32, #tpu.memory_space<vmem>>
      %dma_wait3A_662 = arith.constant 0 : i32
      %dma_wait3A_663 = arith.constant 0 : i32
      %dma_wait3A_664 = tpu.memref_slice %arg11[%dma_wait3A_662, %dma_wait3A_663] : memref<10240x128xf32, #tpu.memory_space<vmem_shared>> -> memref<10240x128xf32, #tpu.memory_space<vmem_shared>>
      tpu.wait_indirect_dma semaphore(%arg24 : memref<!tpu.dma_semaphore, #tpu.memory_space<semaphore_mem>>) src(%arg6 : memref<50x128xf32, #tpu.memory_space<vmem>>) dst(%dma_wait3A_664 : memref<10240x128xf32, #tpu.memory_space<vmem_shared>>)
      %lt3A_665 = arith.constant 24 : i32
      %lt3A_666 = arith.cmpi slt, %scan3A_217, %lt3A_665 : i32
      %convert_element_type3A_667 = arith.extui %lt3A_666 : i1 to i32
      %cond3A_668 = arith.constant 0 : i32
      %cond3A_669 = arith.cmpi ne, %convert_element_type3A_667, %cond3A_668 : i32
      scf.if %cond3A_669 {
        %mul3A_710 = arith.constant 8 : i32
        %mul3A_711 = arith.muli %scan3A_217, %mul3A_710 : i32
        %add3A_712 = arith.constant 6 : i32
        %add3A_713 = arith.addi %mul3A_711, %add3A_712 : i32
        %add3A_714 = arith.constant 6 : i32
        %add3A_715 = arith.addi %add3A_713, %add3A_714 : i32
        %dma_start3A_716 = arith.constant 4 : i32
        %dma_start3A_717 = arith.constant 0 : i32
        %dma_start3A_718 = arith.constant 0 : i32
        %dma_start3A_719 = tpu.memref_slice %arg5[%dma_start3A_716, %dma_start3A_717, %dma_start3A_718] : memref<8x2x50xi32, #tpu.memory_space<vmem>> -> memref<1x2x50xi32, #tpu.memory_space<vmem>>
        %dma_start3A_720 = tpu.memref_squeeze %dma_start3A_719 : memref<1x2x50xi32, #tpu.memory_space<vmem>> -> memref<2x50xi32, #tpu.memory_space<vmem>>
        %dma_start3A_721 = arith.constant 0 : i32
        %dma_start3A_722 = arith.constant 0 : i32
        %dma_start3A_723 = tpu.memref_slice %arg3[%add3A, %add3A_715, %dma_start3A_721, %dma_start3A_722] : memref<32x200x2x50xi32, #tpu.memory_space<hbm>> -> memref<1x1x2x50xi32, #tpu.memory_space<hbm>>
        %dma_start3A_724 = tpu.memref_squeeze %dma_start3A_723 : memref<1x1x2x50xi32, #tpu.memory_space<hbm>> -> memref<2x50xi32, #tpu.memory_space<hbm>>
        %dma_start3A_725 = arith.constant 0 : i32
        %dma_start3A_726 = arith.constant 0 : i32
        %dma_start3A_727 = tpu.memref_slice %arg5[%dma_start3A_716, %dma_start3A_725, %dma_start3A_726] : memref<8x2x50xi32, #tpu.memory_space<vmem>> -> memref<1x2x50xi32, #tpu.memory_space<vmem>>
        %dma_start3A_728 = tpu.memref_squeeze %dma_start3A_727 : memref<1x2x50xi32, #tpu.memory_space<vmem>> -> memref<2x50xi32, #tpu.memory_space<vmem>>
        %dma_start3A_729 = arith.constant 0 : i32
        %dma_start3A_730 = arith.constant 0 : i32
        %dma_start3A_731 = tpu.memref_slice %arg3[%add3A, %add3A_715, %dma_start3A_729, %dma_start3A_730] : memref<32x200x2x50xi32, #tpu.memory_space<hbm>> -> memref<1x1x2x50xi32, #tpu.memory_space<hbm>>
        %dma_start3A_732 = tpu.memref_squeeze %dma_start3A_731 : memref<1x1x2x50xi32, #tpu.memory_space<hbm>> -> memref<2x50xi32, #tpu.memory_space<hbm>>
        tpu.enqueue_dma source(%dma_start3A_732 : memref<2x50xi32, #tpu.memory_space<hbm>>) target(%dma_start3A_728 : memref<2x50xi32, #tpu.memory_space<vmem>>) target_semaphore(%arg16 : memref<!tpu.dma_semaphore, #tpu.memory_space<semaphore_mem>>)
      } else {
      }
      %lt3A_670 = arith.constant 24 : i32
      %lt3A_671 = arith.cmpi slt, %scan3A_217, %lt3A_670 : i32
      %convert_element_type3A_672 = arith.extui %lt3A_671 : i1 to i32
      %cond3A_673 = arith.constant 0 : i32
      %cond3A_674 = arith.cmpi ne, %convert_element_type3A_672, %cond3A_673 : i32
      scf.if %cond3A_674 {
        %mul3A_710 = arith.constant 8 : i32
        %mul3A_711 = arith.muli %scan3A_217, %mul3A_710 : i32
        %add3A_712 = arith.constant 6 : i32
        %add3A_713 = arith.addi %mul3A_711, %add3A_712 : i32
        %add3A_714 = arith.constant 2 : i32
        %add3A_715 = arith.addi %add3A_713, %add3A_714 : i32
        %dma_wait3A_716 = arith.constant 0 : i32
        %dma_wait3A_717 = arith.constant 0 : i32
        %dma_wait3A_718 = arith.constant 0 : i32
        %dma_wait3A_719 = tpu.memref_slice %arg5[%dma_wait3A_716, %dma_wait3A_717, %dma_wait3A_718] : memref<8x2x50xi32, #tpu.memory_space<vmem>> -> memref<1x2x50xi32, #tpu.memory_space<vmem>>
        %dma_wait3A_720 = tpu.memref_squeeze %dma_wait3A_719 : memref<1x2x50xi32, #tpu.memory_space<vmem>> -> memref<2x50xi32, #tpu.memory_space<vmem>>
        %dma_wait3A_721 = arith.constant 0 : i32
        %dma_wait3A_722 = arith.constant 0 : i32
        %dma_wait3A_723 = tpu.memref_slice %arg3[%add3A, %add3A_715, %dma_wait3A_721, %dma_wait3A_722] : memref<32x200x2x50xi32, #tpu.memory_space<hbm>> -> memref<1x1x2x50xi32, #tpu.memory_space<hbm>>
        %dma_wait3A_724 = tpu.memref_squeeze %dma_wait3A_723 : memref<1x1x2x50xi32, #tpu.memory_space<hbm>> -> memref<2x50xi32, #tpu.memory_space<hbm>>
        %dma_wait3A_725 = arith.constant 0 : i32
        %dma_wait3A_726 = arith.constant 0 : i32
        %dma_wait3A_727 = tpu.memref_slice %arg5[%dma_wait3A_716, %dma_wait3A_725, %dma_wait3A_726] : memref<8x2x50xi32, #tpu.memory_space<vmem>> -> memref<1x2x50xi32, #tpu.memory_space<vmem>>
        %dma_wait3A_728 = tpu.memref_squeeze %dma_wait3A_727 : memref<1x2x50xi32, #tpu.memory_space<vmem>> -> memref<2x50xi32, #tpu.memory_space<vmem>>
        %dma_wait3A_729 = arith.constant 0 : i32
        %dma_wait3A_730 = arith.constant 0 : i32
        %dma_wait3A_731 = tpu.memref_slice %arg3[%add3A, %add3A_715, %dma_wait3A_729, %dma_wait3A_730] : memref<32x200x2x50xi32, #tpu.memory_space<hbm>> -> memref<1x1x2x50xi32, #tpu.memory_space<hbm>>
        %dma_wait3A_732 = tpu.memref_squeeze %dma_wait3A_731 : memref<1x1x2x50xi32, #tpu.memory_space<hbm>> -> memref<2x50xi32, #tpu.memory_space<hbm>>
        tpu.wait_dma2 semaphore(%arg12 : memref<!tpu.dma_semaphore, #tpu.memory_space<semaphore_mem>>) src(%dma_wait3A_732 : memref<2x50xi32, #tpu.memory_space<hbm>>) dst(%dma_wait3A_728 : memref<2x50xi32, #tpu.memory_space<vmem>>)
        %mul3A_733 = arith.constant 8 : i32
        %mul3A_734 = arith.muli %scan3A_217, %mul3A_733 : i32
        %add3A_735 = arith.constant 6 : i32
        %add3A_736 = arith.addi %mul3A_734, %add3A_735 : i32
        %add3A_737 = arith.constant 2 : i32
        %add3A_738 = arith.addi %add3A_736, %add3A_737 : i32
        %dma_start3A_739 = arith.constant 0 : i32
        %dma_start3A_740 = arith.constant 0 : i32
        %dma_start3A_741 = arith.constant 0 : i32
        %dma_start3A_742 = tpu.memref_slice %arg5[%dma_start3A_739, %dma_start3A_740, %dma_start3A_741] : memref<8x2x50xi32, #tpu.memory_space<vmem>> -> memref<1x1x50xi32, #tpu.memory_space<vmem>>
        %dma_start3A_743 = tpu.memref_squeeze %dma_start3A_742 : memref<1x1x50xi32, #tpu.memory_space<vmem>> -> memref<50xi32, #tpu.memory_space<vmem>>
        %dma_start3A_744 = arith.constant 0 : i32
        %dma_start3A_745 = arith.constant 0 : i32
        %dma_start3A_746 = tpu.memref_slice %arg2[%dma_start3A_744, %dma_start3A_745] : memref<10240x128xf32, #tpu.memory_space<hbm>> -> memref<10240x128xf32, #tpu.memory_space<hbm>>
        tpu.enqueue_indirect_dma source(%dma_start3A_746 : memref<10240x128xf32, #tpu.memory_space<hbm>>) target(%arg6 : memref<50x128xf32, #tpu.memory_space<vmem>>) offsets(%dma_start3A_743 : memref<50xi32, #tpu.memory_space<vmem>>) semaphore(%arg20 : memref<!tpu.dma_semaphore, #tpu.memory_space<semaphore_mem>>)
      } else {
      }
      %dma_wait3A_675 = arith.constant 7 : i32
      %dma_wait3A_676 = arith.constant 0 : i32
      %dma_wait3A_677 = arith.constant 0 : i32
      %dma_wait3A_678 = tpu.memref_slice %arg5[%dma_wait3A_675, %dma_wait3A_676, %dma_wait3A_677] : memref<8x2x50xi32, #tpu.memory_space<vmem>> -> memref<1x1x50xi32, #tpu.memory_space<vmem>>
      %dma_wait3A_679 = tpu.memref_squeeze %dma_wait3A_678 : memref<1x1x50xi32, #tpu.memory_space<vmem>> -> memref<50xi32, #tpu.memory_space<vmem>>
      %dma_wait3A_680 = arith.constant 0 : i32
      %dma_wait3A_681 = arith.constant 0 : i32
      %dma_wait3A_682 = tpu.memref_slice %arg2[%dma_wait3A_680, %dma_wait3A_681] : memref<10240x128xf32, #tpu.memory_space<hbm>> -> memref<10240x128xf32, #tpu.memory_space<hbm>>
      tpu.wait_indirect_dma semaphore(%arg23 : memref<!tpu.dma_semaphore, #tpu.memory_space<semaphore_mem>>) src(%dma_wait3A_682 : memref<10240x128xf32, #tpu.memory_space<hbm>>) dst(%arg9 : memref<50x128xf32, #tpu.memory_space<vmem>>)
      %dma_start3A_683 = arith.constant 7 : i32
      %dma_start3A_684 = arith.constant 1 : i32
      %dma_start3A_685 = arith.constant 0 : i32
      %dma_start3A_686 = tpu.memref_slice %arg5[%dma_start3A_683, %dma_start3A_684, %dma_start3A_685] : memref<8x2x50xi32, #tpu.memory_space<vmem>> -> memref<1x1x50xi32, #tpu.memory_space<vmem>>
      %dma_start3A_687 = tpu.memref_squeeze %dma_start3A_686 : memref<1x1x50xi32, #tpu.memory_space<vmem>> -> memref<50xi32, #tpu.memory_space<vmem>>
      %dma_start3A_688 = arith.constant 0 : i32
      %dma_start3A_689 = arith.constant 0 : i32
      %dma_start3A_690 = tpu.memref_slice %arg11[%dma_start3A_688, %dma_start3A_689] : memref<10240x128xf32, #tpu.memory_space<vmem_shared>> -> memref<10240x128xf32, #tpu.memory_space<vmem_shared>>
      tpu.enqueue_indirect_dma source(%arg9 : memref<50x128xf32, #tpu.memory_space<vmem>>) target(%dma_start3A_690 : memref<10240x128xf32, #tpu.memory_space<vmem_shared>>) offsets(%dma_start3A_687 : memref<50xi32, #tpu.memory_space<vmem>>) semaphore(%arg27 : memref<!tpu.dma_semaphore, #tpu.memory_space<semaphore_mem>>) {add = true}
      %dma_wait3A_691 = arith.constant 5 : i32
      %dma_wait3A_692 = arith.constant 1 : i32
      %dma_wait3A_693 = arith.constant 0 : i32
      %dma_wait3A_694 = tpu.memref_slice %arg5[%dma_wait3A_691, %dma_wait3A_692, %dma_wait3A_693] : memref<8x2x50xi32, #tpu.memory_space<vmem>> -> memref<1x1x50xi32, #tpu.memory_space<vmem>>
      %dma_wait3A_695 = tpu.memref_squeeze %dma_wait3A_694 : memref<1x1x50xi32, #tpu.memory_space<vmem>> -> memref<50xi32, #tpu.memory_space<vmem>>
      %dma_wait3A_696 = arith.constant 0 : i32
      %dma_wait3A_697 = arith.constant 0 : i32
      %dma_wait3A_698 = tpu.memref_slice %arg11[%dma_wait3A_696, %dma_wait3A_697] : memref<10240x128xf32, #tpu.memory_space<vmem_shared>> -> memref<10240x128xf32, #tpu.memory_space<vmem_shared>>
      tpu.wait_indirect_dma semaphore(%arg25 : memref<!tpu.dma_semaphore, #tpu.memory_space<semaphore_mem>>) src(%arg7 : memref<50x128xf32, #tpu.memory_space<vmem>>) dst(%dma_wait3A_698 : memref<10240x128xf32, #tpu.memory_space<vmem_shared>>)
      %lt3A_699 = arith.constant 24 : i32
      %lt3A_700 = arith.cmpi slt, %scan3A_217, %lt3A_699 : i32
      %convert_element_type3A_701 = arith.extui %lt3A_700 : i1 to i32
      %cond3A_702 = arith.constant 0 : i32
      %cond3A_703 = arith.cmpi ne, %convert_element_type3A_701, %cond3A_702 : i32
      scf.if %cond3A_703 {
        %mul3A_710 = arith.constant 8 : i32
        %mul3A_711 = arith.muli %scan3A_217, %mul3A_710 : i32
        %add3A_712 = arith.constant 7 : i32
        %add3A_713 = arith.addi %mul3A_711, %add3A_712 : i32
        %add3A_714 = arith.constant 6 : i32
        %add3A_715 = arith.addi %add3A_713, %add3A_714 : i32
        %dma_start3A_716 = arith.constant 5 : i32
        %dma_start3A_717 = arith.constant 0 : i32
        %dma_start3A_718 = arith.constant 0 : i32
        %dma_start3A_719 = tpu.memref_slice %arg5[%dma_start3A_716, %dma_start3A_717, %dma_start3A_718] : memref<8x2x50xi32, #tpu.memory_space<vmem>> -> memref<1x2x50xi32, #tpu.memory_space<vmem>>
        %dma_start3A_720 = tpu.memref_squeeze %dma_start3A_719 : memref<1x2x50xi32, #tpu.memory_space<vmem>> -> memref<2x50xi32, #tpu.memory_space<vmem>>
        %dma_start3A_721 = arith.constant 0 : i32
        %dma_start3A_722 = arith.constant 0 : i32
        %dma_start3A_723 = tpu.memref_slice %arg3[%add3A, %add3A_715, %dma_start3A_721, %dma_start3A_722] : memref<32x200x2x50xi32, #tpu.memory_space<hbm>> -> memref<1x1x2x50xi32, #tpu.memory_space<hbm>>
        %dma_start3A_724 = tpu.memref_squeeze %dma_start3A_723 : memref<1x1x2x50xi32, #tpu.memory_space<hbm>> -> memref<2x50xi32, #tpu.memory_space<hbm>>
        %dma_start3A_725 = arith.constant 0 : i32
        %dma_start3A_726 = arith.constant 0 : i32
        %dma_start3A_727 = tpu.memref_slice %arg5[%dma_start3A_716, %dma_start3A_725, %dma_start3A_726] : memref<8x2x50xi32, #tpu.memory_space<vmem>> -> memref<1x2x50xi32, #tpu.memory_space<vmem>>
        %dma_start3A_728 = tpu.memref_squeeze %dma_start3A_727 : memref<1x2x50xi32, #tpu.memory_space<vmem>> -> memref<2x50xi32, #tpu.memory_space<vmem>>
        %dma_start3A_729 = arith.constant 0 : i32
        %dma_start3A_730 = arith.constant 0 : i32
        %dma_start3A_731 = tpu.memref_slice %arg3[%add3A, %add3A_715, %dma_start3A_729, %dma_start3A_730] : memref<32x200x2x50xi32, #tpu.memory_space<hbm>> -> memref<1x1x2x50xi32, #tpu.memory_space<hbm>>
        %dma_start3A_732 = tpu.memref_squeeze %dma_start3A_731 : memref<1x1x2x50xi32, #tpu.memory_space<hbm>> -> memref<2x50xi32, #tpu.memory_space<hbm>>
        tpu.enqueue_dma source(%dma_start3A_732 : memref<2x50xi32, #tpu.memory_space<hbm>>) target(%dma_start3A_728 : memref<2x50xi32, #tpu.memory_space<vmem>>) target_semaphore(%arg17 : memref<!tpu.dma_semaphore, #tpu.memory_space<semaphore_mem>>)
      } else {
      }
      %lt3A_704 = arith.constant 24 : i32
      %lt3A_705 = arith.cmpi slt, %scan3A_217, %lt3A_704 : i32
      %convert_element_type3A_706 = arith.extui %lt3A_705 : i1 to i32
      %cond3A_707 = arith.constant 0 : i32
      %cond3A_708 = arith.cmpi ne, %convert_element_type3A_706, %cond3A_707 : i32
      scf.if %cond3A_708 {
        %mul3A_710 = arith.constant 8 : i32
        %mul3A_711 = arith.muli %scan3A_217, %mul3A_710 : i32
        %add3A_712 = arith.constant 7 : i32
        %add3A_713 = arith.addi %mul3A_711, %add3A_712 : i32
        %add3A_714 = arith.constant 2 : i32
        %add3A_715 = arith.addi %add3A_713, %add3A_714 : i32
        %dma_wait3A_716 = arith.constant 1 : i32
        %dma_wait3A_717 = arith.constant 0 : i32
        %dma_wait3A_718 = arith.constant 0 : i32
        %dma_wait3A_719 = tpu.memref_slice %arg5[%dma_wait3A_716, %dma_wait3A_717, %dma_wait3A_718] : memref<8x2x50xi32, #tpu.memory_space<vmem>> -> memref<1x2x50xi32, #tpu.memory_space<vmem>>
        %dma_wait3A_720 = tpu.memref_squeeze %dma_wait3A_719 : memref<1x2x50xi32, #tpu.memory_space<vmem>> -> memref<2x50xi32, #tpu.memory_space<vmem>>
        %dma_wait3A_721 = arith.constant 0 : i32
        %dma_wait3A_722 = arith.constant 0 : i32
        %dma_wait3A_723 = tpu.memref_slice %arg3[%add3A, %add3A_715, %dma_wait3A_721, %dma_wait3A_722] : memref<32x200x2x50xi32, #tpu.memory_space<hbm>> -> memref<1x1x2x50xi32, #tpu.memory_space<hbm>>
        %dma_wait3A_724 = tpu.memref_squeeze %dma_wait3A_723 : memref<1x1x2x50xi32, #tpu.memory_space<hbm>> -> memref<2x50xi32, #tpu.memory_space<hbm>>
        %dma_wait3A_725 = arith.constant 0 : i32
        %dma_wait3A_726 = arith.constant 0 : i32
        %dma_wait3A_727 = tpu.memref_slice %arg5[%dma_wait3A_716, %dma_wait3A_725, %dma_wait3A_726] : memref<8x2x50xi32, #tpu.memory_space<vmem>> -> memref<1x2x50xi32, #tpu.memory_space<vmem>>
        %dma_wait3A_728 = tpu.memref_squeeze %dma_wait3A_727 : memref<1x2x50xi32, #tpu.memory_space<vmem>> -> memref<2x50xi32, #tpu.memory_space<vmem>>
        %dma_wait3A_729 = arith.constant 0 : i32
        %dma_wait3A_730 = arith.constant 0 : i32
        %dma_wait3A_731 = tpu.memref_slice %arg3[%add3A, %add3A_715, %dma_wait3A_729, %dma_wait3A_730] : memref<32x200x2x50xi32, #tpu.memory_space<hbm>> -> memref<1x1x2x50xi32, #tpu.memory_space<hbm>>
        %dma_wait3A_732 = tpu.memref_squeeze %dma_wait3A_731 : memref<1x1x2x50xi32, #tpu.memory_space<hbm>> -> memref<2x50xi32, #tpu.memory_space<hbm>>
        tpu.wait_dma2 semaphore(%arg13 : memref<!tpu.dma_semaphore, #tpu.memory_space<semaphore_mem>>) src(%dma_wait3A_732 : memref<2x50xi32, #tpu.memory_space<hbm>>) dst(%dma_wait3A_728 : memref<2x50xi32, #tpu.memory_space<vmem>>)
        %mul3A_733 = arith.constant 8 : i32
        %mul3A_734 = arith.muli %scan3A_217, %mul3A_733 : i32
        %add3A_735 = arith.constant 7 : i32
        %add3A_736 = arith.addi %mul3A_734, %add3A_735 : i32
        %add3A_737 = arith.constant 2 : i32
        %add3A_738 = arith.addi %add3A_736, %add3A_737 : i32
        %dma_start3A_739 = arith.constant 1 : i32
        %dma_start3A_740 = arith.constant 0 : i32
        %dma_start3A_741 = arith.constant 0 : i32
        %dma_start3A_742 = tpu.memref_slice %arg5[%dma_start3A_739, %dma_start3A_740, %dma_start3A_741] : memref<8x2x50xi32, #tpu.memory_space<vmem>> -> memref<1x1x50xi32, #tpu.memory_space<vmem>>
        %dma_start3A_743 = tpu.memref_squeeze %dma_start3A_742 : memref<1x1x50xi32, #tpu.memory_space<vmem>> -> memref<50xi32, #tpu.memory_space<vmem>>
        %dma_start3A_744 = arith.constant 0 : i32
        %dma_start3A_745 = arith.constant 0 : i32
        %dma_start3A_746 = tpu.memref_slice %arg2[%dma_start3A_744, %dma_start3A_745] : memref<10240x128xf32, #tpu.memory_space<hbm>> -> memref<10240x128xf32, #tpu.memory_space<hbm>>
        tpu.enqueue_indirect_dma source(%dma_start3A_746 : memref<10240x128xf32, #tpu.memory_space<hbm>>) target(%arg7 : memref<50x128xf32, #tpu.memory_space<vmem>>) offsets(%dma_start3A_743 : memref<50xi32, #tpu.memory_space<vmem>>) semaphore(%arg21 : memref<!tpu.dma_semaphore, #tpu.memory_space<semaphore_mem>>)
      } else {
      }
      %scan3A_709 = arith.constant 0 : i32
      scf.yield %scan3A_709 : i32
    }
    %scan3A_185 = arith.constant 25 : i32
    %dma_wait3A_186 = arith.constant 6 : i32
    %dma_wait3A_187 = arith.constant 1 : i32
    %dma_wait3A_188 = arith.constant 0 : i32
    %dma_wait3A_189 = tpu.memref_slice %arg5[%dma_wait3A_186, %dma_wait3A_187, %dma_wait3A_188] : memref<8x2x50xi32, #tpu.memory_space<vmem>> -> memref<1x1x50xi32, #tpu.memory_space<vmem>>
    %dma_wait3A_190 = tpu.memref_squeeze %dma_wait3A_189 : memref<1x1x50xi32, #tpu.memory_space<vmem>> -> memref<50xi32, #tpu.memory_space<vmem>>
    %dma_wait3A_191 = arith.constant 0 : i32
    %dma_wait3A_192 = arith.constant 0 : i32
    %dma_wait3A_193 = tpu.memref_slice %arg11[%dma_wait3A_191, %dma_wait3A_192] : memref<10240x128xf32, #tpu.memory_space<vmem_shared>> -> memref<10240x128xf32, #tpu.memory_space<vmem_shared>>
    tpu.wait_indirect_dma semaphore(%arg26 : memref<!tpu.dma_semaphore, #tpu.memory_space<semaphore_mem>>) src(%arg8 : memref<50x128xf32, #tpu.memory_space<vmem>>) dst(%dma_wait3A_193 : memref<10240x128xf32, #tpu.memory_space<vmem_shared>>)
    %dma_wait3A_194 = arith.constant 7 : i32
    %dma_wait3A_195 = arith.constant 1 : i32
    %dma_wait3A_196 = arith.constant 0 : i32
    %dma_wait3A_197 = tpu.memref_slice %arg5[%dma_wait3A_194, %dma_wait3A_195, %dma_wait3A_196] : memref<8x2x50xi32, #tpu.memory_space<vmem>> -> memref<1x1x50xi32, #tpu.memory_space<vmem>>
    %dma_wait3A_198 = tpu.memref_squeeze %dma_wait3A_197 : memref<1x1x50xi32, #tpu.memory_space<vmem>> -> memref<50xi32, #tpu.memory_space<vmem>>
    %dma_wait3A_199 = arith.constant 0 : i32
    %dma_wait3A_200 = arith.constant 0 : i32
    %dma_wait3A_201 = tpu.memref_slice %arg11[%dma_wait3A_199, %dma_wait3A_200] : memref<10240x128xf32, #tpu.memory_space<vmem_shared>> -> memref<10240x128xf32, #tpu.memory_space<vmem_shared>>
    tpu.wait_indirect_dma semaphore(%arg27 : memref<!tpu.dma_semaphore, #tpu.memory_space<semaphore_mem>>) src(%arg9 : memref<50x128xf32, #tpu.memory_space<vmem>>) dst(%dma_wait3A_201 : memref<10240x128xf32, #tpu.memory_space<vmem_shared>>)
    %barrier3A_202 = arith.constant 0 : index
    tpu.barrier barrier_id(%barrier3A_202)
    %scan3A_203 = arith.constant 0 : i32
    %scan3A_204 = arith.constant 0 : i32
    %scan3A_205 = arith.constant 10 : i32
    %scan3A_206 = arith.addi %scan3A_204, %scan3A_205 : i32
    %scan3A_207 = arith.constant 1 : i32
    %scan3A_208 = scf.for %scan3A_217 = %scan3A_204 to %scan3A_206 step %scan3A_207 iter_args(%scan3A_218 = %scan3A_203) -> (i32)  : i32 {
      %mul3A_219 = arith.constant 640 : i32
      %mul3A_220 = arith.muli %arg1, %mul3A_219 : i32
      %mul3A_221 = arith.constant 64 : i32
      %mul3A_222 = arith.muli %scan3A_217, %mul3A_221 : i32
      %add3A_223 = arith.addi %mul3A_220, %mul3A_222 : i32
      %mul3A_224 = arith.constant 640 : i32
      %mul3A_225 = arith.muli %arg1, %mul3A_224 : i32
      %mul3A_226 = arith.constant 64 : i32
      %mul3A_227 = arith.muli %scan3A_217, %mul3A_226 : i32
      %add3A_228 = arith.addi %mul3A_225, %mul3A_227 : i32
      %dma_start3A_229 = arith.constant 0 : i32
      %dma_start3A_230 = tpu.memref_slice %arg4[%arg0, %add3A_228, %dma_start3A_229] : memref<2x10240x128xf32, #tpu.memory_space<hbm>> -> memref<1x64x128xf32, #tpu.memory_space<hbm>>
      %dma_start3A_231 = tpu.memref_squeeze %dma_start3A_230 : memref<1x64x128xf32, #tpu.memory_space<hbm>> -> memref<64x128xf32, #tpu.memory_space<hbm>>
      %dma_start3A_232 = arith.constant 0 : i32
      %dma_start3A_233 = tpu.memref_slice %arg11[%add3A_223, %dma_start3A_232] : memref<10240x128xf32, #tpu.memory_space<vmem_shared>> -> memref<64x128xf32, #tpu.memory_space<vmem_shared>>
      tpu.enqueue_dma source(%dma_start3A_233 : memref<64x128xf32, #tpu.memory_space<vmem_shared>>) target(%dma_start3A_231 : memref<64x128xf32, #tpu.memory_space<hbm>>) target_semaphore(%arg28 : memref<!tpu.dma_semaphore, #tpu.memory_space<semaphore_mem>>)
      %scan3A_234 = arith.constant 0 : i32
      scf.yield %scan3A_234 : i32
    }
    %scan3A_209 = arith.constant 10 : i32
    %scan3A_210 = arith.constant 0 : i32
    %scan3A_211 = arith.constant 0 : i32
    %scan3A_212 = arith.constant 10 : i32
    %scan3A_213 = arith.addi %scan3A_211, %scan3A_212 : i32
    %scan3A_214 = arith.constant 1 : i32
    %scan3A_215 = scf.for %scan3A_217 = %scan3A_211 to %scan3A_213 step %scan3A_214 iter_args(%scan3A_218 = %scan3A_210) -> (i32)  : i32 {
      %mul3A_219 = arith.constant 640 : i32
      %mul3A_220 = arith.muli %arg1, %mul3A_219 : i32
      %mul3A_221 = arith.constant 64 : i32
      %mul3A_222 = arith.muli %scan3A_217, %mul3A_221 : i32
      %add3A_223 = arith.addi %mul3A_220, %mul3A_222 : i32
      %mul3A_224 = arith.constant 640 : i32
      %mul3A_225 = arith.muli %arg1, %mul3A_224 : i32
      %mul3A_226 = arith.constant 64 : i32
      %mul3A_227 = arith.muli %scan3A_217, %mul3A_226 : i32
      %add3A_228 = arith.addi %mul3A_225, %mul3A_227 : i32
      %dma_wait3A_229 = arith.constant 0 : i32
      %dma_wait3A_230 = tpu.memref_slice %arg4[%arg0, %add3A_228, %dma_wait3A_229] : memref<2x10240x128xf32, #tpu.memory_space<hbm>> -> memref<1x64x128xf32, #tpu.memory_space<hbm>>
      %dma_wait3A_231 = tpu.memref_squeeze %dma_wait3A_230 : memref<1x64x128xf32, #tpu.memory_space<hbm>> -> memref<64x128xf32, #tpu.memory_space<hbm>>
      %dma_wait3A_232 = arith.constant 0 : i32
      %dma_wait3A_233 = tpu.memref_slice %arg11[%add3A_223, %dma_wait3A_232] : memref<10240x128xf32, #tpu.memory_space<vmem_shared>> -> memref<64x128xf32, #tpu.memory_space<vmem_shared>>
      tpu.wait_dma2 semaphore(%arg28 : memref<!tpu.dma_semaphore, #tpu.memory_space<semaphore_mem>>) src(%dma_wait3A_233 : memref<64x128xf32, #tpu.memory_space<vmem_shared>>) dst(%dma_wait3A_231 : memref<64x128xf32, #tpu.memory_space<hbm>>)
      %scan3A_234 = arith.constant 0 : i32
      scf.yield %scan3A_234 : i32
    }
    %scan3A_216 = arith.constant 10 : i32
    return
  }
}

module attributes {stable_mosaic.version = 14 : i64} {
  func.func @body(%arg0: i32, %arg1: memref<1024x128xf32, #tpu.memory_space<vmem>>, %arg2: memref<2x1024xf32, #tpu.memory_space<vmem>>, %arg3: memref<1024x128xf32, #tpu.memory_space<vmem>>, %arg4: memref<1024xf32, #tpu.memory_space<vmem>>) attributes {dimension_semantics = [#tpu.dimension_semantics<arbitrary>], iteration_bounds = array<i64: 10>, scalar_prefetch = 0 : i64, scratch_operands = 0 : i64, tpu.core_type = #tpu.core_type<tc>, window_params = [{transform_indices = @transform_0, window_bounds = array<i64: 1024, 128>}, {transform_indices = @transform_1, window_bounds = array<i64: 2, 1024>}, {transform_indices = @transform_2, window_bounds = array<i64: 1024, 128>}, {transform_indices = @transform_3, window_bounds = array<i64: 1024>}]} {
    %get3A = arith.constant 0 : index
    %get3A_0 = arith.constant 0 : index
    %get3A_1 = vector.load %arg2[%get3A, %get3A_0] : memref<2x1024xf32, #tpu.memory_space<vmem>>, vector<1x1024xf32>
    %get3A_2 = vector.shape_cast %get3A_1 : vector<1x1024xf32> to vector<1024xf32>
    %get3A_3 = arith.constant 1 : index
    %get3A_4 = arith.constant 0 : index
    %get3A_5 = vector.load %arg2[%get3A_3, %get3A_4] : memref<2x1024xf32, #tpu.memory_space<vmem>>, vector<1x1024xf32>
    %get3A_6 = vector.shape_cast %get3A_5 : vector<1x1024xf32> to vector<1024xf32>
    %add3A = arith.addf %get3A_2, %get3A_6 : vector<1024xf32>
    %add3A_7 = arith.constant 1.000000e+00 : f32
    %add3A_8 = vector.broadcast %add3A_7 : f32 to vector<1024xf32>
    %add3A_9 = arith.addf %add3A, %add3A_8 : vector<1024xf32>
    %rsqrt3A = math.rsqrt %add3A_9 : vector<1024xf32>
    %swap3A = arith.constant 0 : index
    %swap3A_10 = vector.load %arg4[%swap3A] : memref<1024xf32, #tpu.memory_space<vmem>>, vector<1024xf32>
    tpu.vector_store %arg4[%swap3A], %rsqrt3A {strides = array<i32>} : memref<1024xf32, #tpu.memory_space<vmem>>, vector<1024xf32>,
    %get3A_11 = arith.constant 0 : index
    %get3A_12 = arith.constant 0 : index
    %get3A_13 = vector.load %arg1[%get3A_11, %get3A_12] : memref<1024x128xf32, #tpu.memory_space<vmem>>, vector<1024x128xf32>
    %broadcast_in_dim3A = vector.shape_cast %rsqrt3A : vector<1024xf32> to vector<1024x1xf32>
    %mul3A = vector.broadcast %broadcast_in_dim3A : vector<1024x1xf32> to vector<1024x128xf32>
    %mul3A_14 = arith.mulf %get3A_13, %mul3A : vector<1024x128xf32>
    %swap3A_15 = arith.constant 0 : index
    %swap3A_16 = arith.constant 0 : index
    %swap3A_17 = vector.load %arg3[%swap3A_15, %swap3A_16] : memref<1024x128xf32, #tpu.memory_space<vmem>>, vector<1024x128xf32>
    tpu.vector_store %arg3[%swap3A_15, %swap3A_16], %mul3A_14 {strides = array<i32>} : memref<1024x128xf32, #tpu.memory_space<vmem>>, vector<1024x128xf32>,
    return
  }
  func.func @transform_0(%arg0: i32) -> (i32, i32) {
    %c0_i32 = arith.constant 0 : i32
    %c0_i32_0 = arith.constant 0 : i32
    return %arg0, %c0_i32 : i32, i32
  }
  func.func @transform_1(%arg0: i32) -> (i32, i32) {
    %c0_i32 = arith.constant 0 : i32
    %c0_i32_0 = arith.constant 0 : i32
    return %c0_i32, %arg0 : i32, i32
  }
  func.func @transform_2(%arg0: i32) -> (i32, i32) {
    %c0_i32 = arith.constant 0 : i32
    %c0_i32_0 = arith.constant 0 : i32
    return %arg0, %c0_i32 : i32, i32
  }
  func.func @transform_3(%arg0: i32) -> i32 {
    %c0_i32 = arith.constant 0 : i32
    return %arg0 : i32
  }
}

module attributes {stable_mosaic.version = 14 : i64} {
  func.func @body(%arg0: i32, %arg1: memref<2x1024x128xf32, #tpu.memory_space<vmem>>, %arg2: memref<1024x128xf32, #tpu.memory_space<vmem>>, %arg3: memref<1024xf32, #tpu.memory_space<vmem>>, %arg4: memref<128x256xf32, #tpu.memory_space<vmem>>, %arg5: memref<256xf32, #tpu.memory_space<vmem>>, %arg6: memref<256x128xf32, #tpu.memory_space<vmem>>, %arg7: memref<1x1xf32, #tpu.memory_space<smem>>, %arg8: memref<1024x128xf32, #tpu.memory_space<vmem>>) attributes {dimension_semantics = [#tpu.dimension_semantics<arbitrary>], iteration_bounds = array<i64: 10>, scalar_prefetch = 0 : i64, scratch_operands = 0 : i64, tpu.core_type = #tpu.core_type<tc>, window_params = [{transform_indices = @transform_0, window_bounds = array<i64: 2, 1024, 128>}, {transform_indices = @transform_1, window_bounds = array<i64: 1024, 128>}, {transform_indices = @transform_2, window_bounds = array<i64: 1024>}, {pipeline_mode = #tpu.pipeline_mode<synchronous>, transform_indices = @transform_3, window_bounds = array<i64: 128, 256>}, {pipeline_mode = #tpu.pipeline_mode<synchronous>, transform_indices = @transform_4, window_bounds = array<i64: 256>}, {pipeline_mode = #tpu.pipeline_mode<synchronous>, transform_indices = @transform_5, window_bounds = array<i64: 256, 128>}, {transform_indices = @transform_6, window_bounds = array<i64: 1, 1>}, {transform_indices = @transform_7, window_bounds = array<i64: 1024, 128>}]} {
    %get3A = arith.constant 0 : index
    %get3A_0 = vector.load %arg3[%get3A] : memref<1024xf32, #tpu.memory_space<vmem>>, vector<1024xf32>
    %broadcast_in_dim3A = vector.shape_cast %get3A_0 : vector<1024xf32> to vector<1024x1xf32>
    %get3A_1 = arith.constant 0 : index
    %get3A_2 = arith.constant 0 : index
    %get3A_3 = arith.constant 0 : index
    %get3A_4 = vector.load %arg1[%get3A_1, %get3A_2, %get3A_3] : memref<2x1024x128xf32, #tpu.memory_space<vmem>>, vector<1x1024x128xf32>
    %get3A_5 = vector.shape_cast %get3A_4 : vector<1x1024x128xf32> to vector<1024x128xf32>
    %get3A_6 = arith.constant 1 : index
    %get3A_7 = arith.constant 0 : index
    %get3A_8 = arith.constant 0 : index
    %get3A_9 = vector.load %arg1[%get3A_6, %get3A_7, %get3A_8] : memref<2x1024x128xf32, #tpu.memory_space<vmem>>, vector<1x1024x128xf32>
    %get3A_10 = vector.shape_cast %get3A_9 : vector<1x1024x128xf32> to vector<1024x128xf32>
    %add3A = arith.addf %get3A_5, %get3A_10 : vector<1024x128xf32>
    %get3A_11 = arith.constant 0 : index
    %get3A_12 = arith.constant 0 : index
    %get3A_13 = vector.load %arg2[%get3A_11, %get3A_12] : memref<1024x128xf32, #tpu.memory_space<vmem>>, vector<1024x128xf32>
    %add3A_14 = arith.addf %add3A, %get3A_13 : vector<1024x128xf32>
    %mul3A = vector.broadcast %broadcast_in_dim3A : vector<1024x1xf32> to vector<1024x128xf32>
    %mul3A_15 = arith.mulf %add3A_14, %mul3A : vector<1024x128xf32>
    %get3A_16 = arith.constant 0 : index
    %get3A_17 = arith.constant 0 : index
    %get3A_18 = vector.load %arg4[%get3A_16, %get3A_17] : memref<128x256xf32, #tpu.memory_space<vmem>>, vector<128x256xf32>
    %dot_general3A = arith.constant dense<0.000000e+00> : vector<1024x256xf32>
    %dot_general3A_19 = tpu.matmul %mul3A_15, %get3A_18, %dot_general3A {dimension_numbers = #tpu.dot_dimension_numbers<[1], [0], [0], [1], [0, 0, 1, 1], [], []>, transpose_lhs_hint = false} : vector<1024x128xf32>, vector<128x256xf32>, vector<1024x256xf32> -> vector<1024x256xf32>
    %get3A_20 = arith.constant 0 : index
    %get3A_21 = vector.load %arg5[%get3A_20] : memref<256xf32, #tpu.memory_space<vmem>>, vector<256xf32>
    %broadcast_in_dim3A_22 = vector.shape_cast %get3A_21 : vector<256xf32> to vector<1x256xf32>
    %add3A_23 = vector.broadcast %broadcast_in_dim3A_22 : vector<1x256xf32> to vector<1024x256xf32>
    %add3A_24 = arith.addf %dot_general3A_19, %add3A_23 : vector<1024x256xf32>
    %get3A_25 = arith.constant 0 : index
    %get3A_26 = arith.constant 0 : index
    %get3A_27 = memref.load %arg7[%get3A_25, %get3A_26] : memref<1x1xf32, #tpu.memory_space<smem>>
    %ge3A = arith.constant 0.000000e+00 : f32
    %ge3A_28 = vector.broadcast %ge3A : f32 to vector<1024x256xf32>
    %ge3A_29 = arith.cmpf oge, %add3A_24, %ge3A_28 : vector<1024x256xf32>
    %mul3A_30 = vector.broadcast %get3A_27 : f32 to vector<1024x256xf32>
    %mul3A_31 = arith.mulf %mul3A_30, %add3A_24 : vector<1024x256xf32>
    %select_n3A = arith.select %ge3A_29, %add3A_24, %mul3A_31 : vector<1024x256xi1>, vector<1024x256xf32>
    %get3A_32 = arith.constant 0 : index
    %get3A_33 = arith.constant 0 : index
    %get3A_34 = vector.load %arg6[%get3A_32, %get3A_33] : memref<256x128xf32, #tpu.memory_space<vmem>>, vector<256x128xf32>
    %dot_general3A_35 = arith.constant dense<0.000000e+00> : vector<1024x128xf32>
    %dot_general3A_36 = tpu.matmul %select_n3A, %get3A_34, %dot_general3A_35 {dimension_numbers = #tpu.dot_dimension_numbers<[1], [0], [0], [1], [0, 0, 1, 1], [], []>, transpose_lhs_hint = false} : vector<1024x256xf32>, vector<256x128xf32>, vector<1024x128xf32> -> vector<1024x128xf32>
    %mul3A_37 = vector.broadcast %broadcast_in_dim3A : vector<1024x1xf32> to vector<1024x128xf32>
    %mul3A_38 = arith.mulf %dot_general3A_36, %mul3A_37 : vector<1024x128xf32>
    %swap3A = arith.constant 0 : index
    %swap3A_39 = arith.constant 0 : index
    %swap3A_40 = vector.load %arg8[%swap3A, %swap3A_39] : memref<1024x128xf32, #tpu.memory_space<vmem>>, vector<1024x128xf32>
    tpu.vector_store %arg8[%swap3A, %swap3A_39], %mul3A_38 {strides = array<i32>} : memref<1024x128xf32, #tpu.memory_space<vmem>>, vector<1024x128xf32>,
    return
  }
  func.func @transform_0(%arg0: i32) -> (i32, i32, i32) {
    %c0_i32 = arith.constant 0 : i32
    %c0_i32_0 = arith.constant 0 : i32
    %c0_i32_1 = arith.constant 0 : i32
    return %c0_i32, %arg0, %c0_i32_0 : i32, i32, i32
  }
  func.func @transform_1(%arg0: i32) -> (i32, i32) {
    %c0_i32 = arith.constant 0 : i32
    %c0_i32_0 = arith.constant 0 : i32
    return %arg0, %c0_i32 : i32, i32
  }
  func.func @transform_2(%arg0: i32) -> i32 {
    %c0_i32 = arith.constant 0 : i32
    return %arg0 : i32
  }
  func.func @transform_3(%arg0: i32) -> (i32, i32) {
    %c0_i32 = arith.constant 0 : i32
    %c0_i32_0 = arith.constant 0 : i32
    %c0_i32_1 = arith.constant 0 : i32
    return %c0_i32, %c0_i32_0 : i32, i32
  }
  func.func @transform_4(%arg0: i32) -> i32 {
    %c0_i32 = arith.constant 0 : i32
    %c0_i32_0 = arith.constant 0 : i32
    return %c0_i32 : i32
  }
  func.func @transform_5(%arg0: i32) -> (i32, i32) {
    %c0_i32 = arith.constant 0 : i32
    %c0_i32_0 = arith.constant 0 : i32
    %c0_i32_1 = arith.constant 0 : i32
    return %c0_i32, %c0_i32_0 : i32, i32
  }
  func.func @transform_6(%arg0: i32) -> (i32, i32) {
    %c0_i32 = arith.constant 0 : i32
    %c0_i32_0 = arith.constant 0 : i32
    %c0_i32_1 = arith.constant 0 : i32
    return %c0_i32, %c0_i32_0 : i32, i32
  }
  func.func @transform_7(%arg0: i32) -> (i32, i32) {
    %c0_i32 = arith.constant 0 : i32
    %c0_i32_0 = arith.constant 0 : i32
    return %arg0, %c0_i32 : i32, i32
  }
}

module attributes {stable_mosaic.version = 14 : i64} {
  func.func @body(%arg0: i32, %arg1: memref<2x1024x128xf32, #tpu.memory_space<vmem>>, %arg2: memref<1024x128xf32, #tpu.memory_space<vmem>>, %arg3: memref<1024xf32, #tpu.memory_space<vmem>>, %arg4: memref<128xf32, #tpu.memory_space<vmem>>, %arg5: memref<1024x128xf32, #tpu.memory_space<vmem>>) attributes {dimension_semantics = [#tpu.dimension_semantics<arbitrary>], iteration_bounds = array<i64: 10>, scalar_prefetch = 0 : i64, scratch_operands = 0 : i64, tpu.core_type = #tpu.core_type<tc>, window_params = [{transform_indices = @transform_0, window_bounds = array<i64: 2, 1024, 128>}, {transform_indices = @transform_1, window_bounds = array<i64: 1024, 128>}, {transform_indices = @transform_2, window_bounds = array<i64: 1024>}, {pipeline_mode = #tpu.pipeline_mode<synchronous>, transform_indices = @transform_3, window_bounds = array<i64: 128>}, {transform_indices = @transform_4, window_bounds = array<i64: 1024, 128>}]} {
    %get3A = arith.constant 0 : index
    %get3A_0 = vector.load %arg3[%get3A] : memref<1024xf32, #tpu.memory_space<vmem>>, vector<1024xf32>
    %broadcast_in_dim3A = vector.shape_cast %get3A_0 : vector<1024xf32> to vector<1024x1xf32>
    %get3A_1 = arith.constant 0 : index
    %get3A_2 = arith.constant 0 : index
    %get3A_3 = arith.constant 0 : index
    %get3A_4 = vector.load %arg1[%get3A_1, %get3A_2, %get3A_3] : memref<2x1024x128xf32, #tpu.memory_space<vmem>>, vector<1x1024x128xf32>
    %get3A_5 = vector.shape_cast %get3A_4 : vector<1x1024x128xf32> to vector<1024x128xf32>
    %get3A_6 = arith.constant 1 : index
    %get3A_7 = arith.constant 0 : index
    %get3A_8 = arith.constant 0 : index
    %get3A_9 = vector.load %arg1[%get3A_6, %get3A_7, %get3A_8] : memref<2x1024x128xf32, #tpu.memory_space<vmem>>, vector<1x1024x128xf32>
    %get3A_10 = vector.shape_cast %get3A_9 : vector<1x1024x128xf32> to vector<1024x128xf32>
    %add3A = arith.addf %get3A_5, %get3A_10 : vector<1024x128xf32>
    %get3A_11 = arith.constant 0 : index
    %get3A_12 = arith.constant 0 : index
    %get3A_13 = vector.load %arg2[%get3A_11, %get3A_12] : memref<1024x128xf32, #tpu.memory_space<vmem>>, vector<1024x128xf32>
    %add3A_14 = arith.addf %add3A, %get3A_13 : vector<1024x128xf32>
    %mul3A = vector.broadcast %broadcast_in_dim3A : vector<1024x1xf32> to vector<1024x128xf32>
    %mul3A_15 = arith.mulf %add3A_14, %mul3A : vector<1024x128xf32>
    %get3A_16 = arith.constant 0 : index
    %get3A_17 = vector.load %arg4[%get3A_16] : memref<128xf32, #tpu.memory_space<vmem>>, vector<128xf32>
    %broadcast_in_dim3A_18 = vector.shape_cast %get3A_17 : vector<128xf32> to vector<1x128xf32>
    %add3A_19 = vector.broadcast %broadcast_in_dim3A_18 : vector<1x128xf32> to vector<1024x128xf32>
    %add3A_20 = arith.addf %mul3A_15, %add3A_19 : vector<1024x128xf32>
    %swap3A = arith.constant 0 : index
    %swap3A_21 = arith.constant 0 : index
    %swap3A_22 = vector.load %arg5[%swap3A, %swap3A_21] : memref<1024x128xf32, #tpu.memory_space<vmem>>, vector<1024x128xf32>
    tpu.vector_store %arg5[%swap3A, %swap3A_21], %add3A_20 {strides = array<i32>} : memref<1024x128xf32, #tpu.memory_space<vmem>>, vector<1024x128xf32>,
    return
  }
  func.func @transform_0(%arg0: i32) -> (i32, i32, i32) {
    %c0_i32 = arith.constant 0 : i32
    %c0_i32_0 = arith.constant 0 : i32
    %c0_i32_1 = arith.constant 0 : i32
    return %c0_i32, %arg0, %c0_i32_0 : i32, i32, i32
  }
  func.func @transform_1(%arg0: i32) -> (i32, i32) {
    %c0_i32 = arith.constant 0 : i32
    %c0_i32_0 = arith.constant 0 : i32
    return %arg0, %c0_i32 : i32, i32
  }
  func.func @transform_2(%arg0: i32) -> i32 {
    %c0_i32 = arith.constant 0 : i32
    return %arg0 : i32
  }
  func.func @transform_3(%arg0: i32) -> i32 {
    %c0_i32 = arith.constant 0 : i32
    %c0_i32_0 = arith.constant 0 : i32
    return %c0_i32 : i32
  }
  func.func @transform_4(%arg0: i32) -> (i32, i32) {
    %c0_i32 = arith.constant 0 : i32
    %c0_i32_0 = arith.constant 0 : i32
    return %arg0, %c0_i32 : i32, i32
  }
}

</mosaic_0001>

<sc_bundles>
// kernel: kernel.11.cloned.1.call-start
scs
__scs_entry_jumppad:
0x0: {  	(pc) =	sbr.rel $0x88, $3  }
0x1: {  	(tag) =	ssettag $0x0;
	lr =	simm.s32 $0x1  }
0x2: {  	[smem:$0x3F9A] =	sst lr;
	_ =	strace $0xD0000000  }
0x3: {  	_ = 	snop  }
0x4: {  	_ = 	snop  }
0x5: {  	_ = 	snop  }
0x6: {  	_ = 	snop  }
0x7: {  	_ = 	snop  }
__scs_overlays_trampoline_lowered:
0x8: {  	[smem:$0x3FA9] =	sst s0  }
0x9: {  	[smem:$0x3FAA] =	sst s1  }
0xa: {  	[smem:$0x3FAB] =	sst s2  }
0xb: {  	[smem:$0x3FAC] =	sst s3  }
0xc: {  	[smem:$0x3FAD] =	sst s4  }
0xd: {  	[smem:$0x3FAE] =	sst s5  }
0xe: {  	[smem:$0x3FAF] =	sst s6  }
0xf: {  	[smem:$0x3FB0] =	sst s7  }
0x10: {  	[smem:$0x3FB1] =	sst s8  }
0x11: {  	[smem:$0x3FB2] =	sst s9;
	s0 =	simm.s32 @!p0 $0x0  }
0x12: {  	s1 =	sld [smem:$0x3F98];
	s0 =	simm.s32 @p0 $0x1  }
0x13: {  	[smem:$0x3FB3] =	sst s0;
	s0 =	simm.s32 @!p1 $0x0  }
0x14: {  	s2 =	sld [smem:$0x3F97];
	s0 =	simm.s32 @p1 $0x1  }
0x15: {  	[smem:$0x3FB4] =	sst s0;
	s0 =	simm.s32 @!p2 $0x0  }
0x16: {  	s3 =	sld [smem:$0x3FDB];
	s0 =	simm.s32 @p2 $0x1  }
0x17: {  	s4 =	simm.s32 $0x1BF5;
	[smem:$0x3FB6] =	sst s0  }
0x18: {  	s0 =	sld [smem:$0x3F99];
	_ =	swait.ge [sflag:s4], $0x0  }
0x19: {  	s7 =	sld [smem:$0x3F9A]  }
0x1a: {  	s8 =	sadd.s32 $0xFFFFE003, lr  }
0x1b: {  	s9 =	sadd.s32 $0xFFFFFEF7, lr;
	s5 =	simm.s32 $0xFFFFFFFF;
	p2 =	slt.u32 s8, $0xFFFFF086  }
0x1c: {  	p1 =	slt.u32 s9, $0xF7A;
	s5 =	simm.s32 @!p2 $0x0  }
0x1d: {  	s5 =	simm.s32 @p1 $0x1;
	p0 =	seq.s32 s7, s2  }
0x1e: {  	s7 =	smul.u32 @!p0 $0xF7A, s2;
	p2 =	seq.s32 @!p0 s5, $0x0  }
0x1f: {  	s9 =	smul.u32 $0xF7A, s1;
	s8 =	simm.s32 @!p0 $0x1BF5;
	p2 =	por !p2, p0  }
0x20: {  	[sflag:s8] =	ssyncset.s32 @!p0 $0xFFFFF086;
	s6 =	sadd.s32 @!p0 s3, s7;
	s7 =	simm.s32 @!p0 $0x108  }
0x21: {  	s3 =	sadd.s32 s3, s9;
	s6 =	sadd.s32 @!p0 $0x88, s6;
	s7 =	simm.s32 @p2 $0x1082  }
0x22: {  	[simem:s7], [sflag:s8] =	dma.local @!p0 [hbm:s6], $0xF7A  }
0x23: {  	s9 =	sor.u32 $0xD0000000, s2;
	s6 =	simm.s32 $0x108;
	_ =	swait.ge @!p0 [sflag:s8], $0x0  }
0x24: {  	s3 =	sadd.s32 $0x88, s3;
	s6 =	simm.s32 @!p1 $0x1082;
	[sflag:s4] =	ssyncset.s32 $0xFFFFF086  }
0x25: {  	[simem:s6], [sflag:s4] =	dma.local [hbm:s3], $0xF7A  }
0x26: {  	[smem:$0x3F9A] =	sst s1;
	(tag) =	ssettag s2;
	_ =	strace s9  }
0x27: {  	s1 =	sld [smem:$0x3FAA]  }
0x28: {  	s2 =	sld [smem:$0x3FAB]  }
0x29: {  	s4 =	sld [smem:$0x3FAD]  }
0x2a: {  	p0 =	seq.s32 s5, $0x0;
	s5 =	sld [smem:$0x3FAE]  }
0x2b: {  	s6 =	sld [smem:$0x3FAF]  }
0x2c: {  	s7 =	sld [smem:$0x3FB0]  }
0x2d: {  	s3 =	simm.s32 $0x108;
	s8 =	sld [smem:$0x3FB1]  }
0x2e: {  	s3 =	simm.s32 @!p0 $0x1082;
	s9 =	sld [smem:$0x3FB2]  }
0x2f: {  	lr =	sadd.s32 s0, s3;
	s0 =	sld [smem:$0x3FA9]  }
0x30: {  	s3 =	sld [smem:$0x3FAC]  }
0x31: {  	[smem:$0x3FB5] =	sst s10  }
0x32: {  	s10 =	sld [smem:$0x3FB3];
	_ =	sdelay $0x3  }
0x33: {  	p0 =	seq.s32 s10, $0x1;
	s10 =	sld [smem:$0x3FB5];
	_ =	sdelay $0x3  }
0x34: {  	[smem:$0x3FB5] =	sst s10  }
0x35: {  	s10 =	sld [smem:$0x3FB4];
	_ =	sdelay $0x3  }
0x36: {  	p1 =	seq.s32 s10, $0x1;
	s10 =	sld [smem:$0x3FB5];
	_ =	sdelay $0x3  }
0x37: {  	[smem:$0x3FB5] =	sst s10  }
0x38: {  	s10 =	sld [smem:$0x3FB6]  }
0x39: {  	_ = 	snop;
	(pc) =	sbr.ind lr, $3  }
0x3a: {  	_ = 	snop  }
0x3b: {  	_ = 	snop  }
0x3c: {  	p2 =	seq.s32 s10, $0x1;
	s10 =	sld [smem:$0x3FB5]  }
0x3d: {  	_ =	shalt  }
0x3e: {  	_ =	shalt  }
0x3f: {  	_ =	shalt  }
0x40: {  	_ =	shalt  }
0x41: {  	_ =	shalt  }
0x42: {  	_ =	shalt  }
0x43: {  	_ =	shalt  }
0x44: {  	_ =	shalt  }
0x45: {  	_ =	shalt  }
0x46: {  	_ =	shalt  }
0x47: {  	_ =	shalt  }
0x48: {  	_ =	shalt  }
0x49: {  	_ =	shalt  }
0x4a: {  	_ =	shalt  }
0x4b: {  	_ =	shalt  }
0x4c: {  	_ =	shalt  }
0x4d: {  	_ =	shalt  }
0x4e: {  	_ =	shalt  }
0x4f: {  	_ =	shalt  }
0x50: {  	_ =	shalt  }
0x51: {  	_ =	shalt  }
0x52: {  	_ =	shalt  }
0x53: {  	_ =	shalt  }
0x54: {  	_ =	shalt  }
0x55: {  	_ =	shalt  }
0x56: {  	_ =	shalt  }
0x57: {  	_ =	shalt  }
0x58: {  	_ =	shalt  }
0x59: {  	_ =	shalt  }
0x5a: {  	_ =	shalt  }
0x5b: {  	_ =	shalt  }
0x5c: {  	_ =	shalt  }
0x5d: {  	_ =	shalt  }
0x5e: {  	_ =	shalt  }
0x5f: {  	_ =	shalt  }
0x60: {  	_ =	shalt  }
0x61: {  	_ =	shalt  }
0x62: {  	_ =	shalt  }
0x63: {  	_ =	shalt  }
0x64: {  	_ =	shalt  }
0x65: {  	_ =	shalt  }
0x66: {  	_ =	shalt  }
0x67: {  	_ =	shalt  }
0x68: {  	_ =	shalt  }
0x69: {  	_ =	shalt  }
0x6a: {  	_ =	shalt  }
0x6b: {  	_ =	shalt  }
0x6c: {  	_ =	shalt  }
0x6d: {  	_ =	shalt  }
0x6e: {  	_ =	shalt  }
0x6f: {  	_ =	shalt  }
0x70: {  	_ =	shalt  }
0x71: {  	_ =	shalt  }
0x72: {  	_ =	shalt  }
0x73: {  	_ =	shalt  }
0x74: {  	_ =	shalt  }
0x75: {  	_ =	shalt  }
0x76: {  	_ =	shalt  }
0x77: {  	_ =	shalt  }
0x78: {  	_ =	shalt  }
0x79: {  	_ =	shalt  }
0x7a: {  	_ =	shalt  }
0x7b: {  	_ =	shalt  }
0x7c: {  	_ =	shalt  }
0x7d: {  	_ =	shalt  }
0x7e: {  	_ =	shalt  }
0x7f: {  	_ =	shalt  }
0x80: {  	_ =	shalt  }
0x81: {  	_ =	shalt  }
0x82: {  	_ =	shalt  }
0x83: {  	_ =	shalt  }
0x84: {  	_ =	shalt  }
0x85: {  	_ =	shalt  }
0x86: {  	_ =	shalt  }
0x87: {  	_ =	shalt  }
.Lfunc_end0:
.L_simem_size_0:
called_computation.1_lowered:
.L_overlay_start_0:
0x88: {  	s2 =	sld [smem:$0x3FD9]  }
0x89: {  	s3 =	sld [smem:$0x3FFE];
	_ =	sdelay $0x1  }
0x8a: {  	s1 =	srdreg.scid  }
0x8b: {  	s0 =	sand.u32 $0x1, s1  }
0x8c: {  	s16 =	sshll.u32 s0, $0xA;
	s2 =	sadd.s32 s3, s2  }
0x8d: {  	s2 =	sadd.s32 s2, s16  }
0x8e: {  	[smem:$0x3FC1] =	sst s2  }
0x8f: {  	_ = 	snop  }
0x90: {  	(tm) =	ssettm $0x1  }
0x91: {  	s17 =	sld [smem:$0x3FFB];
	_ =	sdelay $0x3  }
0x92: {  	_ =	strace s17  }
0x93: {  	s2 =	sld [smem:$0x3FFC];
	_ =	sdelay $0x3  }
0x94: {  	_ =	strace s2  }
0x95: {  	s2 =	sld [smem:$0x3FFD];
	_ =	sdelay $0x3  }
0x96: {  	_ =	strace s2  }
0x97: {  	_ =	strace $0x8FFFFFFF  }
0x98: {  	s18 =	sld [smem:$0x3FDB];
	_ =	sdelay $0x1  }
0x99: {  	s19 =	simm.s32 $_scs_section_size  }
0x9a: {  	s4 =	simm.s32 $_size__tile_overlayer_lowered;
	s5 =	simm.s32 $_tile_overlayer_lowered  }
0x9b: {  	s22 =	simm.s32 $0x1BFF;
	s21 =	sshll.u32 s5, $0x1;
	s2 =	sadd.s32 s19, s18  }
0x9c: {  	s6 =	simm.s32 $0x0;
	s20 =	sshll.u32 s4, $0x1;
	s4 =	sadd.s32 s21, s2  }
0x9d: {  	[timem:s6], [sflag:s22] =	dma.local [hbm:s4], s20  }
0x9e: {  	_ =	swait.ge [sflag:s22], s20  }
0x9f: {  	s3 =	ssub.s32 $0x0, s20;
	[sflag:s22] =	ssyncset.done $0x0  }
0xa0: {  	[sflag:s22] =	ssyncadd.s32 s3;
	_ =	sdelay $0x1  }
0xa1: {  	s23 =	simm.s32 $0x1B8B  }
0xa2: {  	_ =	swait.ge [sflag:s23], $0x1  }
0xa3: {  	[sflag:s23] =	ssyncset.done $0x0  }
0xa4: {  	s25 =	simm.s32 $0x1B8E;
	s24 =	sld [smem:$0x3FFE];
	[sflag:s23] =	ssyncadd.s32 $0xFFFFFFFF  }
0xa5: {  	s26 =	simm.s32 $execute0_lowered;
	[smem:$0x3FD2] =	sst s25  }
0xa6: {  	s4 =	sshll.u32 s26, $0x1;
	_ =	strace $0x80000049;
	[dreg:$0x1] =	wrdreg $0xFFFFFFFF  }
0xa7: {  	s28 =	simm.s32 $_size_execute0_lowered;
	s2 =	sadd.s32 s2, s4;
	[dreg:$0x0] =	wrdreg $0x0  }
0xa8: {  	s4 =	sshll.u32 s28, $0x1;
	[dreg:$0x2] =	wrdreg s2  }
0xa9: {  	[dreg:$0x3] =	wrdreg s4  }
0xaa: {  	[dreg:$0x4] =	wrdreg $0xC0  }
0xab: {  	_ =	task [dreg:s6], $0x5FFFF  }
0xac: {  	[dreg:$0x1] =	wrdreg $0xFFFFFFFF  }
0xad: {  	[dreg:$0x0] =	wrdreg $0x60  }
0xae: {  	[dreg:$0x2] =	wrdreg s24  }
0xaf: {  	[dreg:$0x3] =	wrdreg $0x98000  }
0xb0: {  	[dreg:$0x4] =	wrdreg $0x9  }
0xb1: {  	_ =	task.clear_ibuf [dreg:s6], $0x5FFFF;
	_ =	strace $0x90000049  }
0xb2: {  	s29 =	simm.s32 $0x9;
	_ =	strace $0x8000004B  }
0xb3: {  	_ =	swait.ge [sflag:s29], $0x1  }
0xb4: {  	[sflag:s29] =	ssyncadd.s32 $0xFFFFFFFF  }
0xb5: {  	_ =	strace $0x9000004B  }
0xb6: {  	_ =	sfence  }
0xb7: {  	s30 =	sld [smem:$0x0];
	_ =	sdelay $0x2  }
0xb8: {  	s31 =	sshll.u32 s1, $0xD;
	s1 =	sshrl.u32 s1, $0x2  }
0xb9: {  	s3 =	sand.u32 $0x4000, s31;
	s1 =	sadd.s32 s1, s30  }
0xba: {  	s0 =	sor.u32 s3, s0;
	s1 =	sshll.u32 s1, $0x11  }
0xbb: {  	s0 =	sor.u32 s1, s0  }
0xbc: {  	s0 =	sadd.s32 $0x8F2B, s0  }
0xbd: {  	[sflag:s0] =	ssyncadd.remote.s32 $0x1  }
0xbe: {  	_ =	sfence.sel $0xFFFF  }
0xbf: {  	[dreg:$0x0] =	wrdreg $0xFFFFFFFF;
	(pc) =	sbr.abs _section_cstart, $3  }
0xc0: {  	[dreg:$0x1] =	wrdreg $0xFFFFFFFF  }
0xc1: {  	_ =	task.clear_ibuf [dreg:s6], $0x2FFFF;
	_ =	strace $0x9FFFFFFF  }
0xc2: {  	(tm) =	ssettm $0x7FFFFFFF  }
0xc3: {  	_ =	shalt  }
tec
execute0_lowered:
.L_overlay_start_1:
0x0: {  	(tag) =	ssettag $0x1  }
0x1: {  	s0 =	rddreg [dreg:$0x0];
	s1 =	simm.s32 $0x0;
	s14 =	stileid.u32  }
0x2: {  	s2 =	srdreg.scid;
	s29 =	simm.s32 $0x3;
	s7 =	smul.u32 $0x14000, s14  }
0x3: {  	s30 =	simm.s32 $0x4000;
	[smem:$0x7FF] =	sst s1;
	s25 =	smul.u32 $0xC800, s14  }
0x4: {  	s2 =	sand.u32 $0x1, s2;
	s8 =	sadd.s32 $0x5D400, s0;
	s26 =	smul.u32 $0x50000, s14  }
0x5: {  	s3 =	ssub.s32 $0x2, s2;
	s4 =	smul.u32 $0x140000, s2;
	s6 =	sshll.u32 s2, $0x4  }
0x6: {  	s2 =	smul.u32 $0xC8000, s2;
	s5 =	sshrl.u32 s3, $0x1;
	s10 =	sor.u32 s14, s6  }
0x7: {  	s9 =	sor.u32 $0x2000, s7;
	s14 =	sadd.s32 $0x35400, s0;
	s3 =	ssub.s32 s3, s5  }
0x8: {  	s5 =	smul.u32 $0xC800, s10;
	s11 =	sadd.s32 s4, s7;
	s10 =	sadd.s32 s4, s9  }
0x9: {  	s2 =	sadd.s32 s25, s2;
	s6 =	sshrl.u32 s11, $0x3;
	s11 =	sadd.s32 $0x4000, s7  }
0xa: {  	s12 =	sshrl.u32 s10, $0x3;
	s10 =	sadd.s32 $0x6000, s7;
	s6 =	sadd.s32 s8, s6  }
0xb: {  	s13 =	sadd.s32 s4, s11;
	s16 =	sadd.s32 s4, s10;
	[dreg:$0x3] =	wrdreg s6  }
0xc: {  	s6 =	sadd.s32 s8, s12;
	s15 =	sshrl.u32 s13, $0x3;
	s13 =	sadd.s32 $0x8000, s7  }
0xd: {  	[dreg:$0x4] =	wrdreg s6;
	s6 =	sadd.s32 s8, s15;
	s12 =	sadd.s32 s4, s13  }
0xe: {  	s15 =	sadd.s32 $0xA000, s7;
	[dreg:$0x5] =	wrdreg s6;
	s6 =	sshrl.u32 s16, $0x3  }
0xf: {  	s17 =	sshrl.u32 s12, $0x3;
	s18 =	sadd.s32 s4, s15;
	s16 =	sadd.s32 $0xC000, s7  }
0x10: {  	s12 =	rddreg [dreg:$0x1];
	s6 =	sadd.s32 s8, s6;
	s19 =	sshrl.u32 s18, $0x3  }
0x11: {  	s20 =	sadd.s32 s4, s16;
	s18 =	sadd.s32 $0x10000, s7;
	[dreg:$0x6] =	wrdreg s6  }
0x12: {  	s6 =	sadd.s32 s8, s17;
	s17 =	sadd.s32 $0xE000, s7;
	s23 =	sadd.s32 s4, s18  }
0x13: {  	s7 =	sadd.s32 $0x12000, s7;
	[dreg:$0x7] =	wrdreg s6;
	s6 =	sadd.s32 s8, s19  }
0x14: {  	s21 =	sadd.s32 s4, s17;
	s24 =	sshrl.u32 s23, $0x3;
	s4 =	sadd.s32 s4, s7  }
0x15: {  	s19 =	sadd.s32 $0x3400, s0;
	[dreg:$0x8] =	wrdreg s6;
	s6 =	sshrl.u32 s20, $0x3  }
0x16: {  	s0 =	sadd.s32 s9, s12;
	s4 =	sshrl.u32 s4, $0x3;
	s6 =	sadd.s32 s8, s6  }
0x17: {  	s22 =	sshrl.u32 s21, $0x3;
	s4 =	sadd.s32 s8, s4;
	[dreg:$0x9] =	wrdreg s6  }
0x18: {  	s0 =	sshrl.u32 s0, $0x3;
	s6 =	sadd.s32 s8, s22;
	[dreg:$0xc] =	wrdreg s4  }
0x19: {  	s4 =	sshrl.u32 s26, $0x2;
	s22 =	sadd.s32 $0xC00, s2;
	s26 =	sadd.s32 $0xA00, s2  }
0x1a: {  	[dreg:$0xa] =	wrdreg s6;
	s6 =	sadd.s32 s8, s24;
	s21 =	sadd.s32 s4, s12  }
0x1b: {  	s8 =	smax.u32 s3, $0x1;
	s3 =	sadd.s32 s11, s12;
	s4 =	sadd.s32 s10, s12  }
0x1c: {  	s10 =	sadd.s32 s18, s12;
	s18 =	sadd.s32 $0xD00, s2;
	[dreg:$0xb] =	wrdreg s6  }
0x1d: {  	s23 =	sshrl.u32 s22, $0x3;
	_ =	strace $0x8000004A;
	[dreg:$0x10] =	wrdreg s8  }
0x1e: {  	s6 =	sshrl.u32 s5, $0x3;
	s5 =	sadd.s32 s13, s12;
	[dreg:$0xd] =	wrdreg s19  }
0x1f: {  	s11 =	sshrl.u32 s18, $0x3;
	s20 =	sadd.s32 s19, s6;
	[dreg:$0x19] =	wrdreg s0  }
0x20: {  	s6 =	sadd.s32 s15, s12;
	s11 =	sadd.s32 s11, s19;
	[dreg:$0xf] =	wrdreg s21  }
0x21: {  	s15 =	sshrl.u32 s26, $0x3;
	s26 =	sshrl.u32 s3, $0x3;
	[dreg:$0x11] =	wrdreg s11  }
0x22: {  	s24 =	sadd.s32 $0xB00, s2;
	s3 =	sshrl.u32 s5, $0x3;
	[dreg:$0x1a] =	wrdreg s26  }
0x23: {  	s18 =	sor.u32 $0x700, s2;
	s8 =	sadd.s32 s16, s12;
	[dreg:$0x1c] =	wrdreg s3  }
0x24: {  	s22 =	sshrl.u32 s18, $0x3;
	s18 =	sadd.s32 $0x4000, s21;
	[dreg:$0xe] =	wrdreg s20  }
0x25: {  	s16 =	sadd.s32 $0x900, s2;
	s11 =	sadd.s32 s23, s19;
	[smem:$0x7F6] =	sst s18  }
0x26: {  	s23 =	sor.u32 $0x600, s2;
	s2 =	sadd.s32 $0x800, s2;
	[dreg:$0x12] =	wrdreg s11  }
0x27: {  	s25 =	sshrl.u32 s24, $0x3;
	s24 =	sadd.s32 s22, s19;
	[dreg:$0x16] =	wrdreg s2  }
0x28: {  	s31 =	simm.s32 $0xA;
	s5 =	sshrl.u32 s8, $0x3;
	[dreg:$0x17] =	wrdreg s24  }
0x29: {  	s28 =	simm.s32 $0x400;
	s8 =	sshrl.u32 s10, $0x3;
	[dreg:$0x1e] =	wrdreg s5  }
0x2a: {  	s9 =	sadd.s32 s17, s12;
	s10 =	sadd.s32 $0x20, s20;
	[smem:$0x7EE] =	sst s8  }
0x2b: {  	s7 =	sadd.s32 s7, s12;
	s13 =	sadd.s32 $0x60, s20;
	[smem:$0x7F0] =	sst s10  }
0x2c: {  	s17 =	sshrl.u32 s16, $0x3;
	s16 =	sadd.s32 $0xA0, s20;
	[smem:$0x7F2] =	sst s13  }
0x2d: {  	s0 =	simm.s32 $0x5C00;
	s22 =	sadd.s32 $0xA000, s21;
	[smem:$0x7F4] =	sst s16  }
0x2e: {  	s26 =	sadd.s32 $0x12000, s21;
	s18 =	simm.s32 $0x11;
	[smem:$0x7F9] =	sst s22  }
0x2f: {  	s3 =	simm.s32 $0xC;
	s11 =	sadd.s32 s25, s19;
	[smem:$0x7FD] =	sst s26  }
0x30: {  	s25 =	sshrl.u32 s23, $0x3;
	s23 =	sadd.s32 $0xC000, s21;
	[dreg:$0x13] =	wrdreg s11  }
0x31: {  	s24 =	sadd.s32 $0xE000, s21;
	s8 =	simm.s32 $0x32;
	[smem:$0x7FA] =	sst s23  }
0x32: {  	s13 =	simm.s32 $0x2400;
	s11 =	sadd.s32 s15, s19;
	[smem:$0x7FB] =	sst s24  }
0x33: {  	s16 =	simm.s32 $0xD;
	s2 =	sadd.s32 s25, s19;
	[dreg:$0x14] =	wrdreg s11  }
0x34: {  	s22 =	simm.s32 $0x10;
	s15 =	sadd.s32 $0x80, s20;
	[dreg:$0x18] =	wrdreg s2  }
0x35: {  	s5 =	simm.s32 $0x0;
	s25 =	sadd.s32 $0x10000, s21;
	[smem:$0x7F3] =	sst s15  }
0x36: {  	s10 =	simm.s32 $0x700;
	s11 =	sadd.s32 s17, s19;
	[smem:$0x7FC] =	sst s25  }
0x37: {  	s24 =	simm.s32 $0x9;
	s2 =	sshrl.u32 s4, $0x3;
	[dreg:$0x15] =	wrdreg s11  }
0x38: {  	s23 =	simm.s32 $0x8;
	s4 =	sshrl.u32 s6, $0x3;
	[dreg:$0x1b] =	wrdreg s2  }
0x39: {  	s6 =	sshrl.u32 s9, $0x3;
	s9 =	sshrl.u32 s7, $0x3;
	[dreg:$0x1d] =	wrdreg s4  }
0x3a: {  	s17 =	sadd.s32 $0x2000, s21;
	s19 =	sadd.s32 $0x6000, s21;
	[dreg:$0x1f] =	wrdreg s6  }
0x3b: {  	s15 =	simm.s32 $0xE;
	s7 =	simm.s32 $0x600;
	[smem:$0x7EF] =	sst s9  }
.Ltmp0:
0x3c: {  	s11 =	sadd.s32 $0x40, s20;
	[smem:$0x7F5] =	sst s17;
	(pc) =	sbr.rel .LBB2_1-.Ltmp0, $4  }
0x3d: {  	[smem:$0x7F7] =	sst s19;
	s20 =	sadd.s32 $0x8000, s21;
	s17 =	simm.s32 $0x500  }
0x3e: {  	s9 =	simm.s32 $0x800;
	s6 =	simm.s32 $0x4;
	s2 =	simm.s32 $0xB  }
0x3f: {  	s19 =	simm.s32 $0x6;
	s21 =	simm.s32 $0x7;
	[smem:$0x7F1] =	sst s11  }
0x40: {  	v0 =	vimm.f32 $0.0e+00;
	[smem:$0x7F8] =	sst s20;
	s11 =	simm.s32 $0x5;
	s20 =	simm.s32 $0xF  }
.LBB2_6:
0x41: {  	_ =	swait.ge [sflag:s3], $0x1900  }
0x42: {  	[sflag:s3] =	ssyncset.done $0x0  }
0x43: {  	s4 =	simm.s32 $0x780;
	[sflag:s3] =	ssyncadd.s32 $0xFFFFE700  }
0x44: {  	[spmem:s12] =	stream.indirect.scatter.add.f32 [tilespmem:s0], [sflag:$0x10], $0x80, s4, s8, $0xb8;
	[tilespmem:$0x1D800] =	vst v63  }
0x45: {  	_ =	swait.ge [sflag:s15], $0x1900  }
0x46: {  	[sflag:s15] =	ssyncset.done $0x0  }
0x47: {  	[sflag:s15] =	ssyncadd.s32 $0xFFFFE700  }
0x48: {  	_ =	swait.ge [sflag:s20], $0x1900  }
0x49: {  	[sflag:s20] =	ssyncset.done $0x0  }
0x4a: {  	[sflag:s20] =	ssyncadd.s32 $0xFFFFE700  }
0x4b: {  	_ =	swait.ge [sflag:s22], $0x1900  }
0x4c: {  	[sflag:s22] =	ssyncset.done $0x0  }
0x4d: {  	[sflag:s22] =	ssyncadd.s32 $0xFFFFE700  }
0x4e: {  	s18 =	stileid.u32;
	[bflag:$0x0] =	sbarrier.arrive $0xFFFF  }
0x4f: {  	s4 =	sshll.u32 s18, $0x6;
	s5 =	rddreg [dreg:$0xf]  }
0x50: {  	s4 =	sor.u32 $0x1C11, s4;
	s18 =	rddreg [dreg:$0x3];
	s5 =	sshrl.u32 s5, $0x3  }
0x51: {  	[hbm:s18], [sflag:s4] =	dma.local [spmem:s5], $0x400  }
0x52: {  	s5 =	rddreg [dreg:$0x4]  }
0x53: {  	s18 =	rddreg [dreg:$0x19]  }
0x54: {  	[hbm:s5], [sflag:s4] =	dma.local [spmem:s18], $0x400  }
0x55: {  	s5 =	rddreg [dreg:$0x5]  }
0x56: {  	s18 =	rddreg [dreg:$0x1a]  }
0x57: {  	[hbm:s5], [sflag:s4] =	dma.local [spmem:s18], $0x400  }
0x58: {  	s5 =	rddreg [dreg:$0x6]  }
0x59: {  	s18 =	rddreg [dreg:$0x1b]  }
0x5a: {  	[hbm:s5], [sflag:s4] =	dma.local [spmem:s18], $0x400  }
0x5b: {  	s5 =	rddreg [dreg:$0x7]  }
0x5c: {  	s18 =	rddreg [dreg:$0x1c]  }
0x5d: {  	[hbm:s5], [sflag:s4] =	dma.local [spmem:s18], $0x400  }
0x5e: {  	s5 =	rddreg [dreg:$0x8]  }
0x5f: {  	s18 =	rddreg [dreg:$0x1d]  }
0x60: {  	[hbm:s5], [sflag:s4] =	dma.local [spmem:s18], $0x400  }
0x61: {  	s5 =	rddreg [dreg:$0x9]  }
0x62: {  	s18 =	rddreg [dreg:$0x1e]  }
0x63: {  	[hbm:s5], [sflag:s4] =	dma.local [spmem:s18], $0x400  }
0x64: {  	s5 =	rddreg [dreg:$0xa]  }
0x65: {  	s18 =	rddreg [dreg:$0x1f]  }
0x66: {  	[hbm:s5], [sflag:s4] =	dma.local [spmem:s18], $0x400  }
0x67: {  	s18 =	sld [smem:$0x7EE];
	_ =	sdelay $0x1  }
0x68: {  	s5 =	rddreg [dreg:$0xb]  }
0x69: {  	[hbm:s5], [sflag:s4] =	dma.local [spmem:s18], $0x400  }
0x6a: {  	s18 =	sld [smem:$0x7EF];
	_ =	sdelay $0x1  }
0x6b: {  	s5 =	rddreg [dreg:$0xc]  }
0x6c: {  	[hbm:s5], [sflag:s4] =	dma.local [spmem:s18], $0x400  }
0x6d: {  	s18 =	simm.s32 $0x11  }
0x6e: {  	_ =	swait.ge [sflag:s18], $0x400  }
0x6f: {  	[sflag:s18] =	ssyncset.done $0x0  }
0x70: {  	[sflag:s18] =	ssyncadd.s32 $0xFFFFFC00  }
0x71: {  	_ =	swait.ge [sflag:s18], $0x400  }
0x72: {  	[sflag:s18] =	ssyncset.done $0x0  }
0x73: {  	[sflag:s18] =	ssyncadd.s32 $0xFFFFFC00  }
0x74: {  	_ =	swait.ge [sflag:s18], $0x400  }
0x75: {  	[sflag:s18] =	ssyncset.done $0x0  }
0x76: {  	[sflag:s18] =	ssyncadd.s32 $0xFFFFFC00  }
0x77: {  	_ =	swait.ge [sflag:s18], $0x400  }
0x78: {  	[sflag:s18] =	ssyncset.done $0x0  }
0x79: {  	[sflag:s18] =	ssyncadd.s32 $0xFFFFFC00  }
0x7a: {  	_ =	swait.ge [sflag:s18], $0x400  }
0x7b: {  	[sflag:s18] =	ssyncset.done $0x0  }
0x7c: {  	[sflag:s18] =	ssyncadd.s32 $0xFFFFFC00  }
0x7d: {  	_ =	swait.ge [sflag:s18], $0x400  }
0x7e: {  	[sflag:s18] =	ssyncset.done $0x0  }
0x7f: {  	[sflag:s18] =	ssyncadd.s32 $0xFFFFFC00  }
0x80: {  	_ =	swait.ge [sflag:s18], $0x400  }
0x81: {  	[sflag:s18] =	ssyncset.done $0x0  }
0x82: {  	[sflag:s18] =	ssyncadd.s32 $0xFFFFFC00  }
0x83: {  	_ =	swait.ge [sflag:s18], $0x400  }
0x84: {  	[sflag:s18] =	ssyncset.done $0x0  }
0x85: {  	[sflag:s18] =	ssyncadd.s32 $0xFFFFFC00  }
0x86: {  	_ =	swait.ge [sflag:s18], $0x400  }
0x87: {  	[sflag:s18] =	ssyncset.done $0x0  }
0x88: {  	[sflag:s18] =	ssyncadd.s32 $0xFFFFFC00  }
0x89: {  	_ =	swait.ge [sflag:s18], $0x400  }
0x8a: {  	s25 =	sld [smem:$0x7ED];
	_ =	sdelay $0x2  }
0x8b: {  	s26 =	rddreg [dreg:$0x10];
	s5 =	sadd.s32 $0x1, s25  }
0x8c: {  	p0 =	sne.s32 s5, s26  }
.Ltmp1:
0x8d: {  	_ = 	snop;
	(pc) =	sbr.rel @!p0 .LBB2_7-.Ltmp1, $3  }
0x8e: {  	_ =	sdelay $0x1  }
0x8f: {  	[sflag:s18] =	ssyncset.done $0x0  }
0x90: {  	s17 =	simm.s32 $0x500;
	[sflag:s18] =	ssyncadd.s32 $0xFFFFFC00  }
.LBB2_1:
0x91: {  	s4 =	rddreg [dreg:$0xe]  }
0x92: {  	s25 =	sld [smem:$0x7F0]  }
0x93: {  	[tilespmem:s1], [sflag:$0x1] =	stream.linear.gather [hbm4b:s4+s1], $0x100, $0x38;
	[tilespmem:$0x1D800] =	vst v63  }
0x94: {  	s26 =	simm.s32 $0x100  }
0x95: {  	[tilespmem:s26], [sflag:$0x2] =	stream.linear.gather [hbm4b:s25+s1], $0x100, $0x38;
	[tilespmem:$0x1D800] =	vst v63  }
0x96: {  	s25 =	sld [smem:$0x7F1];
	_ =	sdelay $0x1  }
0x97: {  	s26 =	simm.s32 $0x200  }
0x98: {  	[tilespmem:s26], [sflag:$0x3] =	stream.linear.gather [hbm4b:s25+s1], $0x100, $0x38;
	[tilespmem:$0x1D800] =	vst v63  }
0x99: {  	s25 =	sld [smem:$0x7F2];
	_ =	sdelay $0x1  }
0x9a: {  	s26 =	simm.s32 $0x300  }
0x9b: {  	[tilespmem:s26], [sflag:$0x4] =	stream.linear.gather [hbm4b:s25+s1], $0x100, $0x38;
	[tilespmem:$0x1D800] =	vst v63  }
0x9c: {  	s25 =	sld [smem:$0x7F3]  }
0x9d: {  	[smem:$0x7ED] =	sst s5  }
0x9e: {  	s5 =	simm.s32 $0x400;
	s26 =	sld [smem:$0x7F4]  }
0x9f: {  	[tilespmem:s5], [sflag:$0x5] =	stream.linear.gather [hbm4b:s25+s1], $0x100, $0x38;
	[tilespmem:$0x1D800] =	vst v63  }
0xa0: {  	_ = 	snop  }
0xa1: {  	[tilespmem:s17], [sflag:$0x6] =	stream.linear.gather [hbm4b:s26+s1], $0x100, $0x38;
	[tilespmem:$0x1D800] =	vst v63  }
0xa2: {  	s25 =	simm.s32 $0x0;
	s26 =	simm.s32 $0x200  }
.LBB2_2:
0xa3: {  	p0 =	sne.s32 s26, $0x7E00;
	[tilespmem:s25+$0x7870] =	vst v0  }
0xa4: {  	[tilespmem:s25+$0x7800] =	vst v0  }
0xa5: {  	[tilespmem:s25+$0x7810] =	vst v0  }
.Ltmp2:
0xa6: {  	[tilespmem:s25+$0x7820] =	vst v0;
	(pc) =	sbr.rel @p0 .LBB2_2-.Ltmp2, $4  }
0xa7: {  	[tilespmem:s25+$0x7830] =	vst v0  }
0xa8: {  	[tilespmem:s25+$0x7840] =	vst v0  }
0xa9: {  	[tilespmem:s25+$0x7850] =	vst v0  }
0xaa: {  	[tilespmem:s25+$0x7860] =	vst v0;
	s25 =	sshra.s32 s26, $0x2;
	s26 =	sadd.s32 $0x200, s26  }
0xab: {  	[tilespmem:s25+$0x7870] =	vst v0  }
0xac: {  	[tilespmem:s25+$0x7800] =	vst v0  }
0xad: {  	[tilespmem:s25+$0x7810] =	vst v0  }
0xae: {  	[tilespmem:s25+$0x7820] =	vst v0  }
0xaf: {  	[tilespmem:s25+$0x7830] =	vst v0  }
0xb0: {  	[tilespmem:s25+$0x7840] =	vst v0  }
0xb1: {  	[tilespmem:s25+$0x7850] =	vst v0;
	s4 =	rddreg [dreg:$0xf]  }
0xb2: {  	[tilespmem:s25+$0x7860] =	vst v0;
	s17 =	simm.s32 $0x7800;
	s25 =	sld [smem:$0x7F5]  }
0xb3: {  	[spmem:s4] =	stream.linear.scatter [tilespmem:s17], [sflag:$0x11], $0x2000, $0x38;
	[tilespmem:$0x1D800] =	vst v63  }
0xb4: {  	s26 =	sld [smem:$0x7F6]  }
0xb5: {  	[spmem:s25] =	stream.linear.scatter [tilespmem:s17], [sflag:$0x11], $0x2000, $0x38;
	[tilespmem:$0x1D800] =	vst v63  }
0xb6: {  	s25 =	sld [smem:$0x7F7]  }
0xb7: {  	[spmem:s26] =	stream.linear.scatter [tilespmem:s17], [sflag:$0x11], $0x2000, $0x38;
	[tilespmem:$0x1D800] =	vst v63  }
0xb8: {  	s26 =	sld [smem:$0x7F8]  }
0xb9: {  	[spmem:s25] =	stream.linear.scatter [tilespmem:s17], [sflag:$0x11], $0x2000, $0x38;
	[tilespmem:$0x1D800] =	vst v63  }
0xba: {  	s25 =	sld [smem:$0x7F9]  }
0xbb: {  	[spmem:s26] =	stream.linear.scatter [tilespmem:s17], [sflag:$0x11], $0x2000, $0x38;
	[tilespmem:$0x1D800] =	vst v63  }
0xbc: {  	s26 =	sld [smem:$0x7FA]  }
0xbd: {  	[spmem:s25] =	stream.linear.scatter [tilespmem:s17], [sflag:$0x11], $0x2000, $0x38;
	[tilespmem:$0x1D800] =	vst v63  }
0xbe: {  	s25 =	sld [smem:$0x7FB]  }
0xbf: {  	[spmem:s26] =	stream.linear.scatter [tilespmem:s17], [sflag:$0x11], $0x2000, $0x38;
	[tilespmem:$0x1D800] =	vst v63  }
0xc0: {  	s26 =	sld [smem:$0x7FC]  }
0xc1: {  	[spmem:s25] =	stream.linear.scatter [tilespmem:s17], [sflag:$0x11], $0x2000, $0x38;
	[tilespmem:$0x1D800] =	vst v63  }
0xc2: {  	s25 =	sld [smem:$0x7FD]  }
0xc3: {  	[spmem:s26] =	stream.linear.scatter [tilespmem:s17], [sflag:$0x11], $0x2000, $0x38;
	[tilespmem:$0x1D800] =	vst v63  }
0xc4: {  	s26 =	simm.s32 $0x1  }
0xc5: {  	[spmem:s25] =	stream.linear.scatter [tilespmem:s17], [sflag:$0x11], $0x2000, $0x38;
	[tilespmem:$0x1D800] =	vst v63  }
0xc6: {  	_ =	swait.ge [sflag:s26], $0x100  }
0xc7: {  	[sflag:s26] =	ssyncset.done $0x0  }
0xc8: {  	s25 =	simm.s32 $0x0;
	s17 =	simm.s32 $0x2;
	[sflag:s26] =	ssyncadd.s32 $0xFFFFFF00  }
0xc9: {  	[tilespmem:s9], [sflag:$0x9] =	stream.indirect.gather [hbm4b:s14+s8], $0x80, s25, s8, $0xb8;
	[tilespmem:$0x1D800] =	vst v63  }
0xca: {  	_ =	swait.ge [sflag:s17], $0x100  }
0xcb: {  	[sflag:s17] =	ssyncset.done $0x0  }
0xcc: {  	s26 =	simm.s32 $0x100;
	[sflag:s17] =	ssyncadd.s32 $0xFFFFFF00  }
0xcd: {  	[tilespmem:s13], [sflag:$0xA] =	stream.indirect.gather [hbm4b:s14+s8], $0x80, s26, s8, $0xb8;
	[tilespmem:$0x1D800] =	vst v63  }
0xce: {  	_ =	swait.ge [sflag:s18], $0x2000  }
0xcf: {  	[sflag:s18] =	ssyncset.done $0x0  }
0xd0: {  	[sflag:s18] =	ssyncadd.s32 $0xFFFFE000  }
0xd1: {  	_ =	swait.ge [sflag:s18], $0x2000  }
0xd2: {  	[sflag:s18] =	ssyncset.done $0x0  }
0xd3: {  	[sflag:s18] =	ssyncadd.s32 $0xFFFFE000  }
0xd4: {  	_ =	swait.ge [sflag:s18], $0x2000  }
0xd5: {  	[sflag:s18] =	ssyncset.done $0x0  }
0xd6: {  	[sflag:s18] =	ssyncadd.s32 $0xFFFFE000  }
0xd7: {  	_ =	swait.ge [sflag:s18], $0x2000  }
0xd8: {  	[sflag:s18] =	ssyncset.done $0x0  }
0xd9: {  	[sflag:s18] =	ssyncadd.s32 $0xFFFFE000  }
0xda: {  	_ =	swait.ge [sflag:s18], $0x2000  }
0xdb: {  	[sflag:s18] =	ssyncset.done $0x0  }
0xdc: {  	[sflag:s18] =	ssyncadd.s32 $0xFFFFE000  }
0xdd: {  	_ =	swait.ge [sflag:s18], $0x2000  }
0xde: {  	[sflag:s18] =	ssyncset.done $0x0  }
0xdf: {  	[sflag:s18] =	ssyncadd.s32 $0xFFFFE000  }
0xe0: {  	_ =	swait.ge [sflag:s18], $0x2000  }
0xe1: {  	[sflag:s18] =	ssyncset.done $0x0  }
0xe2: {  	[sflag:s18] =	ssyncadd.s32 $0xFFFFE000  }
0xe3: {  	_ =	swait.ge [sflag:s18], $0x2000  }
0xe4: {  	[sflag:s18] =	ssyncset.done $0x0  }
0xe5: {  	[sflag:s18] =	ssyncadd.s32 $0xFFFFE000  }
0xe6: {  	_ =	swait.ge [sflag:s18], $0x2000  }
0xe7: {  	[sflag:s18] =	ssyncset.done $0x0  }
0xe8: {  	[sflag:s18] =	ssyncadd.s32 $0xFFFFE000  }
0xe9: {  	_ =	swait.ge [sflag:s18], $0x2000  }
0xea: {  	[sflag:s18] =	ssyncset.done $0x0  }
0xeb: {  	[sflag:s18] =	ssyncadd.s32 $0xFFFFE000  }
0xec: {  	[bflag:$0x0] =	sbarrier.arrive $0xFFFF  }
0xed: {  	s17 =	simm.s32 $0x500;
	s26 =	rddreg [dreg:$0x16]  }
.LBB2_4:
0xee: {  	_ =	swait.ge [sflag:s24], $0x1900  }
0xef: {  	p0 =	seq.s32 s25, $0x0;
	[sflag:s24] =	ssyncset.done $0x0  }
0xf0: {  	s4 =	simm.s32 $0x80;
	s18 =	simm.s32 @!p0 $0xF;
	[sflag:s24] =	ssyncadd.s32 $0xFFFFE700  }
0xf1: {  	[spmem:s12] =	stream.indirect.scatter.add.f32 [tilespmem:s9], [sflag:$0xD], $0x80, s4, s8, $0xb8;
	[tilespmem:$0x1D800] =	vst v63  }
0xf2: {  	_ =	swait.ge @!p0 [sflag:s18], $0x1900  }
0xf3: {  	[sflag:s18] =	ssyncset.done @!p0 $0x0  }
0xf4: {  	[sflag:s18] =	ssyncadd.s32 @!p0 $0xFFFFE700;
	s18 =	rddreg [dreg:$0x18]  }
0xf5: {  	s4 =	sadd.s32 s25, s18  }
0xf6: {  	[tilespmem:s7], [sflag:$0x7] =	stream.linear.gather [hbm4b:s4+s1], $0x100, $0x38;
	[tilespmem:$0x1D800] =	vst v63  }
0xf7: {  	_ =	swait.ge [sflag:s29], $0x100  }
0xf8: {  	[sflag:s29] =	ssyncset.done $0x0  }
0xf9: {  	s18 =	simm.s32 $0x200;
	[sflag:s29] =	ssyncadd.s32 $0xFFFFFF00  }
0xfa: {  	[tilespmem:s30], [sflag:$0xB] =	stream.indirect.gather [hbm4b:s14+s8], $0x80, s18, s8, $0xb8;
	[tilespmem:$0x1D800] =	vst v63  }
0xfb: {  	_ =	swait.ge [sflag:s31], $0x1900  }
0xfc: {  	[sflag:s31] =	ssyncset.done $0x0  }
0xfd: {  	s18 =	simm.s32 $0x180;
	[sflag:s31] =	ssyncadd.s32 $0xFFFFE700  }
0xfe: {  	[spmem:s12] =	stream.indirect.scatter.add.f32 [tilespmem:s13], [sflag:$0xE], $0x80, s18, s8, $0xb8;
	[tilespmem:$0x1D800] =	vst v63  }
0xff: {  	s18 =	simm.s32 @!p0 $0x10  }
0x100: {  	_ =	swait.ge @!p0 [sflag:s18], $0x1900  }
0x101: {  	[sflag:s18] =	ssyncset.done @!p0 $0x0  }
0x102: {  	[sflag:s18] =	ssyncadd.s32 @!p0 $0xFFFFE700;
	s18 =	rddreg [dreg:$0x17]  }
0x103: {  	s4 =	sadd.s32 s25, s18  }
0x104: {  	[tilespmem:s10], [sflag:$0x8] =	stream.linear.gather [hbm4b:s4+s1], $0x100, $0x38;
	[tilespmem:$0x1D800] =	vst v63  }
0x105: {  	_ =	swait.ge [sflag:s6], $0x100  }
0x106: {  	[sflag:s6] =	ssyncset.done $0x0  }
0x107: {  	s18 =	simm.s32 $0x300;
	[sflag:s6] =	ssyncadd.s32 $0xFFFFFF00  }
0x108: {  	[tilespmem:s0], [sflag:$0xC] =	stream.indirect.gather [hbm4b:s14+s8], $0x80, s18, s8, $0xb8;
	[tilespmem:$0x1D800] =	vst v63  }
0x109: {  	_ =	swait.ge [sflag:s2], $0x1900  }
0x10a: {  	[sflag:s2] =	ssyncset.done $0x0  }
0x10b: {  	s18 =	simm.s32 $0x280;
	[sflag:s2] =	ssyncadd.s32 $0xFFFFE700  }
0x10c: {  	[spmem:s12] =	stream.indirect.scatter.add.f32 [tilespmem:s30], [sflag:$0xF], $0x80, s18, s8, $0xb8;
	[tilespmem:$0x1D800] =	vst v63  }
0x10d: {  	p0 =	seq.s32 s25, $0x1800;
	_ =	swait.ge [sflag:s16], $0x1900  }
0x10e: {  	s18 =	sshrl.u32 @!p0 s26, $0x3;
	[sflag:s16] =	ssyncset.done $0x0;
	s4 =	rddreg [dreg:$0xd]  }
0x10f: {  	[sflag:s16] =	ssyncadd.s32 $0xFFFFE700;
	s18 =	sadd.s32 @!p0 s4, s18;
	s4 =	simm.s32 @!p0 $0x0  }
0x110: {  	[tilespmem:s4], [sflag:$0x1] =	stream.linear.gather @!p0 [hbm4b:s18+s4], $0x100, $0x38;
	[tilespmem:$0x1D800] =	vst v63  }
0x111: {  	_ =	swait.ge [sflag:s11], $0x100  }
0x112: {  	[sflag:s11] =	ssyncset.done $0x0  }
0x113: {  	[sflag:s11] =	ssyncadd.s32 $0xFFFFFF00  }
0x114: {  	[tilespmem:s9], [sflag:$0x9] =	stream.indirect.gather [hbm4b:s14+s8], $0x80, s5, s8, $0xb8;
	[tilespmem:$0x1D800] =	vst v63  }
0x115: {  	_ =	swait.ge [sflag:s3], $0x1900  }
0x116: {  	[sflag:s3] =	ssyncset.done $0x0  }
0x117: {  	s18 =	simm.s32 $0x380;
	[sflag:s3] =	ssyncadd.s32 $0xFFFFE700  }
0x118: {  	[spmem:s12] =	stream.indirect.scatter.add.f32 [tilespmem:s0], [sflag:$0x10], $0x80, s18, s8, $0xb8;
	[tilespmem:$0x1D800] =	vst v63  }
0x119: {  	_ =	swait.ge [sflag:s15], $0x1900  }
0x11a: {  	[sflag:s15] =	ssyncset.done $0x0;
	s5 =	rddreg [dreg:$0x15]  }
0x11b: {  	[sflag:s15] =	ssyncadd.s32 $0xFFFFE700;
	s18 =	sadd.s32 @!p0 s25, s5;
	s5 =	simm.s32 @!p0 $0x100  }
0x11c: {  	[tilespmem:s5], [sflag:$0x2] =	stream.linear.gather @!p0 [hbm4b:s18+s4], $0x100, $0x38;
	[tilespmem:$0x1D800] =	vst v63  }
0x11d: {  	_ =	swait.ge [sflag:s19], $0x100  }
0x11e: {  	[sflag:s19] =	ssyncset.done $0x0  }
0x11f: {  	[sflag:s19] =	ssyncadd.s32 $0xFFFFFF00  }
0x120: {  	[tilespmem:s13], [sflag:$0xA] =	stream.indirect.gather [hbm4b:s14+s8], $0x80, s17, s8, $0xb8;
	[tilespmem:$0x1D800] =	vst v63  }
0x121: {  	_ =	swait.ge [sflag:s24], $0x1900  }
0x122: {  	[sflag:s24] =	ssyncset.done $0x0  }
0x123: {  	s18 =	simm.s32 $0x480;
	[sflag:s24] =	ssyncadd.s32 $0xFFFFE700  }
0x124: {  	[spmem:s12] =	stream.indirect.scatter.add.f32 [tilespmem:s9], [sflag:$0xD], $0x80, s18, s8, $0xb8;
	[tilespmem:$0x1D800] =	vst v63  }
0x125: {  	_ =	swait.ge [sflag:s20], $0x1900  }
0x126: {  	[sflag:s20] =	ssyncset.done $0x0;
	s5 =	rddreg [dreg:$0x14]  }
0x127: {  	s18 =	simm.s32 @!p0 $0x200;
	[sflag:s20] =	ssyncadd.s32 $0xFFFFE700;
	s5 =	sadd.s32 @!p0 s25, s5  }
0x128: {  	[tilespmem:s18], [sflag:$0x3] =	stream.linear.gather @!p0 [hbm4b:s5+s4], $0x100, $0x38;
	[tilespmem:$0x1D800] =	vst v63  }
0x129: {  	_ =	swait.ge [sflag:s21], $0x100  }
0x12a: {  	[sflag:s21] =	ssyncset.done $0x0  }
0x12b: {  	[sflag:s21] =	ssyncadd.s32 $0xFFFFFF00  }
0x12c: {  	[tilespmem:s30], [sflag:$0xB] =	stream.indirect.gather [hbm4b:s14+s8], $0x80, s7, s8, $0xb8;
	[tilespmem:$0x1D800] =	vst v63  }
0x12d: {  	_ =	swait.ge [sflag:s31], $0x1900  }
0x12e: {  	[sflag:s31] =	ssyncset.done $0x0  }
0x12f: {  	s18 =	simm.s32 $0x580;
	[sflag:s31] =	ssyncadd.s32 $0xFFFFE700  }
0x130: {  	[spmem:s12] =	stream.indirect.scatter.add.f32 [tilespmem:s13], [sflag:$0xE], $0x80, s18, s8, $0xb8;
	[tilespmem:$0x1D800] =	vst v63  }
0x131: {  	_ =	swait.ge [sflag:s22], $0x1900  }
0x132: {  	[sflag:s22] =	ssyncset.done $0x0;
	s5 =	rddreg [dreg:$0x13]  }
0x133: {  	s18 =	simm.s32 @!p0 $0x300;
	[sflag:s22] =	ssyncadd.s32 $0xFFFFE700;
	s5 =	sadd.s32 @!p0 s25, s5  }
0x134: {  	[tilespmem:s18], [sflag:$0x4] =	stream.linear.gather @!p0 [hbm4b:s5+s4], $0x100, $0x38;
	[tilespmem:$0x1D800] =	vst v63  }
0x135: {  	_ =	swait.ge [sflag:s23], $0x100  }
0x136: {  	[sflag:s23] =	ssyncset.done $0x0  }
0x137: {  	[sflag:s23] =	ssyncadd.s32 $0xFFFFFF00  }
0x138: {  	[tilespmem:s0], [sflag:$0xC] =	stream.indirect.gather [hbm4b:s14+s8], $0x80, s10, s8, $0xb8;
	[tilespmem:$0x1D800] =	vst v63  }
0x139: {  	_ =	swait.ge [sflag:s2], $0x1900  }
0x13a: {  	[sflag:s2] =	ssyncset.done $0x0  }
.Ltmp3:
0x13b: {  	s18 =	simm.s32 $0x680;
	[sflag:s2] =	ssyncadd.s32 $0xFFFFE700;
	(pc) =	sbr.rel @p0 .LBB2_6-.Ltmp3, $4  }
0x13c: {  	[spmem:s12] =	stream.indirect.scatter.add.f32 [tilespmem:s30], [sflag:$0xF], $0x80, s18, s8, $0xb8;
	[tilespmem:$0x1D800] =	vst v63  }
0x13d: {  	_ =	swait.ge [sflag:s16], $0x1900  }
0x13e: {  	[sflag:s16] =	ssyncset.done $0x0  }
0x13f: {  	[sflag:s16] =	ssyncadd.s32 $0xFFFFE700  }
0x140: {  	s4 =	rddreg [dreg:$0x12]  }
0x141: {  	s18 =	simm.s32 $0x1;
	s4 =	sadd.s32 s25, s4  }
0x142: {  	[tilespmem:s28], [sflag:$0x5] =	stream.linear.gather [hbm4b:s4+s1], $0x100, $0x38;
	[tilespmem:$0x1D800] =	vst v63  }
0x143: {  	_ =	swait.ge [sflag:s18], $0x100  }
0x144: {  	[sflag:s18] =	ssyncset.done $0x0  }
0x145: {  	[sflag:s18] =	ssyncadd.s32 $0xFFFFFF00  }
0x146: {  	[tilespmem:s9], [sflag:$0x9] =	stream.indirect.gather [hbm4b:s14+s8], $0x80, s1, s8, $0xb8;
	[tilespmem:$0x1D800] =	vst v63  }
0x147: {  	_ =	swait.ge [sflag:s3], $0x1900  }
0x148: {  	[sflag:s3] =	ssyncset.done $0x0  }
0x149: {  	s5 =	simm.s32 $0x780;
	[sflag:s3] =	ssyncadd.s32 $0xFFFFE700  }
0x14a: {  	[spmem:s12] =	stream.indirect.scatter.add.f32 [tilespmem:s0], [sflag:$0x10], $0x80, s5, s8, $0xb8;
	[tilespmem:$0x1D800] =	vst v63  }
0x14b: {  	_ =	swait.ge [sflag:s15], $0x1900  }
0x14c: {  	[sflag:s15] =	ssyncset.done $0x0;
	s18 =	rddreg [dreg:$0x11]  }
0x14d: {  	[sflag:s15] =	ssyncadd.s32 $0xFFFFE700;
	s4 =	sadd.s32 s25, s18  }
0x14e: {  	[tilespmem:s17], [sflag:$0x6] =	stream.linear.gather [hbm4b:s4+s1], $0x100, $0x38;
	[tilespmem:$0x1D800] =	vst v63  }
.Ltmp4:
0x14f: {  	s5 =	simm.s32 $0x2;
	(pc) =	sbr.rel .LBB2_4-.Ltmp4, $4  }
0x150: {  	_ =	swait.ge [sflag:s5], $0x100  }
0x151: {  	s26 =	sadd.s32 $0x800, s26;
	s18 =	simm.s32 $0x100;
	[sflag:s5] =	ssyncset.done $0x0  }
0x152: {  	s25 =	sadd.s32 $0x100, s25;
	[sflag:s5] =	ssyncadd.s32 $0xFFFFFF00;
	s5 =	simm.s32 $0x400  }
0x153: {  	[tilespmem:s13], [sflag:$0xA] =	stream.indirect.gather [hbm4b:s14+s8], $0x80, s18, s8, $0xb8;
	[tilespmem:$0x1D800] =	vst v63  }
.LBB2_7:
0x154: {  	_ =	sfence.sel $0x180000  }
0x155: {  	[bflag:$0x0] =	sbarrier.arrive $0xFFFF  }
0x156: {  	_ =	strace $0x9000004A  }
0x157: {  	s0 =	stileid.u32;
	[bflag:$0x2] =	sbarrier.arrive $0xFFFF  }
0x158: {  	p0 =	sne.s32 s0, $0x0;
	s0 =	rddreg [dreg:$0x2]  }
0x159: {  	s0 =	sadd.s32 @!p0 $0x100000, s0  }
0x15a: {  	[sflag:s0] =	ssyncadd.tile.s32 @!p0 $0x1;
	_ =	shalt  }
.Lfunc_end2:
_tile_overlayer_lowered:
.L_overlay_start_2:
0x15b: {  	(tag) =	ssettag $0x2  }
0x15c: {  	s0 =	rddreg [dreg:$0x0];
	s2 =	stileid.u32  }
0x15d: {  	s1 =	rddreg [dreg:$0x1];
	p0 =	sne.s32 s2, $0x0  }
0x15e: {  	s3 =	rddreg [dreg:$0x2];
	[bflag:$0x3] =	sbarrier.arrive $0xFFFF;
	s2 =	simm.s32 @!p0 $0x1C12  }
0x15f: {  	[timem:s3], [sflag:s2] =	dma.local @!p0 [hbm:s0], s1  }
0x160: {  	s0 =	simm.s32 @!p0 $0x12  }
0x161: {  	_ =	swait.ge @!p0 [sflag:s0], s1  }
0x162: {  	s1 =	ssub.s32 @!p0 $0x0, s1;
	[sflag:s0] =	ssyncset.done @!p0 $0x0  }
0x163: {  	[sflag:s0] =	ssyncadd.s32 @!p0 s1  }
0x164: {  	[bflag:$0x3] =	sbarrier.arrive $0xFFFF  }
0x165: {  	_ =	shalt  }

// kernel: kernel.14.cloned.1.call-start
scs
__scs_entry_jumppad:
0x0: {  	(pc) =	sbr.rel $0x88, $3  }
0x1: {  	(tag) =	ssettag $0x0;
	lr =	simm.s32 $0x1  }
0x2: {  	[smem:$0x3F9A] =	sst lr;
	_ =	strace $0xD0000000  }
0x3: {  	_ = 	snop  }
0x4: {  	_ = 	snop  }
0x5: {  	_ = 	snop  }
0x6: {  	_ = 	snop  }
0x7: {  	_ = 	snop  }
__scs_overlays_trampoline_lowered:
0x8: {  	[smem:$0x3FA9] =	sst s0  }
0x9: {  	[smem:$0x3FAA] =	sst s1  }
0xa: {  	[smem:$0x3FAB] =	sst s2  }
0xb: {  	[smem:$0x3FAC] =	sst s3  }
0xc: {  	[smem:$0x3FAD] =	sst s4  }
0xd: {  	[smem:$0x3FAE] =	sst s5  }
0xe: {  	[smem:$0x3FAF] =	sst s6  }
0xf: {  	[smem:$0x3FB0] =	sst s7  }
0x10: {  	[smem:$0x3FB1] =	sst s8  }
0x11: {  	[smem:$0x3FB2] =	sst s9;
	s0 =	simm.s32 @!p0 $0x0  }
0x12: {  	s1 =	sld [smem:$0x3F98];
	s0 =	simm.s32 @p0 $0x1  }
0x13: {  	[smem:$0x3FB3] =	sst s0;
	s0 =	simm.s32 @!p1 $0x0  }
0x14: {  	s2 =	sld [smem:$0x3F97];
	s0 =	simm.s32 @p1 $0x1  }
0x15: {  	[smem:$0x3FB4] =	sst s0;
	s0 =	simm.s32 @!p2 $0x0  }
0x16: {  	s3 =	sld [smem:$0x3FDB];
	s0 =	simm.s32 @p2 $0x1  }
0x17: {  	s4 =	simm.s32 $0x1BF5;
	[smem:$0x3FB6] =	sst s0  }
0x18: {  	s0 =	sld [smem:$0x3F99];
	_ =	swait.ge [sflag:s4], $0x0  }
0x19: {  	s7 =	sld [smem:$0x3F9A]  }
0x1a: {  	s8 =	sadd.s32 $0xFFFFE003, lr  }
0x1b: {  	s9 =	sadd.s32 $0xFFFFFEF7, lr;
	s5 =	simm.s32 $0xFFFFFFFF;
	p2 =	slt.u32 s8, $0xFFFFF086  }
0x1c: {  	p1 =	slt.u32 s9, $0xF7A;
	s5 =	simm.s32 @!p2 $0x0  }
0x1d: {  	s5 =	simm.s32 @p1 $0x1;
	p0 =	seq.s32 s7, s2  }
0x1e: {  	s7 =	smul.u32 @!p0 $0xF7A, s2;
	p2 =	seq.s32 @!p0 s5, $0x0  }
0x1f: {  	s9 =	smul.u32 $0xF7A, s1;
	s8 =	simm.s32 @!p0 $0x1BF5;
	p2 =	por !p2, p0  }
0x20: {  	[sflag:s8] =	ssyncset.s32 @!p0 $0xFFFFF086;
	s6 =	sadd.s32 @!p0 s3, s7;
	s7 =	simm.s32 @!p0 $0x108  }
0x21: {  	s3 =	sadd.s32 s3, s9;
	s6 =	sadd.s32 @!p0 $0x88, s6;
	s7 =	simm.s32 @p2 $0x1082  }
0x22: {  	[simem:s7], [sflag:s8] =	dma.local @!p0 [hbm:s6], $0xF7A  }
0x23: {  	s9 =	sor.u32 $0xD0000000, s2;
	s6 =	simm.s32 $0x108;
	_ =	swait.ge @!p0 [sflag:s8], $0x0  }
0x24: {  	s3 =	sadd.s32 $0x88, s3;
	s6 =	simm.s32 @!p1 $0x1082;
	[sflag:s4] =	ssyncset.s32 $0xFFFFF086  }
0x25: {  	[simem:s6], [sflag:s4] =	dma.local [hbm:s3], $0xF7A  }
0x26: {  	[smem:$0x3F9A] =	sst s1;
	(tag) =	ssettag s2;
	_ =	strace s9  }
0x27: {  	s1 =	sld [smem:$0x3FAA]  }
0x28: {  	s2 =	sld [smem:$0x3FAB]  }
0x29: {  	s4 =	sld [smem:$0x3FAD]  }
0x2a: {  	p0 =	seq.s32 s5, $0x0;
	s5 =	sld [smem:$0x3FAE]  }
0x2b: {  	s6 =	sld [smem:$0x3FAF]  }
0x2c: {  	s7 =	sld [smem:$0x3FB0]  }
0x2d: {  	s3 =	simm.s32 $0x108;
	s8 =	sld [smem:$0x3FB1]  }
0x2e: {  	s3 =	simm.s32 @!p0 $0x1082;
	s9 =	sld [smem:$0x3FB2]  }
0x2f: {  	lr =	sadd.s32 s0, s3;
	s0 =	sld [smem:$0x3FA9]  }
0x30: {  	s3 =	sld [smem:$0x3FAC]  }
0x31: {  	[smem:$0x3FB5] =	sst s10  }
0x32: {  	s10 =	sld [smem:$0x3FB3];
	_ =	sdelay $0x3  }
0x33: {  	p0 =	seq.s32 s10, $0x1;
	s10 =	sld [smem:$0x3FB5];
	_ =	sdelay $0x3  }
0x34: {  	[smem:$0x3FB5] =	sst s10  }
0x35: {  	s10 =	sld [smem:$0x3FB4];
	_ =	sdelay $0x3  }
0x36: {  	p1 =	seq.s32 s10, $0x1;
	s10 =	sld [smem:$0x3FB5];
	_ =	sdelay $0x3  }
0x37: {  	[smem:$0x3FB5] =	sst s10  }
0x38: {  	s10 =	sld [smem:$0x3FB6]  }
0x39: {  	_ = 	snop;
	(pc) =	sbr.ind lr, $3  }
0x3a: {  	_ = 	snop  }
0x3b: {  	_ = 	snop  }
0x3c: {  	p2 =	seq.s32 s10, $0x1;
	s10 =	sld [smem:$0x3FB5]  }
0x3d: {  	_ =	shalt  }
0x3e: {  	_ =	shalt  }
0x3f: {  	_ =	shalt  }
0x40: {  	_ =	shalt  }
0x41: {  	_ =	shalt  }
0x42: {  	_ =	shalt  }
0x43: {  	_ =	shalt  }
0x44: {  	_ =	shalt  }
0x45: {  	_ =	shalt  }
0x46: {  	_ =	shalt  }
0x47: {  	_ =	shalt  }
0x48: {  	_ =	shalt  }
0x49: {  	_ =	shalt  }
0x4a: {  	_ =	shalt  }
0x4b: {  	_ =	shalt  }
0x4c: {  	_ =	shalt  }
0x4d: {  	_ =	shalt  }
0x4e: {  	_ =	shalt  }
0x4f: {  	_ =	shalt  }
0x50: {  	_ =	shalt  }
0x51: {  	_ =	shalt  }
0x52: {  	_ =	shalt  }
0x53: {  	_ =	shalt  }
0x54: {  	_ =	shalt  }
0x55: {  	_ =	shalt  }
0x56: {  	_ =	shalt  }
0x57: {  	_ =	shalt  }
0x58: {  	_ =	shalt  }
0x59: {  	_ =	shalt  }
0x5a: {  	_ =	shalt  }
0x5b: {  	_ =	shalt  }
0x5c: {  	_ =	shalt  }
0x5d: {  	_ =	shalt  }
0x5e: {  	_ =	shalt  }
0x5f: {  	_ =	shalt  }
0x60: {  	_ =	shalt  }
0x61: {  	_ =	shalt  }
0x62: {  	_ =	shalt  }
0x63: {  	_ =	shalt  }
0x64: {  	_ =	shalt  }
0x65: {  	_ =	shalt  }
0x66: {  	_ =	shalt  }
0x67: {  	_ =	shalt  }
0x68: {  	_ =	shalt  }
0x69: {  	_ =	shalt  }
0x6a: {  	_ =	shalt  }
0x6b: {  	_ =	shalt  }
0x6c: {  	_ =	shalt  }
0x6d: {  	_ =	shalt  }
0x6e: {  	_ =	shalt  }
0x6f: {  	_ =	shalt  }
0x70: {  	_ =	shalt  }
0x71: {  	_ =	shalt  }
0x72: {  	_ =	shalt  }
0x73: {  	_ =	shalt  }
0x74: {  	_ =	shalt  }
0x75: {  	_ =	shalt  }
0x76: {  	_ =	shalt  }
0x77: {  	_ =	shalt  }
0x78: {  	_ =	shalt  }
0x79: {  	_ =	shalt  }
0x7a: {  	_ =	shalt  }
0x7b: {  	_ =	shalt  }
0x7c: {  	_ =	shalt  }
0x7d: {  	_ =	shalt  }
0x7e: {  	_ =	shalt  }
0x7f: {  	_ =	shalt  }
0x80: {  	_ =	shalt  }
0x81: {  	_ =	shalt  }
0x82: {  	_ =	shalt  }
0x83: {  	_ =	shalt  }
0x84: {  	_ =	shalt  }
0x85: {  	_ =	shalt  }
0x86: {  	_ =	shalt  }
0x87: {  	_ =	shalt  }
.Lfunc_end0:
.L_simem_size_0:
called_computation.2_lowered:
.L_overlay_start_0:
0x88: {  	s2 =	sld [smem:$0x3FD9]  }
0x89: {  	s3 =	sld [smem:$0x3FFE];
	_ =	sdelay $0x1  }
0x8a: {  	s1 =	srdreg.scid  }
0x8b: {  	s0 =	sand.u32 $0x1, s1  }
0x8c: {  	s16 =	sshll.u32 s0, $0xA;
	s2 =	sadd.s32 s3, s2  }
0x8d: {  	s2 =	sadd.s32 s2, s16  }
0x8e: {  	[smem:$0x3FC1] =	sst s2  }
0x8f: {  	_ = 	snop  }
0x90: {  	(tm) =	ssettm $0x1  }
0x91: {  	s17 =	sld [smem:$0x3FFB];
	_ =	sdelay $0x3  }
0x92: {  	_ =	strace s17  }
0x93: {  	s2 =	sld [smem:$0x3FFC];
	_ =	sdelay $0x3  }
0x94: {  	_ =	strace s2  }
0x95: {  	s2 =	sld [smem:$0x3FFD];
	_ =	sdelay $0x3  }
0x96: {  	_ =	strace s2  }
0x97: {  	_ =	strace $0x8FFFFFFF  }
0x98: {  	s18 =	sld [smem:$0x3FDB];
	_ =	sdelay $0x1  }
0x99: {  	s19 =	simm.s32 $_scs_section_size  }
0x9a: {  	s4 =	simm.s32 $_size__tile_overlayer_lowered;
	s5 =	simm.s32 $_tile_overlayer_lowered  }
0x9b: {  	s22 =	simm.s32 $0x1BFF;
	s21 =	sshll.u32 s5, $0x1;
	s2 =	sadd.s32 s19, s18  }
0x9c: {  	s6 =	simm.s32 $0x0;
	s20 =	sshll.u32 s4, $0x1;
	s4 =	sadd.s32 s21, s2  }
0x9d: {  	[timem:s6], [sflag:s22] =	dma.local [hbm:s4], s20  }
0x9e: {  	_ =	swait.ge [sflag:s22], s20  }
0x9f: {  	s3 =	ssub.s32 $0x0, s20;
	[sflag:s22] =	ssyncset.done $0x0  }
0xa0: {  	[sflag:s22] =	ssyncadd.s32 s3;
	_ =	sdelay $0x1  }
0xa1: {  	s23 =	simm.s32 $0x1B8B  }
0xa2: {  	_ =	swait.ge [sflag:s23], $0x1  }
0xa3: {  	[sflag:s23] =	ssyncset.done $0x0  }
0xa4: {  	s25 =	simm.s32 $0x1B8E;
	s24 =	sld [smem:$0x3FFE];
	[sflag:s23] =	ssyncadd.s32 $0xFFFFFFFF  }
0xa5: {  	s26 =	simm.s32 $execute0_lowered;
	[smem:$0x3FD2] =	sst s25  }
0xa6: {  	s4 =	sshll.u32 s26, $0x1;
	_ =	strace $0x8000004C;
	[dreg:$0x1] =	wrdreg $0xFFFFFFFF  }
0xa7: {  	s28 =	simm.s32 $_size_execute0_lowered;
	s2 =	sadd.s32 s2, s4;
	[dreg:$0x0] =	wrdreg $0x0  }
0xa8: {  	s4 =	sshll.u32 s28, $0x1;
	[dreg:$0x2] =	wrdreg s2  }
0xa9: {  	[dreg:$0x3] =	wrdreg s4  }
0xaa: {  	[dreg:$0x4] =	wrdreg $0xC0  }
0xab: {  	_ =	task [dreg:s6], $0x5FFFF  }
0xac: {  	[dreg:$0x1] =	wrdreg $0xFFFFFFFF  }
0xad: {  	[dreg:$0x0] =	wrdreg $0x60  }
0xae: {  	[dreg:$0x2] =	wrdreg s24  }
0xaf: {  	[dreg:$0x3] =	wrdreg $0x98000  }
0xb0: {  	[dreg:$0x4] =	wrdreg $0x9  }
0xb1: {  	_ =	task.clear_ibuf [dreg:s6], $0x5FFFF;
	_ =	strace $0x9000004C  }
0xb2: {  	s29 =	simm.s32 $0x9;
	_ =	strace $0x8000004E  }
0xb3: {  	_ =	swait.ge [sflag:s29], $0x1  }
0xb4: {  	[sflag:s29] =	ssyncadd.s32 $0xFFFFFFFF  }
0xb5: {  	_ =	strace $0x9000004E  }
0xb6: {  	_ =	sfence  }
0xb7: {  	s30 =	sld [smem:$0x0];
	_ =	sdelay $0x2  }
0xb8: {  	s31 =	sshll.u32 s1, $0xD;
	s1 =	sshrl.u32 s1, $0x2  }
0xb9: {  	s3 =	sand.u32 $0x4000, s31;
	s1 =	sadd.s32 s1, s30  }
0xba: {  	s0 =	sor.u32 s3, s0;
	s1 =	sshll.u32 s1, $0x11  }
0xbb: {  	s0 =	sor.u32 s1, s0  }
0xbc: {  	s0 =	sadd.s32 $0x8F2B, s0  }
0xbd: {  	[sflag:s0] =	ssyncadd.remote.s32 $0x1  }
0xbe: {  	_ =	sfence.sel $0xFFFF  }
0xbf: {  	[dreg:$0x0] =	wrdreg $0xFFFFFFFF;
	(pc) =	sbr.abs _section_cstart, $3  }
0xc0: {  	[dreg:$0x1] =	wrdreg $0xFFFFFFFF  }
0xc1: {  	_ =	task.clear_ibuf [dreg:s6], $0x2FFFF;
	_ =	strace $0x9FFFFFFF  }
0xc2: {  	(tm) =	ssettm $0x7FFFFFFF  }
0xc3: {  	_ =	shalt  }
tec
execute0_lowered:
.L_overlay_start_1:
0x0: {  	(tag) =	ssettag $0x1  }
0x1: {  	s0 =	rddreg [dreg:$0x0];
	s1 =	simm.s32 $0x0;
	s14 =	stileid.u32  }
0x2: {  	s2 =	srdreg.scid;
	s29 =	simm.s32 $0x3;
	s7 =	smul.u32 $0x14000, s14  }
0x3: {  	s30 =	simm.s32 $0x4000;
	[smem:$0x7FF] =	sst s1;
	s25 =	smul.u32 $0xC800, s14  }
0x4: {  	s2 =	sand.u32 $0x1, s2;
	s8 =	sadd.s32 $0x5D400, s0;
	s26 =	smul.u32 $0x50000, s14  }
0x5: {  	s3 =	ssub.s32 $0x2, s2;
	s4 =	smul.u32 $0x140000, s2;
	s6 =	sshll.u32 s2, $0x4  }
0x6: {  	s2 =	smul.u32 $0xC8000, s2;
	s5 =	sshrl.u32 s3, $0x1;
	s10 =	sor.u32 s14, s6  }
0x7: {  	s9 =	sor.u32 $0x2000, s7;
	s14 =	sadd.s32 $0x35400, s0;
	s3 =	ssub.s32 s3, s5  }
0x8: {  	s5 =	smul.u32 $0xC800, s10;
	s11 =	sadd.s32 s4, s7;
	s10 =	sadd.s32 s4, s9  }
0x9: {  	s2 =	sadd.s32 s25, s2;
	s6 =	sshrl.u32 s11, $0x3;
	s11 =	sadd.s32 $0x4000, s7  }
0xa: {  	s12 =	sshrl.u32 s10, $0x3;
	s10 =	sadd.s32 $0x6000, s7;
	s6 =	sadd.s32 s8, s6  }
0xb: {  	s13 =	sadd.s32 s4, s11;
	s16 =	sadd.s32 s4, s10;
	[dreg:$0x3] =	wrdreg s6  }
0xc: {  	s6 =	sadd.s32 s8, s12;
	s15 =	sshrl.u32 s13, $0x3;
	s13 =	sadd.s32 $0x8000, s7  }
0xd: {  	[dreg:$0x4] =	wrdreg s6;
	s6 =	sadd.s32 s8, s15;
	s12 =	sadd.s32 s4, s13  }
0xe: {  	s15 =	sadd.s32 $0xA000, s7;
	[dreg:$0x5] =	wrdreg s6;
	s6 =	sshrl.u32 s16, $0x3  }
0xf: {  	s17 =	sshrl.u32 s12, $0x3;
	s18 =	sadd.s32 s4, s15;
	s16 =	sadd.s32 $0xC000, s7  }
0x10: {  	s12 =	rddreg [dreg:$0x1];
	s6 =	sadd.s32 s8, s6;
	s19 =	sshrl.u32 s18, $0x3  }
0x11: {  	s20 =	sadd.s32 s4, s16;
	s18 =	sadd.s32 $0x10000, s7;
	[dreg:$0x6] =	wrdreg s6  }
0x12: {  	s6 =	sadd.s32 s8, s17;
	s17 =	sadd.s32 $0xE000, s7;
	s23 =	sadd.s32 s4, s18  }
0x13: {  	s7 =	sadd.s32 $0x12000, s7;
	[dreg:$0x7] =	wrdreg s6;
	s6 =	sadd.s32 s8, s19  }
0x14: {  	s21 =	sadd.s32 s4, s17;
	s24 =	sshrl.u32 s23, $0x3;
	s4 =	sadd.s32 s4, s7  }
0x15: {  	s19 =	sadd.s32 $0x3400, s0;
	[dreg:$0x8] =	wrdreg s6;
	s6 =	sshrl.u32 s20, $0x3  }
0x16: {  	s0 =	sadd.s32 s9, s12;
	s4 =	sshrl.u32 s4, $0x3;
	s6 =	sadd.s32 s8, s6  }
0x17: {  	s22 =	sshrl.u32 s21, $0x3;
	s4 =	sadd.s32 s8, s4;
	[dreg:$0x9] =	wrdreg s6  }
0x18: {  	s0 =	sshrl.u32 s0, $0x3;
	s6 =	sadd.s32 s8, s22;
	[dreg:$0xc] =	wrdreg s4  }
0x19: {  	s4 =	sshrl.u32 s26, $0x2;
	s22 =	sadd.s32 $0xC00, s2;
	s26 =	sadd.s32 $0xA00, s2  }
0x1a: {  	[dreg:$0xa] =	wrdreg s6;
	s6 =	sadd.s32 s8, s24;
	s21 =	sadd.s32 s4, s12  }
0x1b: {  	s8 =	smax.u32 s3, $0x1;
	s3 =	sadd.s32 s11, s12;
	s4 =	sadd.s32 s10, s12  }
0x1c: {  	s10 =	sadd.s32 s18, s12;
	s18 =	sadd.s32 $0xD00, s2;
	[dreg:$0xb] =	wrdreg s6  }
0x1d: {  	s23 =	sshrl.u32 s22, $0x3;
	_ =	strace $0x8000004D;
	[dreg:$0x10] =	wrdreg s8  }
0x1e: {  	s6 =	sshrl.u32 s5, $0x3;
	s5 =	sadd.s32 s13, s12;
	[dreg:$0xd] =	wrdreg s19  }
0x1f: {  	s11 =	sshrl.u32 s18, $0x3;
	s20 =	sadd.s32 s19, s6;
	[dreg:$0x19] =	wrdreg s0  }
0x20: {  	s6 =	sadd.s32 s15, s12;
	s11 =	sadd.s32 s11, s19;
	[dreg:$0xf] =	wrdreg s21  }
0x21: {  	s15 =	sshrl.u32 s26, $0x3;
	s26 =	sshrl.u32 s3, $0x3;
	[dreg:$0x11] =	wrdreg s11  }
0x22: {  	s24 =	sadd.s32 $0xB00, s2;
	s3 =	sshrl.u32 s5, $0x3;
	[dreg:$0x1a] =	wrdreg s26  }
0x23: {  	s18 =	sor.u32 $0x700, s2;
	s8 =	sadd.s32 s16, s12;
	[dreg:$0x1c] =	wrdreg s3  }
0x24: {  	s22 =	sshrl.u32 s18, $0x3;
	s18 =	sadd.s32 $0x4000, s21;
	[dreg:$0xe] =	wrdreg s20  }
0x25: {  	s16 =	sadd.s32 $0x900, s2;
	s11 =	sadd.s32 s23, s19;
	[smem:$0x7F6] =	sst s18  }
0x26: {  	s23 =	sor.u32 $0x600, s2;
	s2 =	sadd.s32 $0x800, s2;
	[dreg:$0x12] =	wrdreg s11  }
0x27: {  	s25 =	sshrl.u32 s24, $0x3;
	s24 =	sadd.s32 s22, s19;
	[dreg:$0x16] =	wrdreg s2  }
0x28: {  	s31 =	simm.s32 $0xA;
	s5 =	sshrl.u32 s8, $0x3;
	[dreg:$0x17] =	wrdreg s24  }
0x29: {  	s28 =	simm.s32 $0x400;
	s8 =	sshrl.u32 s10, $0x3;
	[dreg:$0x1e] =	wrdreg s5  }
0x2a: {  	s9 =	sadd.s32 s17, s12;
	s10 =	sadd.s32 $0x20, s20;
	[smem:$0x7EE] =	sst s8  }
0x2b: {  	s7 =	sadd.s32 s7, s12;
	s13 =	sadd.s32 $0x60, s20;
	[smem:$0x7F0] =	sst s10  }
0x2c: {  	s17 =	sshrl.u32 s16, $0x3;
	s16 =	sadd.s32 $0xA0, s20;
	[smem:$0x7F2] =	sst s13  }
0x2d: {  	s0 =	simm.s32 $0x5C00;
	s22 =	sadd.s32 $0xA000, s21;
	[smem:$0x7F4] =	sst s16  }
0x2e: {  	s26 =	sadd.s32 $0x12000, s21;
	s18 =	simm.s32 $0x11;
	[smem:$0x7F9] =	sst s22  }
0x2f: {  	s3 =	simm.s32 $0xC;
	s11 =	sadd.s32 s25, s19;
	[smem:$0x7FD] =	sst s26  }
0x30: {  	s25 =	sshrl.u32 s23, $0x3;
	s23 =	sadd.s32 $0xC000, s21;
	[dreg:$0x13] =	wrdreg s11  }
0x31: {  	s24 =	sadd.s32 $0xE000, s21;
	s8 =	simm.s32 $0x32;
	[smem:$0x7FA] =	sst s23  }
0x32: {  	s13 =	simm.s32 $0x2400;
	s11 =	sadd.s32 s15, s19;
	[smem:$0x7FB] =	sst s24  }
0x33: {  	s16 =	simm.s32 $0xD;
	s2 =	sadd.s32 s25, s19;
	[dreg:$0x14] =	wrdreg s11  }
0x34: {  	s22 =	simm.s32 $0x10;
	s15 =	sadd.s32 $0x80, s20;
	[dreg:$0x18] =	wrdreg s2  }
0x35: {  	s5 =	simm.s32 $0x0;
	s25 =	sadd.s32 $0x10000, s21;
	[smem:$0x7F3] =	sst s15  }
0x36: {  	s10 =	simm.s32 $0x700;
	s11 =	sadd.s32 s17, s19;
	[smem:$0x7FC] =	sst s25  }
0x37: {  	s24 =	simm.s32 $0x9;
	s2 =	sshrl.u32 s4, $0x3;
	[dreg:$0x15] =	wrdreg s11  }
0x38: {  	s23 =	simm.s32 $0x8;
	s4 =	sshrl.u32 s6, $0x3;
	[dreg:$0x1b] =	wrdreg s2  }
0x39: {  	s6 =	sshrl.u32 s9, $0x3;
	s9 =	sshrl.u32 s7, $0x3;
	[dreg:$0x1d] =	wrdreg s4  }
0x3a: {  	s17 =	sadd.s32 $0x2000, s21;
	s19 =	sadd.s32 $0x6000, s21;
	[dreg:$0x1f] =	wrdreg s6  }
0x3b: {  	s15 =	simm.s32 $0xE;
	s7 =	simm.s32 $0x600;
	[smem:$0x7EF] =	sst s9  }
.Ltmp0:
0x3c: {  	s11 =	sadd.s32 $0x40, s20;
	[smem:$0x7F5] =	sst s17;
	(pc) =	sbr.rel .LBB2_1-.Ltmp0, $4  }
0x3d: {  	[smem:$0x7F7] =	sst s19;
	s20 =	sadd.s32 $0x8000, s21;
	s17 =	simm.s32 $0x500  }
0x3e: {  	s9 =	simm.s32 $0x800;
	s6 =	simm.s32 $0x4;
	s2 =	simm.s32 $0xB  }
0x3f: {  	s19 =	simm.s32 $0x6;
	s21 =	simm.s32 $0x7;
	[smem:$0x7F1] =	sst s11  }
0x40: {  	v0 =	vimm.f32 $0.0e+00;
	[smem:$0x7F8] =	sst s20;
	s11 =	simm.s32 $0x5;
	s20 =	simm.s32 $0xF  }
.LBB2_6:
0x41: {  	_ =	swait.ge [sflag:s3], $0x1900  }
0x42: {  	[sflag:s3] =	ssyncset.done $0x0  }
0x43: {  	s4 =	simm.s32 $0x780;
	[sflag:s3] =	ssyncadd.s32 $0xFFFFE700  }
0x44: {  	[spmem:s12] =	stream.indirect.scatter.add.f32 [tilespmem:s0], [sflag:$0x10], $0x80, s4, s8, $0xb8;
	[tilespmem:$0x1D800] =	vst v63  }
0x45: {  	_ =	swait.ge [sflag:s15], $0x1900  }
0x46: {  	[sflag:s15] =	ssyncset.done $0x0  }
0x47: {  	[sflag:s15] =	ssyncadd.s32 $0xFFFFE700  }
0x48: {  	_ =	swait.ge [sflag:s20], $0x1900  }
0x49: {  	[sflag:s20] =	ssyncset.done $0x0  }
0x4a: {  	[sflag:s20] =	ssyncadd.s32 $0xFFFFE700  }
0x4b: {  	_ =	swait.ge [sflag:s22], $0x1900  }
0x4c: {  	[sflag:s22] =	ssyncset.done $0x0  }
0x4d: {  	[sflag:s22] =	ssyncadd.s32 $0xFFFFE700  }
0x4e: {  	s18 =	stileid.u32;
	[bflag:$0x0] =	sbarrier.arrive $0xFFFF  }
0x4f: {  	s4 =	sshll.u32 s18, $0x6;
	s5 =	rddreg [dreg:$0xf]  }
0x50: {  	s4 =	sor.u32 $0x1C11, s4;
	s18 =	rddreg [dreg:$0x3];
	s5 =	sshrl.u32 s5, $0x3  }
0x51: {  	[hbm:s18], [sflag:s4] =	dma.local [spmem:s5], $0x400  }
0x52: {  	s5 =	rddreg [dreg:$0x4]  }
0x53: {  	s18 =	rddreg [dreg:$0x19]  }
0x54: {  	[hbm:s5], [sflag:s4] =	dma.local [spmem:s18], $0x400  }
0x55: {  	s5 =	rddreg [dreg:$0x5]  }
0x56: {  	s18 =	rddreg [dreg:$0x1a]  }
0x57: {  	[hbm:s5], [sflag:s4] =	dma.local [spmem:s18], $0x400  }
0x58: {  	s5 =	rddreg [dreg:$0x6]  }
0x59: {  	s18 =	rddreg [dreg:$0x1b]  }
0x5a: {  	[hbm:s5], [sflag:s4] =	dma.local [spmem:s18], $0x400  }
0x5b: {  	s5 =	rddreg [dreg:$0x7]  }
0x5c: {  	s18 =	rddreg [dreg:$0x1c]  }
0x5d: {  	[hbm:s5], [sflag:s4] =	dma.local [spmem:s18], $0x400  }
0x5e: {  	s5 =	rddreg [dreg:$0x8]  }
0x5f: {  	s18 =	rddreg [dreg:$0x1d]  }
0x60: {  	[hbm:s5], [sflag:s4] =	dma.local [spmem:s18], $0x400  }
0x61: {  	s5 =	rddreg [dreg:$0x9]  }
0x62: {  	s18 =	rddreg [dreg:$0x1e]  }
0x63: {  	[hbm:s5], [sflag:s4] =	dma.local [spmem:s18], $0x400  }
0x64: {  	s5 =	rddreg [dreg:$0xa]  }
0x65: {  	s18 =	rddreg [dreg:$0x1f]  }
0x66: {  	[hbm:s5], [sflag:s4] =	dma.local [spmem:s18], $0x400  }
0x67: {  	s18 =	sld [smem:$0x7EE];
	_ =	sdelay $0x1  }
0x68: {  	s5 =	rddreg [dreg:$0xb]  }
0x69: {  	[hbm:s5], [sflag:s4] =	dma.local [spmem:s18], $0x400  }
0x6a: {  	s18 =	sld [smem:$0x7EF];
	_ =	sdelay $0x1  }
0x6b: {  	s5 =	rddreg [dreg:$0xc]  }
0x6c: {  	[hbm:s5], [sflag:s4] =	dma.local [spmem:s18], $0x400  }
0x6d: {  	s18 =	simm.s32 $0x11  }
0x6e: {  	_ =	swait.ge [sflag:s18], $0x400  }
0x6f: {  	[sflag:s18] =	ssyncset.done $0x0  }
0x70: {  	[sflag:s18] =	ssyncadd.s32 $0xFFFFFC00  }
0x71: {  	_ =	swait.ge [sflag:s18], $0x400  }
0x72: {  	[sflag:s18] =	ssyncset.done $0x0  }
0x73: {  	[sflag:s18] =	ssyncadd.s32 $0xFFFFFC00  }
0x74: {  	_ =	swait.ge [sflag:s18], $0x400  }
0x75: {  	[sflag:s18] =	ssyncset.done $0x0  }
0x76: {  	[sflag:s18] =	ssyncadd.s32 $0xFFFFFC00  }
0x77: {  	_ =	swait.ge [sflag:s18], $0x400  }
0x78: {  	[sflag:s18] =	ssyncset.done $0x0  }
0x79: {  	[sflag:s18] =	ssyncadd.s32 $0xFFFFFC00  }
0x7a: {  	_ =	swait.ge [sflag:s18], $0x400  }
0x7b: {  	[sflag:s18] =	ssyncset.done $0x0  }
0x7c: {  	[sflag:s18] =	ssyncadd.s32 $0xFFFFFC00  }
0x7d: {  	_ =	swait.ge [sflag:s18], $0x400  }
0x7e: {  	[sflag:s18] =	ssyncset.done $0x0  }
0x7f: {  	[sflag:s18] =	ssyncadd.s32 $0xFFFFFC00  }
0x80: {  	_ =	swait.ge [sflag:s18], $0x400  }
0x81: {  	[sflag:s18] =	ssyncset.done $0x0  }
0x82: {  	[sflag:s18] =	ssyncadd.s32 $0xFFFFFC00  }
0x83: {  	_ =	swait.ge [sflag:s18], $0x400  }
0x84: {  	[sflag:s18] =	ssyncset.done $0x0  }
0x85: {  	[sflag:s18] =	ssyncadd.s32 $0xFFFFFC00  }
0x86: {  	_ =	swait.ge [sflag:s18], $0x400  }
0x87: {  	[sflag:s18] =	ssyncset.done $0x0  }
0x88: {  	[sflag:s18] =	ssyncadd.s32 $0xFFFFFC00  }
0x89: {  	_ =	swait.ge [sflag:s18], $0x400  }
0x8a: {  	s25 =	sld [smem:$0x7ED];
	_ =	sdelay $0x2  }
0x8b: {  	s26 =	rddreg [dreg:$0x10];
	s5 =	sadd.s32 $0x1, s25  }
0x8c: {  	p0 =	sne.s32 s5, s26  }
.Ltmp1:
0x8d: {  	_ = 	snop;
	(pc) =	sbr.rel @!p0 .LBB2_7-.Ltmp1, $3  }
0x8e: {  	_ =	sdelay $0x1  }
0x8f: {  	[sflag:s18] =	ssyncset.done $0x0  }
0x90: {  	s17 =	simm.s32 $0x500;
	[sflag:s18] =	ssyncadd.s32 $0xFFFFFC00  }
.LBB2_1:
0x91: {  	s4 =	rddreg [dreg:$0xe]  }
0x92: {  	s25 =	sld [smem:$0x7F0]  }
0x93: {  	[tilespmem:s1], [sflag:$0x1] =	stream.linear.gather [hbm4b:s4+s1], $0x100, $0x38;
	[tilespmem:$0x1D800] =	vst v63  }
0x94: {  	s26 =	simm.s32 $0x100  }
0x95: {  	[tilespmem:s26], [sflag:$0x2] =	stream.linear.gather [hbm4b:s25+s1], $0x100, $0x38;
	[tilespmem:$0x1D800] =	vst v63  }
0x96: {  	s25 =	sld [smem:$0x7F1];
	_ =	sdelay $0x1  }
0x97: {  	s26 =	simm.s32 $0x200  }
0x98: {  	[tilespmem:s26], [sflag:$0x3] =	stream.linear.gather [hbm4b:s25+s1], $0x100, $0x38;
	[tilespmem:$0x1D800] =	vst v63  }
0x99: {  	s25 =	sld [smem:$0x7F2];
	_ =	sdelay $0x1  }
0x9a: {  	s26 =	simm.s32 $0x300  }
0x9b: {  	[tilespmem:s26], [sflag:$0x4] =	stream.linear.gather [hbm4b:s25+s1], $0x100, $0x38;
	[tilespmem:$0x1D800] =	vst v63  }
0x9c: {  	s25 =	sld [smem:$0x7F3]  }
0x9d: {  	[smem:$0x7ED] =	sst s5  }
0x9e: {  	s5 =	simm.s32 $0x400;
	s26 =	sld [smem:$0x7F4]  }
0x9f: {  	[tilespmem:s5], [sflag:$0x5] =	stream.linear.gather [hbm4b:s25+s1], $0x100, $0x38;
	[tilespmem:$0x1D800] =	vst v63  }
0xa0: {  	_ = 	snop  }
0xa1: {  	[tilespmem:s17], [sflag:$0x6] =	stream.linear.gather [hbm4b:s26+s1], $0x100, $0x38;
	[tilespmem:$0x1D800] =	vst v63  }
0xa2: {  	s25 =	simm.s32 $0x0;
	s26 =	simm.s32 $0x200  }
.LBB2_2:
0xa3: {  	p0 =	sne.s32 s26, $0x7E00;
	[tilespmem:s25+$0x7870] =	vst v0  }
0xa4: {  	[tilespmem:s25+$0x7800] =	vst v0  }
0xa5: {  	[tilespmem:s25+$0x7810] =	vst v0  }
.Ltmp2:
0xa6: {  	[tilespmem:s25+$0x7820] =	vst v0;
	(pc) =	sbr.rel @p0 .LBB2_2-.Ltmp2, $4  }
0xa7: {  	[tilespmem:s25+$0x7830] =	vst v0  }
0xa8: {  	[tilespmem:s25+$0x7840] =	vst v0  }
0xa9: {  	[tilespmem:s25+$0x7850] =	vst v0  }
0xaa: {  	[tilespmem:s25+$0x7860] =	vst v0;
	s25 =	sshra.s32 s26, $0x2;
	s26 =	sadd.s32 $0x200, s26  }
0xab: {  	[tilespmem:s25+$0x7870] =	vst v0  }
0xac: {  	[tilespmem:s25+$0x7800] =	vst v0  }
0xad: {  	[tilespmem:s25+$0x7810] =	vst v0  }
0xae: {  	[tilespmem:s25+$0x7820] =	vst v0  }
0xaf: {  	[tilespmem:s25+$0x7830] =	vst v0  }
0xb0: {  	[tilespmem:s25+$0x7840] =	vst v0  }
0xb1: {  	[tilespmem:s25+$0x7850] =	vst v0;
	s4 =	rddreg [dreg:$0xf]  }
0xb2: {  	[tilespmem:s25+$0x7860] =	vst v0;
	s17 =	simm.s32 $0x7800;
	s25 =	sld [smem:$0x7F5]  }
0xb3: {  	[spmem:s4] =	stream.linear.scatter [tilespmem:s17], [sflag:$0x11], $0x2000, $0x38;
	[tilespmem:$0x1D800] =	vst v63  }
0xb4: {  	s26 =	sld [smem:$0x7F6]  }
0xb5: {  	[spmem:s25] =	stream.linear.scatter [tilespmem:s17], [sflag:$0x11], $0x2000, $0x38;
	[tilespmem:$0x1D800] =	vst v63  }
0xb6: {  	s25 =	sld [smem:$0x7F7]  }
0xb7: {  	[spmem:s26] =	stream.linear.scatter [tilespmem:s17], [sflag:$0x11], $0x2000, $0x38;
	[tilespmem:$0x1D800] =	vst v63  }
0xb8: {  	s26 =	sld [smem:$0x7F8]  }
0xb9: {  	[spmem:s25] =	stream.linear.scatter [tilespmem:s17], [sflag:$0x11], $0x2000, $0x38;
	[tilespmem:$0x1D800] =	vst v63  }
0xba: {  	s25 =	sld [smem:$0x7F9]  }
0xbb: {  	[spmem:s26] =	stream.linear.scatter [tilespmem:s17], [sflag:$0x11], $0x2000, $0x38;
	[tilespmem:$0x1D800] =	vst v63  }
0xbc: {  	s26 =	sld [smem:$0x7FA]  }
0xbd: {  	[spmem:s25] =	stream.linear.scatter [tilespmem:s17], [sflag:$0x11], $0x2000, $0x38;
	[tilespmem:$0x1D800] =	vst v63  }
0xbe: {  	s25 =	sld [smem:$0x7FB]  }
0xbf: {  	[spmem:s26] =	stream.linear.scatter [tilespmem:s17], [sflag:$0x11], $0x2000, $0x38;
	[tilespmem:$0x1D800] =	vst v63  }
0xc0: {  	s26 =	sld [smem:$0x7FC]  }
0xc1: {  	[spmem:s25] =	stream.linear.scatter [tilespmem:s17], [sflag:$0x11], $0x2000, $0x38;
	[tilespmem:$0x1D800] =	vst v63  }
0xc2: {  	s25 =	sld [smem:$0x7FD]  }
0xc3: {  	[spmem:s26] =	stream.linear.scatter [tilespmem:s17], [sflag:$0x11], $0x2000, $0x38;
	[tilespmem:$0x1D800] =	vst v63  }
0xc4: {  	s26 =	simm.s32 $0x1  }
0xc5: {  	[spmem:s25] =	stream.linear.scatter [tilespmem:s17], [sflag:$0x11], $0x2000, $0x38;
	[tilespmem:$0x1D800] =	vst v63  }
0xc6: {  	_ =	swait.ge [sflag:s26], $0x100  }
0xc7: {  	[sflag:s26] =	ssyncset.done $0x0  }
0xc8: {  	s25 =	simm.s32 $0x0;
	s17 =	simm.s32 $0x2;
	[sflag:s26] =	ssyncadd.s32 $0xFFFFFF00  }
0xc9: {  	[tilespmem:s9], [sflag:$0x9] =	stream.indirect.gather [hbm4b:s14+s8], $0x80, s25, s8, $0xb8;
	[tilespmem:$0x1D800] =	vst v63  }
0xca: {  	_ =	swait.ge [sflag:s17], $0x100  }
0xcb: {  	[sflag:s17] =	ssyncset.done $0x0  }
0xcc: {  	s26 =	simm.s32 $0x100;
	[sflag:s17] =	ssyncadd.s32 $0xFFFFFF00  }
0xcd: {  	[tilespmem:s13], [sflag:$0xA] =	stream.indirect.gather [hbm4b:s14+s8], $0x80, s26, s8, $0xb8;
	[tilespmem:$0x1D800] =	vst v63  }
0xce: {  	_ =	swait.ge [sflag:s18], $0x2000  }
0xcf: {  	[sflag:s18] =	ssyncset.done $0x0  }
0xd0: {  	[sflag:s18] =	ssyncadd.s32 $0xFFFFE000  }
0xd1: {  	_ =	swait.ge [sflag:s18], $0x2000  }
0xd2: {  	[sflag:s18] =	ssyncset.done $0x0  }
0xd3: {  	[sflag:s18] =	ssyncadd.s32 $0xFFFFE000  }
0xd4: {  	_ =	swait.ge [sflag:s18], $0x2000  }
0xd5: {  	[sflag:s18] =	ssyncset.done $0x0  }
0xd6: {  	[sflag:s18] =	ssyncadd.s32 $0xFFFFE000  }
0xd7: {  	_ =	swait.ge [sflag:s18], $0x2000  }
0xd8: {  	[sflag:s18] =	ssyncset.done $0x0  }
0xd9: {  	[sflag:s18] =	ssyncadd.s32 $0xFFFFE000  }
0xda: {  	_ =	swait.ge [sflag:s18], $0x2000  }
0xdb: {  	[sflag:s18] =	ssyncset.done $0x0  }
0xdc: {  	[sflag:s18] =	ssyncadd.s32 $0xFFFFE000  }
0xdd: {  	_ =	swait.ge [sflag:s18], $0x2000  }
0xde: {  	[sflag:s18] =	ssyncset.done $0x0  }
0xdf: {  	[sflag:s18] =	ssyncadd.s32 $0xFFFFE000  }
0xe0: {  	_ =	swait.ge [sflag:s18], $0x2000  }
0xe1: {  	[sflag:s18] =	ssyncset.done $0x0  }
0xe2: {  	[sflag:s18] =	ssyncadd.s32 $0xFFFFE000  }
0xe3: {  	_ =	swait.ge [sflag:s18], $0x2000  }
0xe4: {  	[sflag:s18] =	ssyncset.done $0x0  }
0xe5: {  	[sflag:s18] =	ssyncadd.s32 $0xFFFFE000  }
0xe6: {  	_ =	swait.ge [sflag:s18], $0x2000  }
0xe7: {  	[sflag:s18] =	ssyncset.done $0x0  }
0xe8: {  	[sflag:s18] =	ssyncadd.s32 $0xFFFFE000  }
0xe9: {  	_ =	swait.ge [sflag:s18], $0x2000  }
0xea: {  	[sflag:s18] =	ssyncset.done $0x0  }
0xeb: {  	[sflag:s18] =	ssyncadd.s32 $0xFFFFE000  }
0xec: {  	[bflag:$0x0] =	sbarrier.arrive $0xFFFF  }
0xed: {  	s17 =	simm.s32 $0x500;
	s26 =	rddreg [dreg:$0x16]  }
.LBB2_4:
0xee: {  	_ =	swait.ge [sflag:s24], $0x1900  }
0xef: {  	p0 =	seq.s32 s25, $0x0;
	[sflag:s24] =	ssyncset.done $0x0  }
0xf0: {  	s4 =	simm.s32 $0x80;
	s18 =	simm.s32 @!p0 $0xF;
	[sflag:s24] =	ssyncadd.s32 $0xFFFFE700  }
0xf1: {  	[spmem:s12] =	stream.indirect.scatter.add.f32 [tilespmem:s9], [sflag:$0xD], $0x80, s4, s8, $0xb8;
	[tilespmem:$0x1D800] =	vst v63  }
0xf2: {  	_ =	swait.ge @!p0 [sflag:s18], $0x1900  }
0xf3: {  	[sflag:s18] =	ssyncset.done @!p0 $0x0  }
0xf4: {  	[sflag:s18] =	ssyncadd.s32 @!p0 $0xFFFFE700;
	s18 =	rddreg [dreg:$0x18]  }
0xf5: {  	s4 =	sadd.s32 s25, s18  }
0xf6: {  	[tilespmem:s7], [sflag:$0x7] =	stream.linear.gather [hbm4b:s4+s1], $0x100, $0x38;
	[tilespmem:$0x1D800] =	vst v63  }
0xf7: {  	_ =	swait.ge [sflag:s29], $0x100  }
0xf8: {  	[sflag:s29] =	ssyncset.done $0x0  }
0xf9: {  	s18 =	simm.s32 $0x200;
	[sflag:s29] =	ssyncadd.s32 $0xFFFFFF00  }
0xfa: {  	[tilespmem:s30], [sflag:$0xB] =	stream.indirect.gather [hbm4b:s14+s8], $0x80, s18, s8, $0xb8;
	[tilespmem:$0x1D800] =	vst v63  }
0xfb: {  	_ =	swait.ge [sflag:s31], $0x1900  }
0xfc: {  	[sflag:s31] =	ssyncset.done $0x0  }
0xfd: {  	s18 =	simm.s32 $0x180;
	[sflag:s31] =	ssyncadd.s32 $0xFFFFE700  }
0xfe: {  	[spmem:s12] =	stream.indirect.scatter.add.f32 [tilespmem:s13], [sflag:$0xE], $0x80, s18, s8, $0xb8;
	[tilespmem:$0x1D800] =	vst v63  }
0xff: {  	s18 =	simm.s32 @!p0 $0x10  }
0x100: {  	_ =	swait.ge @!p0 [sflag:s18], $0x1900  }
0x101: {  	[sflag:s18] =	ssyncset.done @!p0 $0x0  }
0x102: {  	[sflag:s18] =	ssyncadd.s32 @!p0 $0xFFFFE700;
	s18 =	rddreg [dreg:$0x17]  }
0x103: {  	s4 =	sadd.s32 s25, s18  }
0x104: {  	[tilespmem:s10], [sflag:$0x8] =	stream.linear.gather [hbm4b:s4+s1], $0x100, $0x38;
	[tilespmem:$0x1D800] =	vst v63  }
0x105: {  	_ =	swait.ge [sflag:s6], $0x100  }
0x106: {  	[sflag:s6] =	ssyncset.done $0x0  }
0x107: {  	s18 =	simm.s32 $0x300;
	[sflag:s6] =	ssyncadd.s32 $0xFFFFFF00  }
0x108: {  	[tilespmem:s0], [sflag:$0xC] =	stream.indirect.gather [hbm4b:s14+s8], $0x80, s18, s8, $0xb8;
	[tilespmem:$0x1D800] =	vst v63  }
0x109: {  	_ =	swait.ge [sflag:s2], $0x1900  }
0x10a: {  	[sflag:s2] =	ssyncset.done $0x0  }
0x10b: {  	s18 =	simm.s32 $0x280;
	[sflag:s2] =	ssyncadd.s32 $0xFFFFE700  }
0x10c: {  	[spmem:s12] =	stream.indirect.scatter.add.f32 [tilespmem:s30], [sflag:$0xF], $0x80, s18, s8, $0xb8;
	[tilespmem:$0x1D800] =	vst v63  }
0x10d: {  	p0 =	seq.s32 s25, $0x1800;
	_ =	swait.ge [sflag:s16], $0x1900  }
0x10e: {  	s18 =	sshrl.u32 @!p0 s26, $0x3;
	[sflag:s16] =	ssyncset.done $0x0;
	s4 =	rddreg [dreg:$0xd]  }
0x10f: {  	[sflag:s16] =	ssyncadd.s32 $0xFFFFE700;
	s18 =	sadd.s32 @!p0 s4, s18;
	s4 =	simm.s32 @!p0 $0x0  }
0x110: {  	[tilespmem:s4], [sflag:$0x1] =	stream.linear.gather @!p0 [hbm4b:s18+s4], $0x100, $0x38;
	[tilespmem:$0x1D800] =	vst v63  }
0x111: {  	_ =	swait.ge [sflag:s11], $0x100  }
0x112: {  	[sflag:s11] =	ssyncset.done $0x0  }
0x113: {  	[sflag:s11] =	ssyncadd.s32 $0xFFFFFF00  }
0x114: {  	[tilespmem:s9], [sflag:$0x9] =	stream.indirect.gather [hbm4b:s14+s8], $0x80, s5, s8, $0xb8;
	[tilespmem:$0x1D800] =	vst v63  }
0x115: {  	_ =	swait.ge [sflag:s3], $0x1900  }
0x116: {  	[sflag:s3] =	ssyncset.done $0x0  }
0x117: {  	s18 =	simm.s32 $0x380;
	[sflag:s3] =	ssyncadd.s32 $0xFFFFE700  }
0x118: {  	[spmem:s12] =	stream.indirect.scatter.add.f32 [tilespmem:s0], [sflag:$0x10], $0x80, s18, s8, $0xb8;
	[tilespmem:$0x1D800] =	vst v63  }
0x119: {  	_ =	swait.ge [sflag:s15], $0x1900  }
0x11a: {  	[sflag:s15] =	ssyncset.done $0x0;
	s5 =	rddreg [dreg:$0x15]  }
0x11b: {  	[sflag:s15] =	ssyncadd.s32 $0xFFFFE700;
	s18 =	sadd.s32 @!p0 s25, s5;
	s5 =	simm.s32 @!p0 $0x100  }
0x11c: {  	[tilespmem:s5], [sflag:$0x2] =	stream.linear.gather @!p0 [hbm4b:s18+s4], $0x100, $0x38;
	[tilespmem:$0x1D800] =	vst v63  }
0x11d: {  	_ =	swait.ge [sflag:s19], $0x100  }
0x11e: {  	[sflag:s19] =	ssyncset.done $0x0  }
0x11f: {  	[sflag:s19] =	ssyncadd.s32 $0xFFFFFF00  }
0x120: {  	[tilespmem:s13], [sflag:$0xA] =	stream.indirect.gather [hbm4b:s14+s8], $0x80, s17, s8, $0xb8;
	[tilespmem:$0x1D800] =	vst v63  }
0x121: {  	_ =	swait.ge [sflag:s24], $0x1900  }
0x122: {  	[sflag:s24] =	ssyncset.done $0x0  }
0x123: {  	s18 =	simm.s32 $0x480;
	[sflag:s24] =	ssyncadd.s32 $0xFFFFE700  }
0x124: {  	[spmem:s12] =	stream.indirect.scatter.add.f32 [tilespmem:s9], [sflag:$0xD], $0x80, s18, s8, $0xb8;
	[tilespmem:$0x1D800] =	vst v63  }
0x125: {  	_ =	swait.ge [sflag:s20], $0x1900  }
0x126: {  	[sflag:s20] =	ssyncset.done $0x0;
	s5 =	rddreg [dreg:$0x14]  }
0x127: {  	s18 =	simm.s32 @!p0 $0x200;
	[sflag:s20] =	ssyncadd.s32 $0xFFFFE700;
	s5 =	sadd.s32 @!p0 s25, s5  }
0x128: {  	[tilespmem:s18], [sflag:$0x3] =	stream.linear.gather @!p0 [hbm4b:s5+s4], $0x100, $0x38;
	[tilespmem:$0x1D800] =	vst v63  }
0x129: {  	_ =	swait.ge [sflag:s21], $0x100  }
0x12a: {  	[sflag:s21] =	ssyncset.done $0x0  }
0x12b: {  	[sflag:s21] =	ssyncadd.s32 $0xFFFFFF00  }
0x12c: {  	[tilespmem:s30], [sflag:$0xB] =	stream.indirect.gather [hbm4b:s14+s8], $0x80, s7, s8, $0xb8;
	[tilespmem:$0x1D800] =	vst v63  }
0x12d: {  	_ =	swait.ge [sflag:s31], $0x1900  }
0x12e: {  	[sflag:s31] =	ssyncset.done $0x0  }
0x12f: {  	s18 =	simm.s32 $0x580;
	[sflag:s31] =	ssyncadd.s32 $0xFFFFE700  }
0x130: {  	[spmem:s12] =	stream.indirect.scatter.add.f32 [tilespmem:s13], [sflag:$0xE], $0x80, s18, s8, $0xb8;
	[tilespmem:$0x1D800] =	vst v63  }
0x131: {  	_ =	swait.ge [sflag:s22], $0x1900  }
0x132: {  	[sflag:s22] =	ssyncset.done $0x0;
	s5 =	rddreg [dreg:$0x13]  }
0x133: {  	s18 =	simm.s32 @!p0 $0x300;
	[sflag:s22] =	ssyncadd.s32 $0xFFFFE700;
	s5 =	sadd.s32 @!p0 s25, s5  }
0x134: {  	[tilespmem:s18], [sflag:$0x4] =	stream.linear.gather @!p0 [hbm4b:s5+s4], $0x100, $0x38;
	[tilespmem:$0x1D800] =	vst v63  }
0x135: {  	_ =	swait.ge [sflag:s23], $0x100  }
0x136: {  	[sflag:s23] =	ssyncset.done $0x0  }
0x137: {  	[sflag:s23] =	ssyncadd.s32 $0xFFFFFF00  }
0x138: {  	[tilespmem:s0], [sflag:$0xC] =	stream.indirect.gather [hbm4b:s14+s8], $0x80, s10, s8, $0xb8;
	[tilespmem:$0x1D800] =	vst v63  }
0x139: {  	_ =	swait.ge [sflag:s2], $0x1900  }
0x13a: {  	[sflag:s2] =	ssyncset.done $0x0  }
.Ltmp3:
0x13b: {  	s18 =	simm.s32 $0x680;
	[sflag:s2] =	ssyncadd.s32 $0xFFFFE700;
	(pc) =	sbr.rel @p0 .LBB2_6-.Ltmp3, $4  }
0x13c: {  	[spmem:s12] =	stream.indirect.scatter.add.f32 [tilespmem:s30], [sflag:$0xF], $0x80, s18, s8, $0xb8;
	[tilespmem:$0x1D800] =	vst v63  }
0x13d: {  	_ =	swait.ge [sflag:s16], $0x1900  }
0x13e: {  	[sflag:s16] =	ssyncset.done $0x0  }
0x13f: {  	[sflag:s16] =	ssyncadd.s32 $0xFFFFE700  }
0x140: {  	s4 =	rddreg [dreg:$0x12]  }
0x141: {  	s18 =	simm.s32 $0x1;
	s4 =	sadd.s32 s25, s4  }
0x142: {  	[tilespmem:s28], [sflag:$0x5] =	stream.linear.gather [hbm4b:s4+s1], $0x100, $0x38;
	[tilespmem:$0x1D800] =	vst v63  }
0x143: {  	_ =	swait.ge [sflag:s18], $0x100  }
0x144: {  	[sflag:s18] =	ssyncset.done $0x0  }
0x145: {  	[sflag:s18] =	ssyncadd.s32 $0xFFFFFF00  }
0x146: {  	[tilespmem:s9], [sflag:$0x9] =	stream.indirect.gather [hbm4b:s14+s8], $0x80, s1, s8, $0xb8;
	[tilespmem:$0x1D800] =	vst v63  }
0x147: {  	_ =	swait.ge [sflag:s3], $0x1900  }
0x148: {  	[sflag:s3] =	ssyncset.done $0x0  }
0x149: {  	s5 =	simm.s32 $0x780;
	[sflag:s3] =	ssyncadd.s32 $0xFFFFE700  }
0x14a: {  	[spmem:s12] =	stream.indirect.scatter.add.f32 [tilespmem:s0], [sflag:$0x10], $0x80, s5, s8, $0xb8;
	[tilespmem:$0x1D800] =	vst v63  }
0x14b: {  	_ =	swait.ge [sflag:s15], $0x1900  }
0x14c: {  	[sflag:s15] =	ssyncset.done $0x0;
	s18 =	rddreg [dreg:$0x11]  }
0x14d: {  	[sflag:s15] =	ssyncadd.s32 $0xFFFFE700;
	s4 =	sadd.s32 s25, s18  }
0x14e: {  	[tilespmem:s17], [sflag:$0x6] =	stream.linear.gather [hbm4b:s4+s1], $0x100, $0x38;
	[tilespmem:$0x1D800] =	vst v63  }
.Ltmp4:
0x14f: {  	s5 =	simm.s32 $0x2;
	(pc) =	sbr.rel .LBB2_4-.Ltmp4, $4  }
0x150: {  	_ =	swait.ge [sflag:s5], $0x100  }
0x151: {  	s26 =	sadd.s32 $0x800, s26;
	s18 =	simm.s32 $0x100;
	[sflag:s5] =	ssyncset.done $0x0  }
0x152: {  	s25 =	sadd.s32 $0x100, s25;
	[sflag:s5] =	ssyncadd.s32 $0xFFFFFF00;
	s5 =	simm.s32 $0x400  }
0x153: {  	[tilespmem:s13], [sflag:$0xA] =	stream.indirect.gather [hbm4b:s14+s8], $0x80, s18, s8, $0xb8;
	[tilespmem:$0x1D800] =	vst v63  }
.LBB2_7:
0x154: {  	_ =	sfence.sel $0x180000  }
0x155: {  	[bflag:$0x0] =	sbarrier.arrive $0xFFFF  }
0x156: {  	_ =	strace $0x9000004D  }
0x157: {  	s0 =	stileid.u32;
	[bflag:$0x2] =	sbarrier.arrive $0xFFFF  }
0x158: {  	p0 =	sne.s32 s0, $0x0;
	s0 =	rddreg [dreg:$0x2]  }
0x159: {  	s0 =	sadd.s32 @!p0 $0x100000, s0  }
0x15a: {  	[sflag:s0] =	ssyncadd.tile.s32 @!p0 $0x1;
	_ =	shalt  }
.Lfunc_end2:
_tile_overlayer_lowered:
.L_overlay_start_2:
0x15b: {  	(tag) =	ssettag $0x2  }
0x15c: {  	s0 =	rddreg [dreg:$0x0];
	s2 =	stileid.u32  }
0x15d: {  	s1 =	rddreg [dreg:$0x1];
	p0 =	sne.s32 s2, $0x0  }
0x15e: {  	s3 =	rddreg [dreg:$0x2];
	[bflag:$0x3] =	sbarrier.arrive $0xFFFF;
	s2 =	simm.s32 @!p0 $0x1C12  }
0x15f: {  	[timem:s3], [sflag:s2] =	dma.local @!p0 [hbm:s0], s1  }
0x160: {  	s0 =	simm.s32 @!p0 $0x12  }
0x161: {  	_ =	swait.ge @!p0 [sflag:s0], s1  }
0x162: {  	s1 =	ssub.s32 @!p0 $0x0, s1;
	[sflag:s0] =	ssyncset.done @!p0 $0x0  }
0x163: {  	[sflag:s0] =	ssyncadd.s32 @!p0 s1  }
0x164: {  	[bflag:$0x3] =	sbarrier.arrive $0xFFFF  }
0x165: {  	_ =	shalt  }

// kernel: kernel.8.cloned.1.call-start
scs
__scs_entry_jumppad:
0x0: {  	(pc) =	sbr.rel $0x88, $3  }
0x1: {  	(tag) =	ssettag $0x0;
	lr =	simm.s32 $0x1  }
0x2: {  	[smem:$0x3F9A] =	sst lr;
	_ =	strace $0xD0000000  }
0x3: {  	_ = 	snop  }
0x4: {  	_ = 	snop  }
0x5: {  	_ = 	snop  }
0x6: {  	_ = 	snop  }
0x7: {  	_ = 	snop  }
__scs_overlays_trampoline_lowered:
0x8: {  	[smem:$0x3FA9] =	sst s0  }
0x9: {  	[smem:$0x3FAA] =	sst s1  }
0xa: {  	[smem:$0x3FAB] =	sst s2  }
0xb: {  	[smem:$0x3FAC] =	sst s3  }
0xc: {  	[smem:$0x3FAD] =	sst s4  }
0xd: {  	[smem:$0x3FAE] =	sst s5  }
0xe: {  	[smem:$0x3FAF] =	sst s6  }
0xf: {  	[smem:$0x3FB0] =	sst s7  }
0x10: {  	[smem:$0x3FB1] =	sst s8  }
0x11: {  	[smem:$0x3FB2] =	sst s9;
	s0 =	simm.s32 @!p0 $0x0  }
0x12: {  	s1 =	sld [smem:$0x3F98];
	s0 =	simm.s32 @p0 $0x1  }
0x13: {  	[smem:$0x3FB3] =	sst s0;
	s0 =	simm.s32 @!p1 $0x0  }
0x14: {  	s2 =	sld [smem:$0x3F97];
	s0 =	simm.s32 @p1 $0x1  }
0x15: {  	[smem:$0x3FB4] =	sst s0;
	s0 =	simm.s32 @!p2 $0x0  }
0x16: {  	s3 =	sld [smem:$0x3FDB];
	s0 =	simm.s32 @p2 $0x1  }
0x17: {  	s4 =	simm.s32 $0x1BF5;
	[smem:$0x3FB6] =	sst s0  }
0x18: {  	s0 =	sld [smem:$0x3F99];
	_ =	swait.ge [sflag:s4], $0x0  }
0x19: {  	s7 =	sld [smem:$0x3F9A]  }
0x1a: {  	s8 =	sadd.s32 $0xFFFFE003, lr  }
0x1b: {  	s9 =	sadd.s32 $0xFFFFFEF7, lr;
	s5 =	simm.s32 $0xFFFFFFFF;
	p2 =	slt.u32 s8, $0xFFFFF086  }
0x1c: {  	p1 =	slt.u32 s9, $0xF7A;
	s5 =	simm.s32 @!p2 $0x0  }
0x1d: {  	s5 =	simm.s32 @p1 $0x1;
	p0 =	seq.s32 s7, s2  }
0x1e: {  	s7 =	smul.u32 @!p0 $0xF7A, s2;
	p2 =	seq.s32 @!p0 s5, $0x0  }
0x1f: {  	s9 =	smul.u32 $0xF7A, s1;
	s8 =	simm.s32 @!p0 $0x1BF5;
	p2 =	por !p2, p0  }
0x20: {  	[sflag:s8] =	ssyncset.s32 @!p0 $0xFFFFF086;
	s6 =	sadd.s32 @!p0 s3, s7;
	s7 =	simm.s32 @!p0 $0x108  }
0x21: {  	s3 =	sadd.s32 s3, s9;
	s6 =	sadd.s32 @!p0 $0x88, s6;
	s7 =	simm.s32 @p2 $0x1082  }
0x22: {  	[simem:s7], [sflag:s8] =	dma.local @!p0 [hbm:s6], $0xF7A  }
0x23: {  	s9 =	sor.u32 $0xD0000000, s2;
	s6 =	simm.s32 $0x108;
	_ =	swait.ge @!p0 [sflag:s8], $0x0  }
0x24: {  	s3 =	sadd.s32 $0x88, s3;
	s6 =	simm.s32 @!p1 $0x1082;
	[sflag:s4] =	ssyncset.s32 $0xFFFFF086  }
0x25: {  	[simem:s6], [sflag:s4] =	dma.local [hbm:s3], $0xF7A  }
0x26: {  	[smem:$0x3F9A] =	sst s1;
	(tag) =	ssettag s2;
	_ =	strace s9  }
0x27: {  	s1 =	sld [smem:$0x3FAA]  }
0x28: {  	s2 =	sld [smem:$0x3FAB]  }
0x29: {  	s4 =	sld [smem:$0x3FAD]  }
0x2a: {  	p0 =	seq.s32 s5, $0x0;
	s5 =	sld [smem:$0x3FAE]  }
0x2b: {  	s6 =	sld [smem:$0x3FAF]  }
0x2c: {  	s7 =	sld [smem:$0x3FB0]  }
0x2d: {  	s3 =	simm.s32 $0x108;
	s8 =	sld [smem:$0x3FB1]  }
0x2e: {  	s3 =	simm.s32 @!p0 $0x1082;
	s9 =	sld [smem:$0x3FB2]  }
0x2f: {  	lr =	sadd.s32 s0, s3;
	s0 =	sld [smem:$0x3FA9]  }
0x30: {  	s3 =	sld [smem:$0x3FAC]  }
0x31: {  	[smem:$0x3FB5] =	sst s10  }
0x32: {  	s10 =	sld [smem:$0x3FB3];
	_ =	sdelay $0x3  }
0x33: {  	p0 =	seq.s32 s10, $0x1;
	s10 =	sld [smem:$0x3FB5];
	_ =	sdelay $0x3  }
0x34: {  	[smem:$0x3FB5] =	sst s10  }
0x35: {  	s10 =	sld [smem:$0x3FB4];
	_ =	sdelay $0x3  }
0x36: {  	p1 =	seq.s32 s10, $0x1;
	s10 =	sld [smem:$0x3FB5];
	_ =	sdelay $0x3  }
0x37: {  	[smem:$0x3FB5] =	sst s10  }
0x38: {  	s10 =	sld [smem:$0x3FB6]  }
0x39: {  	_ = 	snop;
	(pc) =	sbr.ind lr, $3  }
0x3a: {  	_ = 	snop  }
0x3b: {  	_ = 	snop  }
0x3c: {  	p2 =	seq.s32 s10, $0x1;
	s10 =	sld [smem:$0x3FB5]  }
0x3d: {  	_ =	shalt  }
0x3e: {  	_ =	shalt  }
0x3f: {  	_ =	shalt  }
0x40: {  	_ =	shalt  }
0x41: {  	_ =	shalt  }
0x42: {  	_ =	shalt  }
0x43: {  	_ =	shalt  }
0x44: {  	_ =	shalt  }
0x45: {  	_ =	shalt  }
0x46: {  	_ =	shalt  }
0x47: {  	_ =	shalt  }
0x48: {  	_ =	shalt  }
0x49: {  	_ =	shalt  }
0x4a: {  	_ =	shalt  }
0x4b: {  	_ =	shalt  }
0x4c: {  	_ =	shalt  }
0x4d: {  	_ =	shalt  }
0x4e: {  	_ =	shalt  }
0x4f: {  	_ =	shalt  }
0x50: {  	_ =	shalt  }
0x51: {  	_ =	shalt  }
0x52: {  	_ =	shalt  }
0x53: {  	_ =	shalt  }
0x54: {  	_ =	shalt  }
0x55: {  	_ =	shalt  }
0x56: {  	_ =	shalt  }
0x57: {  	_ =	shalt  }
0x58: {  	_ =	shalt  }
0x59: {  	_ =	shalt  }
0x5a: {  	_ =	shalt  }
0x5b: {  	_ =	shalt  }
0x5c: {  	_ =	shalt  }
0x5d: {  	_ =	shalt  }
0x5e: {  	_ =	shalt  }
0x5f: {  	_ =	shalt  }
0x60: {  	_ =	shalt  }
0x61: {  	_ =	shalt  }
0x62: {  	_ =	shalt  }
0x63: {  	_ =	shalt  }
0x64: {  	_ =	shalt  }
0x65: {  	_ =	shalt  }
0x66: {  	_ =	shalt  }
0x67: {  	_ =	shalt  }
0x68: {  	_ =	shalt  }
0x69: {  	_ =	shalt  }
0x6a: {  	_ =	shalt  }
0x6b: {  	_ =	shalt  }
0x6c: {  	_ =	shalt  }
0x6d: {  	_ =	shalt  }
0x6e: {  	_ =	shalt  }
0x6f: {  	_ =	shalt  }
0x70: {  	_ =	shalt  }
0x71: {  	_ =	shalt  }
0x72: {  	_ =	shalt  }
0x73: {  	_ =	shalt  }
0x74: {  	_ =	shalt  }
0x75: {  	_ =	shalt  }
0x76: {  	_ =	shalt  }
0x77: {  	_ =	shalt  }
0x78: {  	_ =	shalt  }
0x79: {  	_ =	shalt  }
0x7a: {  	_ =	shalt  }
0x7b: {  	_ =	shalt  }
0x7c: {  	_ =	shalt  }
0x7d: {  	_ =	shalt  }
0x7e: {  	_ =	shalt  }
0x7f: {  	_ =	shalt  }
0x80: {  	_ =	shalt  }
0x81: {  	_ =	shalt  }
0x82: {  	_ =	shalt  }
0x83: {  	_ =	shalt  }
0x84: {  	_ =	shalt  }
0x85: {  	_ =	shalt  }
0x86: {  	_ =	shalt  }
0x87: {  	_ =	shalt  }
.Lfunc_end0:
.L_simem_size_0:
called_computation_lowered:
.L_overlay_start_0:
0x88: {  	s2 =	sld [smem:$0x3FD9]  }
0x89: {  	s3 =	sld [smem:$0x3FFE];
	_ =	sdelay $0x1  }
0x8a: {  	s1 =	srdreg.scid  }
0x8b: {  	s0 =	sand.u32 $0x1, s1  }
0x8c: {  	s17 =	sshll.u32 s0, $0xA;
	s2 =	sadd.s32 s3, s2  }
0x8d: {  	s2 =	sadd.s32 s2, s17  }
0x8e: {  	[smem:$0x3FC1] =	sst s2  }
0x8f: {  	_ = 	snop  }
0x90: {  	s2 =	sld [smem:$0x3FD0];
	(tm) =	ssettm $0x1  }
0x91: {  	s18 =	sld [smem:$0x3FFB];
	_ =	sdelay $0x3  }
0x92: {  	_ =	strace s18  }
0x93: {  	s3 =	sld [smem:$0x3FFC];
	_ =	sdelay $0x3  }
0x94: {  	_ =	strace s3  }
0x95: {  	s3 =	sld [smem:$0x3FFD];
	_ =	sdelay $0x3  }
0x96: {  	_ =	strace s3  }
0x97: {  	_ =	strace $0x8FFFFFFF  }
0x98: {  	s19 =	sld [smem:$0x3FDB];
	_ =	sdelay $0x1  }
0x99: {  	s4 =	simm.s32 $_scs_section_size  }
0x9a: {  	s5 =	simm.s32 $_size__tile_overlayer_lowered;
	s6 =	simm.s32 $_tile_overlayer_lowered  }
0x9b: {  	s22 =	simm.s32 $0x1BFF;
	s21 =	sshll.u32 s6, $0x1;
	s3 =	sadd.s32 s4, s19  }
0x9c: {  	s7 =	simm.s32 $0x0;
	s20 =	sshll.u32 s5, $0x1;
	s5 =	sadd.s32 s21, s3  }
0x9d: {  	[timem:s7], [sflag:s22] =	dma.local [hbm:s5], s20  }
0x9e: {  	_ =	swait.ge [sflag:s22], s20  }
0x9f: {  	s4 =	ssub.s32 $0x0, s20;
	[sflag:s22] =	ssyncset.done $0x0  }
0xa0: {  	[sflag:s22] =	ssyncadd.s32 s4;
	_ =	sdelay $0x1  }
0xa1: {  	s23 =	simm.s32 $0x1B8B  }
0xa2: {  	_ =	swait.ge [sflag:s23], $0x1  }
0xa3: {  	[sflag:s23] =	ssyncset.done $0x0  }
0xa4: {  	s25 =	simm.s32 $0x1B8E;
	s24 =	sld [smem:$0x3FFE];
	[sflag:s23] =	ssyncadd.s32 $0xFFFFFFFF  }
0xa5: {  	s26 =	simm.s32 $execute0_lowered;
	[smem:$0x3FD2] =	sst s25  }
0xa6: {  	s5 =	sshll.u32 s26, $0x1;
	_ =	strace $0x80000046;
	[dreg:$0x1] =	wrdreg $0xFFFFFFFF  }
0xa7: {  	s28 =	simm.s32 $_size_execute0_lowered;
	s3 =	sadd.s32 s3, s5;
	[dreg:$0x0] =	wrdreg $0x0  }
0xa8: {  	s5 =	sshll.u32 s28, $0x1;
	[dreg:$0x2] =	wrdreg s3  }
0xa9: {  	[dreg:$0x3] =	wrdreg s5  }
0xaa: {  	[dreg:$0x4] =	wrdreg $0xC0  }
0xab: {  	_ =	task [dreg:s7], $0x5FFFF  }
0xac: {  	[dreg:$0x1] =	wrdreg $0xFFFFFFFF  }
0xad: {  	[dreg:$0x0] =	wrdreg $0x60  }
0xae: {  	[dreg:$0x2] =	wrdreg s2  }
0xaf: {  	[dreg:$0x3] =	wrdreg s24  }
0xb0: {  	[dreg:$0x4] =	wrdreg $0x2B000  }
0xb1: {  	[dreg:$0x5] =	wrdreg $0x9  }
0xb2: {  	_ =	task.clear_ibuf [dreg:s7], $0x6FFFF;
	_ =	strace $0x90000046  }
0xb3: {  	s29 =	simm.s32 $0x9;
	_ =	strace $0x80000048  }
0xb4: {  	_ =	swait.ge [sflag:s29], $0x1  }
0xb5: {  	[sflag:s29] =	ssyncadd.s32 $0xFFFFFFFF  }
0xb6: {  	_ =	strace $0x90000048  }
0xb7: {  	_ =	sfence  }
0xb8: {  	s30 =	sld [smem:$0x0];
	_ =	sdelay $0x2  }
0xb9: {  	s31 =	sshll.u32 s1, $0xD;
	s1 =	sshrl.u32 s1, $0x2  }
0xba: {  	s3 =	sand.u32 $0x4000, s31;
	s1 =	sadd.s32 s1, s30  }
0xbb: {  	s0 =	sor.u32 s3, s0;
	s1 =	sshll.u32 s1, $0x11  }
0xbc: {  	s0 =	sor.u32 s1, s0  }
0xbd: {  	s0 =	sadd.s32 $0x8F2B, s0  }
0xbe: {  	[sflag:s0] =	ssyncadd.remote.s32 $0x1  }
0xbf: {  	_ =	sfence.sel $0xFFFF  }
0xc0: {  	[dreg:$0x0] =	wrdreg $0xFFFFFFFF;
	(pc) =	sbr.abs _section_cstart, $3  }
0xc1: {  	[dreg:$0x1] =	wrdreg $0xFFFFFFFF  }
0xc2: {  	_ =	task.clear_ibuf [dreg:s7], $0x2FFFF;
	_ =	strace $0x9FFFFFFF  }
0xc3: {  	(tm) =	ssettm $0x7FFFFFFF  }
tec
execute0_lowered:
.L_overlay_start_1:
0x0: {  	(tag) =	ssettag $0x1  }
0x1: {  	s4 =	rddreg [dreg:$0x0]  }
0x2: {  	s5 =	rddreg [dreg:$0x1]  }
0x3: {  	s2 =	rddreg [dreg:$0x2]  }
0x4: {  	s0 =	rddreg [dreg:$0x3];
	s6 =	srdreg.scid  }
0x5: {  	s1 =	stileid.u32;
	s3 =	simm.s32 $0x0;
	s11 =	simm.s32 $0x2800  }
0x6: {  	s12 =	simm.s32 $0x1;
	s13 =	simm.s32 $0x80;
	s14 =	simm.s32 $0x100  }
0x7: {  	s15 =	simm.s32 $0x0;
	s6 =	sand.u32 $0x1, s6;
	s7 =	smul.u32 $0x500, s1  }
0x8: {  	[smem:$0x7FF] =	sst s3;
	s9 =	smul.u32 $0xA00, s1;
	s8 =	sshll.u32 s6, $0x7  }
0x9: {  	_ =	strace $0x80000047;
	s30 =	sshll.u32 s6, $0x4;
	s6 =	ssub.s32 $0x2, s6  }
0xa: {  	s7 =	sor.u32 s8, s7;
	s8 =	sor.u32 s1, s30;
	s10 =	sshrl.u32 s6, $0x1  }
0xb: {  	s31 =	sshrl.u32 s9, $0x2;
	s7 =	sshrl.u32 s7, $0x3;
	s8 =	smul.u32 $0x500, s8  }
0xc: {  	s9 =	simm.s32 $0x2880;
	s10 =	ssub.s32 s6, s10;
	s7 =	sadd.s32 s7, s5  }
0xd: {  	s5 =	sadd.s32 s31, s2;
	s4 =	sadd.s32 s4, s8;
	s6 =	sadd.s32 $0x2A00, s7  }
0xe: {  	v0 =	vimm.f32 $1.000000000e+00;
	v1 =	vimm.f32 $0.0e+00;
	s7 =	smax.u32 s10, $0x1;
	s8 =	simm.s32 $0x2;
	s10 =	simm.s32 $0x7D  }
.LBB2_1:
0xf: {  	[tilespmem:$0x2800] =	vst v0  }
0x10: {  	[tilespmem:$0x2810] =	vst v0  }
0x11: {  	[tilespmem:$0x2820] =	vst v0  }
0x12: {  	[tilespmem:$0x2830] =	vst v0  }
0x13: {  	[tilespmem:$0x2840] =	vst v0  }
0x14: {  	[tilespmem:$0x2850] =	vst v0  }
0x15: {  	[tilespmem:$0x2860] =	vst v0  }
0x16: {  	[tilespmem:$0x2870] =	vst v0  }
0x17: {  	[tilespmem:$0x2880] =	vst v1  }
0x18: {  	[tilespmem:$0x2890] =	vst v1  }
0x19: {  	[tilespmem:$0x28A0] =	vst v1  }
0x1a: {  	[tilespmem:$0x28B0] =	vst v1  }
0x1b: {  	[tilespmem:$0x28C0] =	vst v1  }
0x1c: {  	[tilespmem:$0x28D0] =	vst v1  }
0x1d: {  	[tilespmem:$0x28E0] =	vst v1  }
0x1e: {  	[tilespmem:$0x28F0] =	vst v1  }
0x1f: {  	[tilespmem:$0x2900] =	vst v1  }
0x20: {  	[tilespmem:$0x2910] =	vst v1  }
0x21: {  	[tilespmem:$0x2920] =	vst v1  }
0x22: {  	[tilespmem:$0x2930] =	vst v1  }
0x23: {  	[tilespmem:$0x2940] =	vst v1  }
0x24: {  	[tilespmem:$0x2950] =	vst v1  }
0x25: {  	[tilespmem:$0x2960] =	vst v1  }
0x26: {  	[tilespmem:$0x2970] =	vst v1  }
0x27: {  	[tilespmem:$0x2980] =	vst v1  }
0x28: {  	[tilespmem:$0x2990] =	vst v1  }
0x29: {  	[tilespmem:$0x29A0] =	vst v1  }
0x2a: {  	[tilespmem:$0x29B0] =	vst v1  }
0x2b: {  	[tilespmem:$0x29C0] =	vst v1  }
0x2c: {  	[tilespmem:$0x29D0] =	vst v1  }
0x2d: {  	[tilespmem:$0x29E0] =	vst v1  }
0x2e: {  	[tilespmem:$0x29F0] =	vst v1  }
0x2f: {  	[tilespmem:$0x2A00] =	vst v1  }
0x30: {  	[tilespmem:$0x2A10] =	vst v1  }
0x31: {  	[tilespmem:$0x2A20] =	vst v1  }
0x32: {  	[tilespmem:$0x2A30] =	vst v1  }
0x33: {  	[tilespmem:$0x2A40] =	vst v1  }
0x34: {  	[tilespmem:$0x2A50] =	vst v1  }
0x35: {  	[tilespmem:$0x2A60] =	vst v1  }
0x36: {  	[tilespmem:$0x2A70] =	vst v1  }
0x37: {  	[tilespmem:$0x2A80] =	vst v1  }
0x38: {  	[tilespmem:$0x2A90] =	vst v1  }
0x39: {  	[tilespmem:$0x2AA0] =	vst v1  }
0x3a: {  	[tilespmem:$0x2AB0] =	vst v1  }
0x3b: {  	[tilespmem:$0x2AC0] =	vst v1  }
0x3c: {  	[tilespmem:$0x2AD0] =	vst v1  }
0x3d: {  	[tilespmem:$0x2AE0] =	vst v1  }
0x3e: {  	[tilespmem:$0x2AF0] =	vst v1  }
0x3f: {  	[tilespmem:s3], [sflag:$0x2] =	stream.linear.gather [hbm4b:s4+s3], $0x2800, $0x38;
	[tilespmem:$0x2D80] =	vst v63  }
0x40: {  	_ =	swait.ge [sflag:s8], $0x2800  }
0x41: {  	[sflag:s8] =	ssyncset.done $0x0  }
0x42: {  	[sflag:s8] =	ssyncadd.s32 $0xFFFFD800  }
0x43: {  	[spmem:s5] =	stream.linear.scatter [tilespmem:s9], [sflag:$0x2], $0x280, $0x38;
	[tilespmem:$0x2D80] =	vst v63  }
0x44: {  	_ =	swait.ge [sflag:s8], $0x280  }
0x45: {  	[sflag:s8] =	ssyncset.done $0x0  }
0x46: {  	[sflag:s8] =	ssyncadd.s32 $0xFFFFFD80  }
0x47: {  	s16 =	simm.s32 $0x0;
	[bflag:$0x0] =	sbarrier.arrive $0xFFFF  }
.LBB2_2:
0x48: {  	p0 =	sne.s32 s16, $0x9E00  }
.Ltmp0:
0x49: {  	_ = 	snop;
	(pc) =	sbr.rel @p0 .LBB2_2-.Ltmp0, $3  }
0x4a: {  	_ =	sdelay $0x1  }
0x4b: {  	s17 =	sshra.s32 s16, $0x2;
	s16 =	sadd.s32 $0x200, s16  }
0x4c: {  	[spmem:s2] =	stream.indirect.scatter.add.f32 [tilespmem:s11], [sflag:$0x1], $0x1, s17, s10, $0xb8;
	[tilespmem:$0x2D80] =	vst v63  }
0x4d: {  	_ =	swait.ge [sflag:s12], $0x7D  }
0x4e: {  	s16 =	simm.s32 $0x4F;
	[sflag:s12] =	ssyncset.done $0x0  }
.LBB2_4:
0x4f: {  	p0 =	sne.s32 s16, $0x1;
	s16 =	sadd.s32 $0xFFFFFFFF, s16;
	[sflag:s12] =	ssyncadd.s32 $0xFFFFFF83  }
.Ltmp1:
0x50: {  	(pc) =	sbr.rel @p0 .LBB2_4-.Ltmp1, $3  }
0x51: {  	_ =	sdelay $0x1  }
0x52: {  	_ =	swait.ge [sflag:s12], $0x7D  }
0x53: {  	[sflag:s12] =	ssyncset.done $0x0  }
0x54: {  	[sflag:s12] =	ssyncadd.s32 $0xFFFFFF83  }
0x55: {  	[bflag:$0x0] =	sbarrier.arrive $0xFFFF  }
0x56: {  	[tilespmem:s9], [sflag:$0x2] =	stream.linear.gather [spmem:s5], $0x280, $0x38;
	[tilespmem:$0x2D80] =	vst v63  }
0x57: {  	s15 =	sadd.s32 $0x1, s15;
	_ =	swait.ge [sflag:s8], $0x280  }
0x58: {  	p0 =	sne.s32 s15, s7;
	[sflag:s8] =	ssyncset.done $0x0  }
.Ltmp2:
0x59: {  	[sflag:s8] =	ssyncadd.s32 $0xFFFFFD80;
	(pc) =	sbr.rel @p0 .LBB2_1-.Ltmp2, $4  }
0x5a: {  	[hbm4b:s6+s13] =	stream.strided.scatter [tilespmem:s9], [sflag:$0x2], $0x280, s14, s13, $0x38;
	[tilespmem:$0x2D80] =	vst v63  }
0x5b: {  	_ =	swait.ge [sflag:s8], $0x280  }
0x5c: {  	[sflag:s8] =	ssyncset.done $0x0  }
0x5d: {  	[sflag:s8] =	ssyncadd.s32 $0xFFFFFD80  }
0x5e: {  	_ =	sfence.sel $0x180000  }
0x5f: {  	[bflag:$0x0] =	sbarrier.arrive $0xFFFF  }
0x60: {  	p0 =	sne.s32 s1, $0x0;
	_ =	strace $0x90000047  }
0x61: {  	s0 =	sadd.s32 @!p0 $0x100000, s0;
	[bflag:$0x2] =	sbarrier.arrive $0xFFFF  }
0x62: {  	[sflag:s0] =	ssyncadd.tile.s32 @!p0 $0x1;
	_ =	shalt  }
.Lfunc_end2:
_tile_overlayer_lowered:
.L_overlay_start_2:
0x63: {  	(tag) =	ssettag $0x2  }
0x64: {  	s0 =	rddreg [dreg:$0x0];
	s2 =	stileid.u32  }
0x65: {  	s1 =	rddreg [dreg:$0x1];
	p0 =	sne.s32 s2, $0x0  }
0x66: {  	s3 =	rddreg [dreg:$0x2];
	[bflag:$0x3] =	sbarrier.arrive $0xFFFF;
	s2 =	simm.s32 @!p0 $0x1C02  }
0x67: {  	[timem:s3], [sflag:s2] =	dma.local @!p0 [hbm:s0], s1  }
0x68: {  	s0 =	simm.s32 @!p0 $0x2  }
0x69: {  	_ =	swait.ge @!p0 [sflag:s0], s1  }
0x6a: {  	s1 =	ssub.s32 @!p0 $0x0, s1;
	[sflag:s0] =	ssyncset.done @!p0 $0x0  }
0x6b: {  	[sflag:s0] =	ssyncadd.s32 @!p0 s1  }
0x6c: {  	[bflag:$0x3] =	sbarrier.arrive $0xFFFF  }
0x6d: {  	_ =	shalt  }

</sc_bundles>
